<compile_context>
chip_gen: v7x
topology: tpu7x:2x2x1
jax: 0.10.2.dev20260603
libtpu: 0.0.44.dev20260713+nightly
codegen_flags: <defaults>
</compile_context>

<pallas_src>
import jax
import jax.numpy as jnp
from jax.experimental import pallas as pl
from jax.experimental.pallas import tpu as pltpu

_INTERPRET = False

_T = 2048
_D = 768
_E = 8
_FF = 3072
_TILE = 128
_NROWS = 2 * _T + _E * _TILE
_NTILES = _NROWS // _TILE
_NH = 24
_HD = 64
_DS = 64
_DI = 1536
_CONVD = _DI + 2 * _DS
_CH = 128
_NCH = _T // _CH
_RMS_EPS = 1.1920929e-07
_LN_EPS = 1e-5


def _arb(n):
    return pltpu.CompilerParams(dimension_semantics=("arbitrary",) * n)


def _gelu(x):
    return 0.5 * x * (1.0 + jax.lax.erf(x * 0.7071067811865476))


def _mm(x, w, b=None, act=None, rms_g=None, ln=None, residual=None,
        post_vec=None, bm=256, bn=256, bf16_in=False):
    M, K = x.shape
    N = w.shape[0]
    Np = -(-N // bn) * bn
    if Np != N:
        w = jnp.pad(w, ((0, Np - N), (0, 0)))
        if b is not None:
            b = jnp.pad(b, (0, Np - N))
    ops = [x, w]
    in_specs = [pl.BlockSpec((bm, K), lambda i, j: (i, 0)),
                pl.BlockSpec((bn, K), lambda i, j: (j, 0))]
    if b is not None:
        ops.append(b.reshape(1, Np))
        in_specs.append(pl.BlockSpec((1, bn), lambda i, j: (0, j)))
    if rms_g is not None:
        ops.append(rms_g.reshape(1, K))
        in_specs.append(pl.BlockSpec((1, K), lambda i, j: (0, 0)))
    if ln is not None:
        ops += [ln[0].reshape(1, K), ln[1].reshape(1, K)]
        in_specs += [pl.BlockSpec((1, K), lambda i, j: (0, 0))] * 2
    if residual is not None:
        ops.append(residual)
        in_specs.append(pl.BlockSpec((bm, bn), lambda i, j: (i, j)))
    if post_vec is not None:
        ops.append(post_vec)
        in_specs.append(pl.BlockSpec((bm, 1), lambda i, j: (i, 0)))
    have_b = b is not None

    def body(*refs):
        it = iter(refs)
        x_ref = next(it)
        w_ref = next(it)
        b_ref = next(it) if have_b else None
        g_ref = next(it) if rms_g is not None else None
        lg_ref = next(it) if ln is not None else None
        lb_ref = next(it) if ln is not None else None
        r_ref = next(it) if residual is not None else None
        p_ref = next(it) if post_vec is not None else None
        o_ref = next(it)
        xv = x_ref[...]
        if rms_g is not None:
            xv = xv * jax.lax.rsqrt(
                jnp.mean(xv * xv, -1, keepdims=True) + _RMS_EPS) * g_ref[...]
        if ln is not None:
            mu = jnp.mean(xv, -1, keepdims=True)
            var = jnp.mean((xv - mu) ** 2, -1, keepdims=True)
            xv = (xv - mu) * jax.lax.rsqrt(var + _LN_EPS) * lg_ref[...] + lb_ref[...]
        wv = w_ref[...]
        if bf16_in:
            xv = xv.astype(jnp.bfloat16).astype(jnp.float32)
            wv = wv.astype(jnp.bfloat16).astype(jnp.float32)
        acc = jax.lax.dot_general(xv, wv, (((1,), (1,)), ((), ())),
                                  preferred_element_type=jnp.float32)
        if have_b:
            acc = acc + b_ref[...]
        if act == 'gelu':
            acc = _gelu(acc)
        elif act == 'silu':
            acc = acc * jax.nn.sigmoid(acc)
        elif act == 'sigmoid':
            acc = jax.nn.sigmoid(acc)
        if residual is not None:
            acc = acc + r_ref[...]
        if post_vec is not None:
            acc = acc * p_ref[...]
        o_ref[...] = acc

    out = pl.pallas_call(
        body, grid=(M // bm, Np // bn), in_specs=in_specs,
        out_specs=pl.BlockSpec((bm, bn), lambda i, j: (i, j)),
        out_shape=jax.ShapeDtypeStruct((M, Np), jnp.float32),
        interpret=_INTERPRET)(*ops)
    return out[:, :N] if Np != N else out


def _embed_fuse(e1, e2, tid_col, type_emb, pos, g, b):
    bm = 256

    def body(e1_ref, e2_ref, t_ref, te_ref, pos_ref, g_ref, b_ref, o_ref):
        t = t_ref[...]
        v = jnp.where(t == 0, e1_ref[...], e2_ref[...])
        v = v + jnp.where(t == 0, te_ref[0:1, :], te_ref[1:2, :]) + pos_ref[...]
        mu = jnp.mean(v, -1, keepdims=True)
        var = jnp.mean((v - mu) ** 2, -1, keepdims=True)
        o_ref[...] = (v - mu) * jax.lax.rsqrt(var + _LN_EPS) * g_ref[...] + b_ref[...]

    return pl.pallas_call(
        body, grid=(_T // bm,),
        in_specs=[pl.BlockSpec((bm, _D), lambda i: (i, 0)),
                  pl.BlockSpec((bm, _D), lambda i: (i, 0)),
                  pl.BlockSpec((bm, 1), lambda i: (i, 0)),
                  pl.BlockSpec((2, _D), lambda i: (0, 0)),
                  pl.BlockSpec((bm, _D), lambda i: (i, 0)),
                  pl.BlockSpec((1, _D), lambda i: (0, 0)),
                  pl.BlockSpec((1, _D), lambda i: (0, 0))],
        out_specs=pl.BlockSpec((bm, _D), lambda i: (i, 0)),
        out_shape=jax.ShapeDtypeStruct((_T, _D), jnp.float32),
        interpret=_INTERPRET)(e1, e2, tid_col, type_emb, pos, g.reshape(1, _D),
                              b.reshape(1, _D))


def _conv_silu(xbc, conv_w, conv_b):
    wt = conv_w[:, 0, :].T
    bc = 128

    def body(x_ref, w_ref, b_ref, o_ref):
        x = x_ref[...].astype(jnp.bfloat16).astype(jnp.float32)
        w = w_ref[...]
        acc = None
        for k in range(4):
            s = 3 - k
            if s == 0:
                shifted = x
            else:
                shifted = jnp.concatenate(
                    [jnp.zeros((s, bc), jnp.float32), x[:_T - s, :]], axis=0)
            term = shifted * w[k:k + 1, :]
            acc = term if acc is None else acc + term
        acc = acc + b_ref[...]
        o_ref[...] = acc * jax.nn.sigmoid(acc)

    return pl.pallas_call(
        body, grid=(_CONVD // bc,),
        in_specs=[pl.BlockSpec((_T, bc), lambda j: (0, j)),
                  pl.BlockSpec((4, bc), lambda j: (0, j)),
                  pl.BlockSpec((1, bc), lambda j: (0, j))],
        out_specs=pl.BlockSpec((_T, bc), lambda j: (0, j)),
        out_shape=jax.ShapeDtypeStruct((_T, _CONVD), jnp.float32),
        interpret=_INTERPRET)(xbc, wt, conv_b.reshape(1, _CONVD))


def _ssd_scan(xs, Bs, Cs, dtraw, z, dt_bias, A, Dp, norm_g):

    def body(xs_ref, B_ref, C_ref, dt_ref, z_ref, bias_ref, A_ref, D_ref,
             g_ref, o_ref, hst, ys):
        c = pl.program_id(0)

        @pl.when(c == 0)
        def _():
            hst[...] = jnp.zeros_like(hst)

        dt = jax.nn.softplus(dt_ref[...] + bias_ref[...])
        a = dt * A_ref[...]
        ri = jax.lax.broadcasted_iota(jnp.int32, (_CH, _CH), 0)
        ci = jax.lax.broadcasted_iota(jnp.int32, (_CH, _CH), 1)
        ltmask = ri >= ci
        lt = ltmask.astype(jnp.float32)
        acum = jax.lax.dot_general(lt, a, (((1,), (0,)), ((), ())),
                                   preferred_element_type=jnp.float32, precision=jax.lax.Precision.HIGHEST)
        Bv = B_ref[...]
        Cv = C_ref[...].astype(jnp.bfloat16).astype(jnp.float32)
        cbt = jax.lax.dot_general(Cv, Bv, (((1,), (1,)), ((), ())),
                                  preferred_element_type=jnp.float32, precision=jax.lax.Precision.HIGHEST)
        for h in range(_NH):
            ac = acum[:, h:h + 1]
            acT = jnp.transpose(ac)
            dth = dt[:, h:h + 1]
            dthT = jnp.transpose(dth)
            diff = jnp.where(ltmask, ac - acT, -1e30)
            Sh = cbt * (jnp.exp(diff) * dthT)
            xh = xs_ref[:, h * _HD:(h + 1) * _HD]
            y = jax.lax.dot_general(Sh, xh, (((1,), (0,)), ((), ())),
                                    preferred_element_type=jnp.float32, precision=jax.lax.Precision.HIGHEST)
            hprev = hst[h]
            yi = jax.lax.dot_general(Cv, hprev, (((1,), (1,)), ((), ())),
                                     preferred_element_type=jnp.float32, precision=jax.lax.Precision.HIGHEST)
            y = y + yi * jnp.exp(ac)
            acend = ac[_CH - 1:_CH, 0:1]
            coef = jnp.exp(acend - ac) * dth
            G = jax.lax.dot_general(xh * coef, Bv, (((0,), (0,)), ((), ())),
                                    preferred_element_type=jnp.float32, precision=jax.lax.Precision.HIGHEST)
            hst[h] = hprev * jnp.exp(acend) + G
            ys[:, h * _HD:(h + 1) * _HD] = y + xh * D_ref[0:1, h:h + 1]
        yv = ys[...]
        zv = z_ref[...]
        t = yv * (zv * jax.nn.sigmoid(zv))
        ms = jnp.mean(t * t, -1, keepdims=True)
        o_ref[...] = t * jax.lax.rsqrt(ms + _RMS_EPS) * g_ref[...]

    return pl.pallas_call(
        body, grid=(_NCH,),
        in_specs=[pl.BlockSpec((_CH, _DI), lambda c: (c, 0)),
                  pl.BlockSpec((_CH, _DS), lambda c: (c, 0)),
                  pl.BlockSpec((_CH, _DS), lambda c: (c, 0)),
                  pl.BlockSpec((_CH, _NH), lambda c: (c, 0)),
                  pl.BlockSpec((_CH, _DI), lambda c: (c, 0)),
                  pl.BlockSpec((1, _NH), lambda c: (0, 0)),
                  pl.BlockSpec((1, _NH), lambda c: (0, 0)),
                  pl.BlockSpec((1, _NH), lambda c: (0, 0)),
                  pl.BlockSpec((1, _DI), lambda c: (0, 0))],
        out_specs=pl.BlockSpec((_CH, _DI), lambda c: (c, 0)),
        out_shape=jax.ShapeDtypeStruct((_T, _DI), jnp.float32),
        scratch_shapes=[pltpu.VMEM((_NH, _HD, _DS), jnp.float32),
                        pltpu.VMEM((_CH, _DI), jnp.float32)],
        compiler_params=_arb(1),
        interpret=_INTERPRET)(xs, Bs, Cs, dtraw, z, dt_bias.reshape(1, _NH),
                              A.reshape(1, _NH), Dp.reshape(1, _NH),
                              norm_g.reshape(1, _DI))


def _attn(q, k, v):
    bq = 256
    nh = 12
    dh = 64

    def _heads(t):
        return t.reshape(_T, nh, dh).transpose(1, 0, 2)

    def body(q_ref, k_ref, v_ref, o_ref):
        s = jax.lax.dot_general(q_ref[0], k_ref[0], (((1,), (1,)), ((), ())),
                                preferred_element_type=jnp.float32) * 0.125
        m = jnp.max(s, -1, keepdims=True)
        p = jnp.exp(s - m)
        p = p / jnp.sum(p, -1, keepdims=True)
        o_ref[0] = jax.lax.dot_general(p, v_ref[0], (((1,), (0,)), ((), ())),
                                       preferred_element_type=jnp.float32)

    out = pl.pallas_call(
        body, grid=(nh, _T // bq),
        in_specs=[pl.BlockSpec((1, bq, dh), lambda h, i: (h, i, 0)),
                  pl.BlockSpec((1, _T, dh), lambda h, i: (h, 0, 0)),
                  pl.BlockSpec((1, _T, dh), lambda h, i: (h, 0, 0))],
        out_specs=pl.BlockSpec((1, bq, dh), lambda h, i: (h, i, 0)),
        out_shape=jax.ShapeDtypeStruct((nh, _T, dh), jnp.float32),
        interpret=_INTERPRET)(_heads(q), _heads(k), _heads(v))
    return out.transpose(1, 0, 2).reshape(_T, _D)


def _route(x, gate_w, norm_g):
    bm = 256
    gw = jnp.pad(gate_w, ((0, 128 - _E), (0, 0)))

    def body(x_ref, w_ref, g_ref, i_ref, w_ref_out):
        xv = x_ref[...]
        xv = xv * jax.lax.rsqrt(
            jnp.mean(xv * xv, -1, keepdims=True) + _RMS_EPS) * g_ref[...]
        s = jax.lax.dot_general(xv, w_ref[...], (((1,), (1,)), ((), ())),
                                preferred_element_type=jnp.float32)
        lane = jax.lax.broadcasted_iota(jnp.int32, (bm, 128), 1)
        s = jnp.where(lane < _E, s, -1e30)
        m1 = jnp.max(s, -1, keepdims=True)
        i1 = jnp.min(jnp.where(s == m1, lane, 128), -1, keepdims=True)
        s2 = jnp.where(lane == i1, -1e30, s)
        m2 = jnp.max(s2, -1, keepdims=True)
        i2 = jnp.min(jnp.where(s2 == m2, lane, 128), -1, keepdims=True)
        w1 = jax.nn.sigmoid(m1 - m2)
        i_ref[...] = jnp.concatenate([i1, i2], 1)
        w_ref_out[...] = jnp.concatenate([w1, 1.0 - w1], 1)

    return pl.pallas_call(
        body, grid=(_T // bm,),
        in_specs=[pl.BlockSpec((bm, _D), lambda i: (i, 0)),
                  pl.BlockSpec((128, _D), lambda i: (0, 0)),
                  pl.BlockSpec((1, _D), lambda i: (0, 0))],
        out_specs=[pl.BlockSpec((bm, 2), lambda i: (i, 0)),
                   pl.BlockSpec((bm, 2), lambda i: (i, 0))],
        out_shape=[jax.ShapeDtypeStruct((_T, 2), jnp.int32),
                   jax.ShapeDtypeStruct((_T, 2), jnp.float32)],
        interpret=_INTERPRET)(x, gw, norm_g.reshape(1, _D))


def _dispatch(idx, wts):
    e_flat = idx.reshape(-1)
    w_flat = wts.reshape(-1)
    toks = (jnp.arange(2 * _T, dtype=jnp.int32) // 2).astype(jnp.int32)
    oh = (e_flat[:, None] == jnp.arange(_E, dtype=jnp.int32)[None, :]).astype(jnp.int32)
    cum = jnp.cumsum(oh, axis=0)
    rank = jnp.take_along_axis(cum, e_flat[:, None], axis=1)[:, 0] - 1
    counts = cum[-1]
    tiles_per = (counts + _TILE - 1) // _TILE
    tile_start = jnp.concatenate(
        [jnp.zeros(1, jnp.int32), jnp.cumsum(tiles_per)[:-1].astype(jnp.int32)])
    dest = tile_start[e_flat] * _TILE + rank
    row_tok = jnp.zeros(_NROWS, jnp.int32).at[dest].set(toks)
    row_w = jnp.zeros(_NROWS, jnp.float32).at[dest].set(w_flat)
    tile_expert = jnp.clip(
        jnp.sum(jnp.arange(_NTILES, dtype=jnp.int32)[:, None] >= tile_start[None, :],
                axis=1) - 1, 0, _E - 1).astype(jnp.int32)
    return row_tok, row_w, tile_expert


def _moe_up(x, w1, b1, row_tok, tile_expert, norm_g):
    def body(te_ref, tok_ref, x_ref, w_ref, b_ref, g_ref, o_ref, xg):
        t = pl.program_id(0)

        def loop(r, _):
            tok = tok_ref[t * _TILE + r]
            xg[pl.ds(r, 1), :] = x_ref[pl.ds(tok, 1), :]
            return 0
        jax.lax.fori_loop(0, _TILE, loop, 0, unroll=8)
        xv = xg[...]
        xv = xv * jax.lax.rsqrt(
            jnp.mean(xv * xv, -1, keepdims=True) + _RMS_EPS) * g_ref[...]
        h = jax.lax.dot_general(xv.astype(jnp.bfloat16),
                                w_ref[0].astype(jnp.bfloat16),
                                (((1,), (1,)), ((), ())),
                                preferred_element_type=jnp.float32) + b_ref[0]
        o_ref[...] = _gelu(h).astype(jnp.bfloat16)

    gs = pltpu.PrefetchScalarGridSpec(
        num_scalar_prefetch=2, grid=(_NTILES,),
        in_specs=[pl.BlockSpec((_T, _D), lambda t, te, tok: (0, 0)),
                  pl.BlockSpec((1, _FF, _D), lambda t, te, tok: (te[t], 0, 0)),
                  pl.BlockSpec((1, 1, _FF), lambda t, te, tok: (te[t], 0, 0)),
                  pl.BlockSpec((1, _D), lambda t, te, tok: (0, 0))],
        out_specs=pl.BlockSpec((_TILE, _FF), lambda t, te, tok: (t, 0)),
        scratch_shapes=[pltpu.VMEM((_TILE, _D), jnp.float32)])
    return pl.pallas_call(
        body, grid_spec=gs,
        out_shape=jax.ShapeDtypeStruct((_NROWS, _FF), jnp.bfloat16),
        compiler_params=_arb(1),
        interpret=_INTERPRET)(tile_expert, row_tok, x, w1, b1,
                              norm_g.reshape(1, _D))


def _moe_down(h1, w2, b2, row_w, xres, row_tok, tile_expert):
    def body(te_ref, tok_ref, h_ref, w_ref, b_ref, rw_ref, xres_ref, o_ref, h2s):
        t = pl.program_id(0)

        @pl.when(t == 0)
        def _():
            o_ref[...] = xres_ref[...]

        h2 = jax.lax.dot_general(h_ref[...],
                                 w_ref[0].astype(jnp.bfloat16),
                                 (((1,), (1,)), ((), ())),
                                 preferred_element_type=jnp.float32) + b_ref[0]
        h2s[...] = h2 * rw_ref[...]

        def loop(r, _):
            tok = tok_ref[t * _TILE + r]
            o_ref[pl.ds(tok, 1), :] = o_ref[pl.ds(tok, 1), :] + h2s[pl.ds(r, 1), :]
            return 0
        jax.lax.fori_loop(0, _TILE, loop, 0)

    gs = pltpu.PrefetchScalarGridSpec(
        num_scalar_prefetch=2, grid=(_NTILES,),
        in_specs=[pl.BlockSpec((_TILE, _FF), lambda t, te, tok: (t, 0)),
                  pl.BlockSpec((1, _D, _FF), lambda t, te, tok: (te[t], 0, 0)),
                  pl.BlockSpec((1, 1, _D), lambda t, te, tok: (te[t], 0, 0)),
                  pl.BlockSpec((_TILE, 1), lambda t, te, tok: (t, 0)),
                  pl.BlockSpec((_T, _D), lambda t, te, tok: (0, 0))],
        out_specs=pl.BlockSpec((_T, _D), lambda t, te, tok: (0, 0)),
        scratch_shapes=[pltpu.VMEM((_TILE, _D), jnp.float32)])
    return pl.pallas_call(
        body, grid_spec=gs,
        out_shape=jax.ShapeDtypeStruct((_T, _D), jnp.float32),
        compiler_params=_arb(1),
        interpret=_INTERPRET)(tile_expert, row_tok, h1, w2, b2, row_w, xres)


def _moe_block(x, moe_p, norm2_g):
    idx, wts = _route(x, moe_p['gate_w'], norm2_g)
    row_tok, row_w, tile_expert = _dispatch(idx, wts)
    w1s = jnp.stack([e['w1'] for e in moe_p['experts']])
    b1s = jnp.stack([e['b1'] for e in moe_p['experts']]).reshape(_E, 1, _FF)
    w2s = jnp.stack([e['w2'] for e in moe_p['experts']])
    b2s = jnp.stack([e['b2'] for e in moe_p['experts']]).reshape(_E, 1, _D)
    hmid = _moe_up(x, w1s, b1s, row_tok, tile_expert, norm2_g)
    return _moe_down(hmid, w2s, b2s, row_w.reshape(_NROWS, 1), x,
                     row_tok, tile_expert)


def kernel(sequence, type_ids, params):
    x0 = sequence[0]
    tid = type_ids[0].astype(jnp.int32)
    tid_col = tid.reshape(_T, 1)
    emb = params['emb']
    h1 = _mm(x0[:, :128], emb['p1_w1'], emb['p1_b1'], act='gelu')
    e1 = _mm(h1, emb['p1_w2'], emb['p1_b2'])
    h2 = _mm(x0, emb['p2_w1'], emb['p2_b1'], act='gelu')
    e2 = _mm(h2, emb['p2_w2'], emb['p2_b2'])
    x = _embed_fuse(e1, e2, tid_col, emb['type_emb'], emb['pos_emb'][:_T],
                    emb['ln_g'], emb['ln_b'])
    for bi in range(7):
        bp = params['blocks'][bi]
        if bi == 3:
            qkv = _mm(x, bp['in_proj_w'], bp['in_proj_b'], rms_g=bp['norm1_g'])
            ao = _attn(qkv[:, :_D], qkv[:, _D:2 * _D], qkv[:, 2 * _D:])
            x = _mm(ao, bp['out_proj_w'], bp['out_proj_b'], residual=x)
        else:
            mp = bp['mamba']
            zxb = _mm(x, mp['in_proj_w'], rms_g=bp['norm1_g'], bf16_in=True)
            z = zxb[:, :_DI]
            xbc = _conv_silu(zxb[:, _DI:_DI + _CONVD], mp['conv_w'], mp['conv_b'])
            yz = _ssd_scan(xbc[:, :_DI], xbc[:, _DI:_DI + _DS],
                           xbc[:, _DI + _DS:], zxb[:, _DI + _CONVD:], z,
                           mp['dt_bias'], -jnp.exp(mp['A_log']), mp['D'],
                           mp['norm_g'])
            x = _mm(yz, mp['out_proj_w'], residual=x)
        x = _moe_block(x, bp['moe'], bp['norm2_g'])
    names = ('on', 'off', 'frame')
    Wh = jnp.concatenate([params['fine'][n + '_w'] for n in names]
                         + [params['correction'][n + '_w'] for n in names])
    bh = jnp.concatenate([params['fine'][n + '_b'] for n in names]
                         + [params['correction'][n + '_b'] for n in names])
    beat = (tid == 1).astype(jnp.float32).reshape(_T, 1)
    hout = _mm(x, Wh, bh, act='sigmoid', ln=(params['ln_g'], params['ln_b']),
               post_vec=beat)
    out = {'fine': {}, 'correction': {}}
    for i, n in enumerate(names):
        out['fine'][n] = hout[:, i * 128:(i + 1) * 128].reshape(1, _T, 128)
        out['correction'][n] = hout[:, (i + 3) * 128:(i + 4) * 128].reshape(1, _T, 128)
    return out

# --- scband reference (transcript-rebuilt; emitter-appended) ---
"""Pipeline reference for scband-fine-amt-7258494730456 (READ-ONLY COPY).

The authoritative reference and input builder live on the scoring server;
editing this copy changes nothing except your own understanding.
"""

import jax, jax.numpy as jnp
import numpy as np

DIM = 768; N_MELS = 128; LP = 128; D2 = 3 * LP; MAX_DIM = 384
D_STATE = 64; D_CONV = 4; EXPAND = 2
N_PITCHES = 128; MAX_LEN = 2048; N_HEADS = 12; N_EXPERTS = 8; TOP_K = 2
B = 1; L = 2048
D_INNER = EXPAND * DIM; HEADDIM = 64; NHEADS = D_INNER // HEADDIM
CONV_DIM = D_INNER + 2 * D_STATE
D_IN_PROJ = 2 * D_INNER + 2 * D_STATE + NHEADS


def gelu(x):
    return jax.nn.gelu(x, approximate=False)


def layernorm(x, g, b, eps=1e-5):
    mu = x.mean(-1, keepdims=True)
    v = ((x - mu) ** 2).mean(-1, keepdims=True)
    return (x - mu) / jnp.sqrt(v + eps) * g + b


def rmsnorm(x, g, eps=1.1920929e-07):
    return x / jnp.sqrt((x * x).mean(-1, keepdims=True) + eps) * g


def sparse_moe(flat, p):
    scores = jax.nn.softmax(flat @ p['gate_w'].T, axis=-1)
    w, idx = jax.lax.top_k(scores, TOP_K)
    w = w / w.sum(-1, keepdims=True)
    T = flat.shape[0]
    combine = jnp.zeros((T, N_EXPERTS), flat.dtype)
    for j in range(TOP_K):
        combine = combine.at[jnp.arange(T), idx[:, j]].add(w[:, j])
    out = jnp.zeros_like(flat)
    for i in range(N_EXPERTS):
        ep = p['experts'][i]
        h = gelu(flat @ ep['w1'].T + ep['b1']) @ ep['w2'].T + ep['b2']
        out = out + combine[:, i:i + 1] * h
    return out


def mha(x, p, pad):
    Bq, Lq, D = x.shape
    qkv = x @ p['in_proj_w'].T + p['in_proj_b']
    q, k, v = jnp.split(qkv, 3, axis=-1)
    dh = D // N_HEADS
    def rs(t):
        return t.reshape(Bq, Lq, N_HEADS, dh).transpose(0, 2, 1, 3)
    q, k, v = rs(q), rs(k), rs(v)
    att = jnp.einsum('bhqd,bhkd->bhqk', q, k) / float(np.sqrt(dh))
    att = jnp.where(pad[:, None, None, :], -1e9, att)
    att = jax.nn.softmax(att, axis=-1)
    o = jnp.einsum('bhqk,bhkd->bhqd', att, v).transpose(0, 2, 1, 3).reshape(Bq, Lq, D)
    return o @ p['out_proj_w'].T + p['out_proj_b']


def mamba2(x, p):
    Bq, Lq, _ = x.shape
    zxbcdt = x @ p['in_proj_w'].T
    z = zxbcdt[..., :D_INNER]
    xBC = zxbcdt[..., D_INNER:D_INNER + CONV_DIM]
    dt = jax.nn.softplus(zxbcdt[..., D_INNER + CONV_DIM:] + p['dt_bias'])
    conv = jax.lax.conv_general_dilated(xBC.transpose(0, 2, 1), p['conv_w'], (1,), [(D_CONV - 1, 0)], feature_group_count=CONV_DIM)
    xBC = jax.nn.silu(conv.transpose(0, 2, 1) + p['conv_b'])
    xs = xBC[..., :D_INNER].reshape(Bq, Lq, NHEADS, HEADDIM)
    Bs = xBC[..., D_INNER:D_INNER + D_STATE]
    Cs = xBC[..., D_INNER + D_STATE:]
    A = -jnp.exp(p['A_log'])
    def step(h, inp):
        dt_t, x_t, B_t, C_t = inp
        dA = jnp.exp(dt_t * A)
        h = h * dA[:, :, None, None] + (dt_t[:, :, None, None] * x_t[..., None]) * B_t[:, None, None, :]
        y = jnp.einsum('bhpn,bn->bhp', h, C_t)
        return h, y
    h0 = jnp.zeros((Bq, NHEADS, HEADDIM, D_STATE), x.dtype)
    _, ys = jax.lax.scan(step, h0, (dt.transpose(1, 0, 2), xs.transpose(1, 0, 2, 3), Bs.transpose(1, 0, 2), Cs.transpose(1, 0, 2)))
    y = ys.transpose(1, 0, 2, 3) + xs * p['D'][None, None, :, None]
    y = rmsnorm(y.reshape(Bq, Lq, D_INNER) * jax.nn.silu(z), p['norm_g'])
    return y @ p['out_proj_w'].T


def embed_tokens(x, type_ids, p):
    Bq, Lq = type_ids.shape
    e1 = gelu(x[..., :N_MELS] @ p['p1_w1'].T + p['p1_b1']) @ p['p1_w2'].T + p['p1_b2']
    e2 = gelu(x[..., :D2] @ p['p2_w1'].T + p['p2_b1']) @ p['p2_w2'].T + p['p2_b2']
    out = jnp.where((type_ids == 0)[..., None], e1, 0.0) + jnp.where((type_ids == 1)[..., None], e2, 0.0)
    out = out + p['type_emb'][jnp.clip(type_ids, 0, 1)] + p['pos_emb'][jnp.arange(Lq)][None]
    return layernorm(out, p['ln_g'], p['ln_b'])


def forward(sequence, type_ids, params):
    x = embed_tokens(sequence, type_ids, params['emb'])
    pad = type_ids == -1
    x = jnp.where(pad[..., None], 0.0, x)
    for bi in range(7):
        bp = params['blocks'][bi]
        if bi == 3:
            x = x + mha(rmsnorm(x, bp['norm1_g']), bp, pad)
        else:
            x = x + mamba2(rmsnorm(x, bp['norm1_g']), bp['mamba'])
        Bq, Lq, D = x.shape
        x = x + sparse_moe(rmsnorm(x, bp['norm2_g']).reshape(-1, D), bp['moe']).reshape(Bq, Lq, D)
    x = layernorm(x, params['ln_g'], params['ln_b'])
    beat = (type_ids == 1)[..., None].astype(x.dtype)
    def head(hp):
        return {k: jax.nn.sigmoid(x @ hp[k + '_w'].T + hp[k + '_b']) * beat for k in ('on', 'off', 'frame')}
    return {'fine': head(params['fine']), 'correction': head(params['correction'])}


def setup_inputs(seed: int = 0):
    rng = np.random.default_rng(0)
    def W(*s, scale=0.02):
        return jnp.asarray(rng.standard_normal(s).astype(np.float32) * scale)
    def Z(*s):
        return jnp.zeros(s, jnp.float32)
    def O(*s):
        return jnp.ones(s, jnp.float32)
    def moe_p():
        return {'gate_w': W(N_EXPERTS, DIM), 'experts': [{'w1': W(4 * DIM, DIM), 'b1': Z(4 * DIM), 'w2': W(DIM, 4 * DIM), 'b2': Z(DIM)} for _ in range(N_EXPERTS)]}
    def mamba_p():
        return {'in_proj_w': W(D_IN_PROJ, DIM), 'conv_w': W(CONV_DIM, 1, D_CONV, scale=0.2), 'conv_b': Z(CONV_DIM), 'dt_bias': jnp.asarray(rng.uniform(-4.0, -2.0, NHEADS).astype(np.float32)), 'A_log': jnp.asarray(np.log(rng.uniform(1.0, 16.0, NHEADS)).astype(np.float32)), 'D': O(NHEADS), 'norm_g': O(D_INNER), 'out_proj_w': W(DIM, D_INNER)}
    def ssm_block():
        return {'norm1_g': O(DIM), 'mamba': mamba_p(), 'norm2_g': O(DIM), 'moe': moe_p()}
    def attn_block():
        return {'norm1_g': O(DIM), 'in_proj_w': W(3 * DIM, DIM), 'in_proj_b': Z(3 * DIM), 'out_proj_w': W(DIM, DIM), 'out_proj_b': Z(DIM), 'norm2_g': O(DIM), 'moe': moe_p()}
    def head_p():
        return {'on_w': W(N_PITCHES, DIM), 'on_b': Z(N_PITCHES), 'off_w': W(N_PITCHES, DIM), 'off_b': Z(N_PITCHES), 'frame_w': W(N_PITCHES, DIM), 'frame_b': Z(N_PITCHES)}
    emb = {'p1_w1': W(DIM, N_MELS), 'p1_b1': Z(DIM), 'p1_w2': W(DIM, DIM), 'p1_b2': Z(DIM), 'p2_w1': W(DIM, D2), 'p2_b1': Z(DIM), 'p2_w2': W(DIM, DIM), 'p2_b2': Z(DIM), 'type_emb': W(2, DIM), 'pos_emb': W(MAX_LEN, DIM), 'ln_g': O(DIM), 'ln_b': Z(DIM)}
    params = {'emb': emb, 'blocks': [ssm_block(), ssm_block(), ssm_block(), attn_block(), ssm_block(), ssm_block(), ssm_block()], 'ln_g': O(DIM), 'ln_b': Z(DIM), 'fine': head_p(), 'correction': head_p()}
    key = jax.random.key(seed)
    k1, k2 = jax.random.split(key)
    sequence = jax.random.normal(k1, (B, L, MAX_DIM), jnp.float32)
    type_ids = jax.random.randint(k2, (B, L), 0, 2).astype(jnp.int32)
    return {'sequence': sequence, 'type_ids': type_ids, 'params': params}


def reference(sequence, type_ids, params):
    return forward(sequence, type_ids, params)

if __name__ == "__main__":
    import jax
    _d = setup_inputs()
    print(jax.jit(kernel)(*tuple(_d.values())))

</pallas_src>

<mosaic_0001>
module attributes {stable_mosaic.version = 14 : i64} {
  func.func @body(%arg0: i32, %arg1: i32, %arg2: memref<256x384xf32, #tpu.memory_space<vmem>>, %arg3: memref<256x384xf32, #tpu.memory_space<vmem>>, %arg4: memref<1x256xf32, #tpu.memory_space<vmem>>, %arg5: memref<256x256xf32, #tpu.memory_space<vmem>>) attributes {dimension_semantics = [#tpu.dimension_semantics<arbitrary>, #tpu.dimension_semantics<arbitrary>], iteration_bounds = array<i64: 8, 3>, scalar_prefetch = 0 : i64, scratch_operands = 0 : i64, tpu.core_type = #tpu.core_type<tc>, window_params = [{transform_indices = @transform_0, window_bounds = array<i64: 256, 384>}, {transform_indices = @transform_1, window_bounds = array<i64: 256, 384>}, {transform_indices = @transform_2, window_bounds = array<i64: 1, 256>}, {transform_indices = @transform_3, window_bounds = array<i64: 256, 256>}]} {
    %get3A = arith.constant 0 : index
    %get3A_0 = arith.constant 0 : index
    %get3A_1 = vector.load %arg2[%get3A, %get3A_0] : memref<256x384xf32, #tpu.memory_space<vmem>>, vector<256x384xf32>
    %get3A_2 = arith.constant 0 : index
    %get3A_3 = arith.constant 0 : index
    %get3A_4 = vector.load %arg3[%get3A_2, %get3A_3] : memref<256x384xf32, #tpu.memory_space<vmem>>, vector<256x384xf32>
    %dot_general3A = arith.constant dense<0.000000e+00> : vector<256x256xf32>
    %dot_general3A_5 = tpu.matmul %get3A_1, %get3A_4, %dot_general3A {dimension_numbers = #tpu.dot_dimension_numbers<[1], [1], [0], [0], [0, 0, 1, 0], [], []>, transpose_lhs_hint = false} : vector<256x384xf32>, vector<256x384xf32>, vector<256x256xf32> -> vector<256x256xf32>
    %get3A_6 = arith.constant 0 : index
    %get3A_7 = arith.constant 0 : index
    %get3A_8 = vector.load %arg4[%get3A_6, %get3A_7] : memref<1x256xf32, #tpu.memory_space<vmem>>, vector<1x256xf32>
    %add3A = vector.broadcast %get3A_8 : vector<1x256xf32> to vector<256x256xf32>
    %add3A_9 = arith.addf %dot_general3A_5, %add3A : vector<256x256xf32>
    %mul3A = arith.constant 5.000000e-01 : f32
    %mul3A_10 = vector.broadcast %mul3A : f32 to vector<256x256xf32>
    %mul3A_11 = arith.mulf %mul3A_10, %add3A_9 : vector<256x256xf32>
    %mul3A_12 = arith.constant 0.707106769 : f32
    %mul3A_13 = vector.broadcast %mul3A_12 : f32 to vector<256x256xf32>
    %mul3A_14 = arith.mulf %add3A_9, %mul3A_13 : vector<256x256xf32>
    %erf3A = math.erf %mul3A_14 : vector<256x256xf32>
    %add3A_15 = arith.constant 1.000000e+00 : f32
    %add3A_16 = vector.broadcast %add3A_15 : f32 to vector<256x256xf32>
    %add3A_17 = arith.addf %add3A_16, %erf3A : vector<256x256xf32>
    %mul3A_18 = arith.mulf %mul3A_11, %add3A_17 : vector<256x256xf32>
    %swap3A = arith.constant 0 : index
    %swap3A_19 = arith.constant 0 : index
    %swap3A_20 = vector.load %arg5[%swap3A, %swap3A_19] : memref<256x256xf32, #tpu.memory_space<vmem>>, vector<256x256xf32>
    tpu.vector_store %arg5[%swap3A, %swap3A_19], %mul3A_18 {strides = array<i32>} : memref<256x256xf32, #tpu.memory_space<vmem>>, vector<256x256xf32>,
    return
  }
  func.func @transform_0(%arg0: i32, %arg1: i32) -> (i32, i32) {
    %c0_i32 = arith.constant 0 : i32
    %c0_i32_0 = arith.constant 0 : i32
    return %arg0, %c0_i32 : i32, i32
  }
  func.func @transform_1(%arg0: i32, %arg1: i32) -> (i32, i32) {
    %c0_i32 = arith.constant 0 : i32
    %c0_i32_0 = arith.constant 0 : i32
    return %arg1, %c0_i32 : i32, i32
  }
  func.func @transform_2(%arg0: i32, %arg1: i32) -> (i32, i32) {
    %c0_i32 = arith.constant 0 : i32
    %c0_i32_0 = arith.constant 0 : i32
    return %c0_i32, %arg1 : i32, i32
  }
  func.func @transform_3(%arg0: i32, %arg1: i32) -> (i32, i32) {
    %c0_i32 = arith.constant 0 : i32
    return %arg0, %arg1 : i32, i32
  }
}

module attributes {stable_mosaic.version = 14 : i64} {
  func.func @body(%arg0: i32, %arg1: i32, %arg2: memref<256x128xf32, #tpu.memory_space<vmem>>, %arg3: memref<256x128xf32, #tpu.memory_space<vmem>>, %arg4: memref<1x256xf32, #tpu.memory_space<vmem>>, %arg5: memref<256x256xf32, #tpu.memory_space<vmem>>) attributes {dimension_semantics = [#tpu.dimension_semantics<arbitrary>, #tpu.dimension_semantics<arbitrary>], iteration_bounds = array<i64: 8, 3>, scalar_prefetch = 0 : i64, scratch_operands = 0 : i64, tpu.core_type = #tpu.core_type<tc>, window_params = [{transform_indices = @transform_0, window_bounds = array<i64: 256, 128>}, {transform_indices = @transform_1, window_bounds = array<i64: 256, 128>}, {transform_indices = @transform_2, window_bounds = array<i64: 1, 256>}, {transform_indices = @transform_3, window_bounds = array<i64: 256, 256>}]} {
    %get3A = arith.constant 0 : index
    %get3A_0 = arith.constant 0 : index
    %get3A_1 = vector.load %arg2[%get3A, %get3A_0] : memref<256x128xf32, #tpu.memory_space<vmem>>, vector<256x128xf32>
    %get3A_2 = arith.constant 0 : index
    %get3A_3 = arith.constant 0 : index
    %get3A_4 = vector.load %arg3[%get3A_2, %get3A_3] : memref<256x128xf32, #tpu.memory_space<vmem>>, vector<256x128xf32>
    %dot_general3A = arith.constant dense<0.000000e+00> : vector<256x256xf32>
    %dot_general3A_5 = tpu.matmul %get3A_1, %get3A_4, %dot_general3A {dimension_numbers = #tpu.dot_dimension_numbers<[1], [1], [0], [0], [0, 0, 1, 0], [], []>, transpose_lhs_hint = false} : vector<256x128xf32>, vector<256x128xf32>, vector<256x256xf32> -> vector<256x256xf32>
    %get3A_6 = arith.constant 0 : index
    %get3A_7 = arith.constant 0 : index
    %get3A_8 = vector.load %arg4[%get3A_6, %get3A_7] : memref<1x256xf32, #tpu.memory_space<vmem>>, vector<1x256xf32>
    %add3A = vector.broadcast %get3A_8 : vector<1x256xf32> to vector<256x256xf32>
    %add3A_9 = arith.addf %dot_general3A_5, %add3A : vector<256x256xf32>
    %mul3A = arith.constant 5.000000e-01 : f32
    %mul3A_10 = vector.broadcast %mul3A : f32 to vector<256x256xf32>
    %mul3A_11 = arith.mulf %mul3A_10, %add3A_9 : vector<256x256xf32>
    %mul3A_12 = arith.constant 0.707106769 : f32
    %mul3A_13 = vector.broadcast %mul3A_12 : f32 to vector<256x256xf32>
    %mul3A_14 = arith.mulf %add3A_9, %mul3A_13 : vector<256x256xf32>
    %erf3A = math.erf %mul3A_14 : vector<256x256xf32>
    %add3A_15 = arith.constant 1.000000e+00 : f32
    %add3A_16 = vector.broadcast %add3A_15 : f32 to vector<256x256xf32>
    %add3A_17 = arith.addf %add3A_16, %erf3A : vector<256x256xf32>
    %mul3A_18 = arith.mulf %mul3A_11, %add3A_17 : vector<256x256xf32>
    %swap3A = arith.constant 0 : index
    %swap3A_19 = arith.constant 0 : index
    %swap3A_20 = vector.load %arg5[%swap3A, %swap3A_19] : memref<256x256xf32, #tpu.memory_space<vmem>>, vector<256x256xf32>
    tpu.vector_store %arg5[%swap3A, %swap3A_19], %mul3A_18 {strides = array<i32>} : memref<256x256xf32, #tpu.memory_space<vmem>>, vector<256x256xf32>,
    return
  }
  func.func @transform_0(%arg0: i32, %arg1: i32) -> (i32, i32) {
    %c0_i32 = arith.constant 0 : i32
    %c0_i32_0 = arith.constant 0 : i32
    return %arg0, %c0_i32 : i32, i32
  }
  func.func @transform_1(%arg0: i32, %arg1: i32) -> (i32, i32) {
    %c0_i32 = arith.constant 0 : i32
    %c0_i32_0 = arith.constant 0 : i32
    return %arg1, %c0_i32 : i32, i32
  }
  func.func @transform_2(%arg0: i32, %arg1: i32) -> (i32, i32) {
    %c0_i32 = arith.constant 0 : i32
    %c0_i32_0 = arith.constant 0 : i32
    return %c0_i32, %arg1 : i32, i32
  }
  func.func @transform_3(%arg0: i32, %arg1: i32) -> (i32, i32) {
    %c0_i32 = arith.constant 0 : i32
    return %arg0, %arg1 : i32, i32
  }
}

module attributes {stable_mosaic.version = 14 : i64} {
  func.func @body(%arg0: i32, %arg1: i32, %arg2: memref<256x768xf32, #tpu.memory_space<vmem>>, %arg3: memref<256x768xf32, #tpu.memory_space<vmem>>, %arg4: memref<1x256xf32, #tpu.memory_space<vmem>>, %arg5: memref<256x256xf32, #tpu.memory_space<vmem>>) attributes {dimension_semantics = [#tpu.dimension_semantics<arbitrary>, #tpu.dimension_semantics<arbitrary>], iteration_bounds = array<i64: 8, 3>, scalar_prefetch = 0 : i64, scratch_operands = 0 : i64, tpu.core_type = #tpu.core_type<tc>, window_params = [{transform_indices = @transform_0, window_bounds = array<i64: 256, 768>}, {transform_indices = @transform_1, window_bounds = array<i64: 256, 768>}, {transform_indices = @transform_2, window_bounds = array<i64: 1, 256>}, {transform_indices = @transform_3, window_bounds = array<i64: 256, 256>}]} {
    %get3A = arith.constant 0 : index
    %get3A_0 = arith.constant 0 : index
    %get3A_1 = vector.load %arg2[%get3A, %get3A_0] : memref<256x768xf32, #tpu.memory_space<vmem>>, vector<256x768xf32>
    %get3A_2 = arith.constant 0 : index
    %get3A_3 = arith.constant 0 : index
    %get3A_4 = vector.load %arg3[%get3A_2, %get3A_3] : memref<256x768xf32, #tpu.memory_space<vmem>>, vector<256x768xf32>
    %dot_general3A = arith.constant dense<0.000000e+00> : vector<256x256xf32>
    %dot_general3A_5 = tpu.matmul %get3A_1, %get3A_4, %dot_general3A {dimension_numbers = #tpu.dot_dimension_numbers<[1], [1], [0], [0], [0, 0, 1, 0], [], []>, transpose_lhs_hint = false} : vector<256x768xf32>, vector<256x768xf32>, vector<256x256xf32> -> vector<256x256xf32>
    %get3A_6 = arith.constant 0 : index
    %get3A_7 = arith.constant 0 : index
    %get3A_8 = vector.load %arg4[%get3A_6, %get3A_7] : memref<1x256xf32, #tpu.memory_space<vmem>>, vector<1x256xf32>
    %add3A = vector.broadcast %get3A_8 : vector<1x256xf32> to vector<256x256xf32>
    %add3A_9 = arith.addf %dot_general3A_5, %add3A : vector<256x256xf32>
    %swap3A = arith.constant 0 : index
    %swap3A_10 = arith.constant 0 : index
    %swap3A_11 = vector.load %arg5[%swap3A, %swap3A_10] : memref<256x256xf32, #tpu.memory_space<vmem>>, vector<256x256xf32>
    tpu.vector_store %arg5[%swap3A, %swap3A_10], %add3A_9 {strides = array<i32>} : memref<256x256xf32, #tpu.memory_space<vmem>>, vector<256x256xf32>,
    return
  }
  func.func @transform_0(%arg0: i32, %arg1: i32) -> (i32, i32) {
    %c0_i32 = arith.constant 0 : i32
    %c0_i32_0 = arith.constant 0 : i32
    return %arg0, %c0_i32 : i32, i32
  }
  func.func @transform_1(%arg0: i32, %arg1: i32) -> (i32, i32) {
    %c0_i32 = arith.constant 0 : i32
    %c0_i32_0 = arith.constant 0 : i32
    return %arg1, %c0_i32 : i32, i32
  }
  func.func @transform_2(%arg0: i32, %arg1: i32) -> (i32, i32) {
    %c0_i32 = arith.constant 0 : i32
    %c0_i32_0 = arith.constant 0 : i32
    return %c0_i32, %arg1 : i32, i32
  }
  func.func @transform_3(%arg0: i32, %arg1: i32) -> (i32, i32) {
    %c0_i32 = arith.constant 0 : i32
    return %arg0, %arg1 : i32, i32
  }
}

module attributes {stable_mosaic.version = 14 : i64} {
  func.func @body(%arg0: i32, %arg1: memref<256x768xf32, #tpu.memory_space<vmem>>, %arg2: memref<256x768xf32, #tpu.memory_space<vmem>>, %arg3: memref<256x1xi32, #tpu.memory_space<vmem>>, %arg4: memref<2x768xf32, #tpu.memory_space<vmem>>, %arg5: memref<256x768xf32, #tpu.memory_space<vmem>>, %arg6: memref<1x768xf32, #tpu.memory_space<vmem>>, %arg7: memref<1x768xf32, #tpu.memory_space<vmem>>, %arg8: memref<256x768xf32, #tpu.memory_space<vmem>>) attributes {dimension_semantics = [#tpu.dimension_semantics<arbitrary>], iteration_bounds = array<i64: 8>, scalar_prefetch = 0 : i64, scratch_operands = 0 : i64, tpu.core_type = #tpu.core_type<tc>, window_params = [{transform_indices = @transform_0, window_bounds = array<i64: 256, 768>}, {transform_indices = @transform_1, window_bounds = array<i64: 256, 768>}, {transform_indices = @transform_2, window_bounds = array<i64: 256, 1>}, {pipeline_mode = #tpu.pipeline_mode<synchronous>, transform_indices = @transform_3, window_bounds = array<i64: 2, 768>}, {transform_indices = @transform_4, window_bounds = array<i64: 256, 768>}, {pipeline_mode = #tpu.pipeline_mode<synchronous>, transform_indices = @transform_5, window_bounds = array<i64: 1, 768>}, {pipeline_mode = #tpu.pipeline_mode<synchronous>, transform_indices = @transform_6, window_bounds = array<i64: 1, 768>}, {transform_indices = @transform_7, window_bounds = array<i64: 256, 768>}]} {
    %get3A = arith.constant 0 : index
    %get3A_0 = arith.constant 0 : index
    %get3A_1 = vector.load %arg3[%get3A, %get3A_0] : memref<256x1xi32, #tpu.memory_space<vmem>>, vector<256x1xi32>
    %eq3A = arith.constant 0 : i32
    %eq3A_2 = vector.broadcast %eq3A : i32 to vector<256x1xi32>
    %eq3A_3 = arith.cmpi eq, %get3A_1, %eq3A_2 : vector<256x1xi32>
    %get3A_4 = arith.constant 0 : index
    %get3A_5 = arith.constant 0 : index
    %get3A_6 = vector.load %arg1[%get3A_4, %get3A_5] : memref<256x768xf32, #tpu.memory_space<vmem>>, vector<256x768xf32>
    %get3A_7 = arith.constant 0 : index
    %get3A_8 = arith.constant 0 : index
    %get3A_9 = vector.load %arg2[%get3A_7, %get3A_8] : memref<256x768xf32, #tpu.memory_space<vmem>>, vector<256x768xf32>
    %broadcast_in_dim3A = vector.shape_cast %eq3A_3 : vector<256x1xi1> to vector<256x1xi1>
    %broadcast_in_dim3A_10 = vector.broadcast %broadcast_in_dim3A : vector<256x1xi1> to vector<256x768xi1>
    %select_n3A = arith.select %broadcast_in_dim3A_10, %get3A_6, %get3A_9 : vector<256x768xi1>, vector<256x768xf32>
    %eq3A_11 = arith.constant 0 : i32
    %eq3A_12 = vector.broadcast %eq3A_11 : i32 to vector<256x1xi32>
    %eq3A_13 = arith.cmpi eq, %get3A_1, %eq3A_12 : vector<256x1xi32>
    %get3A_14 = arith.constant 0 : index
    %get3A_15 = arith.constant 0 : index
    %get3A_16 = vector.load %arg4[%get3A_14, %get3A_15] : memref<2x768xf32, #tpu.memory_space<vmem>>, vector<1x768xf32>
    %get3A_17 = arith.constant 1 : index
    %get3A_18 = arith.constant 0 : index
    %get3A_19 = vector.load %arg4[%get3A_17, %get3A_18] : memref<2x768xf32, #tpu.memory_space<vmem>>, vector<1x768xf32>
    %broadcast_in_dim3A_20 = vector.shape_cast %eq3A_13 : vector<256x1xi1> to vector<256x1xi1>
    %broadcast_in_dim3A_21 = vector.broadcast %broadcast_in_dim3A_20 : vector<256x1xi1> to vector<256x768xi1>
    %broadcast_in_dim3A_22 = vector.shape_cast %get3A_16 : vector<1x768xf32> to vector<1x768xf32>
    %broadcast_in_dim3A_23 = vector.broadcast %broadcast_in_dim3A_22 : vector<1x768xf32> to vector<256x768xf32>
    %broadcast_in_dim3A_24 = vector.shape_cast %get3A_19 : vector<1x768xf32> to vector<1x768xf32>
    %broadcast_in_dim3A_25 = vector.broadcast %broadcast_in_dim3A_24 : vector<1x768xf32> to vector<256x768xf32>
    %select_n3A_26 = arith.select %broadcast_in_dim3A_21, %broadcast_in_dim3A_23, %broadcast_in_dim3A_25 : vector<256x768xi1>, vector<256x768xf32>
    %add3A = arith.addf %select_n3A, %select_n3A_26 : vector<256x768xf32>
    %get3A_27 = arith.constant 0 : index
    %get3A_28 = arith.constant 0 : index
    %get3A_29 = vector.load %arg5[%get3A_27, %get3A_28] : memref<256x768xf32, #tpu.memory_space<vmem>>, vector<256x768xf32>
    %add3A_30 = arith.addf %add3A, %get3A_29 : vector<256x768xf32>
    %reduce_sum3A = arith.constant dense<0.000000e+00> : vector<256xf32>
    %reduce_sum3A_31 = vector.multi_reduction <add>, %add3A_30, %reduce_sum3A [1] : vector<256x768xf32> to vector<256xf32>
    %broadcast_in_dim3A_32 = vector.shape_cast %reduce_sum3A_31 : vector<256xf32> to vector<256x1xf32>
    %div3A = arith.constant 7.680000e+02 : f32
    %div3A_33 = vector.broadcast %div3A : f32 to vector<256x1xf32>
    %div3A_34 = arith.divf %broadcast_in_dim3A_32, %div3A_33 : vector<256x1xf32>
    %sub3A = vector.broadcast %div3A_34 : vector<256x1xf32> to vector<256x768xf32>
    %sub3A_35 = arith.subf %add3A_30, %sub3A : vector<256x768xf32>
    %integer_pow3A = arith.mulf %sub3A_35, %sub3A_35 : vector<256x768xf32>
    %reduce_sum3A_36 = arith.constant dense<0.000000e+00> : vector<256xf32>
    %reduce_sum3A_37 = vector.multi_reduction <add>, %integer_pow3A, %reduce_sum3A_36 [1] : vector<256x768xf32> to vector<256xf32>
    %broadcast_in_dim3A_38 = vector.shape_cast %reduce_sum3A_37 : vector<256xf32> to vector<256x1xf32>
    %div3A_39 = arith.constant 7.680000e+02 : f32
    %div3A_40 = vector.broadcast %div3A_39 : f32 to vector<256x1xf32>
    %div3A_41 = arith.divf %broadcast_in_dim3A_38, %div3A_40 : vector<256x1xf32>
    %sub3A_42 = vector.broadcast %div3A_34 : vector<256x1xf32> to vector<256x768xf32>
    %sub3A_43 = arith.subf %add3A_30, %sub3A_42 : vector<256x768xf32>
    %add3A_44 = arith.constant 9.99999974E-6 : f32
    %add3A_45 = vector.broadcast %add3A_44 : f32 to vector<256x1xf32>
    %add3A_46 = arith.addf %div3A_41, %add3A_45 : vector<256x1xf32>
    %rsqrt3A = math.rsqrt %add3A_46 : vector<256x1xf32>
    %mul3A = vector.broadcast %rsqrt3A : vector<256x1xf32> to vector<256x768xf32>
    %mul3A_47 = arith.mulf %sub3A_43, %mul3A : vector<256x768xf32>
    %get3A_48 = arith.constant 0 : index
    %get3A_49 = arith.constant 0 : index
    %get3A_50 = vector.load %arg6[%get3A_48, %get3A_49] : memref<1x768xf32, #tpu.memory_space<vmem>>, vector<1x768xf32>
    %mul3A_51 = vector.broadcast %get3A_50 : vector<1x768xf32> to vector<256x768xf32>
    %mul3A_52 = arith.mulf %mul3A_47, %mul3A_51 : vector<256x768xf32>
    %get3A_53 = arith.constant 0 : index
    %get3A_54 = arith.constant 0 : index
    %get3A_55 = vector.load %arg7[%get3A_53, %get3A_54] : memref<1x768xf32, #tpu.memory_space<vmem>>, vector<1x768xf32>
    %add3A_56 = vector.broadcast %get3A_55 : vector<1x768xf32> to vector<256x768xf32>
    %add3A_57 = arith.addf %mul3A_52, %add3A_56 : vector<256x768xf32>
    %swap3A = arith.constant 0 : index
    %swap3A_58 = arith.constant 0 : index
    %swap3A_59 = vector.load %arg8[%swap3A, %swap3A_58] : memref<256x768xf32, #tpu.memory_space<vmem>>, vector<256x768xf32>
    tpu.vector_store %arg8[%swap3A, %swap3A_58], %add3A_57 {strides = array<i32>} : memref<256x768xf32, #tpu.memory_space<vmem>>, vector<256x768xf32>,
    return
  }
  func.func @transform_0(%arg0: i32) -> (i32, i32) {
    %c0_i32 = arith.constant 0 : i32
    %c0_i32_0 = arith.constant 0 : i32
    return %arg0, %c0_i32 : i32, i32
  }
  func.func @transform_1(%arg0: i32) -> (i32, i32) {
    %c0_i32 = arith.constant 0 : i32
    %c0_i32_0 = arith.constant 0 : i32
    return %arg0, %c0_i32 : i32, i32
  }
  func.func @transform_2(%arg0: i32) -> (i32, i32) {
    %c0_i32 = arith.constant 0 : i32
    %c0_i32_0 = arith.constant 0 : i32
    return %arg0, %c0_i32 : i32, i32
  }
  func.func @transform_3(%arg0: i32) -> (i32, i32) {
    %c0_i32 = arith.constant 0 : i32
    %c0_i32_0 = arith.constant 0 : i32
    %c0_i32_1 = arith.constant 0 : i32
    return %c0_i32, %c0_i32_0 : i32, i32
  }
  func.func @transform_4(%arg0: i32) -> (i32, i32) {
    %c0_i32 = arith.constant 0 : i32
    %c0_i32_0 = arith.constant 0 : i32
    return %arg0, %c0_i32 : i32, i32
  }
  func.func @transform_5(%arg0: i32) -> (i32, i32) {
    %c0_i32 = arith.constant 0 : i32
    %c0_i32_0 = arith.constant 0 : i32
    %c0_i32_1 = arith.constant 0 : i32
    return %c0_i32, %c0_i32_0 : i32, i32
  }
  func.func @transform_6(%arg0: i32) -> (i32, i32) {
    %c0_i32 = arith.constant 0 : i32
    %c0_i32_0 = arith.constant 0 : i32
    %c0_i32_1 = arith.constant 0 : i32
    return %c0_i32, %c0_i32_0 : i32, i32
  }
  func.func @transform_7(%arg0: i32) -> (i32, i32) {
    %c0_i32 = arith.constant 0 : i32
    %c0_i32_0 = arith.constant 0 : i32
    return %arg0, %c0_i32 : i32, i32
  }
}

module attributes {stable_mosaic.version = 14 : i64} {
  func.func @body(%arg0: i32, %arg1: i32, %arg2: memref<256x768xf32, #tpu.memory_space<vmem>>, %arg3: memref<256x768xf32, #tpu.memory_space<vmem>>, %arg4: memref<1x768xf32, #tpu.memory_space<vmem>>, %arg5: memref<256x256xf32, #tpu.memory_space<vmem>>) attributes {dimension_semantics = [#tpu.dimension_semantics<arbitrary>, #tpu.dimension_semantics<arbitrary>], iteration_bounds = array<i64: 8, 13>, scalar_prefetch = 0 : i64, scratch_operands = 0 : i64, tpu.core_type = #tpu.core_type<tc>, window_params = [{transform_indices = @transform_0, window_bounds = array<i64: 256, 768>}, {transform_indices = @transform_1, window_bounds = array<i64: 256, 768>}, {pipeline_mode = #tpu.pipeline_mode<synchronous>, transform_indices = @transform_2, window_bounds = array<i64: 1, 768>}, {transform_indices = @transform_3, window_bounds = array<i64: 256, 256>}]} {
    %get3A = arith.constant 0 : index
    %get3A_0 = arith.constant 0 : index
    %get3A_1 = vector.load %arg2[%get3A, %get3A_0] : memref<256x768xf32, #tpu.memory_space<vmem>>, vector<256x768xf32>
    %mul3A = arith.mulf %get3A_1, %get3A_1 : vector<256x768xf32>
    %reduce_sum3A = arith.constant dense<0.000000e+00> : vector<256xf32>
    %reduce_sum3A_2 = vector.multi_reduction <add>, %mul3A, %reduce_sum3A [1] : vector<256x768xf32> to vector<256xf32>
    %broadcast_in_dim3A = vector.shape_cast %reduce_sum3A_2 : vector<256xf32> to vector<256x1xf32>
    %div3A = arith.constant 7.680000e+02 : f32
    %div3A_3 = vector.broadcast %div3A : f32 to vector<256x1xf32>
    %div3A_4 = arith.divf %broadcast_in_dim3A, %div3A_3 : vector<256x1xf32>
    %add3A = arith.constant 1.1920929E-7 : f32
    %add3A_5 = vector.broadcast %add3A : f32 to vector<256x1xf32>
    %add3A_6 = arith.addf %div3A_4, %add3A_5 : vector<256x1xf32>
    %rsqrt3A = math.rsqrt %add3A_6 : vector<256x1xf32>
    %mul3A_7 = vector.broadcast %rsqrt3A : vector<256x1xf32> to vector<256x768xf32>
    %mul3A_8 = arith.mulf %get3A_1, %mul3A_7 : vector<256x768xf32>
    %get3A_9 = arith.constant 0 : index
    %get3A_10 = arith.constant 0 : index
    %get3A_11 = vector.load %arg4[%get3A_9, %get3A_10] : memref<1x768xf32, #tpu.memory_space<vmem>>, vector<1x768xf32>
    %mul3A_12 = vector.broadcast %get3A_11 : vector<1x768xf32> to vector<256x768xf32>
    %mul3A_13 = arith.mulf %mul3A_8, %mul3A_12 : vector<256x768xf32>
    %get3A_14 = arith.constant 0 : index
    %get3A_15 = arith.constant 0 : index
    %get3A_16 = vector.load %arg3[%get3A_14, %get3A_15] : memref<256x768xf32, #tpu.memory_space<vmem>>, vector<256x768xf32>
    %convert_element_type3A = arith.truncf %mul3A_13 : vector<256x768xf32> to vector<256x768xbf16>
    %convert_element_type3A_17 = arith.extf %convert_element_type3A : vector<256x768xbf16> to vector<256x768xf32>
    %convert_element_type3A_18 = arith.truncf %get3A_16 : vector<256x768xf32> to vector<256x768xbf16>
    %convert_element_type3A_19 = arith.extf %convert_element_type3A_18 : vector<256x768xbf16> to vector<256x768xf32>
    %dot_general3A = arith.constant dense<0.000000e+00> : vector<256x256xf32>
    %dot_general3A_20 = tpu.matmul %convert_element_type3A_17, %convert_element_type3A_19, %dot_general3A {dimension_numbers = #tpu.dot_dimension_numbers<[1], [1], [0], [0], [0, 0, 1, 0], [], []>, transpose_lhs_hint = false} : vector<256x768xf32>, vector<256x768xf32>, vector<256x256xf32> -> vector<256x256xf32>
    %swap3A = arith.constant 0 : index
    %swap3A_21 = arith.constant 0 : index
    %swap3A_22 = vector.load %arg5[%swap3A, %swap3A_21] : memref<256x256xf32, #tpu.memory_space<vmem>>, vector<256x256xf32>
    tpu.vector_store %arg5[%swap3A, %swap3A_21], %dot_general3A_20 {strides = array<i32>} : memref<256x256xf32, #tpu.memory_space<vmem>>, vector<256x256xf32>,
    return
  }
  func.func @transform_0(%arg0: i32, %arg1: i32) -> (i32, i32) {
    %c0_i32 = arith.constant 0 : i32
    %c0_i32_0 = arith.constant 0 : i32
    return %arg0, %c0_i32 : i32, i32
  }
  func.func @transform_1(%arg0: i32, %arg1: i32) -> (i32, i32) {
    %c0_i32 = arith.constant 0 : i32
    %c0_i32_0 = arith.constant 0 : i32
    return %arg1, %c0_i32 : i32, i32
  }
  func.func @transform_2(%arg0: i32, %arg1: i32) -> (i32, i32) {
    %c0_i32 = arith.constant 0 : i32
    %c0_i32_0 = arith.constant 0 : i32
    %c0_i32_1 = arith.constant 0 : i32
    return %c0_i32, %c0_i32_0 : i32, i32
  }
  func.func @transform_3(%arg0: i32, %arg1: i32) -> (i32, i32) {
    %c0_i32 = arith.constant 0 : i32
    return %arg0, %arg1 : i32, i32
  }
}

module attributes {stable_mosaic.version = 14 : i64} {
  func.func @body(%arg0: i32, %arg1: memref<2048x128xf32, #tpu.memory_space<vmem>>, %arg2: memref<4x128xf32, #tpu.memory_space<vmem>>, %arg3: memref<1x128xf32, #tpu.memory_space<vmem>>, %arg4: memref<2048x128xf32, #tpu.memory_space<vmem>>) attributes {dimension_semantics = [#tpu.dimension_semantics<arbitrary>], iteration_bounds = array<i64: 13>, scalar_prefetch = 0 : i64, scratch_operands = 0 : i64, tpu.core_type = #tpu.core_type<tc>, window_params = [{transform_indices = @transform_0, window_bounds = array<i64: 2048, 128>}, {transform_indices = @transform_1, window_bounds = array<i64: 4, 128>}, {transform_indices = @transform_2, window_bounds = array<i64: 1, 128>}, {transform_indices = @transform_3, window_bounds = array<i64: 2048, 128>}]} {
    %get3A = arith.constant 0 : index
    %get3A_0 = arith.constant 0 : index
    %get3A_1 = vector.load %arg1[%get3A, %get3A_0] : memref<2048x128xf32, #tpu.memory_space<vmem>>, vector<2048x128xf32>
    %convert_element_type3A = arith.truncf %get3A_1 : vector<2048x128xf32> to vector<2048x128xbf16>
    %convert_element_type3A_2 = arith.extf %convert_element_type3A : vector<2048x128xbf16> to vector<2048x128xf32>
    %get3A_3 = arith.constant 0 : index
    %get3A_4 = arith.constant 0 : index
    %get3A_5 = vector.load %arg2[%get3A_3, %get3A_4] : memref<4x128xf32, #tpu.memory_space<vmem>>, vector<4x128xf32>
    %broadcast_in_dim3A = arith.constant 0.000000e+00 : f32
    %broadcast_in_dim3A_6 = vector.broadcast %broadcast_in_dim3A : f32 to vector<3x128xf32>
    %slice3A = vector.extract_strided_slice %convert_element_type3A_2 {offsets = [0, 0], sizes = [2045, 128], strides = [1, 1]} : vector<2048x128xf32> to vector<2045x128xf32>
    %concatenate3A = tpu.concatenate %broadcast_in_dim3A_6, %slice3A in 0 : vector<3x128xf32>, vector<2045x128xf32> -> vector<2048x128xf32>
    %slice3A_7 = vector.extract_strided_slice %get3A_5 {offsets = [0, 0], sizes = [1, 128], strides = [1, 1]} : vector<4x128xf32> to vector<1x128xf32>
    %mul3A = vector.broadcast %slice3A_7 : vector<1x128xf32> to vector<2048x128xf32>
    %mul3A_8 = arith.mulf %concatenate3A, %mul3A : vector<2048x128xf32>
    %broadcast_in_dim3A_9 = arith.constant 0.000000e+00 : f32
    %broadcast_in_dim3A_10 = vector.broadcast %broadcast_in_dim3A_9 : f32 to vector<2x128xf32>
    %slice3A_11 = vector.extract_strided_slice %convert_element_type3A_2 {offsets = [0, 0], sizes = [2046, 128], strides = [1, 1]} : vector<2048x128xf32> to vector<2046x128xf32>
    %concatenate3A_12 = tpu.concatenate %broadcast_in_dim3A_10, %slice3A_11 in 0 : vector<2x128xf32>, vector<2046x128xf32> -> vector<2048x128xf32>
    %slice3A_13 = vector.extract_strided_slice %get3A_5 {offsets = [1, 0], sizes = [1, 128], strides = [1, 1]} : vector<4x128xf32> to vector<1x128xf32>
    %mul3A_14 = vector.broadcast %slice3A_13 : vector<1x128xf32> to vector<2048x128xf32>
    %mul3A_15 = arith.mulf %concatenate3A_12, %mul3A_14 : vector<2048x128xf32>
    %add3A = arith.addf %mul3A_8, %mul3A_15 : vector<2048x128xf32>
    %broadcast_in_dim3A_16 = arith.constant 0.000000e+00 : f32
    %broadcast_in_dim3A_17 = vector.broadcast %broadcast_in_dim3A_16 : f32 to vector<1x128xf32>
    %slice3A_18 = vector.extract_strided_slice %convert_element_type3A_2 {offsets = [0, 0], sizes = [2047, 128], strides = [1, 1]} : vector<2048x128xf32> to vector<2047x128xf32>
    %concatenate3A_19 = tpu.concatenate %broadcast_in_dim3A_17, %slice3A_18 in 0 : vector<1x128xf32>, vector<2047x128xf32> -> vector<2048x128xf32>
    %slice3A_20 = vector.extract_strided_slice %get3A_5 {offsets = [2, 0], sizes = [1, 128], strides = [1, 1]} : vector<4x128xf32> to vector<1x128xf32>
    %mul3A_21 = vector.broadcast %slice3A_20 : vector<1x128xf32> to vector<2048x128xf32>
    %mul3A_22 = arith.mulf %concatenate3A_19, %mul3A_21 : vector<2048x128xf32>
    %add3A_23 = arith.addf %add3A, %mul3A_22 : vector<2048x128xf32>
    %slice3A_24 = vector.extract_strided_slice %get3A_5 {offsets = [3, 0], sizes = [1, 128], strides = [1, 1]} : vector<4x128xf32> to vector<1x128xf32>
    %mul3A_25 = vector.broadcast %slice3A_24 : vector<1x128xf32> to vector<2048x128xf32>
    %mul3A_26 = arith.mulf %convert_element_type3A_2, %mul3A_25 : vector<2048x128xf32>
    %add3A_27 = arith.addf %add3A_23, %mul3A_26 : vector<2048x128xf32>
    %get3A_28 = arith.constant 0 : index
    %get3A_29 = arith.constant 0 : index
    %get3A_30 = vector.load %arg3[%get3A_28, %get3A_29] : memref<1x128xf32, #tpu.memory_space<vmem>>, vector<1x128xf32>
    %add3A_31 = vector.broadcast %get3A_30 : vector<1x128xf32> to vector<2048x128xf32>
    %add3A_32 = arith.addf %add3A_27, %add3A_31 : vector<2048x128xf32>
    %logistic3A = arith.negf %add3A_32 : vector<2048x128xf32>
    %logistic3A_33 = math.exp %logistic3A : vector<2048x128xf32>
    %logistic3A_34 = arith.constant 1.000000e+00 : f32
    %logistic3A_35 = vector.broadcast %logistic3A_34 : f32 to vector<2048x128xf32>
    %logistic3A_36 = arith.addf %logistic3A_35, %logistic3A_33 : vector<2048x128xf32>
    %logistic3A_37 = arith.divf %logistic3A_35, %logistic3A_36 : vector<2048x128xf32>
    %mul3A_38 = arith.mulf %add3A_32, %logistic3A_37 : vector<2048x128xf32>
    %swap3A = arith.constant 0 : index
    %swap3A_39 = arith.constant 0 : index
    %swap3A_40 = vector.load %arg4[%swap3A, %swap3A_39] : memref<2048x128xf32, #tpu.memory_space<vmem>>, vector<2048x128xf32>
    tpu.vector_store %arg4[%swap3A, %swap3A_39], %mul3A_38 {strides = array<i32>} : memref<2048x128xf32, #tpu.memory_space<vmem>>, vector<2048x128xf32>,
    return
  }
  func.func @transform_0(%arg0: i32) -> (i32, i32) {
    %c0_i32 = arith.constant 0 : i32
    %c0_i32_0 = arith.constant 0 : i32
    return %c0_i32, %arg0 : i32, i32
  }
  func.func @transform_1(%arg0: i32) -> (i32, i32) {
    %c0_i32 = arith.constant 0 : i32
    %c0_i32_0 = arith.constant 0 : i32
    return %c0_i32, %arg0 : i32, i32
  }
  func.func @transform_2(%arg0: i32) -> (i32, i32) {
    %c0_i32 = arith.constant 0 : i32
    %c0_i32_0 = arith.constant 0 : i32
    return %c0_i32, %arg0 : i32, i32
  }
  func.func @transform_3(%arg0: i32) -> (i32, i32) {
    %c0_i32 = arith.constant 0 : i32
    %c0_i32_0 = arith.constant 0 : i32
    return %c0_i32, %arg0 : i32, i32
  }
}

module attributes {stable_mosaic.version = 14 : i64} {
  func.func @body(%arg0: i32, %arg1: i32, %arg2: memref<256x1536xf32, #tpu.memory_space<vmem>>, %arg3: memref<256x1536xf32, #tpu.memory_space<vmem>>, %arg4: memref<256x256xf32, #tpu.memory_space<vmem>>, %arg5: memref<256x256xf32, #tpu.memory_space<vmem>>) attributes {dimension_semantics = [#tpu.dimension_semantics<arbitrary>, #tpu.dimension_semantics<arbitrary>], iteration_bounds = array<i64: 8, 3>, scalar_prefetch = 0 : i64, scratch_operands = 0 : i64, tpu.core_type = #tpu.core_type<tc>, window_params = [{transform_indices = @transform_0, window_bounds = array<i64: 256, 1536>}, {transform_indices = @transform_1, window_bounds = array<i64: 256, 1536>}, {transform_indices = @transform_2, window_bounds = array<i64: 256, 256>}, {transform_indices = @transform_3, window_bounds = array<i64: 256, 256>}]} {
    %get3A = arith.constant 0 : index
    %get3A_0 = arith.constant 0 : index
    %get3A_1 = vector.load %arg2[%get3A, %get3A_0] : memref<256x1536xf32, #tpu.memory_space<vmem>>, vector<256x1536xf32>
    %get3A_2 = arith.constant 0 : index
    %get3A_3 = arith.constant 0 : index
    %get3A_4 = vector.load %arg3[%get3A_2, %get3A_3] : memref<256x1536xf32, #tpu.memory_space<vmem>>, vector<256x1536xf32>
    %dot_general3A = arith.constant dense<0.000000e+00> : vector<256x256xf32>
    %dot_general3A_5 = tpu.matmul %get3A_1, %get3A_4, %dot_general3A {dimension_numbers = #tpu.dot_dimension_numbers<[1], [1], [0], [0], [0, 0, 1, 0], [], []>, transpose_lhs_hint = false} : vector<256x1536xf32>, vector<256x1536xf32>, vector<256x256xf32> -> vector<256x256xf32>
    %get3A_6 = arith.constant 0 : index
    %get3A_7 = arith.constant 0 : index
    %get3A_8 = vector.load %arg4[%get3A_6, %get3A_7] : memref<256x256xf32, #tpu.memory_space<vmem>>, vector<256x256xf32>
    %add3A = arith.addf %dot_general3A_5, %get3A_8 : vector<256x256xf32>
    %swap3A = arith.constant 0 : index
    %swap3A_9 = arith.constant 0 : index
    %swap3A_10 = vector.load %arg5[%swap3A, %swap3A_9] : memref<256x256xf32, #tpu.memory_space<vmem>>, vector<256x256xf32>
    tpu.vector_store %arg5[%swap3A, %swap3A_9], %add3A {strides = array<i32>} : memref<256x256xf32, #tpu.memory_space<vmem>>, vector<256x256xf32>,
    return
  }
  func.func @transform_0(%arg0: i32, %arg1: i32) -> (i32, i32) {
    %c0_i32 = arith.constant 0 : i32
    %c0_i32_0 = arith.constant 0 : i32
    return %arg0, %c0_i32 : i32, i32
  }
  func.func @transform_1(%arg0: i32, %arg1: i32) -> (i32, i32) {
    %c0_i32 = arith.constant 0 : i32
    %c0_i32_0 = arith.constant 0 : i32
    return %arg1, %c0_i32 : i32, i32
  }
  func.func @transform_2(%arg0: i32, %arg1: i32) -> (i32, i32) {
    %c0_i32 = arith.constant 0 : i32
    return %arg0, %arg1 : i32, i32
  }
  func.func @transform_3(%arg0: i32, %arg1: i32) -> (i32, i32) {
    %c0_i32 = arith.constant 0 : i32
    return %arg0, %arg1 : i32, i32
  }
}

module attributes {stable_mosaic.version = 14 : i64} {
  func.func @body(%arg0: i32, %arg1: memref<128x1536xf32, #tpu.memory_space<vmem>>, %arg2: memref<128x64xf32, #tpu.memory_space<vmem>>, %arg3: memref<128x64xf32, #tpu.memory_space<vmem>>, %arg4: memref<128x24xf32, #tpu.memory_space<vmem>>, %arg5: memref<128x1536xf32, #tpu.memory_space<vmem>>, %arg6: memref<1x24xf32, #tpu.memory_space<vmem>>, %arg7: memref<1x24xf32, #tpu.memory_space<vmem>>, %arg8: memref<1x24xf32, #tpu.memory_space<vmem>>, %arg9: memref<1x1536xf32, #tpu.memory_space<vmem>>, %arg10: memref<128x1536xf32, #tpu.memory_space<vmem>>, %arg11: memref<24x64x64xf32, #tpu.memory_space<vmem>>, %arg12: memref<128x1536xf32, #tpu.memory_space<vmem>>) attributes {dimension_semantics = [#tpu.dimension_semantics<arbitrary>], iteration_bounds = array<i64: 16>, scalar_prefetch = 0 : i64, scratch_operands = 2 : i64, tpu.core_type = #tpu.core_type<tc>, window_params = [{transform_indices = @transform_0, window_bounds = array<i64: 128, 1536>}, {transform_indices = @transform_1, window_bounds = array<i64: 128, 64>}, {transform_indices = @transform_2, window_bounds = array<i64: 128, 64>}, {transform_indices = @transform_3, window_bounds = array<i64: 128, 24>}, {transform_indices = @transform_4, window_bounds = array<i64: 128, 1536>}, {pipeline_mode = #tpu.pipeline_mode<synchronous>, transform_indices = @transform_5, window_bounds = array<i64: 1, 24>}, {pipeline_mode = #tpu.pipeline_mode<synchronous>, transform_indices = @transform_6, window_bounds = array<i64: 1, 24>}, {pipeline_mode = #tpu.pipeline_mode<synchronous>, transform_indices = @transform_7, window_bounds = array<i64: 1, 24>}, {pipeline_mode = #tpu.pipeline_mode<synchronous>, transform_indices = @transform_8, window_bounds = array<i64: 1, 1536>}, {transform_indices = @transform_9, window_bounds = array<i64: 128, 1536>}]} {
    %eq3A = arith.constant 0 : i32
    %eq3A_0 = arith.cmpi eq, %arg0, %eq3A : i32
    %convert_element_type3A = arith.extui %eq3A_0 : i1 to i32
    %cond3A = arith.constant 0 : i32
    %cond3A_1 = arith.cmpi ne, %convert_element_type3A, %cond3A : i32
    scf.if %cond3A_1 {
      %broadcast_in_dim3A_1451 = arith.constant 0.000000e+00 : f32
      %broadcast_in_dim3A_1452 = vector.broadcast %broadcast_in_dim3A_1451 : f32 to vector<24x64x64xf32>
      %swap3A_1453 = arith.constant 0 : index
      %swap3A_1454 = arith.constant 0 : index
      %swap3A_1455 = arith.constant 0 : index
      %swap3A_1456 = vector.load %arg11[%swap3A_1453, %swap3A_1454, %swap3A_1455] : memref<24x64x64xf32, #tpu.memory_space<vmem>>, vector<24x64x64xf32>
      tpu.vector_store %arg11[%swap3A_1453, %swap3A_1454, %swap3A_1455], %broadcast_in_dim3A_1452 {strides = array<i32>} : memref<24x64x64xf32, #tpu.memory_space<vmem>>, vector<24x64x64xf32>,
    } else {
    }
    %get3A = arith.constant 0 : index
    %get3A_2 = arith.constant 0 : index
    %get3A_3 = vector.load %arg4[%get3A, %get3A_2] : memref<128x24xf32, #tpu.memory_space<vmem>>, vector<128x24xf32>
    %get3A_4 = arith.constant 0 : index
    %get3A_5 = arith.constant 0 : index
    %get3A_6 = vector.load %arg6[%get3A_4, %get3A_5] : memref<1x24xf32, #tpu.memory_space<vmem>>, vector<1x24xf32>
    %add3A = vector.broadcast %get3A_6 : vector<1x24xf32> to vector<128x24xf32>
    %add3A_7 = arith.addf %get3A_3, %add3A : vector<128x24xf32>
    %custom_jvp_call3A = arith.constant 0.000000e+00 : f32
    %max3A = vector.broadcast %custom_jvp_call3A : f32 to vector<128x24xf32>
    %max3A_8 = arith.maximumf %add3A_7, %max3A : vector<128x24xf32>
    %sub3A = vector.broadcast %custom_jvp_call3A : f32 to vector<128x24xf32>
    %sub3A_9 = arith.subf %add3A_7, %sub3A : vector<128x24xf32>
    %ne3A = arith.cmpf one, %sub3A_9, %sub3A_9 : vector<128x24xf32>
    %add3A_10 = vector.broadcast %custom_jvp_call3A : f32 to vector<128x24xf32>
    %add3A_11 = arith.addf %add3A_7, %add3A_10 : vector<128x24xf32>
    %abs3A = math.absf %sub3A_9 : vector<128x24xf32>
    %neg3A = arith.constant 0.000000e+00 : f32
    %neg3A_12 = vector.broadcast %neg3A : f32 to vector<128x24xf32>
    %neg3A_13 = arith.subf %neg3A_12, %abs3A : vector<128x24xf32>
    %exp3A = math.exp %neg3A_13 : vector<128x24xf32>
    %log1p3A = math.log1p %exp3A : vector<128x24xf32>
    %add3A_14 = arith.addf %max3A_8, %log1p3A : vector<128x24xf32>
    %select_n3A = arith.select %ne3A, %add3A_11, %add3A_14 : vector<128x24xi1>, vector<128x24xf32>
    %get3A_15 = arith.constant 0 : index
    %get3A_16 = arith.constant 0 : index
    %get3A_17 = vector.load %arg7[%get3A_15, %get3A_16] : memref<1x24xf32, #tpu.memory_space<vmem>>, vector<1x24xf32>
    %mul3A = vector.broadcast %get3A_17 : vector<1x24xf32> to vector<128x24xf32>
    %mul3A_18 = arith.mulf %select_n3A, %mul3A : vector<128x24xf32>
    %iota3A = tpu.iota {dimensions = array<i32: 0>} : vector<128x128xi32>
    %iota3A_19 = tpu.iota {dimensions = array<i32: 1>} : vector<128x128xi32>
    %ge3A = arith.cmpi sge, %iota3A, %iota3A_19 : vector<128x128xi32>
    %convert_element_type3A_20 = arith.extui %ge3A : vector<128x128xi1> to vector<128x128xi32>
    %convert_element_type3A_21 = arith.sitofp %convert_element_type3A_20 : vector<128x128xi32> to vector<128x128xf32>
    %dot_general3A = arith.constant dense<0.000000e+00> : vector<128x24xf32>
    %dot_general3A_22 = tpu.matmul %convert_element_type3A_21, %mul3A_18, %dot_general3A {dimension_numbers = #tpu.dot_dimension_numbers<[1], [0], [0], [1], [0, 0, 1, 1], [], []>, precision = #tpu.contract_precision<fp32>, transpose_lhs_hint = false} : vector<128x128xf32>, vector<128x24xf32>, vector<128x24xf32> -> vector<128x24xf32>
    %get3A_23 = arith.constant 0 : index
    %get3A_24 = arith.constant 0 : index
    %get3A_25 = vector.load %arg2[%get3A_23, %get3A_24] : memref<128x64xf32, #tpu.memory_space<vmem>>, vector<128x64xf32>
    %get3A_26 = arith.constant 0 : index
    %get3A_27 = arith.constant 0 : index
    %get3A_28 = vector.load %arg3[%get3A_26, %get3A_27] : memref<128x64xf32, #tpu.memory_space<vmem>>, vector<128x64xf32>
    %convert_element_type3A_29 = arith.truncf %get3A_28 : vector<128x64xf32> to vector<128x64xbf16>
    %convert_element_type3A_30 = arith.extf %convert_element_type3A_29 : vector<128x64xbf16> to vector<128x64xf32>
    %dot_general3A_31 = arith.constant dense<0.000000e+00> : vector<128x128xf32>
    %dot_general3A_32 = tpu.matmul %convert_element_type3A_30, %get3A_25, %dot_general3A_31 {dimension_numbers = #tpu.dot_dimension_numbers<[1], [1], [0], [0], [0, 0, 1, 0], [], []>, precision = #tpu.contract_precision<fp32>, transpose_lhs_hint = false} : vector<128x64xf32>, vector<128x64xf32>, vector<128x128xf32> -> vector<128x128xf32>
    %slice3A = vector.extract_strided_slice %dot_general3A_22 {offsets = [0, 0], sizes = [128, 1], strides = [1, 1]} : vector<128x24xf32> to vector<128x1xf32>
    %transpose3A = tpu.transpose %slice3A, [1, 0] : vector<128x1xf32> -> vector<1x128xf32>
    %slice3A_33 = vector.extract_strided_slice %select_n3A {offsets = [0, 0], sizes = [128, 1], strides = [1, 1]} : vector<128x24xf32> to vector<128x1xf32>
    %transpose3A_34 = tpu.transpose %slice3A_33, [1, 0] : vector<128x1xf32> -> vector<1x128xf32>
    %sub3A_35 = vector.broadcast %slice3A : vector<128x1xf32> to vector<128x128xf32>
    %sub3A_36 = vector.broadcast %transpose3A : vector<1x128xf32> to vector<128x128xf32>
    %sub3A_37 = arith.subf %sub3A_35, %sub3A_36 : vector<128x128xf32>
    %jit3A = arith.constant -1.000000e+30 : f32
    %broadcast_in_dim3A = vector.broadcast %jit3A : f32 to vector<128x128xf32>
    %select_n3A_38 = arith.select %ge3A, %sub3A_37, %broadcast_in_dim3A : vector<128x128xi1>, vector<128x128xf32>
    %exp3A_39 = math.exp %select_n3A_38 : vector<128x128xf32>
    %mul3A_40 = vector.broadcast %transpose3A_34 : vector<1x128xf32> to vector<128x128xf32>
    %mul3A_41 = arith.mulf %exp3A_39, %mul3A_40 : vector<128x128xf32>
    %mul3A_42 = arith.mulf %dot_general3A_32, %mul3A_41 : vector<128x128xf32>
    %get3A_43 = arith.constant 0 : index
    %get3A_44 = arith.constant 0 : index
    %get3A_45 = vector.load %arg1[%get3A_43, %get3A_44] : memref<128x1536xf32, #tpu.memory_space<vmem>>, vector<128x64xf32>
    %dot_general3A_46 = arith.constant dense<0.000000e+00> : vector<128x64xf32>
    %dot_general3A_47 = tpu.matmul %mul3A_42, %get3A_45, %dot_general3A_46 {dimension_numbers = #tpu.dot_dimension_numbers<[1], [0], [0], [1], [0, 0, 1, 1], [], []>, precision = #tpu.contract_precision<fp32>, transpose_lhs_hint = false} : vector<128x128xf32>, vector<128x64xf32>, vector<128x64xf32> -> vector<128x64xf32>
    %get3A_48 = arith.constant 0 : index
    %get3A_49 = arith.constant 0 : index
    %get3A_50 = arith.constant 0 : index
    %get3A_51 = vector.load %arg11[%get3A_48, %get3A_49, %get3A_50] : memref<24x64x64xf32, #tpu.memory_space<vmem>>, vector<1x64x64xf32>
    %get3A_52 = vector.shape_cast %get3A_51 : vector<1x64x64xf32> to vector<64x64xf32>
    %dot_general3A_53 = arith.constant dense<0.000000e+00> : vector<128x64xf32>
    %dot_general3A_54 = tpu.matmul %convert_element_type3A_30, %get3A_52, %dot_general3A_53 {dimension_numbers = #tpu.dot_dimension_numbers<[1], [1], [0], [0], [0, 0, 1, 0], [], []>, precision = #tpu.contract_precision<fp32>, transpose_lhs_hint = false} : vector<128x64xf32>, vector<64x64xf32>, vector<128x64xf32> -> vector<128x64xf32>
    %exp3A_55 = math.exp %slice3A : vector<128x1xf32>
    %mul3A_56 = vector.broadcast %exp3A_55 : vector<128x1xf32> to vector<128x64xf32>
    %mul3A_57 = arith.mulf %dot_general3A_54, %mul3A_56 : vector<128x64xf32>
    %add3A_58 = arith.addf %dot_general3A_47, %mul3A_57 : vector<128x64xf32>
    %slice3A_59 = vector.extract_strided_slice %slice3A {offsets = [127, 0], sizes = [1, 1], strides = [1, 1]} : vector<128x1xf32> to vector<1x1xf32>
    %sub3A_60 = vector.broadcast %slice3A_59 : vector<1x1xf32> to vector<128x1xf32>
    %sub3A_61 = arith.subf %sub3A_60, %slice3A : vector<128x1xf32>
    %exp3A_62 = math.exp %sub3A_61 : vector<128x1xf32>
    %mul3A_63 = arith.mulf %exp3A_62, %slice3A_33 : vector<128x1xf32>
    %mul3A_64 = vector.broadcast %mul3A_63 : vector<128x1xf32> to vector<128x64xf32>
    %mul3A_65 = arith.mulf %get3A_45, %mul3A_64 : vector<128x64xf32>
    %dot_general3A_66 = arith.constant dense<0.000000e+00> : vector<64x64xf32>
    %dot_general3A_67 = tpu.matmul %mul3A_65, %get3A_25, %dot_general3A_66 {dimension_numbers = #tpu.dot_dimension_numbers<[0], [0], [1], [1], [0, 1, 1, 1], [], []>, precision = #tpu.contract_precision<fp32>, transpose_lhs_hint = false} : vector<128x64xf32>, vector<128x64xf32>, vector<64x64xf32> -> vector<64x64xf32>
    %exp3A_68 = math.exp %slice3A_59 : vector<1x1xf32>
    %mul3A_69 = vector.broadcast %exp3A_68 : vector<1x1xf32> to vector<64x64xf32>
    %mul3A_70 = arith.mulf %get3A_52, %mul3A_69 : vector<64x64xf32>
    %add3A_71 = arith.addf %mul3A_70, %dot_general3A_67 : vector<64x64xf32>
    %swap3A = arith.constant 0 : index
    %swap3A_72 = arith.constant 0 : index
    %swap3A_73 = arith.constant 0 : index
    %swap3A_74 = vector.load %arg11[%swap3A, %swap3A_72, %swap3A_73] : memref<24x64x64xf32, #tpu.memory_space<vmem>>, vector<1x64x64xf32>
    %swap3A_75 = vector.shape_cast %swap3A_74 : vector<1x64x64xf32> to vector<64x64xf32>
    %swap3A_76 = vector.shape_cast %add3A_71 : vector<64x64xf32> to vector<1x64x64xf32>
    tpu.vector_store %arg11[%swap3A, %swap3A_72, %swap3A_73], %swap3A_76 {strides = array<i32>} : memref<24x64x64xf32, #tpu.memory_space<vmem>>, vector<1x64x64xf32>,
    %get3A_77 = arith.constant 0 : index
    %get3A_78 = arith.constant 0 : index
    %get3A_79 = vector.load %arg8[%get3A_77, %get3A_78] : memref<1x24xf32, #tpu.memory_space<vmem>>, vector<1x1xf32>
    %mul3A_80 = vector.broadcast %get3A_79 : vector<1x1xf32> to vector<128x64xf32>
    %mul3A_81 = arith.mulf %get3A_45, %mul3A_80 : vector<128x64xf32>
    %add3A_82 = arith.addf %add3A_58, %mul3A_81 : vector<128x64xf32>
    %swap3A_83 = arith.constant 0 : index
    %swap3A_84 = arith.constant 0 : index
    %swap3A_85 = vector.load %arg12[%swap3A_83, %swap3A_84] : memref<128x1536xf32, #tpu.memory_space<vmem>>, vector<128x64xf32>
    tpu.vector_store %arg12[%swap3A_83, %swap3A_84], %add3A_82 {strides = array<i32>} : memref<128x1536xf32, #tpu.memory_space<vmem>>, vector<128x64xf32>,
    %slice3A_86 = vector.extract_strided_slice %dot_general3A_22 {offsets = [0, 1], sizes = [128, 1], strides = [1, 1]} : vector<128x24xf32> to vector<128x1xf32>
    %transpose3A_87 = tpu.transpose %slice3A_86, [1, 0] : vector<128x1xf32> -> vector<1x128xf32>
    %slice3A_88 = vector.extract_strided_slice %select_n3A {offsets = [0, 1], sizes = [128, 1], strides = [1, 1]} : vector<128x24xf32> to vector<128x1xf32>
    %transpose3A_89 = tpu.transpose %slice3A_88, [1, 0] : vector<128x1xf32> -> vector<1x128xf32>
    %sub3A_90 = vector.broadcast %slice3A_86 : vector<128x1xf32> to vector<128x128xf32>
    %sub3A_91 = vector.broadcast %transpose3A_87 : vector<1x128xf32> to vector<128x128xf32>
    %sub3A_92 = arith.subf %sub3A_90, %sub3A_91 : vector<128x128xf32>
    %jit3A_93 = arith.constant -1.000000e+30 : f32
    %broadcast_in_dim3A_94 = vector.broadcast %jit3A_93 : f32 to vector<128x128xf32>
    %select_n3A_95 = arith.select %ge3A, %sub3A_92, %broadcast_in_dim3A_94 : vector<128x128xi1>, vector<128x128xf32>
    %exp3A_96 = math.exp %select_n3A_95 : vector<128x128xf32>
    %mul3A_97 = vector.broadcast %transpose3A_89 : vector<1x128xf32> to vector<128x128xf32>
    %mul3A_98 = arith.mulf %exp3A_96, %mul3A_97 : vector<128x128xf32>
    %mul3A_99 = arith.mulf %dot_general3A_32, %mul3A_98 : vector<128x128xf32>
    %get3A_100 = arith.constant 0 : index
    %get3A_101 = arith.constant 64 : index
    %get3A_102 = vector.load %arg1[%get3A_100, %get3A_101] : memref<128x1536xf32, #tpu.memory_space<vmem>>, vector<128x64xf32>
    %dot_general3A_103 = arith.constant dense<0.000000e+00> : vector<128x64xf32>
    %dot_general3A_104 = tpu.matmul %mul3A_99, %get3A_102, %dot_general3A_103 {dimension_numbers = #tpu.dot_dimension_numbers<[1], [0], [0], [1], [0, 0, 1, 1], [], []>, precision = #tpu.contract_precision<fp32>, transpose_lhs_hint = false} : vector<128x128xf32>, vector<128x64xf32>, vector<128x64xf32> -> vector<128x64xf32>
    %get3A_105 = arith.constant 1 : index
    %get3A_106 = arith.constant 0 : index
    %get3A_107 = arith.constant 0 : index
    %get3A_108 = vector.load %arg11[%get3A_105, %get3A_106, %get3A_107] : memref<24x64x64xf32, #tpu.memory_space<vmem>>, vector<1x64x64xf32>
    %get3A_109 = vector.shape_cast %get3A_108 : vector<1x64x64xf32> to vector<64x64xf32>
    %dot_general3A_110 = arith.constant dense<0.000000e+00> : vector<128x64xf32>
    %dot_general3A_111 = tpu.matmul %convert_element_type3A_30, %get3A_109, %dot_general3A_110 {dimension_numbers = #tpu.dot_dimension_numbers<[1], [1], [0], [0], [0, 0, 1, 0], [], []>, precision = #tpu.contract_precision<fp32>, transpose_lhs_hint = false} : vector<128x64xf32>, vector<64x64xf32>, vector<128x64xf32> -> vector<128x64xf32>
    %exp3A_112 = math.exp %slice3A_86 : vector<128x1xf32>
    %mul3A_113 = vector.broadcast %exp3A_112 : vector<128x1xf32> to vector<128x64xf32>
    %mul3A_114 = arith.mulf %dot_general3A_111, %mul3A_113 : vector<128x64xf32>
    %add3A_115 = arith.addf %dot_general3A_104, %mul3A_114 : vector<128x64xf32>
    %slice3A_116 = vector.extract_strided_slice %slice3A_86 {offsets = [127, 0], sizes = [1, 1], strides = [1, 1]} : vector<128x1xf32> to vector<1x1xf32>
    %sub3A_117 = vector.broadcast %slice3A_116 : vector<1x1xf32> to vector<128x1xf32>
    %sub3A_118 = arith.subf %sub3A_117, %slice3A_86 : vector<128x1xf32>
    %exp3A_119 = math.exp %sub3A_118 : vector<128x1xf32>
    %mul3A_120 = arith.mulf %exp3A_119, %slice3A_88 : vector<128x1xf32>
    %mul3A_121 = vector.broadcast %mul3A_120 : vector<128x1xf32> to vector<128x64xf32>
    %mul3A_122 = arith.mulf %get3A_102, %mul3A_121 : vector<128x64xf32>
    %dot_general3A_123 = arith.constant dense<0.000000e+00> : vector<64x64xf32>
    %dot_general3A_124 = tpu.matmul %mul3A_122, %get3A_25, %dot_general3A_123 {dimension_numbers = #tpu.dot_dimension_numbers<[0], [0], [1], [1], [0, 1, 1, 1], [], []>, precision = #tpu.contract_precision<fp32>, transpose_lhs_hint = false} : vector<128x64xf32>, vector<128x64xf32>, vector<64x64xf32> -> vector<64x64xf32>
    %exp3A_125 = math.exp %slice3A_116 : vector<1x1xf32>
    %mul3A_126 = vector.broadcast %exp3A_125 : vector<1x1xf32> to vector<64x64xf32>
    %mul3A_127 = arith.mulf %get3A_109, %mul3A_126 : vector<64x64xf32>
    %add3A_128 = arith.addf %mul3A_127, %dot_general3A_124 : vector<64x64xf32>
    %swap3A_129 = arith.constant 1 : index
    %swap3A_130 = arith.constant 0 : index
    %swap3A_131 = arith.constant 0 : index
    %swap3A_132 = vector.load %arg11[%swap3A_129, %swap3A_130, %swap3A_131] : memref<24x64x64xf32, #tpu.memory_space<vmem>>, vector<1x64x64xf32>
    %swap3A_133 = vector.shape_cast %swap3A_132 : vector<1x64x64xf32> to vector<64x64xf32>
    %swap3A_134 = vector.shape_cast %add3A_128 : vector<64x64xf32> to vector<1x64x64xf32>
    tpu.vector_store %arg11[%swap3A_129, %swap3A_130, %swap3A_131], %swap3A_134 {strides = array<i32>} : memref<24x64x64xf32, #tpu.memory_space<vmem>>, vector<1x64x64xf32>,
    %get3A_135 = arith.constant 0 : index
    %get3A_136 = arith.constant 1 : index
    %get3A_137 = vector.load %arg8[%get3A_135, %get3A_136] : memref<1x24xf32, #tpu.memory_space<vmem>>, vector<1x1xf32>
    %mul3A_138 = vector.broadcast %get3A_137 : vector<1x1xf32> to vector<128x64xf32>
    %mul3A_139 = arith.mulf %get3A_102, %mul3A_138 : vector<128x64xf32>
    %add3A_140 = arith.addf %add3A_115, %mul3A_139 : vector<128x64xf32>
    %swap3A_141 = arith.constant 0 : index
    %swap3A_142 = arith.constant 64 : index
    %swap3A_143 = vector.load %arg12[%swap3A_141, %swap3A_142] : memref<128x1536xf32, #tpu.memory_space<vmem>>, vector<128x64xf32>
    tpu.vector_store %arg12[%swap3A_141, %swap3A_142], %add3A_140 {strides = array<i32>} : memref<128x1536xf32, #tpu.memory_space<vmem>>, vector<128x64xf32>,
    %slice3A_144 = vector.extract_strided_slice %dot_general3A_22 {offsets = [0, 2], sizes = [128, 1], strides = [1, 1]} : vector<128x24xf32> to vector<128x1xf32>
    %transpose3A_145 = tpu.transpose %slice3A_144, [1, 0] : vector<128x1xf32> -> vector<1x128xf32>
    %slice3A_146 = vector.extract_strided_slice %select_n3A {offsets = [0, 2], sizes = [128, 1], strides = [1, 1]} : vector<128x24xf32> to vector<128x1xf32>
    %transpose3A_147 = tpu.transpose %slice3A_146, [1, 0] : vector<128x1xf32> -> vector<1x128xf32>
    %sub3A_148 = vector.broadcast %slice3A_144 : vector<128x1xf32> to vector<128x128xf32>
    %sub3A_149 = vector.broadcast %transpose3A_145 : vector<1x128xf32> to vector<128x128xf32>
    %sub3A_150 = arith.subf %sub3A_148, %sub3A_149 : vector<128x128xf32>
    %jit3A_151 = arith.constant -1.000000e+30 : f32
    %broadcast_in_dim3A_152 = vector.broadcast %jit3A_151 : f32 to vector<128x128xf32>
    %select_n3A_153 = arith.select %ge3A, %sub3A_150, %broadcast_in_dim3A_152 : vector<128x128xi1>, vector<128x128xf32>
    %exp3A_154 = math.exp %select_n3A_153 : vector<128x128xf32>
    %mul3A_155 = vector.broadcast %transpose3A_147 : vector<1x128xf32> to vector<128x128xf32>
    %mul3A_156 = arith.mulf %exp3A_154, %mul3A_155 : vector<128x128xf32>
    %mul3A_157 = arith.mulf %dot_general3A_32, %mul3A_156 : vector<128x128xf32>
    %get3A_158 = arith.constant 0 : index
    %get3A_159 = arith.constant 128 : index
    %get3A_160 = vector.load %arg1[%get3A_158, %get3A_159] : memref<128x1536xf32, #tpu.memory_space<vmem>>, vector<128x64xf32>
    %dot_general3A_161 = arith.constant dense<0.000000e+00> : vector<128x64xf32>
    %dot_general3A_162 = tpu.matmul %mul3A_157, %get3A_160, %dot_general3A_161 {dimension_numbers = #tpu.dot_dimension_numbers<[1], [0], [0], [1], [0, 0, 1, 1], [], []>, precision = #tpu.contract_precision<fp32>, transpose_lhs_hint = false} : vector<128x128xf32>, vector<128x64xf32>, vector<128x64xf32> -> vector<128x64xf32>
    %get3A_163 = arith.constant 2 : index
    %get3A_164 = arith.constant 0 : index
    %get3A_165 = arith.constant 0 : index
    %get3A_166 = vector.load %arg11[%get3A_163, %get3A_164, %get3A_165] : memref<24x64x64xf32, #tpu.memory_space<vmem>>, vector<1x64x64xf32>
    %get3A_167 = vector.shape_cast %get3A_166 : vector<1x64x64xf32> to vector<64x64xf32>
    %dot_general3A_168 = arith.constant dense<0.000000e+00> : vector<128x64xf32>
    %dot_general3A_169 = tpu.matmul %convert_element_type3A_30, %get3A_167, %dot_general3A_168 {dimension_numbers = #tpu.dot_dimension_numbers<[1], [1], [0], [0], [0, 0, 1, 0], [], []>, precision = #tpu.contract_precision<fp32>, transpose_lhs_hint = false} : vector<128x64xf32>, vector<64x64xf32>, vector<128x64xf32> -> vector<128x64xf32>
    %exp3A_170 = math.exp %slice3A_144 : vector<128x1xf32>
    %mul3A_171 = vector.broadcast %exp3A_170 : vector<128x1xf32> to vector<128x64xf32>
    %mul3A_172 = arith.mulf %dot_general3A_169, %mul3A_171 : vector<128x64xf32>
    %add3A_173 = arith.addf %dot_general3A_162, %mul3A_172 : vector<128x64xf32>
    %slice3A_174 = vector.extract_strided_slice %slice3A_144 {offsets = [127, 0], sizes = [1, 1], strides = [1, 1]} : vector<128x1xf32> to vector<1x1xf32>
    %sub3A_175 = vector.broadcast %slice3A_174 : vector<1x1xf32> to vector<128x1xf32>
    %sub3A_176 = arith.subf %sub3A_175, %slice3A_144 : vector<128x1xf32>
    %exp3A_177 = math.exp %sub3A_176 : vector<128x1xf32>
    %mul3A_178 = arith.mulf %exp3A_177, %slice3A_146 : vector<128x1xf32>
    %mul3A_179 = vector.broadcast %mul3A_178 : vector<128x1xf32> to vector<128x64xf32>
    %mul3A_180 = arith.mulf %get3A_160, %mul3A_179 : vector<128x64xf32>
    %dot_general3A_181 = arith.constant dense<0.000000e+00> : vector<64x64xf32>
    %dot_general3A_182 = tpu.matmul %mul3A_180, %get3A_25, %dot_general3A_181 {dimension_numbers = #tpu.dot_dimension_numbers<[0], [0], [1], [1], [0, 1, 1, 1], [], []>, precision = #tpu.contract_precision<fp32>, transpose_lhs_hint = false} : vector<128x64xf32>, vector<128x64xf32>, vector<64x64xf32> -> vector<64x64xf32>
    %exp3A_183 = math.exp %slice3A_174 : vector<1x1xf32>
    %mul3A_184 = vector.broadcast %exp3A_183 : vector<1x1xf32> to vector<64x64xf32>
    %mul3A_185 = arith.mulf %get3A_167, %mul3A_184 : vector<64x64xf32>
    %add3A_186 = arith.addf %mul3A_185, %dot_general3A_182 : vector<64x64xf32>
    %swap3A_187 = arith.constant 2 : index
    %swap3A_188 = arith.constant 0 : index
    %swap3A_189 = arith.constant 0 : index
    %swap3A_190 = vector.load %arg11[%swap3A_187, %swap3A_188, %swap3A_189] : memref<24x64x64xf32, #tpu.memory_space<vmem>>, vector<1x64x64xf32>
    %swap3A_191 = vector.shape_cast %swap3A_190 : vector<1x64x64xf32> to vector<64x64xf32>
    %swap3A_192 = vector.shape_cast %add3A_186 : vector<64x64xf32> to vector<1x64x64xf32>
    tpu.vector_store %arg11[%swap3A_187, %swap3A_188, %swap3A_189], %swap3A_192 {strides = array<i32>} : memref<24x64x64xf32, #tpu.memory_space<vmem>>, vector<1x64x64xf32>,
    %get3A_193 = arith.constant 0 : index
    %get3A_194 = arith.constant 2 : index
    %get3A_195 = vector.load %arg8[%get3A_193, %get3A_194] : memref<1x24xf32, #tpu.memory_space<vmem>>, vector<1x1xf32>
    %mul3A_196 = vector.broadcast %get3A_195 : vector<1x1xf32> to vector<128x64xf32>
    %mul3A_197 = arith.mulf %get3A_160, %mul3A_196 : vector<128x64xf32>
    %add3A_198 = arith.addf %add3A_173, %mul3A_197 : vector<128x64xf32>
    %swap3A_199 = arith.constant 0 : index
    %swap3A_200 = arith.constant 128 : index
    %swap3A_201 = vector.load %arg12[%swap3A_199, %swap3A_200] : memref<128x1536xf32, #tpu.memory_space<vmem>>, vector<128x64xf32>
    tpu.vector_store %arg12[%swap3A_199, %swap3A_200], %add3A_198 {strides = array<i32>} : memref<128x1536xf32, #tpu.memory_space<vmem>>, vector<128x64xf32>,
    %slice3A_202 = vector.extract_strided_slice %dot_general3A_22 {offsets = [0, 3], sizes = [128, 1], strides = [1, 1]} : vector<128x24xf32> to vector<128x1xf32>
    %transpose3A_203 = tpu.transpose %slice3A_202, [1, 0] : vector<128x1xf32> -> vector<1x128xf32>
    %slice3A_204 = vector.extract_strided_slice %select_n3A {offsets = [0, 3], sizes = [128, 1], strides = [1, 1]} : vector<128x24xf32> to vector<128x1xf32>
    %transpose3A_205 = tpu.transpose %slice3A_204, [1, 0] : vector<128x1xf32> -> vector<1x128xf32>
    %sub3A_206 = vector.broadcast %slice3A_202 : vector<128x1xf32> to vector<128x128xf32>
    %sub3A_207 = vector.broadcast %transpose3A_203 : vector<1x128xf32> to vector<128x128xf32>
    %sub3A_208 = arith.subf %sub3A_206, %sub3A_207 : vector<128x128xf32>
    %jit3A_209 = arith.constant -1.000000e+30 : f32
    %broadcast_in_dim3A_210 = vector.broadcast %jit3A_209 : f32 to vector<128x128xf32>
    %select_n3A_211 = arith.select %ge3A, %sub3A_208, %broadcast_in_dim3A_210 : vector<128x128xi1>, vector<128x128xf32>
    %exp3A_212 = math.exp %select_n3A_211 : vector<128x128xf32>
    %mul3A_213 = vector.broadcast %transpose3A_205 : vector<1x128xf32> to vector<128x128xf32>
    %mul3A_214 = arith.mulf %exp3A_212, %mul3A_213 : vector<128x128xf32>
    %mul3A_215 = arith.mulf %dot_general3A_32, %mul3A_214 : vector<128x128xf32>
    %get3A_216 = arith.constant 0 : index
    %get3A_217 = arith.constant 192 : index
    %get3A_218 = vector.load %arg1[%get3A_216, %get3A_217] : memref<128x1536xf32, #tpu.memory_space<vmem>>, vector<128x64xf32>
    %dot_general3A_219 = arith.constant dense<0.000000e+00> : vector<128x64xf32>
    %dot_general3A_220 = tpu.matmul %mul3A_215, %get3A_218, %dot_general3A_219 {dimension_numbers = #tpu.dot_dimension_numbers<[1], [0], [0], [1], [0, 0, 1, 1], [], []>, precision = #tpu.contract_precision<fp32>, transpose_lhs_hint = false} : vector<128x128xf32>, vector<128x64xf32>, vector<128x64xf32> -> vector<128x64xf32>
    %get3A_221 = arith.constant 3 : index
    %get3A_222 = arith.constant 0 : index
    %get3A_223 = arith.constant 0 : index
    %get3A_224 = vector.load %arg11[%get3A_221, %get3A_222, %get3A_223] : memref<24x64x64xf32, #tpu.memory_space<vmem>>, vector<1x64x64xf32>
    %get3A_225 = vector.shape_cast %get3A_224 : vector<1x64x64xf32> to vector<64x64xf32>
    %dot_general3A_226 = arith.constant dense<0.000000e+00> : vector<128x64xf32>
    %dot_general3A_227 = tpu.matmul %convert_element_type3A_30, %get3A_225, %dot_general3A_226 {dimension_numbers = #tpu.dot_dimension_numbers<[1], [1], [0], [0], [0, 0, 1, 0], [], []>, precision = #tpu.contract_precision<fp32>, transpose_lhs_hint = false} : vector<128x64xf32>, vector<64x64xf32>, vector<128x64xf32> -> vector<128x64xf32>
    %exp3A_228 = math.exp %slice3A_202 : vector<128x1xf32>
    %mul3A_229 = vector.broadcast %exp3A_228 : vector<128x1xf32> to vector<128x64xf32>
    %mul3A_230 = arith.mulf %dot_general3A_227, %mul3A_229 : vector<128x64xf32>
    %add3A_231 = arith.addf %dot_general3A_220, %mul3A_230 : vector<128x64xf32>
    %slice3A_232 = vector.extract_strided_slice %slice3A_202 {offsets = [127, 0], sizes = [1, 1], strides = [1, 1]} : vector<128x1xf32> to vector<1x1xf32>
    %sub3A_233 = vector.broadcast %slice3A_232 : vector<1x1xf32> to vector<128x1xf32>
    %sub3A_234 = arith.subf %sub3A_233, %slice3A_202 : vector<128x1xf32>
    %exp3A_235 = math.exp %sub3A_234 : vector<128x1xf32>
    %mul3A_236 = arith.mulf %exp3A_235, %slice3A_204 : vector<128x1xf32>
    %mul3A_237 = vector.broadcast %mul3A_236 : vector<128x1xf32> to vector<128x64xf32>
    %mul3A_238 = arith.mulf %get3A_218, %mul3A_237 : vector<128x64xf32>
    %dot_general3A_239 = arith.constant dense<0.000000e+00> : vector<64x64xf32>
    %dot_general3A_240 = tpu.matmul %mul3A_238, %get3A_25, %dot_general3A_239 {dimension_numbers = #tpu.dot_dimension_numbers<[0], [0], [1], [1], [0, 1, 1, 1], [], []>, precision = #tpu.contract_precision<fp32>, transpose_lhs_hint = false} : vector<128x64xf32>, vector<128x64xf32>, vector<64x64xf32> -> vector<64x64xf32>
    %exp3A_241 = math.exp %slice3A_232 : vector<1x1xf32>
    %mul3A_242 = vector.broadcast %exp3A_241 : vector<1x1xf32> to vector<64x64xf32>
    %mul3A_243 = arith.mulf %get3A_225, %mul3A_242 : vector<64x64xf32>
    %add3A_244 = arith.addf %mul3A_243, %dot_general3A_240 : vector<64x64xf32>
    %swap3A_245 = arith.constant 3 : index
    %swap3A_246 = arith.constant 0 : index
    %swap3A_247 = arith.constant 0 : index
    %swap3A_248 = vector.load %arg11[%swap3A_245, %swap3A_246, %swap3A_247] : memref<24x64x64xf32, #tpu.memory_space<vmem>>, vector<1x64x64xf32>
    %swap3A_249 = vector.shape_cast %swap3A_248 : vector<1x64x64xf32> to vector<64x64xf32>
    %swap3A_250 = vector.shape_cast %add3A_244 : vector<64x64xf32> to vector<1x64x64xf32>
    tpu.vector_store %arg11[%swap3A_245, %swap3A_246, %swap3A_247], %swap3A_250 {strides = array<i32>} : memref<24x64x64xf32, #tpu.memory_space<vmem>>, vector<1x64x64xf32>,
    %get3A_251 = arith.constant 0 : index
    %get3A_252 = arith.constant 3 : index
    %get3A_253 = vector.load %arg8[%get3A_251, %get3A_252] : memref<1x24xf32, #tpu.memory_space<vmem>>, vector<1x1xf32>
    %mul3A_254 = vector.broadcast %get3A_253 : vector<1x1xf32> to vector<128x64xf32>
    %mul3A_255 = arith.mulf %get3A_218, %mul3A_254 : vector<128x64xf32>
    %add3A_256 = arith.addf %add3A_231, %mul3A_255 : vector<128x64xf32>
    %swap3A_257 = arith.constant 0 : index
    %swap3A_258 = arith.constant 192 : index
    %swap3A_259 = vector.load %arg12[%swap3A_257, %swap3A_258] : memref<128x1536xf32, #tpu.memory_space<vmem>>, vector<128x64xf32>
    tpu.vector_store %arg12[%swap3A_257, %swap3A_258], %add3A_256 {strides = array<i32>} : memref<128x1536xf32, #tpu.memory_space<vmem>>, vector<128x64xf32>,
    %slice3A_260 = vector.extract_strided_slice %dot_general3A_22 {offsets = [0, 4], sizes = [128, 1], strides = [1, 1]} : vector<128x24xf32> to vector<128x1xf32>
    %transpose3A_261 = tpu.transpose %slice3A_260, [1, 0] : vector<128x1xf32> -> vector<1x128xf32>
    %slice3A_262 = vector.extract_strided_slice %select_n3A {offsets = [0, 4], sizes = [128, 1], strides = [1, 1]} : vector<128x24xf32> to vector<128x1xf32>
    %transpose3A_263 = tpu.transpose %slice3A_262, [1, 0] : vector<128x1xf32> -> vector<1x128xf32>
    %sub3A_264 = vector.broadcast %slice3A_260 : vector<128x1xf32> to vector<128x128xf32>
    %sub3A_265 = vector.broadcast %transpose3A_261 : vector<1x128xf32> to vector<128x128xf32>
    %sub3A_266 = arith.subf %sub3A_264, %sub3A_265 : vector<128x128xf32>
    %jit3A_267 = arith.constant -1.000000e+30 : f32
    %broadcast_in_dim3A_268 = vector.broadcast %jit3A_267 : f32 to vector<128x128xf32>
    %select_n3A_269 = arith.select %ge3A, %sub3A_266, %broadcast_in_dim3A_268 : vector<128x128xi1>, vector<128x128xf32>
    %exp3A_270 = math.exp %select_n3A_269 : vector<128x128xf32>
    %mul3A_271 = vector.broadcast %transpose3A_263 : vector<1x128xf32> to vector<128x128xf32>
    %mul3A_272 = arith.mulf %exp3A_270, %mul3A_271 : vector<128x128xf32>
    %mul3A_273 = arith.mulf %dot_general3A_32, %mul3A_272 : vector<128x128xf32>
    %get3A_274 = arith.constant 0 : index
    %get3A_275 = arith.constant 256 : index
    %get3A_276 = vector.load %arg1[%get3A_274, %get3A_275] : memref<128x1536xf32, #tpu.memory_space<vmem>>, vector<128x64xf32>
    %dot_general3A_277 = arith.constant dense<0.000000e+00> : vector<128x64xf32>
    %dot_general3A_278 = tpu.matmul %mul3A_273, %get3A_276, %dot_general3A_277 {dimension_numbers = #tpu.dot_dimension_numbers<[1], [0], [0], [1], [0, 0, 1, 1], [], []>, precision = #tpu.contract_precision<fp32>, transpose_lhs_hint = false} : vector<128x128xf32>, vector<128x64xf32>, vector<128x64xf32> -> vector<128x64xf32>
    %get3A_279 = arith.constant 4 : index
    %get3A_280 = arith.constant 0 : index
    %get3A_281 = arith.constant 0 : index
    %get3A_282 = vector.load %arg11[%get3A_279, %get3A_280, %get3A_281] : memref<24x64x64xf32, #tpu.memory_space<vmem>>, vector<1x64x64xf32>
    %get3A_283 = vector.shape_cast %get3A_282 : vector<1x64x64xf32> to vector<64x64xf32>
    %dot_general3A_284 = arith.constant dense<0.000000e+00> : vector<128x64xf32>
    %dot_general3A_285 = tpu.matmul %convert_element_type3A_30, %get3A_283, %dot_general3A_284 {dimension_numbers = #tpu.dot_dimension_numbers<[1], [1], [0], [0], [0, 0, 1, 0], [], []>, precision = #tpu.contract_precision<fp32>, transpose_lhs_hint = false} : vector<128x64xf32>, vector<64x64xf32>, vector<128x64xf32> -> vector<128x64xf32>
    %exp3A_286 = math.exp %slice3A_260 : vector<128x1xf32>
    %mul3A_287 = vector.broadcast %exp3A_286 : vector<128x1xf32> to vector<128x64xf32>
    %mul3A_288 = arith.mulf %dot_general3A_285, %mul3A_287 : vector<128x64xf32>
    %add3A_289 = arith.addf %dot_general3A_278, %mul3A_288 : vector<128x64xf32>
    %slice3A_290 = vector.extract_strided_slice %slice3A_260 {offsets = [127, 0], sizes = [1, 1], strides = [1, 1]} : vector<128x1xf32> to vector<1x1xf32>
    %sub3A_291 = vector.broadcast %slice3A_290 : vector<1x1xf32> to vector<128x1xf32>
    %sub3A_292 = arith.subf %sub3A_291, %slice3A_260 : vector<128x1xf32>
    %exp3A_293 = math.exp %sub3A_292 : vector<128x1xf32>
    %mul3A_294 = arith.mulf %exp3A_293, %slice3A_262 : vector<128x1xf32>
    %mul3A_295 = vector.broadcast %mul3A_294 : vector<128x1xf32> to vector<128x64xf32>
    %mul3A_296 = arith.mulf %get3A_276, %mul3A_295 : vector<128x64xf32>
    %dot_general3A_297 = arith.constant dense<0.000000e+00> : vector<64x64xf32>
    %dot_general3A_298 = tpu.matmul %mul3A_296, %get3A_25, %dot_general3A_297 {dimension_numbers = #tpu.dot_dimension_numbers<[0], [0], [1], [1], [0, 1, 1, 1], [], []>, precision = #tpu.contract_precision<fp32>, transpose_lhs_hint = false} : vector<128x64xf32>, vector<128x64xf32>, vector<64x64xf32> -> vector<64x64xf32>
    %exp3A_299 = math.exp %slice3A_290 : vector<1x1xf32>
    %mul3A_300 = vector.broadcast %exp3A_299 : vector<1x1xf32> to vector<64x64xf32>
    %mul3A_301 = arith.mulf %get3A_283, %mul3A_300 : vector<64x64xf32>
    %add3A_302 = arith.addf %mul3A_301, %dot_general3A_298 : vector<64x64xf32>
    %swap3A_303 = arith.constant 4 : index
    %swap3A_304 = arith.constant 0 : index
    %swap3A_305 = arith.constant 0 : index
    %swap3A_306 = vector.load %arg11[%swap3A_303, %swap3A_304, %swap3A_305] : memref<24x64x64xf32, #tpu.memory_space<vmem>>, vector<1x64x64xf32>
    %swap3A_307 = vector.shape_cast %swap3A_306 : vector<1x64x64xf32> to vector<64x64xf32>
    %swap3A_308 = vector.shape_cast %add3A_302 : vector<64x64xf32> to vector<1x64x64xf32>
    tpu.vector_store %arg11[%swap3A_303, %swap3A_304, %swap3A_305], %swap3A_308 {strides = array<i32>} : memref<24x64x64xf32, #tpu.memory_space<vmem>>, vector<1x64x64xf32>,
    %get3A_309 = arith.constant 0 : index
    %get3A_310 = arith.constant 4 : index
    %get3A_311 = vector.load %arg8[%get3A_309, %get3A_310] : memref<1x24xf32, #tpu.memory_space<vmem>>, vector<1x1xf32>
    %mul3A_312 = vector.broadcast %get3A_311 : vector<1x1xf32> to vector<128x64xf32>
    %mul3A_313 = arith.mulf %get3A_276, %mul3A_312 : vector<128x64xf32>
    %add3A_314 = arith.addf %add3A_289, %mul3A_313 : vector<128x64xf32>
    %swap3A_315 = arith.constant 0 : index
    %swap3A_316 = arith.constant 256 : index
    %swap3A_317 = vector.load %arg12[%swap3A_315, %swap3A_316] : memref<128x1536xf32, #tpu.memory_space<vmem>>, vector<128x64xf32>
    tpu.vector_store %arg12[%swap3A_315, %swap3A_316], %add3A_314 {strides = array<i32>} : memref<128x1536xf32, #tpu.memory_space<vmem>>, vector<128x64xf32>,
    %slice3A_318 = vector.extract_strided_slice %dot_general3A_22 {offsets = [0, 5], sizes = [128, 1], strides = [1, 1]} : vector<128x24xf32> to vector<128x1xf32>
    %transpose3A_319 = tpu.transpose %slice3A_318, [1, 0] : vector<128x1xf32> -> vector<1x128xf32>
    %slice3A_320 = vector.extract_strided_slice %select_n3A {offsets = [0, 5], sizes = [128, 1], strides = [1, 1]} : vector<128x24xf32> to vector<128x1xf32>
    %transpose3A_321 = tpu.transpose %slice3A_320, [1, 0] : vector<128x1xf32> -> vector<1x128xf32>
    %sub3A_322 = vector.broadcast %slice3A_318 : vector<128x1xf32> to vector<128x128xf32>
    %sub3A_323 = vector.broadcast %transpose3A_319 : vector<1x128xf32> to vector<128x128xf32>
    %sub3A_324 = arith.subf %sub3A_322, %sub3A_323 : vector<128x128xf32>
    %jit3A_325 = arith.constant -1.000000e+30 : f32
    %broadcast_in_dim3A_326 = vector.broadcast %jit3A_325 : f32 to vector<128x128xf32>
    %select_n3A_327 = arith.select %ge3A, %sub3A_324, %broadcast_in_dim3A_326 : vector<128x128xi1>, vector<128x128xf32>
    %exp3A_328 = math.exp %select_n3A_327 : vector<128x128xf32>
    %mul3A_329 = vector.broadcast %transpose3A_321 : vector<1x128xf32> to vector<128x128xf32>
    %mul3A_330 = arith.mulf %exp3A_328, %mul3A_329 : vector<128x128xf32>
    %mul3A_331 = arith.mulf %dot_general3A_32, %mul3A_330 : vector<128x128xf32>
    %get3A_332 = arith.constant 0 : index
    %get3A_333 = arith.constant 320 : index
    %get3A_334 = vector.load %arg1[%get3A_332, %get3A_333] : memref<128x1536xf32, #tpu.memory_space<vmem>>, vector<128x64xf32>
    %dot_general3A_335 = arith.constant dense<0.000000e+00> : vector<128x64xf32>
    %dot_general3A_336 = tpu.matmul %mul3A_331, %get3A_334, %dot_general3A_335 {dimension_numbers = #tpu.dot_dimension_numbers<[1], [0], [0], [1], [0, 0, 1, 1], [], []>, precision = #tpu.contract_precision<fp32>, transpose_lhs_hint = false} : vector<128x128xf32>, vector<128x64xf32>, vector<128x64xf32> -> vector<128x64xf32>
    %get3A_337 = arith.constant 5 : index
    %get3A_338 = arith.constant 0 : index
    %get3A_339 = arith.constant 0 : index
    %get3A_340 = vector.load %arg11[%get3A_337, %get3A_338, %get3A_339] : memref<24x64x64xf32, #tpu.memory_space<vmem>>, vector<1x64x64xf32>
    %get3A_341 = vector.shape_cast %get3A_340 : vector<1x64x64xf32> to vector<64x64xf32>
    %dot_general3A_342 = arith.constant dense<0.000000e+00> : vector<128x64xf32>
    %dot_general3A_343 = tpu.matmul %convert_element_type3A_30, %get3A_341, %dot_general3A_342 {dimension_numbers = #tpu.dot_dimension_numbers<[1], [1], [0], [0], [0, 0, 1, 0], [], []>, precision = #tpu.contract_precision<fp32>, transpose_lhs_hint = false} : vector<128x64xf32>, vector<64x64xf32>, vector<128x64xf32> -> vector<128x64xf32>
    %exp3A_344 = math.exp %slice3A_318 : vector<128x1xf32>
    %mul3A_345 = vector.broadcast %exp3A_344 : vector<128x1xf32> to vector<128x64xf32>
    %mul3A_346 = arith.mulf %dot_general3A_343, %mul3A_345 : vector<128x64xf32>
    %add3A_347 = arith.addf %dot_general3A_336, %mul3A_346 : vector<128x64xf32>
    %slice3A_348 = vector.extract_strided_slice %slice3A_318 {offsets = [127, 0], sizes = [1, 1], strides = [1, 1]} : vector<128x1xf32> to vector<1x1xf32>
    %sub3A_349 = vector.broadcast %slice3A_348 : vector<1x1xf32> to vector<128x1xf32>
    %sub3A_350 = arith.subf %sub3A_349, %slice3A_318 : vector<128x1xf32>
    %exp3A_351 = math.exp %sub3A_350 : vector<128x1xf32>
    %mul3A_352 = arith.mulf %exp3A_351, %slice3A_320 : vector<128x1xf32>
    %mul3A_353 = vector.broadcast %mul3A_352 : vector<128x1xf32> to vector<128x64xf32>
    %mul3A_354 = arith.mulf %get3A_334, %mul3A_353 : vector<128x64xf32>
    %dot_general3A_355 = arith.constant dense<0.000000e+00> : vector<64x64xf32>
    %dot_general3A_356 = tpu.matmul %mul3A_354, %get3A_25, %dot_general3A_355 {dimension_numbers = #tpu.dot_dimension_numbers<[0], [0], [1], [1], [0, 1, 1, 1], [], []>, precision = #tpu.contract_precision<fp32>, transpose_lhs_hint = false} : vector<128x64xf32>, vector<128x64xf32>, vector<64x64xf32> -> vector<64x64xf32>
    %exp3A_357 = math.exp %slice3A_348 : vector<1x1xf32>
    %mul3A_358 = vector.broadcast %exp3A_357 : vector<1x1xf32> to vector<64x64xf32>
    %mul3A_359 = arith.mulf %get3A_341, %mul3A_358 : vector<64x64xf32>
    %add3A_360 = arith.addf %mul3A_359, %dot_general3A_356 : vector<64x64xf32>
    %swap3A_361 = arith.constant 5 : index
    %swap3A_362 = arith.constant 0 : index
    %swap3A_363 = arith.constant 0 : index
    %swap3A_364 = vector.load %arg11[%swap3A_361, %swap3A_362, %swap3A_363] : memref<24x64x64xf32, #tpu.memory_space<vmem>>, vector<1x64x64xf32>
    %swap3A_365 = vector.shape_cast %swap3A_364 : vector<1x64x64xf32> to vector<64x64xf32>
    %swap3A_366 = vector.shape_cast %add3A_360 : vector<64x64xf32> to vector<1x64x64xf32>
    tpu.vector_store %arg11[%swap3A_361, %swap3A_362, %swap3A_363], %swap3A_366 {strides = array<i32>} : memref<24x64x64xf32, #tpu.memory_space<vmem>>, vector<1x64x64xf32>,
    %get3A_367 = arith.constant 0 : index
    %get3A_368 = arith.constant 5 : index
    %get3A_369 = vector.load %arg8[%get3A_367, %get3A_368] : memref<1x24xf32, #tpu.memory_space<vmem>>, vector<1x1xf32>
    %mul3A_370 = vector.broadcast %get3A_369 : vector<1x1xf32> to vector<128x64xf32>
    %mul3A_371 = arith.mulf %get3A_334, %mul3A_370 : vector<128x64xf32>
    %add3A_372 = arith.addf %add3A_347, %mul3A_371 : vector<128x64xf32>
    %swap3A_373 = arith.constant 0 : index
    %swap3A_374 = arith.constant 320 : index
    %swap3A_375 = vector.load %arg12[%swap3A_373, %swap3A_374] : memref<128x1536xf32, #tpu.memory_space<vmem>>, vector<128x64xf32>
    tpu.vector_store %arg12[%swap3A_373, %swap3A_374], %add3A_372 {strides = array<i32>} : memref<128x1536xf32, #tpu.memory_space<vmem>>, vector<128x64xf32>,
    %slice3A_376 = vector.extract_strided_slice %dot_general3A_22 {offsets = [0, 6], sizes = [128, 1], strides = [1, 1]} : vector<128x24xf32> to vector<128x1xf32>
    %transpose3A_377 = tpu.transpose %slice3A_376, [1, 0] : vector<128x1xf32> -> vector<1x128xf32>
    %slice3A_378 = vector.extract_strided_slice %select_n3A {offsets = [0, 6], sizes = [128, 1], strides = [1, 1]} : vector<128x24xf32> to vector<128x1xf32>
    %transpose3A_379 = tpu.transpose %slice3A_378, [1, 0] : vector<128x1xf32> -> vector<1x128xf32>
    %sub3A_380 = vector.broadcast %slice3A_376 : vector<128x1xf32> to vector<128x128xf32>
    %sub3A_381 = vector.broadcast %transpose3A_377 : vector<1x128xf32> to vector<128x128xf32>
    %sub3A_382 = arith.subf %sub3A_380, %sub3A_381 : vector<128x128xf32>
    %jit3A_383 = arith.constant -1.000000e+30 : f32
    %broadcast_in_dim3A_384 = vector.broadcast %jit3A_383 : f32 to vector<128x128xf32>
    %select_n3A_385 = arith.select %ge3A, %sub3A_382, %broadcast_in_dim3A_384 : vector<128x128xi1>, vector<128x128xf32>
    %exp3A_386 = math.exp %select_n3A_385 : vector<128x128xf32>
    %mul3A_387 = vector.broadcast %transpose3A_379 : vector<1x128xf32> to vector<128x128xf32>
    %mul3A_388 = arith.mulf %exp3A_386, %mul3A_387 : vector<128x128xf32>
    %mul3A_389 = arith.mulf %dot_general3A_32, %mul3A_388 : vector<128x128xf32>
    %get3A_390 = arith.constant 0 : index
    %get3A_391 = arith.constant 384 : index
    %get3A_392 = vector.load %arg1[%get3A_390, %get3A_391] : memref<128x1536xf32, #tpu.memory_space<vmem>>, vector<128x64xf32>
    %dot_general3A_393 = arith.constant dense<0.000000e+00> : vector<128x64xf32>
    %dot_general3A_394 = tpu.matmul %mul3A_389, %get3A_392, %dot_general3A_393 {dimension_numbers = #tpu.dot_dimension_numbers<[1], [0], [0], [1], [0, 0, 1, 1], [], []>, precision = #tpu.contract_precision<fp32>, transpose_lhs_hint = false} : vector<128x128xf32>, vector<128x64xf32>, vector<128x64xf32> -> vector<128x64xf32>
    %get3A_395 = arith.constant 6 : index
    %get3A_396 = arith.constant 0 : index
    %get3A_397 = arith.constant 0 : index
    %get3A_398 = vector.load %arg11[%get3A_395, %get3A_396, %get3A_397] : memref<24x64x64xf32, #tpu.memory_space<vmem>>, vector<1x64x64xf32>
    %get3A_399 = vector.shape_cast %get3A_398 : vector<1x64x64xf32> to vector<64x64xf32>
    %dot_general3A_400 = arith.constant dense<0.000000e+00> : vector<128x64xf32>
    %dot_general3A_401 = tpu.matmul %convert_element_type3A_30, %get3A_399, %dot_general3A_400 {dimension_numbers = #tpu.dot_dimension_numbers<[1], [1], [0], [0], [0, 0, 1, 0], [], []>, precision = #tpu.contract_precision<fp32>, transpose_lhs_hint = false} : vector<128x64xf32>, vector<64x64xf32>, vector<128x64xf32> -> vector<128x64xf32>
    %exp3A_402 = math.exp %slice3A_376 : vector<128x1xf32>
    %mul3A_403 = vector.broadcast %exp3A_402 : vector<128x1xf32> to vector<128x64xf32>
    %mul3A_404 = arith.mulf %dot_general3A_401, %mul3A_403 : vector<128x64xf32>
    %add3A_405 = arith.addf %dot_general3A_394, %mul3A_404 : vector<128x64xf32>
    %slice3A_406 = vector.extract_strided_slice %slice3A_376 {offsets = [127, 0], sizes = [1, 1], strides = [1, 1]} : vector<128x1xf32> to vector<1x1xf32>
    %sub3A_407 = vector.broadcast %slice3A_406 : vector<1x1xf32> to vector<128x1xf32>
    %sub3A_408 = arith.subf %sub3A_407, %slice3A_376 : vector<128x1xf32>
    %exp3A_409 = math.exp %sub3A_408 : vector<128x1xf32>
    %mul3A_410 = arith.mulf %exp3A_409, %slice3A_378 : vector<128x1xf32>
    %mul3A_411 = vector.broadcast %mul3A_410 : vector<128x1xf32> to vector<128x64xf32>
    %mul3A_412 = arith.mulf %get3A_392, %mul3A_411 : vector<128x64xf32>
    %dot_general3A_413 = arith.constant dense<0.000000e+00> : vector<64x64xf32>
    %dot_general3A_414 = tpu.matmul %mul3A_412, %get3A_25, %dot_general3A_413 {dimension_numbers = #tpu.dot_dimension_numbers<[0], [0], [1], [1], [0, 1, 1, 1], [], []>, precision = #tpu.contract_precision<fp32>, transpose_lhs_hint = false} : vector<128x64xf32>, vector<128x64xf32>, vector<64x64xf32> -> vector<64x64xf32>
    %exp3A_415 = math.exp %slice3A_406 : vector<1x1xf32>
    %mul3A_416 = vector.broadcast %exp3A_415 : vector<1x1xf32> to vector<64x64xf32>
    %mul3A_417 = arith.mulf %get3A_399, %mul3A_416 : vector<64x64xf32>
    %add3A_418 = arith.addf %mul3A_417, %dot_general3A_414 : vector<64x64xf32>
    %swap3A_419 = arith.constant 6 : index
    %swap3A_420 = arith.constant 0 : index
    %swap3A_421 = arith.constant 0 : index
    %swap3A_422 = vector.load %arg11[%swap3A_419, %swap3A_420, %swap3A_421] : memref<24x64x64xf32, #tpu.memory_space<vmem>>, vector<1x64x64xf32>
    %swap3A_423 = vector.shape_cast %swap3A_422 : vector<1x64x64xf32> to vector<64x64xf32>
    %swap3A_424 = vector.shape_cast %add3A_418 : vector<64x64xf32> to vector<1x64x64xf32>
    tpu.vector_store %arg11[%swap3A_419, %swap3A_420, %swap3A_421], %swap3A_424 {strides = array<i32>} : memref<24x64x64xf32, #tpu.memory_space<vmem>>, vector<1x64x64xf32>,
    %get3A_425 = arith.constant 0 : index
    %get3A_426 = arith.constant 6 : index
    %get3A_427 = vector.load %arg8[%get3A_425, %get3A_426] : memref<1x24xf32, #tpu.memory_space<vmem>>, vector<1x1xf32>
    %mul3A_428 = vector.broadcast %get3A_427 : vector<1x1xf32> to vector<128x64xf32>
    %mul3A_429 = arith.mulf %get3A_392, %mul3A_428 : vector<128x64xf32>
    %add3A_430 = arith.addf %add3A_405, %mul3A_429 : vector<128x64xf32>
    %swap3A_431 = arith.constant 0 : index
    %swap3A_432 = arith.constant 384 : index
    %swap3A_433 = vector.load %arg12[%swap3A_431, %swap3A_432] : memref<128x1536xf32, #tpu.memory_space<vmem>>, vector<128x64xf32>
    tpu.vector_store %arg12[%swap3A_431, %swap3A_432], %add3A_430 {strides = array<i32>} : memref<128x1536xf32, #tpu.memory_space<vmem>>, vector<128x64xf32>,
    %slice3A_434 = vector.extract_strided_slice %dot_general3A_22 {offsets = [0, 7], sizes = [128, 1], strides = [1, 1]} : vector<128x24xf32> to vector<128x1xf32>
    %transpose3A_435 = tpu.transpose %slice3A_434, [1, 0] : vector<128x1xf32> -> vector<1x128xf32>
    %slice3A_436 = vector.extract_strided_slice %select_n3A {offsets = [0, 7], sizes = [128, 1], strides = [1, 1]} : vector<128x24xf32> to vector<128x1xf32>
    %transpose3A_437 = tpu.transpose %slice3A_436, [1, 0] : vector<128x1xf32> -> vector<1x128xf32>
    %sub3A_438 = vector.broadcast %slice3A_434 : vector<128x1xf32> to vector<128x128xf32>
    %sub3A_439 = vector.broadcast %transpose3A_435 : vector<1x128xf32> to vector<128x128xf32>
    %sub3A_440 = arith.subf %sub3A_438, %sub3A_439 : vector<128x128xf32>
    %jit3A_441 = arith.constant -1.000000e+30 : f32
    %broadcast_in_dim3A_442 = vector.broadcast %jit3A_441 : f32 to vector<128x128xf32>
    %select_n3A_443 = arith.select %ge3A, %sub3A_440, %broadcast_in_dim3A_442 : vector<128x128xi1>, vector<128x128xf32>
    %exp3A_444 = math.exp %select_n3A_443 : vector<128x128xf32>
    %mul3A_445 = vector.broadcast %transpose3A_437 : vector<1x128xf32> to vector<128x128xf32>
    %mul3A_446 = arith.mulf %exp3A_444, %mul3A_445 : vector<128x128xf32>
    %mul3A_447 = arith.mulf %dot_general3A_32, %mul3A_446 : vector<128x128xf32>
    %get3A_448 = arith.constant 0 : index
    %get3A_449 = arith.constant 448 : index
    %get3A_450 = vector.load %arg1[%get3A_448, %get3A_449] : memref<128x1536xf32, #tpu.memory_space<vmem>>, vector<128x64xf32>
    %dot_general3A_451 = arith.constant dense<0.000000e+00> : vector<128x64xf32>
    %dot_general3A_452 = tpu.matmul %mul3A_447, %get3A_450, %dot_general3A_451 {dimension_numbers = #tpu.dot_dimension_numbers<[1], [0], [0], [1], [0, 0, 1, 1], [], []>, precision = #tpu.contract_precision<fp32>, transpose_lhs_hint = false} : vector<128x128xf32>, vector<128x64xf32>, vector<128x64xf32> -> vector<128x64xf32>
    %get3A_453 = arith.constant 7 : index
    %get3A_454 = arith.constant 0 : index
    %get3A_455 = arith.constant 0 : index
    %get3A_456 = vector.load %arg11[%get3A_453, %get3A_454, %get3A_455] : memref<24x64x64xf32, #tpu.memory_space<vmem>>, vector<1x64x64xf32>
    %get3A_457 = vector.shape_cast %get3A_456 : vector<1x64x64xf32> to vector<64x64xf32>
    %dot_general3A_458 = arith.constant dense<0.000000e+00> : vector<128x64xf32>
    %dot_general3A_459 = tpu.matmul %convert_element_type3A_30, %get3A_457, %dot_general3A_458 {dimension_numbers = #tpu.dot_dimension_numbers<[1], [1], [0], [0], [0, 0, 1, 0], [], []>, precision = #tpu.contract_precision<fp32>, transpose_lhs_hint = false} : vector<128x64xf32>, vector<64x64xf32>, vector<128x64xf32> -> vector<128x64xf32>
    %exp3A_460 = math.exp %slice3A_434 : vector<128x1xf32>
    %mul3A_461 = vector.broadcast %exp3A_460 : vector<128x1xf32> to vector<128x64xf32>
    %mul3A_462 = arith.mulf %dot_general3A_459, %mul3A_461 : vector<128x64xf32>
    %add3A_463 = arith.addf %dot_general3A_452, %mul3A_462 : vector<128x64xf32>
    %slice3A_464 = vector.extract_strided_slice %slice3A_434 {offsets = [127, 0], sizes = [1, 1], strides = [1, 1]} : vector<128x1xf32> to vector<1x1xf32>
    %sub3A_465 = vector.broadcast %slice3A_464 : vector<1x1xf32> to vector<128x1xf32>
    %sub3A_466 = arith.subf %sub3A_465, %slice3A_434 : vector<128x1xf32>
    %exp3A_467 = math.exp %sub3A_466 : vector<128x1xf32>
    %mul3A_468 = arith.mulf %exp3A_467, %slice3A_436 : vector<128x1xf32>
    %mul3A_469 = vector.broadcast %mul3A_468 : vector<128x1xf32> to vector<128x64xf32>
    %mul3A_470 = arith.mulf %get3A_450, %mul3A_469 : vector<128x64xf32>
    %dot_general3A_471 = arith.constant dense<0.000000e+00> : vector<64x64xf32>
    %dot_general3A_472 = tpu.matmul %mul3A_470, %get3A_25, %dot_general3A_471 {dimension_numbers = #tpu.dot_dimension_numbers<[0], [0], [1], [1], [0, 1, 1, 1], [], []>, precision = #tpu.contract_precision<fp32>, transpose_lhs_hint = false} : vector<128x64xf32>, vector<128x64xf32>, vector<64x64xf32> -> vector<64x64xf32>
    %exp3A_473 = math.exp %slice3A_464 : vector<1x1xf32>
    %mul3A_474 = vector.broadcast %exp3A_473 : vector<1x1xf32> to vector<64x64xf32>
    %mul3A_475 = arith.mulf %get3A_457, %mul3A_474 : vector<64x64xf32>
    %add3A_476 = arith.addf %mul3A_475, %dot_general3A_472 : vector<64x64xf32>
    %swap3A_477 = arith.constant 7 : index
    %swap3A_478 = arith.constant 0 : index
    %swap3A_479 = arith.constant 0 : index
    %swap3A_480 = vector.load %arg11[%swap3A_477, %swap3A_478, %swap3A_479] : memref<24x64x64xf32, #tpu.memory_space<vmem>>, vector<1x64x64xf32>
    %swap3A_481 = vector.shape_cast %swap3A_480 : vector<1x64x64xf32> to vector<64x64xf32>
    %swap3A_482 = vector.shape_cast %add3A_476 : vector<64x64xf32> to vector<1x64x64xf32>
    tpu.vector_store %arg11[%swap3A_477, %swap3A_478, %swap3A_479], %swap3A_482 {strides = array<i32>} : memref<24x64x64xf32, #tpu.memory_space<vmem>>, vector<1x64x64xf32>,
    %get3A_483 = arith.constant 0 : index
    %get3A_484 = arith.constant 7 : index
    %get3A_485 = vector.load %arg8[%get3A_483, %get3A_484] : memref<1x24xf32, #tpu.memory_space<vmem>>, vector<1x1xf32>
    %mul3A_486 = vector.broadcast %get3A_485 : vector<1x1xf32> to vector<128x64xf32>
    %mul3A_487 = arith.mulf %get3A_450, %mul3A_486 : vector<128x64xf32>
    %add3A_488 = arith.addf %add3A_463, %mul3A_487 : vector<128x64xf32>
    %swap3A_489 = arith.constant 0 : index
    %swap3A_490 = arith.constant 448 : index
    %swap3A_491 = vector.load %arg12[%swap3A_489, %swap3A_490] : memref<128x1536xf32, #tpu.memory_space<vmem>>, vector<128x64xf32>
    tpu.vector_store %arg12[%swap3A_489, %swap3A_490], %add3A_488 {strides = array<i32>} : memref<128x1536xf32, #tpu.memory_space<vmem>>, vector<128x64xf32>,
    %slice3A_492 = vector.extract_strided_slice %dot_general3A_22 {offsets = [0, 8], sizes = [128, 1], strides = [1, 1]} : vector<128x24xf32> to vector<128x1xf32>
    %transpose3A_493 = tpu.transpose %slice3A_492, [1, 0] : vector<128x1xf32> -> vector<1x128xf32>
    %slice3A_494 = vector.extract_strided_slice %select_n3A {offsets = [0, 8], sizes = [128, 1], strides = [1, 1]} : vector<128x24xf32> to vector<128x1xf32>
    %transpose3A_495 = tpu.transpose %slice3A_494, [1, 0] : vector<128x1xf32> -> vector<1x128xf32>
    %sub3A_496 = vector.broadcast %slice3A_492 : vector<128x1xf32> to vector<128x128xf32>
    %sub3A_497 = vector.broadcast %transpose3A_493 : vector<1x128xf32> to vector<128x128xf32>
    %sub3A_498 = arith.subf %sub3A_496, %sub3A_497 : vector<128x128xf32>
    %jit3A_499 = arith.constant -1.000000e+30 : f32
    %broadcast_in_dim3A_500 = vector.broadcast %jit3A_499 : f32 to vector<128x128xf32>
    %select_n3A_501 = arith.select %ge3A, %sub3A_498, %broadcast_in_dim3A_500 : vector<128x128xi1>, vector<128x128xf32>
    %exp3A_502 = math.exp %select_n3A_501 : vector<128x128xf32>
    %mul3A_503 = vector.broadcast %transpose3A_495 : vector<1x128xf32> to vector<128x128xf32>
    %mul3A_504 = arith.mulf %exp3A_502, %mul3A_503 : vector<128x128xf32>
    %mul3A_505 = arith.mulf %dot_general3A_32, %mul3A_504 : vector<128x128xf32>
    %get3A_506 = arith.constant 0 : index
    %get3A_507 = arith.constant 512 : index
    %get3A_508 = vector.load %arg1[%get3A_506, %get3A_507] : memref<128x1536xf32, #tpu.memory_space<vmem>>, vector<128x64xf32>
    %dot_general3A_509 = arith.constant dense<0.000000e+00> : vector<128x64xf32>
    %dot_general3A_510 = tpu.matmul %mul3A_505, %get3A_508, %dot_general3A_509 {dimension_numbers = #tpu.dot_dimension_numbers<[1], [0], [0], [1], [0, 0, 1, 1], [], []>, precision = #tpu.contract_precision<fp32>, transpose_lhs_hint = false} : vector<128x128xf32>, vector<128x64xf32>, vector<128x64xf32> -> vector<128x64xf32>
    %get3A_511 = arith.constant 8 : index
    %get3A_512 = arith.constant 0 : index
    %get3A_513 = arith.constant 0 : index
    %get3A_514 = vector.load %arg11[%get3A_511, %get3A_512, %get3A_513] : memref<24x64x64xf32, #tpu.memory_space<vmem>>, vector<1x64x64xf32>
    %get3A_515 = vector.shape_cast %get3A_514 : vector<1x64x64xf32> to vector<64x64xf32>
    %dot_general3A_516 = arith.constant dense<0.000000e+00> : vector<128x64xf32>
    %dot_general3A_517 = tpu.matmul %convert_element_type3A_30, %get3A_515, %dot_general3A_516 {dimension_numbers = #tpu.dot_dimension_numbers<[1], [1], [0], [0], [0, 0, 1, 0], [], []>, precision = #tpu.contract_precision<fp32>, transpose_lhs_hint = false} : vector<128x64xf32>, vector<64x64xf32>, vector<128x64xf32> -> vector<128x64xf32>
    %exp3A_518 = math.exp %slice3A_492 : vector<128x1xf32>
    %mul3A_519 = vector.broadcast %exp3A_518 : vector<128x1xf32> to vector<128x64xf32>
    %mul3A_520 = arith.mulf %dot_general3A_517, %mul3A_519 : vector<128x64xf32>
    %add3A_521 = arith.addf %dot_general3A_510, %mul3A_520 : vector<128x64xf32>
    %slice3A_522 = vector.extract_strided_slice %slice3A_492 {offsets = [127, 0], sizes = [1, 1], strides = [1, 1]} : vector<128x1xf32> to vector<1x1xf32>
    %sub3A_523 = vector.broadcast %slice3A_522 : vector<1x1xf32> to vector<128x1xf32>
    %sub3A_524 = arith.subf %sub3A_523, %slice3A_492 : vector<128x1xf32>
    %exp3A_525 = math.exp %sub3A_524 : vector<128x1xf32>
    %mul3A_526 = arith.mulf %exp3A_525, %slice3A_494 : vector<128x1xf32>
    %mul3A_527 = vector.broadcast %mul3A_526 : vector<128x1xf32> to vector<128x64xf32>
    %mul3A_528 = arith.mulf %get3A_508, %mul3A_527 : vector<128x64xf32>
    %dot_general3A_529 = arith.constant dense<0.000000e+00> : vector<64x64xf32>
    %dot_general3A_530 = tpu.matmul %mul3A_528, %get3A_25, %dot_general3A_529 {dimension_numbers = #tpu.dot_dimension_numbers<[0], [0], [1], [1], [0, 1, 1, 1], [], []>, precision = #tpu.contract_precision<fp32>, transpose_lhs_hint = false} : vector<128x64xf32>, vector<128x64xf32>, vector<64x64xf32> -> vector<64x64xf32>
    %exp3A_531 = math.exp %slice3A_522 : vector<1x1xf32>
    %mul3A_532 = vector.broadcast %exp3A_531 : vector<1x1xf32> to vector<64x64xf32>
    %mul3A_533 = arith.mulf %get3A_515, %mul3A_532 : vector<64x64xf32>
    %add3A_534 = arith.addf %mul3A_533, %dot_general3A_530 : vector<64x64xf32>
    %swap3A_535 = arith.constant 8 : index
    %swap3A_536 = arith.constant 0 : index
    %swap3A_537 = arith.constant 0 : index
    %swap3A_538 = vector.load %arg11[%swap3A_535, %swap3A_536, %swap3A_537] : memref<24x64x64xf32, #tpu.memory_space<vmem>>, vector<1x64x64xf32>
    %swap3A_539 = vector.shape_cast %swap3A_538 : vector<1x64x64xf32> to vector<64x64xf32>
    %swap3A_540 = vector.shape_cast %add3A_534 : vector<64x64xf32> to vector<1x64x64xf32>
    tpu.vector_store %arg11[%swap3A_535, %swap3A_536, %swap3A_537], %swap3A_540 {strides = array<i32>} : memref<24x64x64xf32, #tpu.memory_space<vmem>>, vector<1x64x64xf32>,
    %get3A_541 = arith.constant 0 : index
    %get3A_542 = arith.constant 8 : index
    %get3A_543 = vector.load %arg8[%get3A_541, %get3A_542] : memref<1x24xf32, #tpu.memory_space<vmem>>, vector<1x1xf32>
    %mul3A_544 = vector.broadcast %get3A_543 : vector<1x1xf32> to vector<128x64xf32>
    %mul3A_545 = arith.mulf %get3A_508, %mul3A_544 : vector<128x64xf32>
    %add3A_546 = arith.addf %add3A_521, %mul3A_545 : vector<128x64xf32>
    %swap3A_547 = arith.constant 0 : index
    %swap3A_548 = arith.constant 512 : index
    %swap3A_549 = vector.load %arg12[%swap3A_547, %swap3A_548] : memref<128x1536xf32, #tpu.memory_space<vmem>>, vector<128x64xf32>
    tpu.vector_store %arg12[%swap3A_547, %swap3A_548], %add3A_546 {strides = array<i32>} : memref<128x1536xf32, #tpu.memory_space<vmem>>, vector<128x64xf32>,
    %slice3A_550 = vector.extract_strided_slice %dot_general3A_22 {offsets = [0, 9], sizes = [128, 1], strides = [1, 1]} : vector<128x24xf32> to vector<128x1xf32>
    %transpose3A_551 = tpu.transpose %slice3A_550, [1, 0] : vector<128x1xf32> -> vector<1x128xf32>
    %slice3A_552 = vector.extract_strided_slice %select_n3A {offsets = [0, 9], sizes = [128, 1], strides = [1, 1]} : vector<128x24xf32> to vector<128x1xf32>
    %transpose3A_553 = tpu.transpose %slice3A_552, [1, 0] : vector<128x1xf32> -> vector<1x128xf32>
    %sub3A_554 = vector.broadcast %slice3A_550 : vector<128x1xf32> to vector<128x128xf32>
    %sub3A_555 = vector.broadcast %transpose3A_551 : vector<1x128xf32> to vector<128x128xf32>
    %sub3A_556 = arith.subf %sub3A_554, %sub3A_555 : vector<128x128xf32>
    %jit3A_557 = arith.constant -1.000000e+30 : f32
    %broadcast_in_dim3A_558 = vector.broadcast %jit3A_557 : f32 to vector<128x128xf32>
    %select_n3A_559 = arith.select %ge3A, %sub3A_556, %broadcast_in_dim3A_558 : vector<128x128xi1>, vector<128x128xf32>
    %exp3A_560 = math.exp %select_n3A_559 : vector<128x128xf32>
    %mul3A_561 = vector.broadcast %transpose3A_553 : vector<1x128xf32> to vector<128x128xf32>
    %mul3A_562 = arith.mulf %exp3A_560, %mul3A_561 : vector<128x128xf32>
    %mul3A_563 = arith.mulf %dot_general3A_32, %mul3A_562 : vector<128x128xf32>
    %get3A_564 = arith.constant 0 : index
    %get3A_565 = arith.constant 576 : index
    %get3A_566 = vector.load %arg1[%get3A_564, %get3A_565] : memref<128x1536xf32, #tpu.memory_space<vmem>>, vector<128x64xf32>
    %dot_general3A_567 = arith.constant dense<0.000000e+00> : vector<128x64xf32>
    %dot_general3A_568 = tpu.matmul %mul3A_563, %get3A_566, %dot_general3A_567 {dimension_numbers = #tpu.dot_dimension_numbers<[1], [0], [0], [1], [0, 0, 1, 1], [], []>, precision = #tpu.contract_precision<fp32>, transpose_lhs_hint = false} : vector<128x128xf32>, vector<128x64xf32>, vector<128x64xf32> -> vector<128x64xf32>
    %get3A_569 = arith.constant 9 : index
    %get3A_570 = arith.constant 0 : index
    %get3A_571 = arith.constant 0 : index
    %get3A_572 = vector.load %arg11[%get3A_569, %get3A_570, %get3A_571] : memref<24x64x64xf32, #tpu.memory_space<vmem>>, vector<1x64x64xf32>
    %get3A_573 = vector.shape_cast %get3A_572 : vector<1x64x64xf32> to vector<64x64xf32>
    %dot_general3A_574 = arith.constant dense<0.000000e+00> : vector<128x64xf32>
    %dot_general3A_575 = tpu.matmul %convert_element_type3A_30, %get3A_573, %dot_general3A_574 {dimension_numbers = #tpu.dot_dimension_numbers<[1], [1], [0], [0], [0, 0, 1, 0], [], []>, precision = #tpu.contract_precision<fp32>, transpose_lhs_hint = false} : vector<128x64xf32>, vector<64x64xf32>, vector<128x64xf32> -> vector<128x64xf32>
    %exp3A_576 = math.exp %slice3A_550 : vector<128x1xf32>
    %mul3A_577 = vector.broadcast %exp3A_576 : vector<128x1xf32> to vector<128x64xf32>
    %mul3A_578 = arith.mulf %dot_general3A_575, %mul3A_577 : vector<128x64xf32>
    %add3A_579 = arith.addf %dot_general3A_568, %mul3A_578 : vector<128x64xf32>
    %slice3A_580 = vector.extract_strided_slice %slice3A_550 {offsets = [127, 0], sizes = [1, 1], strides = [1, 1]} : vector<128x1xf32> to vector<1x1xf32>
    %sub3A_581 = vector.broadcast %slice3A_580 : vector<1x1xf32> to vector<128x1xf32>
    %sub3A_582 = arith.subf %sub3A_581, %slice3A_550 : vector<128x1xf32>
    %exp3A_583 = math.exp %sub3A_582 : vector<128x1xf32>
    %mul3A_584 = arith.mulf %exp3A_583, %slice3A_552 : vector<128x1xf32>
    %mul3A_585 = vector.broadcast %mul3A_584 : vector<128x1xf32> to vector<128x64xf32>
    %mul3A_586 = arith.mulf %get3A_566, %mul3A_585 : vector<128x64xf32>
    %dot_general3A_587 = arith.constant dense<0.000000e+00> : vector<64x64xf32>
    %dot_general3A_588 = tpu.matmul %mul3A_586, %get3A_25, %dot_general3A_587 {dimension_numbers = #tpu.dot_dimension_numbers<[0], [0], [1], [1], [0, 1, 1, 1], [], []>, precision = #tpu.contract_precision<fp32>, transpose_lhs_hint = false} : vector<128x64xf32>, vector<128x64xf32>, vector<64x64xf32> -> vector<64x64xf32>
    %exp3A_589 = math.exp %slice3A_580 : vector<1x1xf32>
    %mul3A_590 = vector.broadcast %exp3A_589 : vector<1x1xf32> to vector<64x64xf32>
    %mul3A_591 = arith.mulf %get3A_573, %mul3A_590 : vector<64x64xf32>
    %add3A_592 = arith.addf %mul3A_591, %dot_general3A_588 : vector<64x64xf32>
    %swap3A_593 = arith.constant 9 : index
    %swap3A_594 = arith.constant 0 : index
    %swap3A_595 = arith.constant 0 : index
    %swap3A_596 = vector.load %arg11[%swap3A_593, %swap3A_594, %swap3A_595] : memref<24x64x64xf32, #tpu.memory_space<vmem>>, vector<1x64x64xf32>
    %swap3A_597 = vector.shape_cast %swap3A_596 : vector<1x64x64xf32> to vector<64x64xf32>
    %swap3A_598 = vector.shape_cast %add3A_592 : vector<64x64xf32> to vector<1x64x64xf32>
    tpu.vector_store %arg11[%swap3A_593, %swap3A_594, %swap3A_595], %swap3A_598 {strides = array<i32>} : memref<24x64x64xf32, #tpu.memory_space<vmem>>, vector<1x64x64xf32>,
    %get3A_599 = arith.constant 0 : index
    %get3A_600 = arith.constant 9 : index
    %get3A_601 = vector.load %arg8[%get3A_599, %get3A_600] : memref<1x24xf32, #tpu.memory_space<vmem>>, vector<1x1xf32>
    %mul3A_602 = vector.broadcast %get3A_601 : vector<1x1xf32> to vector<128x64xf32>
    %mul3A_603 = arith.mulf %get3A_566, %mul3A_602 : vector<128x64xf32>
    %add3A_604 = arith.addf %add3A_579, %mul3A_603 : vector<128x64xf32>
    %swap3A_605 = arith.constant 0 : index
    %swap3A_606 = arith.constant 576 : index
    %swap3A_607 = vector.load %arg12[%swap3A_605, %swap3A_606] : memref<128x1536xf32, #tpu.memory_space<vmem>>, vector<128x64xf32>
    tpu.vector_store %arg12[%swap3A_605, %swap3A_606], %add3A_604 {strides = array<i32>} : memref<128x1536xf32, #tpu.memory_space<vmem>>, vector<128x64xf32>,
    %slice3A_608 = vector.extract_strided_slice %dot_general3A_22 {offsets = [0, 10], sizes = [128, 1], strides = [1, 1]} : vector<128x24xf32> to vector<128x1xf32>
    %transpose3A_609 = tpu.transpose %slice3A_608, [1, 0] : vector<128x1xf32> -> vector<1x128xf32>
    %slice3A_610 = vector.extract_strided_slice %select_n3A {offsets = [0, 10], sizes = [128, 1], strides = [1, 1]} : vector<128x24xf32> to vector<128x1xf32>
    %transpose3A_611 = tpu.transpose %slice3A_610, [1, 0] : vector<128x1xf32> -> vector<1x128xf32>
    %sub3A_612 = vector.broadcast %slice3A_608 : vector<128x1xf32> to vector<128x128xf32>
    %sub3A_613 = vector.broadcast %transpose3A_609 : vector<1x128xf32> to vector<128x128xf32>
    %sub3A_614 = arith.subf %sub3A_612, %sub3A_613 : vector<128x128xf32>
    %jit3A_615 = arith.constant -1.000000e+30 : f32
    %broadcast_in_dim3A_616 = vector.broadcast %jit3A_615 : f32 to vector<128x128xf32>
    %select_n3A_617 = arith.select %ge3A, %sub3A_614, %broadcast_in_dim3A_616 : vector<128x128xi1>, vector<128x128xf32>
    %exp3A_618 = math.exp %select_n3A_617 : vector<128x128xf32>
    %mul3A_619 = vector.broadcast %transpose3A_611 : vector<1x128xf32> to vector<128x128xf32>
    %mul3A_620 = arith.mulf %exp3A_618, %mul3A_619 : vector<128x128xf32>
    %mul3A_621 = arith.mulf %dot_general3A_32, %mul3A_620 : vector<128x128xf32>
    %get3A_622 = arith.constant 0 : index
    %get3A_623 = arith.constant 640 : index
    %get3A_624 = vector.load %arg1[%get3A_622, %get3A_623] : memref<128x1536xf32, #tpu.memory_space<vmem>>, vector<128x64xf32>
    %dot_general3A_625 = arith.constant dense<0.000000e+00> : vector<128x64xf32>
    %dot_general3A_626 = tpu.matmul %mul3A_621, %get3A_624, %dot_general3A_625 {dimension_numbers = #tpu.dot_dimension_numbers<[1], [0], [0], [1], [0, 0, 1, 1], [], []>, precision = #tpu.contract_precision<fp32>, transpose_lhs_hint = false} : vector<128x128xf32>, vector<128x64xf32>, vector<128x64xf32> -> vector<128x64xf32>
    %get3A_627 = arith.constant 10 : index
    %get3A_628 = arith.constant 0 : index
    %get3A_629 = arith.constant 0 : index
    %get3A_630 = vector.load %arg11[%get3A_627, %get3A_628, %get3A_629] : memref<24x64x64xf32, #tpu.memory_space<vmem>>, vector<1x64x64xf32>
    %get3A_631 = vector.shape_cast %get3A_630 : vector<1x64x64xf32> to vector<64x64xf32>
    %dot_general3A_632 = arith.constant dense<0.000000e+00> : vector<128x64xf32>
    %dot_general3A_633 = tpu.matmul %convert_element_type3A_30, %get3A_631, %dot_general3A_632 {dimension_numbers = #tpu.dot_dimension_numbers<[1], [1], [0], [0], [0, 0, 1, 0], [], []>, precision = #tpu.contract_precision<fp32>, transpose_lhs_hint = false} : vector<128x64xf32>, vector<64x64xf32>, vector<128x64xf32> -> vector<128x64xf32>
    %exp3A_634 = math.exp %slice3A_608 : vector<128x1xf32>
    %mul3A_635 = vector.broadcast %exp3A_634 : vector<128x1xf32> to vector<128x64xf32>
    %mul3A_636 = arith.mulf %dot_general3A_633, %mul3A_635 : vector<128x64xf32>
    %add3A_637 = arith.addf %dot_general3A_626, %mul3A_636 : vector<128x64xf32>
    %slice3A_638 = vector.extract_strided_slice %slice3A_608 {offsets = [127, 0], sizes = [1, 1], strides = [1, 1]} : vector<128x1xf32> to vector<1x1xf32>
    %sub3A_639 = vector.broadcast %slice3A_638 : vector<1x1xf32> to vector<128x1xf32>
    %sub3A_640 = arith.subf %sub3A_639, %slice3A_608 : vector<128x1xf32>
    %exp3A_641 = math.exp %sub3A_640 : vector<128x1xf32>
    %mul3A_642 = arith.mulf %exp3A_641, %slice3A_610 : vector<128x1xf32>
    %mul3A_643 = vector.broadcast %mul3A_642 : vector<128x1xf32> to vector<128x64xf32>
    %mul3A_644 = arith.mulf %get3A_624, %mul3A_643 : vector<128x64xf32>
    %dot_general3A_645 = arith.constant dense<0.000000e+00> : vector<64x64xf32>
    %dot_general3A_646 = tpu.matmul %mul3A_644, %get3A_25, %dot_general3A_645 {dimension_numbers = #tpu.dot_dimension_numbers<[0], [0], [1], [1], [0, 1, 1, 1], [], []>, precision = #tpu.contract_precision<fp32>, transpose_lhs_hint = false} : vector<128x64xf32>, vector<128x64xf32>, vector<64x64xf32> -> vector<64x64xf32>
    %exp3A_647 = math.exp %slice3A_638 : vector<1x1xf32>
    %mul3A_648 = vector.broadcast %exp3A_647 : vector<1x1xf32> to vector<64x64xf32>
    %mul3A_649 = arith.mulf %get3A_631, %mul3A_648 : vector<64x64xf32>
    %add3A_650 = arith.addf %mul3A_649, %dot_general3A_646 : vector<64x64xf32>
    %swap3A_651 = arith.constant 10 : index
    %swap3A_652 = arith.constant 0 : index
    %swap3A_653 = arith.constant 0 : index
    %swap3A_654 = vector.load %arg11[%swap3A_651, %swap3A_652, %swap3A_653] : memref<24x64x64xf32, #tpu.memory_space<vmem>>, vector<1x64x64xf32>
    %swap3A_655 = vector.shape_cast %swap3A_654 : vector<1x64x64xf32> to vector<64x64xf32>
    %swap3A_656 = vector.shape_cast %add3A_650 : vector<64x64xf32> to vector<1x64x64xf32>
    tpu.vector_store %arg11[%swap3A_651, %swap3A_652, %swap3A_653], %swap3A_656 {strides = array<i32>} : memref<24x64x64xf32, #tpu.memory_space<vmem>>, vector<1x64x64xf32>,
    %get3A_657 = arith.constant 0 : index
    %get3A_658 = arith.constant 10 : index
    %get3A_659 = vector.load %arg8[%get3A_657, %get3A_658] : memref<1x24xf32, #tpu.memory_space<vmem>>, vector<1x1xf32>
    %mul3A_660 = vector.broadcast %get3A_659 : vector<1x1xf32> to vector<128x64xf32>
    %mul3A_661 = arith.mulf %get3A_624, %mul3A_660 : vector<128x64xf32>
    %add3A_662 = arith.addf %add3A_637, %mul3A_661 : vector<128x64xf32>
    %swap3A_663 = arith.constant 0 : index
    %swap3A_664 = arith.constant 640 : index
    %swap3A_665 = vector.load %arg12[%swap3A_663, %swap3A_664] : memref<128x1536xf32, #tpu.memory_space<vmem>>, vector<128x64xf32>
    tpu.vector_store %arg12[%swap3A_663, %swap3A_664], %add3A_662 {strides = array<i32>} : memref<128x1536xf32, #tpu.memory_space<vmem>>, vector<128x64xf32>,
    %slice3A_666 = vector.extract_strided_slice %dot_general3A_22 {offsets = [0, 11], sizes = [128, 1], strides = [1, 1]} : vector<128x24xf32> to vector<128x1xf32>
    %transpose3A_667 = tpu.transpose %slice3A_666, [1, 0] : vector<128x1xf32> -> vector<1x128xf32>
    %slice3A_668 = vector.extract_strided_slice %select_n3A {offsets = [0, 11], sizes = [128, 1], strides = [1, 1]} : vector<128x24xf32> to vector<128x1xf32>
    %transpose3A_669 = tpu.transpose %slice3A_668, [1, 0] : vector<128x1xf32> -> vector<1x128xf32>
    %sub3A_670 = vector.broadcast %slice3A_666 : vector<128x1xf32> to vector<128x128xf32>
    %sub3A_671 = vector.broadcast %transpose3A_667 : vector<1x128xf32> to vector<128x128xf32>
    %sub3A_672 = arith.subf %sub3A_670, %sub3A_671 : vector<128x128xf32>
    %jit3A_673 = arith.constant -1.000000e+30 : f32
    %broadcast_in_dim3A_674 = vector.broadcast %jit3A_673 : f32 to vector<128x128xf32>
    %select_n3A_675 = arith.select %ge3A, %sub3A_672, %broadcast_in_dim3A_674 : vector<128x128xi1>, vector<128x128xf32>
    %exp3A_676 = math.exp %select_n3A_675 : vector<128x128xf32>
    %mul3A_677 = vector.broadcast %transpose3A_669 : vector<1x128xf32> to vector<128x128xf32>
    %mul3A_678 = arith.mulf %exp3A_676, %mul3A_677 : vector<128x128xf32>
    %mul3A_679 = arith.mulf %dot_general3A_32, %mul3A_678 : vector<128x128xf32>
    %get3A_680 = arith.constant 0 : index
    %get3A_681 = arith.constant 704 : index
    %get3A_682 = vector.load %arg1[%get3A_680, %get3A_681] : memref<128x1536xf32, #tpu.memory_space<vmem>>, vector<128x64xf32>
    %dot_general3A_683 = arith.constant dense<0.000000e+00> : vector<128x64xf32>
    %dot_general3A_684 = tpu.matmul %mul3A_679, %get3A_682, %dot_general3A_683 {dimension_numbers = #tpu.dot_dimension_numbers<[1], [0], [0], [1], [0, 0, 1, 1], [], []>, precision = #tpu.contract_precision<fp32>, transpose_lhs_hint = false} : vector<128x128xf32>, vector<128x64xf32>, vector<128x64xf32> -> vector<128x64xf32>
    %get3A_685 = arith.constant 11 : index
    %get3A_686 = arith.constant 0 : index
    %get3A_687 = arith.constant 0 : index
    %get3A_688 = vector.load %arg11[%get3A_685, %get3A_686, %get3A_687] : memref<24x64x64xf32, #tpu.memory_space<vmem>>, vector<1x64x64xf32>
    %get3A_689 = vector.shape_cast %get3A_688 : vector<1x64x64xf32> to vector<64x64xf32>
    %dot_general3A_690 = arith.constant dense<0.000000e+00> : vector<128x64xf32>
    %dot_general3A_691 = tpu.matmul %convert_element_type3A_30, %get3A_689, %dot_general3A_690 {dimension_numbers = #tpu.dot_dimension_numbers<[1], [1], [0], [0], [0, 0, 1, 0], [], []>, precision = #tpu.contract_precision<fp32>, transpose_lhs_hint = false} : vector<128x64xf32>, vector<64x64xf32>, vector<128x64xf32> -> vector<128x64xf32>
    %exp3A_692 = math.exp %slice3A_666 : vector<128x1xf32>
    %mul3A_693 = vector.broadcast %exp3A_692 : vector<128x1xf32> to vector<128x64xf32>
    %mul3A_694 = arith.mulf %dot_general3A_691, %mul3A_693 : vector<128x64xf32>
    %add3A_695 = arith.addf %dot_general3A_684, %mul3A_694 : vector<128x64xf32>
    %slice3A_696 = vector.extract_strided_slice %slice3A_666 {offsets = [127, 0], sizes = [1, 1], strides = [1, 1]} : vector<128x1xf32> to vector<1x1xf32>
    %sub3A_697 = vector.broadcast %slice3A_696 : vector<1x1xf32> to vector<128x1xf32>
    %sub3A_698 = arith.subf %sub3A_697, %slice3A_666 : vector<128x1xf32>
    %exp3A_699 = math.exp %sub3A_698 : vector<128x1xf32>
    %mul3A_700 = arith.mulf %exp3A_699, %slice3A_668 : vector<128x1xf32>
    %mul3A_701 = vector.broadcast %mul3A_700 : vector<128x1xf32> to vector<128x64xf32>
    %mul3A_702 = arith.mulf %get3A_682, %mul3A_701 : vector<128x64xf32>
    %dot_general3A_703 = arith.constant dense<0.000000e+00> : vector<64x64xf32>
    %dot_general3A_704 = tpu.matmul %mul3A_702, %get3A_25, %dot_general3A_703 {dimension_numbers = #tpu.dot_dimension_numbers<[0], [0], [1], [1], [0, 1, 1, 1], [], []>, precision = #tpu.contract_precision<fp32>, transpose_lhs_hint = false} : vector<128x64xf32>, vector<128x64xf32>, vector<64x64xf32> -> vector<64x64xf32>
    %exp3A_705 = math.exp %slice3A_696 : vector<1x1xf32>
    %mul3A_706 = vector.broadcast %exp3A_705 : vector<1x1xf32> to vector<64x64xf32>
    %mul3A_707 = arith.mulf %get3A_689, %mul3A_706 : vector<64x64xf32>
    %add3A_708 = arith.addf %mul3A_707, %dot_general3A_704 : vector<64x64xf32>
    %swap3A_709 = arith.constant 11 : index
    %swap3A_710 = arith.constant 0 : index
    %swap3A_711 = arith.constant 0 : index
    %swap3A_712 = vector.load %arg11[%swap3A_709, %swap3A_710, %swap3A_711] : memref<24x64x64xf32, #tpu.memory_space<vmem>>, vector<1x64x64xf32>
    %swap3A_713 = vector.shape_cast %swap3A_712 : vector<1x64x64xf32> to vector<64x64xf32>
    %swap3A_714 = vector.shape_cast %add3A_708 : vector<64x64xf32> to vector<1x64x64xf32>
    tpu.vector_store %arg11[%swap3A_709, %swap3A_710, %swap3A_711], %swap3A_714 {strides = array<i32>} : memref<24x64x64xf32, #tpu.memory_space<vmem>>, vector<1x64x64xf32>,
    %get3A_715 = arith.constant 0 : index
    %get3A_716 = arith.constant 11 : index
    %get3A_717 = vector.load %arg8[%get3A_715, %get3A_716] : memref<1x24xf32, #tpu.memory_space<vmem>>, vector<1x1xf32>
    %mul3A_718 = vector.broadcast %get3A_717 : vector<1x1xf32> to vector<128x64xf32>
    %mul3A_719 = arith.mulf %get3A_682, %mul3A_718 : vector<128x64xf32>
    %add3A_720 = arith.addf %add3A_695, %mul3A_719 : vector<128x64xf32>
    %swap3A_721 = arith.constant 0 : index
    %swap3A_722 = arith.constant 704 : index
    %swap3A_723 = vector.load %arg12[%swap3A_721, %swap3A_722] : memref<128x1536xf32, #tpu.memory_space<vmem>>, vector<128x64xf32>
    tpu.vector_store %arg12[%swap3A_721, %swap3A_722], %add3A_720 {strides = array<i32>} : memref<128x1536xf32, #tpu.memory_space<vmem>>, vector<128x64xf32>,
    %slice3A_724 = vector.extract_strided_slice %dot_general3A_22 {offsets = [0, 12], sizes = [128, 1], strides = [1, 1]} : vector<128x24xf32> to vector<128x1xf32>
    %transpose3A_725 = tpu.transpose %slice3A_724, [1, 0] : vector<128x1xf32> -> vector<1x128xf32>
    %slice3A_726 = vector.extract_strided_slice %select_n3A {offsets = [0, 12], sizes = [128, 1], strides = [1, 1]} : vector<128x24xf32> to vector<128x1xf32>
    %transpose3A_727 = tpu.transpose %slice3A_726, [1, 0] : vector<128x1xf32> -> vector<1x128xf32>
    %sub3A_728 = vector.broadcast %slice3A_724 : vector<128x1xf32> to vector<128x128xf32>
    %sub3A_729 = vector.broadcast %transpose3A_725 : vector<1x128xf32> to vector<128x128xf32>
    %sub3A_730 = arith.subf %sub3A_728, %sub3A_729 : vector<128x128xf32>
    %jit3A_731 = arith.constant -1.000000e+30 : f32
    %broadcast_in_dim3A_732 = vector.broadcast %jit3A_731 : f32 to vector<128x128xf32>
    %select_n3A_733 = arith.select %ge3A, %sub3A_730, %broadcast_in_dim3A_732 : vector<128x128xi1>, vector<128x128xf32>
    %exp3A_734 = math.exp %select_n3A_733 : vector<128x128xf32>
    %mul3A_735 = vector.broadcast %transpose3A_727 : vector<1x128xf32> to vector<128x128xf32>
    %mul3A_736 = arith.mulf %exp3A_734, %mul3A_735 : vector<128x128xf32>
    %mul3A_737 = arith.mulf %dot_general3A_32, %mul3A_736 : vector<128x128xf32>
    %get3A_738 = arith.constant 0 : index
    %get3A_739 = arith.constant 768 : index
    %get3A_740 = vector.load %arg1[%get3A_738, %get3A_739] : memref<128x1536xf32, #tpu.memory_space<vmem>>, vector<128x64xf32>
    %dot_general3A_741 = arith.constant dense<0.000000e+00> : vector<128x64xf32>
    %dot_general3A_742 = tpu.matmul %mul3A_737, %get3A_740, %dot_general3A_741 {dimension_numbers = #tpu.dot_dimension_numbers<[1], [0], [0], [1], [0, 0, 1, 1], [], []>, precision = #tpu.contract_precision<fp32>, transpose_lhs_hint = false} : vector<128x128xf32>, vector<128x64xf32>, vector<128x64xf32> -> vector<128x64xf32>
    %get3A_743 = arith.constant 12 : index
    %get3A_744 = arith.constant 0 : index
    %get3A_745 = arith.constant 0 : index
    %get3A_746 = vector.load %arg11[%get3A_743, %get3A_744, %get3A_745] : memref<24x64x64xf32, #tpu.memory_space<vmem>>, vector<1x64x64xf32>
    %get3A_747 = vector.shape_cast %get3A_746 : vector<1x64x64xf32> to vector<64x64xf32>
    %dot_general3A_748 = arith.constant dense<0.000000e+00> : vector<128x64xf32>
    %dot_general3A_749 = tpu.matmul %convert_element_type3A_30, %get3A_747, %dot_general3A_748 {dimension_numbers = #tpu.dot_dimension_numbers<[1], [1], [0], [0], [0, 0, 1, 0], [], []>, precision = #tpu.contract_precision<fp32>, transpose_lhs_hint = false} : vector<128x64xf32>, vector<64x64xf32>, vector<128x64xf32> -> vector<128x64xf32>
    %exp3A_750 = math.exp %slice3A_724 : vector<128x1xf32>
    %mul3A_751 = vector.broadcast %exp3A_750 : vector<128x1xf32> to vector<128x64xf32>
    %mul3A_752 = arith.mulf %dot_general3A_749, %mul3A_751 : vector<128x64xf32>
    %add3A_753 = arith.addf %dot_general3A_742, %mul3A_752 : vector<128x64xf32>
    %slice3A_754 = vector.extract_strided_slice %slice3A_724 {offsets = [127, 0], sizes = [1, 1], strides = [1, 1]} : vector<128x1xf32> to vector<1x1xf32>
    %sub3A_755 = vector.broadcast %slice3A_754 : vector<1x1xf32> to vector<128x1xf32>
    %sub3A_756 = arith.subf %sub3A_755, %slice3A_724 : vector<128x1xf32>
    %exp3A_757 = math.exp %sub3A_756 : vector<128x1xf32>
    %mul3A_758 = arith.mulf %exp3A_757, %slice3A_726 : vector<128x1xf32>
    %mul3A_759 = vector.broadcast %mul3A_758 : vector<128x1xf32> to vector<128x64xf32>
    %mul3A_760 = arith.mulf %get3A_740, %mul3A_759 : vector<128x64xf32>
    %dot_general3A_761 = arith.constant dense<0.000000e+00> : vector<64x64xf32>
    %dot_general3A_762 = tpu.matmul %mul3A_760, %get3A_25, %dot_general3A_761 {dimension_numbers = #tpu.dot_dimension_numbers<[0], [0], [1], [1], [0, 1, 1, 1], [], []>, precision = #tpu.contract_precision<fp32>, transpose_lhs_hint = false} : vector<128x64xf32>, vector<128x64xf32>, vector<64x64xf32> -> vector<64x64xf32>
    %exp3A_763 = math.exp %slice3A_754 : vector<1x1xf32>
    %mul3A_764 = vector.broadcast %exp3A_763 : vector<1x1xf32> to vector<64x64xf32>
    %mul3A_765 = arith.mulf %get3A_747, %mul3A_764 : vector<64x64xf32>
    %add3A_766 = arith.addf %mul3A_765, %dot_general3A_762 : vector<64x64xf32>
    %swap3A_767 = arith.constant 12 : index
    %swap3A_768 = arith.constant 0 : index
    %swap3A_769 = arith.constant 0 : index
    %swap3A_770 = vector.load %arg11[%swap3A_767, %swap3A_768, %swap3A_769] : memref<24x64x64xf32, #tpu.memory_space<vmem>>, vector<1x64x64xf32>
    %swap3A_771 = vector.shape_cast %swap3A_770 : vector<1x64x64xf32> to vector<64x64xf32>
    %swap3A_772 = vector.shape_cast %add3A_766 : vector<64x64xf32> to vector<1x64x64xf32>
    tpu.vector_store %arg11[%swap3A_767, %swap3A_768, %swap3A_769], %swap3A_772 {strides = array<i32>} : memref<24x64x64xf32, #tpu.memory_space<vmem>>, vector<1x64x64xf32>,
    %get3A_773 = arith.constant 0 : index
    %get3A_774 = arith.constant 12 : index
    %get3A_775 = vector.load %arg8[%get3A_773, %get3A_774] : memref<1x24xf32, #tpu.memory_space<vmem>>, vector<1x1xf32>
    %mul3A_776 = vector.broadcast %get3A_775 : vector<1x1xf32> to vector<128x64xf32>
    %mul3A_777 = arith.mulf %get3A_740, %mul3A_776 : vector<128x64xf32>
    %add3A_778 = arith.addf %add3A_753, %mul3A_777 : vector<128x64xf32>
    %swap3A_779 = arith.constant 0 : index
    %swap3A_780 = arith.constant 768 : index
    %swap3A_781 = vector.load %arg12[%swap3A_779, %swap3A_780] : memref<128x1536xf32, #tpu.memory_space<vmem>>, vector<128x64xf32>
    tpu.vector_store %arg12[%swap3A_779, %swap3A_780], %add3A_778 {strides = array<i32>} : memref<128x1536xf32, #tpu.memory_space<vmem>>, vector<128x64xf32>,
    %slice3A_782 = vector.extract_strided_slice %dot_general3A_22 {offsets = [0, 13], sizes = [128, 1], strides = [1, 1]} : vector<128x24xf32> to vector<128x1xf32>
    %transpose3A_783 = tpu.transpose %slice3A_782, [1, 0] : vector<128x1xf32> -> vector<1x128xf32>
    %slice3A_784 = vector.extract_strided_slice %select_n3A {offsets = [0, 13], sizes = [128, 1], strides = [1, 1]} : vector<128x24xf32> to vector<128x1xf32>
    %transpose3A_785 = tpu.transpose %slice3A_784, [1, 0] : vector<128x1xf32> -> vector<1x128xf32>
    %sub3A_786 = vector.broadcast %slice3A_782 : vector<128x1xf32> to vector<128x128xf32>
    %sub3A_787 = vector.broadcast %transpose3A_783 : vector<1x128xf32> to vector<128x128xf32>
    %sub3A_788 = arith.subf %sub3A_786, %sub3A_787 : vector<128x128xf32>
    %jit3A_789 = arith.constant -1.000000e+30 : f32
    %broadcast_in_dim3A_790 = vector.broadcast %jit3A_789 : f32 to vector<128x128xf32>
    %select_n3A_791 = arith.select %ge3A, %sub3A_788, %broadcast_in_dim3A_790 : vector<128x128xi1>, vector<128x128xf32>
    %exp3A_792 = math.exp %select_n3A_791 : vector<128x128xf32>
    %mul3A_793 = vector.broadcast %transpose3A_785 : vector<1x128xf32> to vector<128x128xf32>
    %mul3A_794 = arith.mulf %exp3A_792, %mul3A_793 : vector<128x128xf32>
    %mul3A_795 = arith.mulf %dot_general3A_32, %mul3A_794 : vector<128x128xf32>
    %get3A_796 = arith.constant 0 : index
    %get3A_797 = arith.constant 832 : index
    %get3A_798 = vector.load %arg1[%get3A_796, %get3A_797] : memref<128x1536xf32, #tpu.memory_space<vmem>>, vector<128x64xf32>
    %dot_general3A_799 = arith.constant dense<0.000000e+00> : vector<128x64xf32>
    %dot_general3A_800 = tpu.matmul %mul3A_795, %get3A_798, %dot_general3A_799 {dimension_numbers = #tpu.dot_dimension_numbers<[1], [0], [0], [1], [0, 0, 1, 1], [], []>, precision = #tpu.contract_precision<fp32>, transpose_lhs_hint = false} : vector<128x128xf32>, vector<128x64xf32>, vector<128x64xf32> -> vector<128x64xf32>
    %get3A_801 = arith.constant 13 : index
    %get3A_802 = arith.constant 0 : index
    %get3A_803 = arith.constant 0 : index
    %get3A_804 = vector.load %arg11[%get3A_801, %get3A_802, %get3A_803] : memref<24x64x64xf32, #tpu.memory_space<vmem>>, vector<1x64x64xf32>
    %get3A_805 = vector.shape_cast %get3A_804 : vector<1x64x64xf32> to vector<64x64xf32>
    %dot_general3A_806 = arith.constant dense<0.000000e+00> : vector<128x64xf32>
    %dot_general3A_807 = tpu.matmul %convert_element_type3A_30, %get3A_805, %dot_general3A_806 {dimension_numbers = #tpu.dot_dimension_numbers<[1], [1], [0], [0], [0, 0, 1, 0], [], []>, precision = #tpu.contract_precision<fp32>, transpose_lhs_hint = false} : vector<128x64xf32>, vector<64x64xf32>, vector<128x64xf32> -> vector<128x64xf32>
    %exp3A_808 = math.exp %slice3A_782 : vector<128x1xf32>
    %mul3A_809 = vector.broadcast %exp3A_808 : vector<128x1xf32> to vector<128x64xf32>
    %mul3A_810 = arith.mulf %dot_general3A_807, %mul3A_809 : vector<128x64xf32>
    %add3A_811 = arith.addf %dot_general3A_800, %mul3A_810 : vector<128x64xf32>
    %slice3A_812 = vector.extract_strided_slice %slice3A_782 {offsets = [127, 0], sizes = [1, 1], strides = [1, 1]} : vector<128x1xf32> to vector<1x1xf32>
    %sub3A_813 = vector.broadcast %slice3A_812 : vector<1x1xf32> to vector<128x1xf32>
    %sub3A_814 = arith.subf %sub3A_813, %slice3A_782 : vector<128x1xf32>
    %exp3A_815 = math.exp %sub3A_814 : vector<128x1xf32>
    %mul3A_816 = arith.mulf %exp3A_815, %slice3A_784 : vector<128x1xf32>
    %mul3A_817 = vector.broadcast %mul3A_816 : vector<128x1xf32> to vector<128x64xf32>
    %mul3A_818 = arith.mulf %get3A_798, %mul3A_817 : vector<128x64xf32>
    %dot_general3A_819 = arith.constant dense<0.000000e+00> : vector<64x64xf32>
    %dot_general3A_820 = tpu.matmul %mul3A_818, %get3A_25, %dot_general3A_819 {dimension_numbers = #tpu.dot_dimension_numbers<[0], [0], [1], [1], [0, 1, 1, 1], [], []>, precision = #tpu.contract_precision<fp32>, transpose_lhs_hint = false} : vector<128x64xf32>, vector<128x64xf32>, vector<64x64xf32> -> vector<64x64xf32>
    %exp3A_821 = math.exp %slice3A_812 : vector<1x1xf32>
    %mul3A_822 = vector.broadcast %exp3A_821 : vector<1x1xf32> to vector<64x64xf32>
    %mul3A_823 = arith.mulf %get3A_805, %mul3A_822 : vector<64x64xf32>
    %add3A_824 = arith.addf %mul3A_823, %dot_general3A_820 : vector<64x64xf32>
    %swap3A_825 = arith.constant 13 : index
    %swap3A_826 = arith.constant 0 : index
    %swap3A_827 = arith.constant 0 : index
    %swap3A_828 = vector.load %arg11[%swap3A_825, %swap3A_826, %swap3A_827] : memref<24x64x64xf32, #tpu.memory_space<vmem>>, vector<1x64x64xf32>
    %swap3A_829 = vector.shape_cast %swap3A_828 : vector<1x64x64xf32> to vector<64x64xf32>
    %swap3A_830 = vector.shape_cast %add3A_824 : vector<64x64xf32> to vector<1x64x64xf32>
    tpu.vector_store %arg11[%swap3A_825, %swap3A_826, %swap3A_827], %swap3A_830 {strides = array<i32>} : memref<24x64x64xf32, #tpu.memory_space<vmem>>, vector<1x64x64xf32>,
    %get3A_831 = arith.constant 0 : index
    %get3A_832 = arith.constant 13 : index
    %get3A_833 = vector.load %arg8[%get3A_831, %get3A_832] : memref<1x24xf32, #tpu.memory_space<vmem>>, vector<1x1xf32>
    %mul3A_834 = vector.broadcast %get3A_833 : vector<1x1xf32> to vector<128x64xf32>
    %mul3A_835 = arith.mulf %get3A_798, %mul3A_834 : vector<128x64xf32>
    %add3A_836 = arith.addf %add3A_811, %mul3A_835 : vector<128x64xf32>
    %swap3A_837 = arith.constant 0 : index
    %swap3A_838 = arith.constant 832 : index
    %swap3A_839 = vector.load %arg12[%swap3A_837, %swap3A_838] : memref<128x1536xf32, #tpu.memory_space<vmem>>, vector<128x64xf32>
    tpu.vector_store %arg12[%swap3A_837, %swap3A_838], %add3A_836 {strides = array<i32>} : memref<128x1536xf32, #tpu.memory_space<vmem>>, vector<128x64xf32>,
    %slice3A_840 = vector.extract_strided_slice %dot_general3A_22 {offsets = [0, 14], sizes = [128, 1], strides = [1, 1]} : vector<128x24xf32> to vector<128x1xf32>
    %transpose3A_841 = tpu.transpose %slice3A_840, [1, 0] : vector<128x1xf32> -> vector<1x128xf32>
    %slice3A_842 = vector.extract_strided_slice %select_n3A {offsets = [0, 14], sizes = [128, 1], strides = [1, 1]} : vector<128x24xf32> to vector<128x1xf32>
    %transpose3A_843 = tpu.transpose %slice3A_842, [1, 0] : vector<128x1xf32> -> vector<1x128xf32>
    %sub3A_844 = vector.broadcast %slice3A_840 : vector<128x1xf32> to vector<128x128xf32>
    %sub3A_845 = vector.broadcast %transpose3A_841 : vector<1x128xf32> to vector<128x128xf32>
    %sub3A_846 = arith.subf %sub3A_844, %sub3A_845 : vector<128x128xf32>
    %jit3A_847 = arith.constant -1.000000e+30 : f32
    %broadcast_in_dim3A_848 = vector.broadcast %jit3A_847 : f32 to vector<128x128xf32>
    %select_n3A_849 = arith.select %ge3A, %sub3A_846, %broadcast_in_dim3A_848 : vector<128x128xi1>, vector<128x128xf32>
    %exp3A_850 = math.exp %select_n3A_849 : vector<128x128xf32>
    %mul3A_851 = vector.broadcast %transpose3A_843 : vector<1x128xf32> to vector<128x128xf32>
    %mul3A_852 = arith.mulf %exp3A_850, %mul3A_851 : vector<128x128xf32>
    %mul3A_853 = arith.mulf %dot_general3A_32, %mul3A_852 : vector<128x128xf32>
    %get3A_854 = arith.constant 0 : index
    %get3A_855 = arith.constant 896 : index
    %get3A_856 = vector.load %arg1[%get3A_854, %get3A_855] : memref<128x1536xf32, #tpu.memory_space<vmem>>, vector<128x64xf32>
    %dot_general3A_857 = arith.constant dense<0.000000e+00> : vector<128x64xf32>
    %dot_general3A_858 = tpu.matmul %mul3A_853, %get3A_856, %dot_general3A_857 {dimension_numbers = #tpu.dot_dimension_numbers<[1], [0], [0], [1], [0, 0, 1, 1], [], []>, precision = #tpu.contract_precision<fp32>, transpose_lhs_hint = false} : vector<128x128xf32>, vector<128x64xf32>, vector<128x64xf32> -> vector<128x64xf32>
    %get3A_859 = arith.constant 14 : index
    %get3A_860 = arith.constant 0 : index
    %get3A_861 = arith.constant 0 : index
    %get3A_862 = vector.load %arg11[%get3A_859, %get3A_860, %get3A_861] : memref<24x64x64xf32, #tpu.memory_space<vmem>>, vector<1x64x64xf32>
    %get3A_863 = vector.shape_cast %get3A_862 : vector<1x64x64xf32> to vector<64x64xf32>
    %dot_general3A_864 = arith.constant dense<0.000000e+00> : vector<128x64xf32>
    %dot_general3A_865 = tpu.matmul %convert_element_type3A_30, %get3A_863, %dot_general3A_864 {dimension_numbers = #tpu.dot_dimension_numbers<[1], [1], [0], [0], [0, 0, 1, 0], [], []>, precision = #tpu.contract_precision<fp32>, transpose_lhs_hint = false} : vector<128x64xf32>, vector<64x64xf32>, vector<128x64xf32> -> vector<128x64xf32>
    %exp3A_866 = math.exp %slice3A_840 : vector<128x1xf32>
    %mul3A_867 = vector.broadcast %exp3A_866 : vector<128x1xf32> to vector<128x64xf32>
    %mul3A_868 = arith.mulf %dot_general3A_865, %mul3A_867 : vector<128x64xf32>
    %add3A_869 = arith.addf %dot_general3A_858, %mul3A_868 : vector<128x64xf32>
    %slice3A_870 = vector.extract_strided_slice %slice3A_840 {offsets = [127, 0], sizes = [1, 1], strides = [1, 1]} : vector<128x1xf32> to vector<1x1xf32>
    %sub3A_871 = vector.broadcast %slice3A_870 : vector<1x1xf32> to vector<128x1xf32>
    %sub3A_872 = arith.subf %sub3A_871, %slice3A_840 : vector<128x1xf32>
    %exp3A_873 = math.exp %sub3A_872 : vector<128x1xf32>
    %mul3A_874 = arith.mulf %exp3A_873, %slice3A_842 : vector<128x1xf32>
    %mul3A_875 = vector.broadcast %mul3A_874 : vector<128x1xf32> to vector<128x64xf32>
    %mul3A_876 = arith.mulf %get3A_856, %mul3A_875 : vector<128x64xf32>
    %dot_general3A_877 = arith.constant dense<0.000000e+00> : vector<64x64xf32>
    %dot_general3A_878 = tpu.matmul %mul3A_876, %get3A_25, %dot_general3A_877 {dimension_numbers = #tpu.dot_dimension_numbers<[0], [0], [1], [1], [0, 1, 1, 1], [], []>, precision = #tpu.contract_precision<fp32>, transpose_lhs_hint = false} : vector<128x64xf32>, vector<128x64xf32>, vector<64x64xf32> -> vector<64x64xf32>
    %exp3A_879 = math.exp %slice3A_870 : vector<1x1xf32>
    %mul3A_880 = vector.broadcast %exp3A_879 : vector<1x1xf32> to vector<64x64xf32>
    %mul3A_881 = arith.mulf %get3A_863, %mul3A_880 : vector<64x64xf32>
    %add3A_882 = arith.addf %mul3A_881, %dot_general3A_878 : vector<64x64xf32>
    %swap3A_883 = arith.constant 14 : index
    %swap3A_884 = arith.constant 0 : index
    %swap3A_885 = arith.constant 0 : index
    %swap3A_886 = vector.load %arg11[%swap3A_883, %swap3A_884, %swap3A_885] : memref<24x64x64xf32, #tpu.memory_space<vmem>>, vector<1x64x64xf32>
    %swap3A_887 = vector.shape_cast %swap3A_886 : vector<1x64x64xf32> to vector<64x64xf32>
    %swap3A_888 = vector.shape_cast %add3A_882 : vector<64x64xf32> to vector<1x64x64xf32>
    tpu.vector_store %arg11[%swap3A_883, %swap3A_884, %swap3A_885], %swap3A_888 {strides = array<i32>} : memref<24x64x64xf32, #tpu.memory_space<vmem>>, vector<1x64x64xf32>,
    %get3A_889 = arith.constant 0 : index
    %get3A_890 = arith.constant 14 : index
    %get3A_891 = vector.load %arg8[%get3A_889, %get3A_890] : memref<1x24xf32, #tpu.memory_space<vmem>>, vector<1x1xf32>
    %mul3A_892 = vector.broadcast %get3A_891 : vector<1x1xf32> to vector<128x64xf32>
    %mul3A_893 = arith.mulf %get3A_856, %mul3A_892 : vector<128x64xf32>
    %add3A_894 = arith.addf %add3A_869, %mul3A_893 : vector<128x64xf32>
    %swap3A_895 = arith.constant 0 : index
    %swap3A_896 = arith.constant 896 : index
    %swap3A_897 = vector.load %arg12[%swap3A_895, %swap3A_896] : memref<128x1536xf32, #tpu.memory_space<vmem>>, vector<128x64xf32>
    tpu.vector_store %arg12[%swap3A_895, %swap3A_896], %add3A_894 {strides = array<i32>} : memref<128x1536xf32, #tpu.memory_space<vmem>>, vector<128x64xf32>,
    %slice3A_898 = vector.extract_strided_slice %dot_general3A_22 {offsets = [0, 15], sizes = [128, 1], strides = [1, 1]} : vector<128x24xf32> to vector<128x1xf32>
    %transpose3A_899 = tpu.transpose %slice3A_898, [1, 0] : vector<128x1xf32> -> vector<1x128xf32>
    %slice3A_900 = vector.extract_strided_slice %select_n3A {offsets = [0, 15], sizes = [128, 1], strides = [1, 1]} : vector<128x24xf32> to vector<128x1xf32>
    %transpose3A_901 = tpu.transpose %slice3A_900, [1, 0] : vector<128x1xf32> -> vector<1x128xf32>
    %sub3A_902 = vector.broadcast %slice3A_898 : vector<128x1xf32> to vector<128x128xf32>
    %sub3A_903 = vector.broadcast %transpose3A_899 : vector<1x128xf32> to vector<128x128xf32>
    %sub3A_904 = arith.subf %sub3A_902, %sub3A_903 : vector<128x128xf32>
    %jit3A_905 = arith.constant -1.000000e+30 : f32
    %broadcast_in_dim3A_906 = vector.broadcast %jit3A_905 : f32 to vector<128x128xf32>
    %select_n3A_907 = arith.select %ge3A, %sub3A_904, %broadcast_in_dim3A_906 : vector<128x128xi1>, vector<128x128xf32>
    %exp3A_908 = math.exp %select_n3A_907 : vector<128x128xf32>
    %mul3A_909 = vector.broadcast %transpose3A_901 : vector<1x128xf32> to vector<128x128xf32>
    %mul3A_910 = arith.mulf %exp3A_908, %mul3A_909 : vector<128x128xf32>
    %mul3A_911 = arith.mulf %dot_general3A_32, %mul3A_910 : vector<128x128xf32>
    %get3A_912 = arith.constant 0 : index
    %get3A_913 = arith.constant 960 : index
    %get3A_914 = vector.load %arg1[%get3A_912, %get3A_913] : memref<128x1536xf32, #tpu.memory_space<vmem>>, vector<128x64xf32>
    %dot_general3A_915 = arith.constant dense<0.000000e+00> : vector<128x64xf32>
    %dot_general3A_916 = tpu.matmul %mul3A_911, %get3A_914, %dot_general3A_915 {dimension_numbers = #tpu.dot_dimension_numbers<[1], [0], [0], [1], [0, 0, 1, 1], [], []>, precision = #tpu.contract_precision<fp32>, transpose_lhs_hint = false} : vector<128x128xf32>, vector<128x64xf32>, vector<128x64xf32> -> vector<128x64xf32>
    %get3A_917 = arith.constant 15 : index
    %get3A_918 = arith.constant 0 : index
    %get3A_919 = arith.constant 0 : index
    %get3A_920 = vector.load %arg11[%get3A_917, %get3A_918, %get3A_919] : memref<24x64x64xf32, #tpu.memory_space<vmem>>, vector<1x64x64xf32>
    %get3A_921 = vector.shape_cast %get3A_920 : vector<1x64x64xf32> to vector<64x64xf32>
    %dot_general3A_922 = arith.constant dense<0.000000e+00> : vector<128x64xf32>
    %dot_general3A_923 = tpu.matmul %convert_element_type3A_30, %get3A_921, %dot_general3A_922 {dimension_numbers = #tpu.dot_dimension_numbers<[1], [1], [0], [0], [0, 0, 1, 0], [], []>, precision = #tpu.contract_precision<fp32>, transpose_lhs_hint = false} : vector<128x64xf32>, vector<64x64xf32>, vector<128x64xf32> -> vector<128x64xf32>
    %exp3A_924 = math.exp %slice3A_898 : vector<128x1xf32>
    %mul3A_925 = vector.broadcast %exp3A_924 : vector<128x1xf32> to vector<128x64xf32>
    %mul3A_926 = arith.mulf %dot_general3A_923, %mul3A_925 : vector<128x64xf32>
    %add3A_927 = arith.addf %dot_general3A_916, %mul3A_926 : vector<128x64xf32>
    %slice3A_928 = vector.extract_strided_slice %slice3A_898 {offsets = [127, 0], sizes = [1, 1], strides = [1, 1]} : vector<128x1xf32> to vector<1x1xf32>
    %sub3A_929 = vector.broadcast %slice3A_928 : vector<1x1xf32> to vector<128x1xf32>
    %sub3A_930 = arith.subf %sub3A_929, %slice3A_898 : vector<128x1xf32>
    %exp3A_931 = math.exp %sub3A_930 : vector<128x1xf32>
    %mul3A_932 = arith.mulf %exp3A_931, %slice3A_900 : vector<128x1xf32>
    %mul3A_933 = vector.broadcast %mul3A_932 : vector<128x1xf32> to vector<128x64xf32>
    %mul3A_934 = arith.mulf %get3A_914, %mul3A_933 : vector<128x64xf32>
    %dot_general3A_935 = arith.constant dense<0.000000e+00> : vector<64x64xf32>
    %dot_general3A_936 = tpu.matmul %mul3A_934, %get3A_25, %dot_general3A_935 {dimension_numbers = #tpu.dot_dimension_numbers<[0], [0], [1], [1], [0, 1, 1, 1], [], []>, precision = #tpu.contract_precision<fp32>, transpose_lhs_hint = false} : vector<128x64xf32>, vector<128x64xf32>, vector<64x64xf32> -> vector<64x64xf32>
    %exp3A_937 = math.exp %slice3A_928 : vector<1x1xf32>
    %mul3A_938 = vector.broadcast %exp3A_937 : vector<1x1xf32> to vector<64x64xf32>
    %mul3A_939 = arith.mulf %get3A_921, %mul3A_938 : vector<64x64xf32>
    %add3A_940 = arith.addf %mul3A_939, %dot_general3A_936 : vector<64x64xf32>
    %swap3A_941 = arith.constant 15 : index
    %swap3A_942 = arith.constant 0 : index
    %swap3A_943 = arith.constant 0 : index
    %swap3A_944 = vector.load %arg11[%swap3A_941, %swap3A_942, %swap3A_943] : memref<24x64x64xf32, #tpu.memory_space<vmem>>, vector<1x64x64xf32>
    %swap3A_945 = vector.shape_cast %swap3A_944 : vector<1x64x64xf32> to vector<64x64xf32>
    %swap3A_946 = vector.shape_cast %add3A_940 : vector<64x64xf32> to vector<1x64x64xf32>
    tpu.vector_store %arg11[%swap3A_941, %swap3A_942, %swap3A_943], %swap3A_946 {strides = array<i32>} : memref<24x64x64xf32, #tpu.memory_space<vmem>>, vector<1x64x64xf32>,
    %get3A_947 = arith.constant 0 : index
    %get3A_948 = arith.constant 15 : index
    %get3A_949 = vector.load %arg8[%get3A_947, %get3A_948] : memref<1x24xf32, #tpu.memory_space<vmem>>, vector<1x1xf32>
    %mul3A_950 = vector.broadcast %get3A_949 : vector<1x1xf32> to vector<128x64xf32>
    %mul3A_951 = arith.mulf %get3A_914, %mul3A_950 : vector<128x64xf32>
    %add3A_952 = arith.addf %add3A_927, %mul3A_951 : vector<128x64xf32>
    %swap3A_953 = arith.constant 0 : index
    %swap3A_954 = arith.constant 960 : index
    %swap3A_955 = vector.load %arg12[%swap3A_953, %swap3A_954] : memref<128x1536xf32, #tpu.memory_space<vmem>>, vector<128x64xf32>
    tpu.vector_store %arg12[%swap3A_953, %swap3A_954], %add3A_952 {strides = array<i32>} : memref<128x1536xf32, #tpu.memory_space<vmem>>, vector<128x64xf32>,
    %slice3A_956 = vector.extract_strided_slice %dot_general3A_22 {offsets = [0, 16], sizes = [128, 1], strides = [1, 1]} : vector<128x24xf32> to vector<128x1xf32>
    %transpose3A_957 = tpu.transpose %slice3A_956, [1, 0] : vector<128x1xf32> -> vector<1x128xf32>
    %slice3A_958 = vector.extract_strided_slice %select_n3A {offsets = [0, 16], sizes = [128, 1], strides = [1, 1]} : vector<128x24xf32> to vector<128x1xf32>
    %transpose3A_959 = tpu.transpose %slice3A_958, [1, 0] : vector<128x1xf32> -> vector<1x128xf32>
    %sub3A_960 = vector.broadcast %slice3A_956 : vector<128x1xf32> to vector<128x128xf32>
    %sub3A_961 = vector.broadcast %transpose3A_957 : vector<1x128xf32> to vector<128x128xf32>
    %sub3A_962 = arith.subf %sub3A_960, %sub3A_961 : vector<128x128xf32>
    %jit3A_963 = arith.constant -1.000000e+30 : f32
    %broadcast_in_dim3A_964 = vector.broadcast %jit3A_963 : f32 to vector<128x128xf32>
    %select_n3A_965 = arith.select %ge3A, %sub3A_962, %broadcast_in_dim3A_964 : vector<128x128xi1>, vector<128x128xf32>
    %exp3A_966 = math.exp %select_n3A_965 : vector<128x128xf32>
    %mul3A_967 = vector.broadcast %transpose3A_959 : vector<1x128xf32> to vector<128x128xf32>
    %mul3A_968 = arith.mulf %exp3A_966, %mul3A_967 : vector<128x128xf32>
    %mul3A_969 = arith.mulf %dot_general3A_32, %mul3A_968 : vector<128x128xf32>
    %get3A_970 = arith.constant 0 : index
    %get3A_971 = arith.constant 1024 : index
    %get3A_972 = vector.load %arg1[%get3A_970, %get3A_971] : memref<128x1536xf32, #tpu.memory_space<vmem>>, vector<128x64xf32>
    %dot_general3A_973 = arith.constant dense<0.000000e+00> : vector<128x64xf32>
    %dot_general3A_974 = tpu.matmul %mul3A_969, %get3A_972, %dot_general3A_973 {dimension_numbers = #tpu.dot_dimension_numbers<[1], [0], [0], [1], [0, 0, 1, 1], [], []>, precision = #tpu.contract_precision<fp32>, transpose_lhs_hint = false} : vector<128x128xf32>, vector<128x64xf32>, vector<128x64xf32> -> vector<128x64xf32>
    %get3A_975 = arith.constant 16 : index
    %get3A_976 = arith.constant 0 : index
    %get3A_977 = arith.constant 0 : index
    %get3A_978 = vector.load %arg11[%get3A_975, %get3A_976, %get3A_977] : memref<24x64x64xf32, #tpu.memory_space<vmem>>, vector<1x64x64xf32>
    %get3A_979 = vector.shape_cast %get3A_978 : vector<1x64x64xf32> to vector<64x64xf32>
    %dot_general3A_980 = arith.constant dense<0.000000e+00> : vector<128x64xf32>
    %dot_general3A_981 = tpu.matmul %convert_element_type3A_30, %get3A_979, %dot_general3A_980 {dimension_numbers = #tpu.dot_dimension_numbers<[1], [1], [0], [0], [0, 0, 1, 0], [], []>, precision = #tpu.contract_precision<fp32>, transpose_lhs_hint = false} : vector<128x64xf32>, vector<64x64xf32>, vector<128x64xf32> -> vector<128x64xf32>
    %exp3A_982 = math.exp %slice3A_956 : vector<128x1xf32>
    %mul3A_983 = vector.broadcast %exp3A_982 : vector<128x1xf32> to vector<128x64xf32>
    %mul3A_984 = arith.mulf %dot_general3A_981, %mul3A_983 : vector<128x64xf32>
    %add3A_985 = arith.addf %dot_general3A_974, %mul3A_984 : vector<128x64xf32>
    %slice3A_986 = vector.extract_strided_slice %slice3A_956 {offsets = [127, 0], sizes = [1, 1], strides = [1, 1]} : vector<128x1xf32> to vector<1x1xf32>
    %sub3A_987 = vector.broadcast %slice3A_986 : vector<1x1xf32> to vector<128x1xf32>
    %sub3A_988 = arith.subf %sub3A_987, %slice3A_956 : vector<128x1xf32>
    %exp3A_989 = math.exp %sub3A_988 : vector<128x1xf32>
    %mul3A_990 = arith.mulf %exp3A_989, %slice3A_958 : vector<128x1xf32>
    %mul3A_991 = vector.broadcast %mul3A_990 : vector<128x1xf32> to vector<128x64xf32>
    %mul3A_992 = arith.mulf %get3A_972, %mul3A_991 : vector<128x64xf32>
    %dot_general3A_993 = arith.constant dense<0.000000e+00> : vector<64x64xf32>
    %dot_general3A_994 = tpu.matmul %mul3A_992, %get3A_25, %dot_general3A_993 {dimension_numbers = #tpu.dot_dimension_numbers<[0], [0], [1], [1], [0, 1, 1, 1], [], []>, precision = #tpu.contract_precision<fp32>, transpose_lhs_hint = false} : vector<128x64xf32>, vector<128x64xf32>, vector<64x64xf32> -> vector<64x64xf32>
    %exp3A_995 = math.exp %slice3A_986 : vector<1x1xf32>
    %mul3A_996 = vector.broadcast %exp3A_995 : vector<1x1xf32> to vector<64x64xf32>
    %mul3A_997 = arith.mulf %get3A_979, %mul3A_996 : vector<64x64xf32>
    %add3A_998 = arith.addf %mul3A_997, %dot_general3A_994 : vector<64x64xf32>
    %swap3A_999 = arith.constant 16 : index
    %swap3A_1000 = arith.constant 0 : index
    %swap3A_1001 = arith.constant 0 : index
    %swap3A_1002 = vector.load %arg11[%swap3A_999, %swap3A_1000, %swap3A_1001] : memref<24x64x64xf32, #tpu.memory_space<vmem>>, vector<1x64x64xf32>
    %swap3A_1003 = vector.shape_cast %swap3A_1002 : vector<1x64x64xf32> to vector<64x64xf32>
    %swap3A_1004 = vector.shape_cast %add3A_998 : vector<64x64xf32> to vector<1x64x64xf32>
    tpu.vector_store %arg11[%swap3A_999, %swap3A_1000, %swap3A_1001], %swap3A_1004 {strides = array<i32>} : memref<24x64x64xf32, #tpu.memory_space<vmem>>, vector<1x64x64xf32>,
    %get3A_1005 = arith.constant 0 : index
    %get3A_1006 = arith.constant 16 : index
    %get3A_1007 = vector.load %arg8[%get3A_1005, %get3A_1006] : memref<1x24xf32, #tpu.memory_space<vmem>>, vector<1x1xf32>
    %mul3A_1008 = vector.broadcast %get3A_1007 : vector<1x1xf32> to vector<128x64xf32>
    %mul3A_1009 = arith.mulf %get3A_972, %mul3A_1008 : vector<128x64xf32>
    %add3A_1010 = arith.addf %add3A_985, %mul3A_1009 : vector<128x64xf32>
    %swap3A_1011 = arith.constant 0 : index
    %swap3A_1012 = arith.constant 1024 : index
    %swap3A_1013 = vector.load %arg12[%swap3A_1011, %swap3A_1012] : memref<128x1536xf32, #tpu.memory_space<vmem>>, vector<128x64xf32>
    tpu.vector_store %arg12[%swap3A_1011, %swap3A_1012], %add3A_1010 {strides = array<i32>} : memref<128x1536xf32, #tpu.memory_space<vmem>>, vector<128x64xf32>,
    %slice3A_1014 = vector.extract_strided_slice %dot_general3A_22 {offsets = [0, 17], sizes = [128, 1], strides = [1, 1]} : vector<128x24xf32> to vector<128x1xf32>
    %transpose3A_1015 = tpu.transpose %slice3A_1014, [1, 0] : vector<128x1xf32> -> vector<1x128xf32>
    %slice3A_1016 = vector.extract_strided_slice %select_n3A {offsets = [0, 17], sizes = [128, 1], strides = [1, 1]} : vector<128x24xf32> to vector<128x1xf32>
    %transpose3A_1017 = tpu.transpose %slice3A_1016, [1, 0] : vector<128x1xf32> -> vector<1x128xf32>
    %sub3A_1018 = vector.broadcast %slice3A_1014 : vector<128x1xf32> to vector<128x128xf32>
    %sub3A_1019 = vector.broadcast %transpose3A_1015 : vector<1x128xf32> to vector<128x128xf32>
    %sub3A_1020 = arith.subf %sub3A_1018, %sub3A_1019 : vector<128x128xf32>
    %jit3A_1021 = arith.constant -1.000000e+30 : f32
    %broadcast_in_dim3A_1022 = vector.broadcast %jit3A_1021 : f32 to vector<128x128xf32>
    %select_n3A_1023 = arith.select %ge3A, %sub3A_1020, %broadcast_in_dim3A_1022 : vector<128x128xi1>, vector<128x128xf32>
    %exp3A_1024 = math.exp %select_n3A_1023 : vector<128x128xf32>
    %mul3A_1025 = vector.broadcast %transpose3A_1017 : vector<1x128xf32> to vector<128x128xf32>
    %mul3A_1026 = arith.mulf %exp3A_1024, %mul3A_1025 : vector<128x128xf32>
    %mul3A_1027 = arith.mulf %dot_general3A_32, %mul3A_1026 : vector<128x128xf32>
    %get3A_1028 = arith.constant 0 : index
    %get3A_1029 = arith.constant 1088 : index
    %get3A_1030 = vector.load %arg1[%get3A_1028, %get3A_1029] : memref<128x1536xf32, #tpu.memory_space<vmem>>, vector<128x64xf32>
    %dot_general3A_1031 = arith.constant dense<0.000000e+00> : vector<128x64xf32>
    %dot_general3A_1032 = tpu.matmul %mul3A_1027, %get3A_1030, %dot_general3A_1031 {dimension_numbers = #tpu.dot_dimension_numbers<[1], [0], [0], [1], [0, 0, 1, 1], [], []>, precision = #tpu.contract_precision<fp32>, transpose_lhs_hint = false} : vector<128x128xf32>, vector<128x64xf32>, vector<128x64xf32> -> vector<128x64xf32>
    %get3A_1033 = arith.constant 17 : index
    %get3A_1034 = arith.constant 0 : index
    %get3A_1035 = arith.constant 0 : index
    %get3A_1036 = vector.load %arg11[%get3A_1033, %get3A_1034, %get3A_1035] : memref<24x64x64xf32, #tpu.memory_space<vmem>>, vector<1x64x64xf32>
    %get3A_1037 = vector.shape_cast %get3A_1036 : vector<1x64x64xf32> to vector<64x64xf32>
    %dot_general3A_1038 = arith.constant dense<0.000000e+00> : vector<128x64xf32>
    %dot_general3A_1039 = tpu.matmul %convert_element_type3A_30, %get3A_1037, %dot_general3A_1038 {dimension_numbers = #tpu.dot_dimension_numbers<[1], [1], [0], [0], [0, 0, 1, 0], [], []>, precision = #tpu.contract_precision<fp32>, transpose_lhs_hint = false} : vector<128x64xf32>, vector<64x64xf32>, vector<128x64xf32> -> vector<128x64xf32>
    %exp3A_1040 = math.exp %slice3A_1014 : vector<128x1xf32>
    %mul3A_1041 = vector.broadcast %exp3A_1040 : vector<128x1xf32> to vector<128x64xf32>
    %mul3A_1042 = arith.mulf %dot_general3A_1039, %mul3A_1041 : vector<128x64xf32>
    %add3A_1043 = arith.addf %dot_general3A_1032, %mul3A_1042 : vector<128x64xf32>
    %slice3A_1044 = vector.extract_strided_slice %slice3A_1014 {offsets = [127, 0], sizes = [1, 1], strides = [1, 1]} : vector<128x1xf32> to vector<1x1xf32>
    %sub3A_1045 = vector.broadcast %slice3A_1044 : vector<1x1xf32> to vector<128x1xf32>
    %sub3A_1046 = arith.subf %sub3A_1045, %slice3A_1014 : vector<128x1xf32>
    %exp3A_1047 = math.exp %sub3A_1046 : vector<128x1xf32>
    %mul3A_1048 = arith.mulf %exp3A_1047, %slice3A_1016 : vector<128x1xf32>
    %mul3A_1049 = vector.broadcast %mul3A_1048 : vector<128x1xf32> to vector<128x64xf32>
    %mul3A_1050 = arith.mulf %get3A_1030, %mul3A_1049 : vector<128x64xf32>
    %dot_general3A_1051 = arith.constant dense<0.000000e+00> : vector<64x64xf32>
    %dot_general3A_1052 = tpu.matmul %mul3A_1050, %get3A_25, %dot_general3A_1051 {dimension_numbers = #tpu.dot_dimension_numbers<[0], [0], [1], [1], [0, 1, 1, 1], [], []>, precision = #tpu.contract_precision<fp32>, transpose_lhs_hint = false} : vector<128x64xf32>, vector<128x64xf32>, vector<64x64xf32> -> vector<64x64xf32>
    %exp3A_1053 = math.exp %slice3A_1044 : vector<1x1xf32>
    %mul3A_1054 = vector.broadcast %exp3A_1053 : vector<1x1xf32> to vector<64x64xf32>
    %mul3A_1055 = arith.mulf %get3A_1037, %mul3A_1054 : vector<64x64xf32>
    %add3A_1056 = arith.addf %mul3A_1055, %dot_general3A_1052 : vector<64x64xf32>
    %swap3A_1057 = arith.constant 17 : index
    %swap3A_1058 = arith.constant 0 : index
    %swap3A_1059 = arith.constant 0 : index
    %swap3A_1060 = vector.load %arg11[%swap3A_1057, %swap3A_1058, %swap3A_1059] : memref<24x64x64xf32, #tpu.memory_space<vmem>>, vector<1x64x64xf32>
    %swap3A_1061 = vector.shape_cast %swap3A_1060 : vector<1x64x64xf32> to vector<64x64xf32>
    %swap3A_1062 = vector.shape_cast %add3A_1056 : vector<64x64xf32> to vector<1x64x64xf32>
    tpu.vector_store %arg11[%swap3A_1057, %swap3A_1058, %swap3A_1059], %swap3A_1062 {strides = array<i32>} : memref<24x64x64xf32, #tpu.memory_space<vmem>>, vector<1x64x64xf32>,
    %get3A_1063 = arith.constant 0 : index
    %get3A_1064 = arith.constant 17 : index
    %get3A_1065 = vector.load %arg8[%get3A_1063, %get3A_1064] : memref<1x24xf32, #tpu.memory_space<vmem>>, vector<1x1xf32>
    %mul3A_1066 = vector.broadcast %get3A_1065 : vector<1x1xf32> to vector<128x64xf32>
    %mul3A_1067 = arith.mulf %get3A_1030, %mul3A_1066 : vector<128x64xf32>
    %add3A_1068 = arith.addf %add3A_1043, %mul3A_1067 : vector<128x64xf32>
    %swap3A_1069 = arith.constant 0 : index
    %swap3A_1070 = arith.constant 1088 : index
    %swap3A_1071 = vector.load %arg12[%swap3A_1069, %swap3A_1070] : memref<128x1536xf32, #tpu.memory_space<vmem>>, vector<128x64xf32>
    tpu.vector_store %arg12[%swap3A_1069, %swap3A_1070], %add3A_1068 {strides = array<i32>} : memref<128x1536xf32, #tpu.memory_space<vmem>>, vector<128x64xf32>,
    %slice3A_1072 = vector.extract_strided_slice %dot_general3A_22 {offsets = [0, 18], sizes = [128, 1], strides = [1, 1]} : vector<128x24xf32> to vector<128x1xf32>
    %transpose3A_1073 = tpu.transpose %slice3A_1072, [1, 0] : vector<128x1xf32> -> vector<1x128xf32>
    %slice3A_1074 = vector.extract_strided_slice %select_n3A {offsets = [0, 18], sizes = [128, 1], strides = [1, 1]} : vector<128x24xf32> to vector<128x1xf32>
    %transpose3A_1075 = tpu.transpose %slice3A_1074, [1, 0] : vector<128x1xf32> -> vector<1x128xf32>
    %sub3A_1076 = vector.broadcast %slice3A_1072 : vector<128x1xf32> to vector<128x128xf32>
    %sub3A_1077 = vector.broadcast %transpose3A_1073 : vector<1x128xf32> to vector<128x128xf32>
    %sub3A_1078 = arith.subf %sub3A_1076, %sub3A_1077 : vector<128x128xf32>
    %jit3A_1079 = arith.constant -1.000000e+30 : f32
    %broadcast_in_dim3A_1080 = vector.broadcast %jit3A_1079 : f32 to vector<128x128xf32>
    %select_n3A_1081 = arith.select %ge3A, %sub3A_1078, %broadcast_in_dim3A_1080 : vector<128x128xi1>, vector<128x128xf32>
    %exp3A_1082 = math.exp %select_n3A_1081 : vector<128x128xf32>
    %mul3A_1083 = vector.broadcast %transpose3A_1075 : vector<1x128xf32> to vector<128x128xf32>
    %mul3A_1084 = arith.mulf %exp3A_1082, %mul3A_1083 : vector<128x128xf32>
    %mul3A_1085 = arith.mulf %dot_general3A_32, %mul3A_1084 : vector<128x128xf32>
    %get3A_1086 = arith.constant 0 : index
    %get3A_1087 = arith.constant 1152 : index
    %get3A_1088 = vector.load %arg1[%get3A_1086, %get3A_1087] : memref<128x1536xf32, #tpu.memory_space<vmem>>, vector<128x64xf32>
    %dot_general3A_1089 = arith.constant dense<0.000000e+00> : vector<128x64xf32>
    %dot_general3A_1090 = tpu.matmul %mul3A_1085, %get3A_1088, %dot_general3A_1089 {dimension_numbers = #tpu.dot_dimension_numbers<[1], [0], [0], [1], [0, 0, 1, 1], [], []>, precision = #tpu.contract_precision<fp32>, transpose_lhs_hint = false} : vector<128x128xf32>, vector<128x64xf32>, vector<128x64xf32> -> vector<128x64xf32>
    %get3A_1091 = arith.constant 18 : index
    %get3A_1092 = arith.constant 0 : index
    %get3A_1093 = arith.constant 0 : index
    %get3A_1094 = vector.load %arg11[%get3A_1091, %get3A_1092, %get3A_1093] : memref<24x64x64xf32, #tpu.memory_space<vmem>>, vector<1x64x64xf32>
    %get3A_1095 = vector.shape_cast %get3A_1094 : vector<1x64x64xf32> to vector<64x64xf32>
    %dot_general3A_1096 = arith.constant dense<0.000000e+00> : vector<128x64xf32>
    %dot_general3A_1097 = tpu.matmul %convert_element_type3A_30, %get3A_1095, %dot_general3A_1096 {dimension_numbers = #tpu.dot_dimension_numbers<[1], [1], [0], [0], [0, 0, 1, 0], [], []>, precision = #tpu.contract_precision<fp32>, transpose_lhs_hint = false} : vector<128x64xf32>, vector<64x64xf32>, vector<128x64xf32> -> vector<128x64xf32>
    %exp3A_1098 = math.exp %slice3A_1072 : vector<128x1xf32>
    %mul3A_1099 = vector.broadcast %exp3A_1098 : vector<128x1xf32> to vector<128x64xf32>
    %mul3A_1100 = arith.mulf %dot_general3A_1097, %mul3A_1099 : vector<128x64xf32>
    %add3A_1101 = arith.addf %dot_general3A_1090, %mul3A_1100 : vector<128x64xf32>
    %slice3A_1102 = vector.extract_strided_slice %slice3A_1072 {offsets = [127, 0], sizes = [1, 1], strides = [1, 1]} : vector<128x1xf32> to vector<1x1xf32>
    %sub3A_1103 = vector.broadcast %slice3A_1102 : vector<1x1xf32> to vector<128x1xf32>
    %sub3A_1104 = arith.subf %sub3A_1103, %slice3A_1072 : vector<128x1xf32>
    %exp3A_1105 = math.exp %sub3A_1104 : vector<128x1xf32>
    %mul3A_1106 = arith.mulf %exp3A_1105, %slice3A_1074 : vector<128x1xf32>
    %mul3A_1107 = vector.broadcast %mul3A_1106 : vector<128x1xf32> to vector<128x64xf32>
    %mul3A_1108 = arith.mulf %get3A_1088, %mul3A_1107 : vector<128x64xf32>
    %dot_general3A_1109 = arith.constant dense<0.000000e+00> : vector<64x64xf32>
    %dot_general3A_1110 = tpu.matmul %mul3A_1108, %get3A_25, %dot_general3A_1109 {dimension_numbers = #tpu.dot_dimension_numbers<[0], [0], [1], [1], [0, 1, 1, 1], [], []>, precision = #tpu.contract_precision<fp32>, transpose_lhs_hint = false} : vector<128x64xf32>, vector<128x64xf32>, vector<64x64xf32> -> vector<64x64xf32>
    %exp3A_1111 = math.exp %slice3A_1102 : vector<1x1xf32>
    %mul3A_1112 = vector.broadcast %exp3A_1111 : vector<1x1xf32> to vector<64x64xf32>
    %mul3A_1113 = arith.mulf %get3A_1095, %mul3A_1112 : vector<64x64xf32>
    %add3A_1114 = arith.addf %mul3A_1113, %dot_general3A_1110 : vector<64x64xf32>
    %swap3A_1115 = arith.constant 18 : index
    %swap3A_1116 = arith.constant 0 : index
    %swap3A_1117 = arith.constant 0 : index
    %swap3A_1118 = vector.load %arg11[%swap3A_1115, %swap3A_1116, %swap3A_1117] : memref<24x64x64xf32, #tpu.memory_space<vmem>>, vector<1x64x64xf32>
    %swap3A_1119 = vector.shape_cast %swap3A_1118 : vector<1x64x64xf32> to vector<64x64xf32>
    %swap3A_1120 = vector.shape_cast %add3A_1114 : vector<64x64xf32> to vector<1x64x64xf32>
    tpu.vector_store %arg11[%swap3A_1115, %swap3A_1116, %swap3A_1117], %swap3A_1120 {strides = array<i32>} : memref<24x64x64xf32, #tpu.memory_space<vmem>>, vector<1x64x64xf32>,
    %get3A_1121 = arith.constant 0 : index
    %get3A_1122 = arith.constant 18 : index
    %get3A_1123 = vector.load %arg8[%get3A_1121, %get3A_1122] : memref<1x24xf32, #tpu.memory_space<vmem>>, vector<1x1xf32>
    %mul3A_1124 = vector.broadcast %get3A_1123 : vector<1x1xf32> to vector<128x64xf32>
    %mul3A_1125 = arith.mulf %get3A_1088, %mul3A_1124 : vector<128x64xf32>
    %add3A_1126 = arith.addf %add3A_1101, %mul3A_1125 : vector<128x64xf32>
    %swap3A_1127 = arith.constant 0 : index
    %swap3A_1128 = arith.constant 1152 : index
    %swap3A_1129 = vector.load %arg12[%swap3A_1127, %swap3A_1128] : memref<128x1536xf32, #tpu.memory_space<vmem>>, vector<128x64xf32>
    tpu.vector_store %arg12[%swap3A_1127, %swap3A_1128], %add3A_1126 {strides = array<i32>} : memref<128x1536xf32, #tpu.memory_space<vmem>>, vector<128x64xf32>,
    %slice3A_1130 = vector.extract_strided_slice %dot_general3A_22 {offsets = [0, 19], sizes = [128, 1], strides = [1, 1]} : vector<128x24xf32> to vector<128x1xf32>
    %transpose3A_1131 = tpu.transpose %slice3A_1130, [1, 0] : vector<128x1xf32> -> vector<1x128xf32>
    %slice3A_1132 = vector.extract_strided_slice %select_n3A {offsets = [0, 19], sizes = [128, 1], strides = [1, 1]} : vector<128x24xf32> to vector<128x1xf32>
    %transpose3A_1133 = tpu.transpose %slice3A_1132, [1, 0] : vector<128x1xf32> -> vector<1x128xf32>
    %sub3A_1134 = vector.broadcast %slice3A_1130 : vector<128x1xf32> to vector<128x128xf32>
    %sub3A_1135 = vector.broadcast %transpose3A_1131 : vector<1x128xf32> to vector<128x128xf32>
    %sub3A_1136 = arith.subf %sub3A_1134, %sub3A_1135 : vector<128x128xf32>
    %jit3A_1137 = arith.constant -1.000000e+30 : f32
    %broadcast_in_dim3A_1138 = vector.broadcast %jit3A_1137 : f32 to vector<128x128xf32>
    %select_n3A_1139 = arith.select %ge3A, %sub3A_1136, %broadcast_in_dim3A_1138 : vector<128x128xi1>, vector<128x128xf32>
    %exp3A_1140 = math.exp %select_n3A_1139 : vector<128x128xf32>
    %mul3A_1141 = vector.broadcast %transpose3A_1133 : vector<1x128xf32> to vector<128x128xf32>
    %mul3A_1142 = arith.mulf %exp3A_1140, %mul3A_1141 : vector<128x128xf32>
    %mul3A_1143 = arith.mulf %dot_general3A_32, %mul3A_1142 : vector<128x128xf32>
    %get3A_1144 = arith.constant 0 : index
    %get3A_1145 = arith.constant 1216 : index
    %get3A_1146 = vector.load %arg1[%get3A_1144, %get3A_1145] : memref<128x1536xf32, #tpu.memory_space<vmem>>, vector<128x64xf32>
    %dot_general3A_1147 = arith.constant dense<0.000000e+00> : vector<128x64xf32>
    %dot_general3A_1148 = tpu.matmul %mul3A_1143, %get3A_1146, %dot_general3A_1147 {dimension_numbers = #tpu.dot_dimension_numbers<[1], [0], [0], [1], [0, 0, 1, 1], [], []>, precision = #tpu.contract_precision<fp32>, transpose_lhs_hint = false} : vector<128x128xf32>, vector<128x64xf32>, vector<128x64xf32> -> vector<128x64xf32>
    %get3A_1149 = arith.constant 19 : index
    %get3A_1150 = arith.constant 0 : index
    %get3A_1151 = arith.constant 0 : index
    %get3A_1152 = vector.load %arg11[%get3A_1149, %get3A_1150, %get3A_1151] : memref<24x64x64xf32, #tpu.memory_space<vmem>>, vector<1x64x64xf32>
    %get3A_1153 = vector.shape_cast %get3A_1152 : vector<1x64x64xf32> to vector<64x64xf32>
    %dot_general3A_1154 = arith.constant dense<0.000000e+00> : vector<128x64xf32>
    %dot_general3A_1155 = tpu.matmul %convert_element_type3A_30, %get3A_1153, %dot_general3A_1154 {dimension_numbers = #tpu.dot_dimension_numbers<[1], [1], [0], [0], [0, 0, 1, 0], [], []>, precision = #tpu.contract_precision<fp32>, transpose_lhs_hint = false} : vector<128x64xf32>, vector<64x64xf32>, vector<128x64xf32> -> vector<128x64xf32>
    %exp3A_1156 = math.exp %slice3A_1130 : vector<128x1xf32>
    %mul3A_1157 = vector.broadcast %exp3A_1156 : vector<128x1xf32> to vector<128x64xf32>
    %mul3A_1158 = arith.mulf %dot_general3A_1155, %mul3A_1157 : vector<128x64xf32>
    %add3A_1159 = arith.addf %dot_general3A_1148, %mul3A_1158 : vector<128x64xf32>
    %slice3A_1160 = vector.extract_strided_slice %slice3A_1130 {offsets = [127, 0], sizes = [1, 1], strides = [1, 1]} : vector<128x1xf32> to vector<1x1xf32>
    %sub3A_1161 = vector.broadcast %slice3A_1160 : vector<1x1xf32> to vector<128x1xf32>
    %sub3A_1162 = arith.subf %sub3A_1161, %slice3A_1130 : vector<128x1xf32>
    %exp3A_1163 = math.exp %sub3A_1162 : vector<128x1xf32>
    %mul3A_1164 = arith.mulf %exp3A_1163, %slice3A_1132 : vector<128x1xf32>
    %mul3A_1165 = vector.broadcast %mul3A_1164 : vector<128x1xf32> to vector<128x64xf32>
    %mul3A_1166 = arith.mulf %get3A_1146, %mul3A_1165 : vector<128x64xf32>
    %dot_general3A_1167 = arith.constant dense<0.000000e+00> : vector<64x64xf32>
    %dot_general3A_1168 = tpu.matmul %mul3A_1166, %get3A_25, %dot_general3A_1167 {dimension_numbers = #tpu.dot_dimension_numbers<[0], [0], [1], [1], [0, 1, 1, 1], [], []>, precision = #tpu.contract_precision<fp32>, transpose_lhs_hint = false} : vector<128x64xf32>, vector<128x64xf32>, vector<64x64xf32> -> vector<64x64xf32>
    %exp3A_1169 = math.exp %slice3A_1160 : vector<1x1xf32>
    %mul3A_1170 = vector.broadcast %exp3A_1169 : vector<1x1xf32> to vector<64x64xf32>
    %mul3A_1171 = arith.mulf %get3A_1153, %mul3A_1170 : vector<64x64xf32>
    %add3A_1172 = arith.addf %mul3A_1171, %dot_general3A_1168 : vector<64x64xf32>
    %swap3A_1173 = arith.constant 19 : index
    %swap3A_1174 = arith.constant 0 : index
    %swap3A_1175 = arith.constant 0 : index
    %swap3A_1176 = vector.load %arg11[%swap3A_1173, %swap3A_1174, %swap3A_1175] : memref<24x64x64xf32, #tpu.memory_space<vmem>>, vector<1x64x64xf32>
    %swap3A_1177 = vector.shape_cast %swap3A_1176 : vector<1x64x64xf32> to vector<64x64xf32>
    %swap3A_1178 = vector.shape_cast %add3A_1172 : vector<64x64xf32> to vector<1x64x64xf32>
    tpu.vector_store %arg11[%swap3A_1173, %swap3A_1174, %swap3A_1175], %swap3A_1178 {strides = array<i32>} : memref<24x64x64xf32, #tpu.memory_space<vmem>>, vector<1x64x64xf32>,
    %get3A_1179 = arith.constant 0 : index
    %get3A_1180 = arith.constant 19 : index
    %get3A_1181 = vector.load %arg8[%get3A_1179, %get3A_1180] : memref<1x24xf32, #tpu.memory_space<vmem>>, vector<1x1xf32>
    %mul3A_1182 = vector.broadcast %get3A_1181 : vector<1x1xf32> to vector<128x64xf32>
    %mul3A_1183 = arith.mulf %get3A_1146, %mul3A_1182 : vector<128x64xf32>
    %add3A_1184 = arith.addf %add3A_1159, %mul3A_1183 : vector<128x64xf32>
    %swap3A_1185 = arith.constant 0 : index
    %swap3A_1186 = arith.constant 1216 : index
    %swap3A_1187 = vector.load %arg12[%swap3A_1185, %swap3A_1186] : memref<128x1536xf32, #tpu.memory_space<vmem>>, vector<128x64xf32>
    tpu.vector_store %arg12[%swap3A_1185, %swap3A_1186], %add3A_1184 {strides = array<i32>} : memref<128x1536xf32, #tpu.memory_space<vmem>>, vector<128x64xf32>,
    %slice3A_1188 = vector.extract_strided_slice %dot_general3A_22 {offsets = [0, 20], sizes = [128, 1], strides = [1, 1]} : vector<128x24xf32> to vector<128x1xf32>
    %transpose3A_1189 = tpu.transpose %slice3A_1188, [1, 0] : vector<128x1xf32> -> vector<1x128xf32>
    %slice3A_1190 = vector.extract_strided_slice %select_n3A {offsets = [0, 20], sizes = [128, 1], strides = [1, 1]} : vector<128x24xf32> to vector<128x1xf32>
    %transpose3A_1191 = tpu.transpose %slice3A_1190, [1, 0] : vector<128x1xf32> -> vector<1x128xf32>
    %sub3A_1192 = vector.broadcast %slice3A_1188 : vector<128x1xf32> to vector<128x128xf32>
    %sub3A_1193 = vector.broadcast %transpose3A_1189 : vector<1x128xf32> to vector<128x128xf32>
    %sub3A_1194 = arith.subf %sub3A_1192, %sub3A_1193 : vector<128x128xf32>
    %jit3A_1195 = arith.constant -1.000000e+30 : f32
    %broadcast_in_dim3A_1196 = vector.broadcast %jit3A_1195 : f32 to vector<128x128xf32>
    %select_n3A_1197 = arith.select %ge3A, %sub3A_1194, %broadcast_in_dim3A_1196 : vector<128x128xi1>, vector<128x128xf32>
    %exp3A_1198 = math.exp %select_n3A_1197 : vector<128x128xf32>
    %mul3A_1199 = vector.broadcast %transpose3A_1191 : vector<1x128xf32> to vector<128x128xf32>
    %mul3A_1200 = arith.mulf %exp3A_1198, %mul3A_1199 : vector<128x128xf32>
    %mul3A_1201 = arith.mulf %dot_general3A_32, %mul3A_1200 : vector<128x128xf32>
    %get3A_1202 = arith.constant 0 : index
    %get3A_1203 = arith.constant 1280 : index
    %get3A_1204 = vector.load %arg1[%get3A_1202, %get3A_1203] : memref<128x1536xf32, #tpu.memory_space<vmem>>, vector<128x64xf32>
    %dot_general3A_1205 = arith.constant dense<0.000000e+00> : vector<128x64xf32>
    %dot_general3A_1206 = tpu.matmul %mul3A_1201, %get3A_1204, %dot_general3A_1205 {dimension_numbers = #tpu.dot_dimension_numbers<[1], [0], [0], [1], [0, 0, 1, 1], [], []>, precision = #tpu.contract_precision<fp32>, transpose_lhs_hint = false} : vector<128x128xf32>, vector<128x64xf32>, vector<128x64xf32> -> vector<128x64xf32>
    %get3A_1207 = arith.constant 20 : index
    %get3A_1208 = arith.constant 0 : index
    %get3A_1209 = arith.constant 0 : index
    %get3A_1210 = vector.load %arg11[%get3A_1207, %get3A_1208, %get3A_1209] : memref<24x64x64xf32, #tpu.memory_space<vmem>>, vector<1x64x64xf32>
    %get3A_1211 = vector.shape_cast %get3A_1210 : vector<1x64x64xf32> to vector<64x64xf32>
    %dot_general3A_1212 = arith.constant dense<0.000000e+00> : vector<128x64xf32>
    %dot_general3A_1213 = tpu.matmul %convert_element_type3A_30, %get3A_1211, %dot_general3A_1212 {dimension_numbers = #tpu.dot_dimension_numbers<[1], [1], [0], [0], [0, 0, 1, 0], [], []>, precision = #tpu.contract_precision<fp32>, transpose_lhs_hint = false} : vector<128x64xf32>, vector<64x64xf32>, vector<128x64xf32> -> vector<128x64xf32>
    %exp3A_1214 = math.exp %slice3A_1188 : vector<128x1xf32>
    %mul3A_1215 = vector.broadcast %exp3A_1214 : vector<128x1xf32> to vector<128x64xf32>
    %mul3A_1216 = arith.mulf %dot_general3A_1213, %mul3A_1215 : vector<128x64xf32>
    %add3A_1217 = arith.addf %dot_general3A_1206, %mul3A_1216 : vector<128x64xf32>
    %slice3A_1218 = vector.extract_strided_slice %slice3A_1188 {offsets = [127, 0], sizes = [1, 1], strides = [1, 1]} : vector<128x1xf32> to vector<1x1xf32>
    %sub3A_1219 = vector.broadcast %slice3A_1218 : vector<1x1xf32> to vector<128x1xf32>
    %sub3A_1220 = arith.subf %sub3A_1219, %slice3A_1188 : vector<128x1xf32>
    %exp3A_1221 = math.exp %sub3A_1220 : vector<128x1xf32>
    %mul3A_1222 = arith.mulf %exp3A_1221, %slice3A_1190 : vector<128x1xf32>
    %mul3A_1223 = vector.broadcast %mul3A_1222 : vector<128x1xf32> to vector<128x64xf32>
    %mul3A_1224 = arith.mulf %get3A_1204, %mul3A_1223 : vector<128x64xf32>
    %dot_general3A_1225 = arith.constant dense<0.000000e+00> : vector<64x64xf32>
    %dot_general3A_1226 = tpu.matmul %mul3A_1224, %get3A_25, %dot_general3A_1225 {dimension_numbers = #tpu.dot_dimension_numbers<[0], [0], [1], [1], [0, 1, 1, 1], [], []>, precision = #tpu.contract_precision<fp32>, transpose_lhs_hint = false} : vector<128x64xf32>, vector<128x64xf32>, vector<64x64xf32> -> vector<64x64xf32>
    %exp3A_1227 = math.exp %slice3A_1218 : vector<1x1xf32>
    %mul3A_1228 = vector.broadcast %exp3A_1227 : vector<1x1xf32> to vector<64x64xf32>
    %mul3A_1229 = arith.mulf %get3A_1211, %mul3A_1228 : vector<64x64xf32>
    %add3A_1230 = arith.addf %mul3A_1229, %dot_general3A_1226 : vector<64x64xf32>
    %swap3A_1231 = arith.constant 20 : index
    %swap3A_1232 = arith.constant 0 : index
    %swap3A_1233 = arith.constant 0 : index
    %swap3A_1234 = vector.load %arg11[%swap3A_1231, %swap3A_1232, %swap3A_1233] : memref<24x64x64xf32, #tpu.memory_space<vmem>>, vector<1x64x64xf32>
    %swap3A_1235 = vector.shape_cast %swap3A_1234 : vector<1x64x64xf32> to vector<64x64xf32>
    %swap3A_1236 = vector.shape_cast %add3A_1230 : vector<64x64xf32> to vector<1x64x64xf32>
    tpu.vector_store %arg11[%swap3A_1231, %swap3A_1232, %swap3A_1233], %swap3A_1236 {strides = array<i32>} : memref<24x64x64xf32, #tpu.memory_space<vmem>>, vector<1x64x64xf32>,
    %get3A_1237 = arith.constant 0 : index
    %get3A_1238 = arith.constant 20 : index
    %get3A_1239 = vector.load %arg8[%get3A_1237, %get3A_1238] : memref<1x24xf32, #tpu.memory_space<vmem>>, vector<1x1xf32>
    %mul3A_1240 = vector.broadcast %get3A_1239 : vector<1x1xf32> to vector<128x64xf32>
    %mul3A_1241 = arith.mulf %get3A_1204, %mul3A_1240 : vector<128x64xf32>
    %add3A_1242 = arith.addf %add3A_1217, %mul3A_1241 : vector<128x64xf32>
    %swap3A_1243 = arith.constant 0 : index
    %swap3A_1244 = arith.constant 1280 : index
    %swap3A_1245 = vector.load %arg12[%swap3A_1243, %swap3A_1244] : memref<128x1536xf32, #tpu.memory_space<vmem>>, vector<128x64xf32>
    tpu.vector_store %arg12[%swap3A_1243, %swap3A_1244], %add3A_1242 {strides = array<i32>} : memref<128x1536xf32, #tpu.memory_space<vmem>>, vector<128x64xf32>,
    %slice3A_1246 = vector.extract_strided_slice %dot_general3A_22 {offsets = [0, 21], sizes = [128, 1], strides = [1, 1]} : vector<128x24xf32> to vector<128x1xf32>
    %transpose3A_1247 = tpu.transpose %slice3A_1246, [1, 0] : vector<128x1xf32> -> vector<1x128xf32>
    %slice3A_1248 = vector.extract_strided_slice %select_n3A {offsets = [0, 21], sizes = [128, 1], strides = [1, 1]} : vector<128x24xf32> to vector<128x1xf32>
    %transpose3A_1249 = tpu.transpose %slice3A_1248, [1, 0] : vector<128x1xf32> -> vector<1x128xf32>
    %sub3A_1250 = vector.broadcast %slice3A_1246 : vector<128x1xf32> to vector<128x128xf32>
    %sub3A_1251 = vector.broadcast %transpose3A_1247 : vector<1x128xf32> to vector<128x128xf32>
    %sub3A_1252 = arith.subf %sub3A_1250, %sub3A_1251 : vector<128x128xf32>
    %jit3A_1253 = arith.constant -1.000000e+30 : f32
    %broadcast_in_dim3A_1254 = vector.broadcast %jit3A_1253 : f32 to vector<128x128xf32>
    %select_n3A_1255 = arith.select %ge3A, %sub3A_1252, %broadcast_in_dim3A_1254 : vector<128x128xi1>, vector<128x128xf32>
    %exp3A_1256 = math.exp %select_n3A_1255 : vector<128x128xf32>
    %mul3A_1257 = vector.broadcast %transpose3A_1249 : vector<1x128xf32> to vector<128x128xf32>
    %mul3A_1258 = arith.mulf %exp3A_1256, %mul3A_1257 : vector<128x128xf32>
    %mul3A_1259 = arith.mulf %dot_general3A_32, %mul3A_1258 : vector<128x128xf32>
    %get3A_1260 = arith.constant 0 : index
    %get3A_1261 = arith.constant 1344 : index
    %get3A_1262 = vector.load %arg1[%get3A_1260, %get3A_1261] : memref<128x1536xf32, #tpu.memory_space<vmem>>, vector<128x64xf32>
    %dot_general3A_1263 = arith.constant dense<0.000000e+00> : vector<128x64xf32>
    %dot_general3A_1264 = tpu.matmul %mul3A_1259, %get3A_1262, %dot_general3A_1263 {dimension_numbers = #tpu.dot_dimension_numbers<[1], [0], [0], [1], [0, 0, 1, 1], [], []>, precision = #tpu.contract_precision<fp32>, transpose_lhs_hint = false} : vector<128x128xf32>, vector<128x64xf32>, vector<128x64xf32> -> vector<128x64xf32>
    %get3A_1265 = arith.constant 21 : index
    %get3A_1266 = arith.constant 0 : index
    %get3A_1267 = arith.constant 0 : index
    %get3A_1268 = vector.load %arg11[%get3A_1265, %get3A_1266, %get3A_1267] : memref<24x64x64xf32, #tpu.memory_space<vmem>>, vector<1x64x64xf32>
    %get3A_1269 = vector.shape_cast %get3A_1268 : vector<1x64x64xf32> to vector<64x64xf32>
    %dot_general3A_1270 = arith.constant dense<0.000000e+00> : vector<128x64xf32>
    %dot_general3A_1271 = tpu.matmul %convert_element_type3A_30, %get3A_1269, %dot_general3A_1270 {dimension_numbers = #tpu.dot_dimension_numbers<[1], [1], [0], [0], [0, 0, 1, 0], [], []>, precision = #tpu.contract_precision<fp32>, transpose_lhs_hint = false} : vector<128x64xf32>, vector<64x64xf32>, vector<128x64xf32> -> vector<128x64xf32>
    %exp3A_1272 = math.exp %slice3A_1246 : vector<128x1xf32>
    %mul3A_1273 = vector.broadcast %exp3A_1272 : vector<128x1xf32> to vector<128x64xf32>
    %mul3A_1274 = arith.mulf %dot_general3A_1271, %mul3A_1273 : vector<128x64xf32>
    %add3A_1275 = arith.addf %dot_general3A_1264, %mul3A_1274 : vector<128x64xf32>
    %slice3A_1276 = vector.extract_strided_slice %slice3A_1246 {offsets = [127, 0], sizes = [1, 1], strides = [1, 1]} : vector<128x1xf32> to vector<1x1xf32>
    %sub3A_1277 = vector.broadcast %slice3A_1276 : vector<1x1xf32> to vector<128x1xf32>
    %sub3A_1278 = arith.subf %sub3A_1277, %slice3A_1246 : vector<128x1xf32>
    %exp3A_1279 = math.exp %sub3A_1278 : vector<128x1xf32>
    %mul3A_1280 = arith.mulf %exp3A_1279, %slice3A_1248 : vector<128x1xf32>
    %mul3A_1281 = vector.broadcast %mul3A_1280 : vector<128x1xf32> to vector<128x64xf32>
    %mul3A_1282 = arith.mulf %get3A_1262, %mul3A_1281 : vector<128x64xf32>
    %dot_general3A_1283 = arith.constant dense<0.000000e+00> : vector<64x64xf32>
    %dot_general3A_1284 = tpu.matmul %mul3A_1282, %get3A_25, %dot_general3A_1283 {dimension_numbers = #tpu.dot_dimension_numbers<[0], [0], [1], [1], [0, 1, 1, 1], [], []>, precision = #tpu.contract_precision<fp32>, transpose_lhs_hint = false} : vector<128x64xf32>, vector<128x64xf32>, vector<64x64xf32> -> vector<64x64xf32>
    %exp3A_1285 = math.exp %slice3A_1276 : vector<1x1xf32>
    %mul3A_1286 = vector.broadcast %exp3A_1285 : vector<1x1xf32> to vector<64x64xf32>
    %mul3A_1287 = arith.mulf %get3A_1269, %mul3A_1286 : vector<64x64xf32>
    %add3A_1288 = arith.addf %mul3A_1287, %dot_general3A_1284 : vector<64x64xf32>
    %swap3A_1289 = arith.constant 21 : index
    %swap3A_1290 = arith.constant 0 : index
    %swap3A_1291 = arith.constant 0 : index
    %swap3A_1292 = vector.load %arg11[%swap3A_1289, %swap3A_1290, %swap3A_1291] : memref<24x64x64xf32, #tpu.memory_space<vmem>>, vector<1x64x64xf32>
    %swap3A_1293 = vector.shape_cast %swap3A_1292 : vector<1x64x64xf32> to vector<64x64xf32>
    %swap3A_1294 = vector.shape_cast %add3A_1288 : vector<64x64xf32> to vector<1x64x64xf32>
    tpu.vector_store %arg11[%swap3A_1289, %swap3A_1290, %swap3A_1291], %swap3A_1294 {strides = array<i32>} : memref<24x64x64xf32, #tpu.memory_space<vmem>>, vector<1x64x64xf32>,
    %get3A_1295 = arith.constant 0 : index
    %get3A_1296 = arith.constant 21 : index
    %get3A_1297 = vector.load %arg8[%get3A_1295, %get3A_1296] : memref<1x24xf32, #tpu.memory_space<vmem>>, vector<1x1xf32>
    %mul3A_1298 = vector.broadcast %get3A_1297 : vector<1x1xf32> to vector<128x64xf32>
    %mul3A_1299 = arith.mulf %get3A_1262, %mul3A_1298 : vector<128x64xf32>
    %add3A_1300 = arith.addf %add3A_1275, %mul3A_1299 : vector<128x64xf32>
    %swap3A_1301 = arith.constant 0 : index
    %swap3A_1302 = arith.constant 1344 : index
    %swap3A_1303 = vector.load %arg12[%swap3A_1301, %swap3A_1302] : memref<128x1536xf32, #tpu.memory_space<vmem>>, vector<128x64xf32>
    tpu.vector_store %arg12[%swap3A_1301, %swap3A_1302], %add3A_1300 {strides = array<i32>} : memref<128x1536xf32, #tpu.memory_space<vmem>>, vector<128x64xf32>,
    %slice3A_1304 = vector.extract_strided_slice %dot_general3A_22 {offsets = [0, 22], sizes = [128, 1], strides = [1, 1]} : vector<128x24xf32> to vector<128x1xf32>
    %transpose3A_1305 = tpu.transpose %slice3A_1304, [1, 0] : vector<128x1xf32> -> vector<1x128xf32>
    %slice3A_1306 = vector.extract_strided_slice %select_n3A {offsets = [0, 22], sizes = [128, 1], strides = [1, 1]} : vector<128x24xf32> to vector<128x1xf32>
    %transpose3A_1307 = tpu.transpose %slice3A_1306, [1, 0] : vector<128x1xf32> -> vector<1x128xf32>
    %sub3A_1308 = vector.broadcast %slice3A_1304 : vector<128x1xf32> to vector<128x128xf32>
    %sub3A_1309 = vector.broadcast %transpose3A_1305 : vector<1x128xf32> to vector<128x128xf32>
    %sub3A_1310 = arith.subf %sub3A_1308, %sub3A_1309 : vector<128x128xf32>
    %jit3A_1311 = arith.constant -1.000000e+30 : f32
    %broadcast_in_dim3A_1312 = vector.broadcast %jit3A_1311 : f32 to vector<128x128xf32>
    %select_n3A_1313 = arith.select %ge3A, %sub3A_1310, %broadcast_in_dim3A_1312 : vector<128x128xi1>, vector<128x128xf32>
    %exp3A_1314 = math.exp %select_n3A_1313 : vector<128x128xf32>
    %mul3A_1315 = vector.broadcast %transpose3A_1307 : vector<1x128xf32> to vector<128x128xf32>
    %mul3A_1316 = arith.mulf %exp3A_1314, %mul3A_1315 : vector<128x128xf32>
    %mul3A_1317 = arith.mulf %dot_general3A_32, %mul3A_1316 : vector<128x128xf32>
    %get3A_1318 = arith.constant 0 : index
    %get3A_1319 = arith.constant 1408 : index
    %get3A_1320 = vector.load %arg1[%get3A_1318, %get3A_1319] : memref<128x1536xf32, #tpu.memory_space<vmem>>, vector<128x64xf32>
    %dot_general3A_1321 = arith.constant dense<0.000000e+00> : vector<128x64xf32>
    %dot_general3A_1322 = tpu.matmul %mul3A_1317, %get3A_1320, %dot_general3A_1321 {dimension_numbers = #tpu.dot_dimension_numbers<[1], [0], [0], [1], [0, 0, 1, 1], [], []>, precision = #tpu.contract_precision<fp32>, transpose_lhs_hint = false} : vector<128x128xf32>, vector<128x64xf32>, vector<128x64xf32> -> vector<128x64xf32>
    %get3A_1323 = arith.constant 22 : index
    %get3A_1324 = arith.constant 0 : index
    %get3A_1325 = arith.constant 0 : index
    %get3A_1326 = vector.load %arg11[%get3A_1323, %get3A_1324, %get3A_1325] : memref<24x64x64xf32, #tpu.memory_space<vmem>>, vector<1x64x64xf32>
    %get3A_1327 = vector.shape_cast %get3A_1326 : vector<1x64x64xf32> to vector<64x64xf32>
    %dot_general3A_1328 = arith.constant dense<0.000000e+00> : vector<128x64xf32>
    %dot_general3A_1329 = tpu.matmul %convert_element_type3A_30, %get3A_1327, %dot_general3A_1328 {dimension_numbers = #tpu.dot_dimension_numbers<[1], [1], [0], [0], [0, 0, 1, 0], [], []>, precision = #tpu.contract_precision<fp32>, transpose_lhs_hint = false} : vector<128x64xf32>, vector<64x64xf32>, vector<128x64xf32> -> vector<128x64xf32>
    %exp3A_1330 = math.exp %slice3A_1304 : vector<128x1xf32>
    %mul3A_1331 = vector.broadcast %exp3A_1330 : vector<128x1xf32> to vector<128x64xf32>
    %mul3A_1332 = arith.mulf %dot_general3A_1329, %mul3A_1331 : vector<128x64xf32>
    %add3A_1333 = arith.addf %dot_general3A_1322, %mul3A_1332 : vector<128x64xf32>
    %slice3A_1334 = vector.extract_strided_slice %slice3A_1304 {offsets = [127, 0], sizes = [1, 1], strides = [1, 1]} : vector<128x1xf32> to vector<1x1xf32>
    %sub3A_1335 = vector.broadcast %slice3A_1334 : vector<1x1xf32> to vector<128x1xf32>
    %sub3A_1336 = arith.subf %sub3A_1335, %slice3A_1304 : vector<128x1xf32>
    %exp3A_1337 = math.exp %sub3A_1336 : vector<128x1xf32>
    %mul3A_1338 = arith.mulf %exp3A_1337, %slice3A_1306 : vector<128x1xf32>
    %mul3A_1339 = vector.broadcast %mul3A_1338 : vector<128x1xf32> to vector<128x64xf32>
    %mul3A_1340 = arith.mulf %get3A_1320, %mul3A_1339 : vector<128x64xf32>
    %dot_general3A_1341 = arith.constant dense<0.000000e+00> : vector<64x64xf32>
    %dot_general3A_1342 = tpu.matmul %mul3A_1340, %get3A_25, %dot_general3A_1341 {dimension_numbers = #tpu.dot_dimension_numbers<[0], [0], [1], [1], [0, 1, 1, 1], [], []>, precision = #tpu.contract_precision<fp32>, transpose_lhs_hint = false} : vector<128x64xf32>, vector<128x64xf32>, vector<64x64xf32> -> vector<64x64xf32>
    %exp3A_1343 = math.exp %slice3A_1334 : vector<1x1xf32>
    %mul3A_1344 = vector.broadcast %exp3A_1343 : vector<1x1xf32> to vector<64x64xf32>
    %mul3A_1345 = arith.mulf %get3A_1327, %mul3A_1344 : vector<64x64xf32>
    %add3A_1346 = arith.addf %mul3A_1345, %dot_general3A_1342 : vector<64x64xf32>
    %swap3A_1347 = arith.constant 22 : index
    %swap3A_1348 = arith.constant 0 : index
    %swap3A_1349 = arith.constant 0 : index
    %swap3A_1350 = vector.load %arg11[%swap3A_1347, %swap3A_1348, %swap3A_1349] : memref<24x64x64xf32, #tpu.memory_space<vmem>>, vector<1x64x64xf32>
    %swap3A_1351 = vector.shape_cast %swap3A_1350 : vector<1x64x64xf32> to vector<64x64xf32>
    %swap3A_1352 = vector.shape_cast %add3A_1346 : vector<64x64xf32> to vector<1x64x64xf32>
    tpu.vector_store %arg11[%swap3A_1347, %swap3A_1348, %swap3A_1349], %swap3A_1352 {strides = array<i32>} : memref<24x64x64xf32, #tpu.memory_space<vmem>>, vector<1x64x64xf32>,
    %get3A_1353 = arith.constant 0 : index
    %get3A_1354 = arith.constant 22 : index
    %get3A_1355 = vector.load %arg8[%get3A_1353, %get3A_1354] : memref<1x24xf32, #tpu.memory_space<vmem>>, vector<1x1xf32>
    %mul3A_1356 = vector.broadcast %get3A_1355 : vector<1x1xf32> to vector<128x64xf32>
    %mul3A_1357 = arith.mulf %get3A_1320, %mul3A_1356 : vector<128x64xf32>
    %add3A_1358 = arith.addf %add3A_1333, %mul3A_1357 : vector<128x64xf32>
    %swap3A_1359 = arith.constant 0 : index
    %swap3A_1360 = arith.constant 1408 : index
    %swap3A_1361 = vector.load %arg12[%swap3A_1359, %swap3A_1360] : memref<128x1536xf32, #tpu.memory_space<vmem>>, vector<128x64xf32>
    tpu.vector_store %arg12[%swap3A_1359, %swap3A_1360], %add3A_1358 {strides = array<i32>} : memref<128x1536xf32, #tpu.memory_space<vmem>>, vector<128x64xf32>,
    %slice3A_1362 = vector.extract_strided_slice %dot_general3A_22 {offsets = [0, 23], sizes = [128, 1], strides = [1, 1]} : vector<128x24xf32> to vector<128x1xf32>
    %transpose3A_1363 = tpu.transpose %slice3A_1362, [1, 0] : vector<128x1xf32> -> vector<1x128xf32>
    %slice3A_1364 = vector.extract_strided_slice %select_n3A {offsets = [0, 23], sizes = [128, 1], strides = [1, 1]} : vector<128x24xf32> to vector<128x1xf32>
    %transpose3A_1365 = tpu.transpose %slice3A_1364, [1, 0] : vector<128x1xf32> -> vector<1x128xf32>
    %sub3A_1366 = vector.broadcast %slice3A_1362 : vector<128x1xf32> to vector<128x128xf32>
    %sub3A_1367 = vector.broadcast %transpose3A_1363 : vector<1x128xf32> to vector<128x128xf32>
    %sub3A_1368 = arith.subf %sub3A_1366, %sub3A_1367 : vector<128x128xf32>
    %jit3A_1369 = arith.constant -1.000000e+30 : f32
    %broadcast_in_dim3A_1370 = vector.broadcast %jit3A_1369 : f32 to vector<128x128xf32>
    %select_n3A_1371 = arith.select %ge3A, %sub3A_1368, %broadcast_in_dim3A_1370 : vector<128x128xi1>, vector<128x128xf32>
    %exp3A_1372 = math.exp %select_n3A_1371 : vector<128x128xf32>
    %mul3A_1373 = vector.broadcast %transpose3A_1365 : vector<1x128xf32> to vector<128x128xf32>
    %mul3A_1374 = arith.mulf %exp3A_1372, %mul3A_1373 : vector<128x128xf32>
    %mul3A_1375 = arith.mulf %dot_general3A_32, %mul3A_1374 : vector<128x128xf32>
    %get3A_1376 = arith.constant 0 : index
    %get3A_1377 = arith.constant 1472 : index
    %get3A_1378 = vector.load %arg1[%get3A_1376, %get3A_1377] : memref<128x1536xf32, #tpu.memory_space<vmem>>, vector<128x64xf32>
    %dot_general3A_1379 = arith.constant dense<0.000000e+00> : vector<128x64xf32>
    %dot_general3A_1380 = tpu.matmul %mul3A_1375, %get3A_1378, %dot_general3A_1379 {dimension_numbers = #tpu.dot_dimension_numbers<[1], [0], [0], [1], [0, 0, 1, 1], [], []>, precision = #tpu.contract_precision<fp32>, transpose_lhs_hint = false} : vector<128x128xf32>, vector<128x64xf32>, vector<128x64xf32> -> vector<128x64xf32>
    %get3A_1381 = arith.constant 23 : index
    %get3A_1382 = arith.constant 0 : index
    %get3A_1383 = arith.constant 0 : index
    %get3A_1384 = vector.load %arg11[%get3A_1381, %get3A_1382, %get3A_1383] : memref<24x64x64xf32, #tpu.memory_space<vmem>>, vector<1x64x64xf32>
    %get3A_1385 = vector.shape_cast %get3A_1384 : vector<1x64x64xf32> to vector<64x64xf32>
    %dot_general3A_1386 = arith.constant dense<0.000000e+00> : vector<128x64xf32>
    %dot_general3A_1387 = tpu.matmul %convert_element_type3A_30, %get3A_1385, %dot_general3A_1386 {dimension_numbers = #tpu.dot_dimension_numbers<[1], [1], [0], [0], [0, 0, 1, 0], [], []>, precision = #tpu.contract_precision<fp32>, transpose_lhs_hint = false} : vector<128x64xf32>, vector<64x64xf32>, vector<128x64xf32> -> vector<128x64xf32>
    %exp3A_1388 = math.exp %slice3A_1362 : vector<128x1xf32>
    %mul3A_1389 = vector.broadcast %exp3A_1388 : vector<128x1xf32> to vector<128x64xf32>
    %mul3A_1390 = arith.mulf %dot_general3A_1387, %mul3A_1389 : vector<128x64xf32>
    %add3A_1391 = arith.addf %dot_general3A_1380, %mul3A_1390 : vector<128x64xf32>
    %slice3A_1392 = vector.extract_strided_slice %slice3A_1362 {offsets = [127, 0], sizes = [1, 1], strides = [1, 1]} : vector<128x1xf32> to vector<1x1xf32>
    %sub3A_1393 = vector.broadcast %slice3A_1392 : vector<1x1xf32> to vector<128x1xf32>
    %sub3A_1394 = arith.subf %sub3A_1393, %slice3A_1362 : vector<128x1xf32>
    %exp3A_1395 = math.exp %sub3A_1394 : vector<128x1xf32>
    %mul3A_1396 = arith.mulf %exp3A_1395, %slice3A_1364 : vector<128x1xf32>
    %mul3A_1397 = vector.broadcast %mul3A_1396 : vector<128x1xf32> to vector<128x64xf32>
    %mul3A_1398 = arith.mulf %get3A_1378, %mul3A_1397 : vector<128x64xf32>
    %dot_general3A_1399 = arith.constant dense<0.000000e+00> : vector<64x64xf32>
    %dot_general3A_1400 = tpu.matmul %mul3A_1398, %get3A_25, %dot_general3A_1399 {dimension_numbers = #tpu.dot_dimension_numbers<[0], [0], [1], [1], [0, 1, 1, 1], [], []>, precision = #tpu.contract_precision<fp32>, transpose_lhs_hint = false} : vector<128x64xf32>, vector<128x64xf32>, vector<64x64xf32> -> vector<64x64xf32>
    %exp3A_1401 = math.exp %slice3A_1392 : vector<1x1xf32>
    %mul3A_1402 = vector.broadcast %exp3A_1401 : vector<1x1xf32> to vector<64x64xf32>
    %mul3A_1403 = arith.mulf %get3A_1385, %mul3A_1402 : vector<64x64xf32>
    %add3A_1404 = arith.addf %mul3A_1403, %dot_general3A_1400 : vector<64x64xf32>
    %swap3A_1405 = arith.constant 23 : index
    %swap3A_1406 = arith.constant 0 : index
    %swap3A_1407 = arith.constant 0 : index
    %swap3A_1408 = vector.load %arg11[%swap3A_1405, %swap3A_1406, %swap3A_1407] : memref<24x64x64xf32, #tpu.memory_space<vmem>>, vector<1x64x64xf32>
    %swap3A_1409 = vector.shape_cast %swap3A_1408 : vector<1x64x64xf32> to vector<64x64xf32>
    %swap3A_1410 = vector.shape_cast %add3A_1404 : vector<64x64xf32> to vector<1x64x64xf32>
    tpu.vector_store %arg11[%swap3A_1405, %swap3A_1406, %swap3A_1407], %swap3A_1410 {strides = array<i32>} : memref<24x64x64xf32, #tpu.memory_space<vmem>>, vector<1x64x64xf32>,
    %get3A_1411 = arith.constant 0 : index
    %get3A_1412 = arith.constant 23 : index
    %get3A_1413 = vector.load %arg8[%get3A_1411, %get3A_1412] : memref<1x24xf32, #tpu.memory_space<vmem>>, vector<1x1xf32>
    %mul3A_1414 = vector.broadcast %get3A_1413 : vector<1x1xf32> to vector<128x64xf32>
    %mul3A_1415 = arith.mulf %get3A_1378, %mul3A_1414 : vector<128x64xf32>
    %add3A_1416 = arith.addf %add3A_1391, %mul3A_1415 : vector<128x64xf32>
    %swap3A_1417 = arith.constant 0 : index
    %swap3A_1418 = arith.constant 1472 : index
    %swap3A_1419 = vector.load %arg12[%swap3A_1417, %swap3A_1418] : memref<128x1536xf32, #tpu.memory_space<vmem>>, vector<128x64xf32>
    tpu.vector_store %arg12[%swap3A_1417, %swap3A_1418], %add3A_1416 {strides = array<i32>} : memref<128x1536xf32, #tpu.memory_space<vmem>>, vector<128x64xf32>,
    %get3A_1420 = arith.constant 0 : index
    %get3A_1421 = arith.constant 0 : index
    %get3A_1422 = vector.load %arg12[%get3A_1420, %get3A_1421] : memref<128x1536xf32, #tpu.memory_space<vmem>>, vector<128x1536xf32>
    %get3A_1423 = arith.constant 0 : index
    %get3A_1424 = arith.constant 0 : index
    %get3A_1425 = vector.load %arg5[%get3A_1423, %get3A_1424] : memref<128x1536xf32, #tpu.memory_space<vmem>>, vector<128x1536xf32>
    %logistic3A = arith.negf %get3A_1425 : vector<128x1536xf32>
    %logistic3A_1426 = math.exp %logistic3A : vector<128x1536xf32>
    %logistic3A_1427 = arith.constant 1.000000e+00 : f32
    %logistic3A_1428 = vector.broadcast %logistic3A_1427 : f32 to vector<128x1536xf32>
    %logistic3A_1429 = arith.addf %logistic3A_1428, %logistic3A_1426 : vector<128x1536xf32>
    %logistic3A_1430 = arith.divf %logistic3A_1428, %logistic3A_1429 : vector<128x1536xf32>
    %mul3A_1431 = arith.mulf %get3A_1425, %logistic3A_1430 : vector<128x1536xf32>
    %mul3A_1432 = arith.mulf %get3A_1422, %mul3A_1431 : vector<128x1536xf32>
    %mul3A_1433 = arith.mulf %mul3A_1432, %mul3A_1432 : vector<128x1536xf32>
    %reduce_sum3A = arith.constant dense<0.000000e+00> : vector<128xf32>
    %reduce_sum3A_1434 = vector.multi_reduction <add>, %mul3A_1433, %reduce_sum3A [1] : vector<128x1536xf32> to vector<128xf32>
    %broadcast_in_dim3A_1435 = vector.shape_cast %reduce_sum3A_1434 : vector<128xf32> to vector<128x1xf32>
    %div3A = arith.constant 1.536000e+03 : f32
    %div3A_1436 = vector.broadcast %div3A : f32 to vector<128x1xf32>
    %div3A_1437 = arith.divf %broadcast_in_dim3A_1435, %div3A_1436 : vector<128x1xf32>
    %add3A_1438 = arith.constant 1.1920929E-7 : f32
    %add3A_1439 = vector.broadcast %add3A_1438 : f32 to vector<128x1xf32>
    %add3A_1440 = arith.addf %div3A_1437, %add3A_1439 : vector<128x1xf32>
    %rsqrt3A = math.rsqrt %add3A_1440 : vector<128x1xf32>
    %mul3A_1441 = vector.broadcast %rsqrt3A : vector<128x1xf32> to vector<128x1536xf32>
    %mul3A_1442 = arith.mulf %mul3A_1432, %mul3A_1441 : vector<128x1536xf32>
    %get3A_1443 = arith.constant 0 : index
    %get3A_1444 = arith.constant 0 : index
    %get3A_1445 = vector.load %arg9[%get3A_1443, %get3A_1444] : memref<1x1536xf32, #tpu.memory_space<vmem>>, vector<1x1536xf32>
    %mul3A_1446 = vector.broadcast %get3A_1445 : vector<1x1536xf32> to vector<128x1536xf32>
    %mul3A_1447 = arith.mulf %mul3A_1442, %mul3A_1446 : vector<128x1536xf32>
    %swap3A_1448 = arith.constant 0 : index
    %swap3A_1449 = arith.constant 0 : index
    %swap3A_1450 = vector.load %arg10[%swap3A_1448, %swap3A_1449] : memref<128x1536xf32, #tpu.memory_space<vmem>>, vector<128x1536xf32>
    tpu.vector_store %arg10[%swap3A_1448, %swap3A_1449], %mul3A_1447 {strides = array<i32>} : memref<128x1536xf32, #tpu.memory_space<vmem>>, vector<128x1536xf32>,
    return
  }
  func.func @transform_0(%arg0: i32) -> (i32, i32) {
    %c0_i32 = arith.constant 0 : i32
    %c0_i32_0 = arith.constant 0 : i32
    return %arg0, %c0_i32 : i32, i32
  }
  func.func @transform_1(%arg0: i32) -> (i32, i32) {
    %c0_i32 = arith.constant 0 : i32
    %c0_i32_0 = arith.constant 0 : i32
    return %arg0, %c0_i32 : i32, i32
  }
  func.func @transform_2(%arg0: i32) -> (i32, i32) {
    %c0_i32 = arith.constant 0 : i32
    %c0_i32_0 = arith.constant 0 : i32
    return %arg0, %c0_i32 : i32, i32
  }
  func.func @transform_3(%arg0: i32) -> (i32, i32) {
    %c0_i32 = arith.constant 0 : i32
    %c0_i32_0 = arith.constant 0 : i32
    return %arg0, %c0_i32 : i32, i32
  }
  func.func @transform_4(%arg0: i32) -> (i32, i32) {
    %c0_i32 = arith.constant 0 : i32
    %c0_i32_0 = arith.constant 0 : i32
    return %arg0, %c0_i32 : i32, i32
  }
  func.func @transform_5(%arg0: i32) -> (i32, i32) {
    %c0_i32 = arith.constant 0 : i32
    %c0_i32_0 = arith.constant 0 : i32
    %c0_i32_1 = arith.constant 0 : i32
    return %c0_i32, %c0_i32_0 : i32, i32
  }
  func.func @transform_6(%arg0: i32) -> (i32, i32) {
    %c0_i32 = arith.constant 0 : i32
    %c0_i32_0 = arith.constant 0 : i32
    %c0_i32_1 = arith.constant 0 : i32
    return %c0_i32, %c0_i32_0 : i32, i32
  }
  func.func @transform_7(%arg0: i32) -> (i32, i32) {
    %c0_i32 = arith.constant 0 : i32
    %c0_i32_0 = arith.constant 0 : i32
    %c0_i32_1 = arith.constant 0 : i32
    return %c0_i32, %c0_i32_0 : i32, i32
  }
  func.func @transform_8(%arg0: i32) -> (i32, i32) {
    %c0_i32 = arith.constant 0 : i32
    %c0_i32_0 = arith.constant 0 : i32
    %c0_i32_1 = arith.constant 0 : i32
    return %c0_i32, %c0_i32_0 : i32, i32
  }
  func.func @transform_9(%arg0: i32) -> (i32, i32) {
    %c0_i32 = arith.constant 0 : i32
    %c0_i32_0 = arith.constant 0 : i32
    return %arg0, %c0_i32 : i32, i32
  }
}

module attributes {stable_mosaic.version = 14 : i64} {
  func.func @body(%arg0: i32, %arg1: memref<256x768xf32, #tpu.memory_space<vmem>>, %arg2: memref<128x768xf32, #tpu.memory_space<vmem>>, %arg3: memref<1x768xf32, #tpu.memory_space<vmem>>, %arg4: memref<256x2xi32, #tpu.memory_space<vmem>>, %arg5: memref<256x2xf32, #tpu.memory_space<vmem>>) attributes {dimension_semantics = [#tpu.dimension_semantics<arbitrary>], iteration_bounds = array<i64: 8>, scalar_prefetch = 0 : i64, scratch_operands = 0 : i64, tpu.core_type = #tpu.core_type<tc>, window_params = [{transform_indices = @transform_0, window_bounds = array<i64: 256, 768>}, {pipeline_mode = #tpu.pipeline_mode<synchronous>, transform_indices = @transform_1, window_bounds = array<i64: 128, 768>}, {pipeline_mode = #tpu.pipeline_mode<synchronous>, transform_indices = @transform_2, window_bounds = array<i64: 1, 768>}, {transform_indices = @transform_3, window_bounds = array<i64: 256, 2>}, {transform_indices = @transform_4, window_bounds = array<i64: 256, 2>}]} {
    %get3A = arith.constant 0 : index
    %get3A_0 = arith.constant 0 : index
    %get3A_1 = vector.load %arg1[%get3A, %get3A_0] : memref<256x768xf32, #tpu.memory_space<vmem>>, vector<256x768xf32>
    %mul3A = arith.mulf %get3A_1, %get3A_1 : vector<256x768xf32>
    %reduce_sum3A = arith.constant dense<0.000000e+00> : vector<256xf32>
    %reduce_sum3A_2 = vector.multi_reduction <add>, %mul3A, %reduce_sum3A [1] : vector<256x768xf32> to vector<256xf32>
    %broadcast_in_dim3A = vector.shape_cast %reduce_sum3A_2 : vector<256xf32> to vector<256x1xf32>
    %div3A = arith.constant 7.680000e+02 : f32
    %div3A_3 = vector.broadcast %div3A : f32 to vector<256x1xf32>
    %div3A_4 = arith.divf %broadcast_in_dim3A, %div3A_3 : vector<256x1xf32>
    %add3A = arith.constant 1.1920929E-7 : f32
    %add3A_5 = vector.broadcast %add3A : f32 to vector<256x1xf32>
    %add3A_6 = arith.addf %div3A_4, %add3A_5 : vector<256x1xf32>
    %rsqrt3A = math.rsqrt %add3A_6 : vector<256x1xf32>
    %mul3A_7 = vector.broadcast %rsqrt3A : vector<256x1xf32> to vector<256x768xf32>
    %mul3A_8 = arith.mulf %get3A_1, %mul3A_7 : vector<256x768xf32>
    %get3A_9 = arith.constant 0 : index
    %get3A_10 = arith.constant 0 : index
    %get3A_11 = vector.load %arg3[%get3A_9, %get3A_10] : memref<1x768xf32, #tpu.memory_space<vmem>>, vector<1x768xf32>
    %mul3A_12 = vector.broadcast %get3A_11 : vector<1x768xf32> to vector<256x768xf32>
    %mul3A_13 = arith.mulf %mul3A_8, %mul3A_12 : vector<256x768xf32>
    %get3A_14 = arith.constant 0 : index
    %get3A_15 = arith.constant 0 : index
    %get3A_16 = vector.load %arg2[%get3A_14, %get3A_15] : memref<128x768xf32, #tpu.memory_space<vmem>>, vector<128x768xf32>
    %dot_general3A = arith.constant dense<0.000000e+00> : vector<256x128xf32>
    %dot_general3A_17 = tpu.matmul %mul3A_13, %get3A_16, %dot_general3A {dimension_numbers = #tpu.dot_dimension_numbers<[1], [1], [0], [0], [0, 0, 1, 0], [], []>, transpose_lhs_hint = false} : vector<256x768xf32>, vector<128x768xf32>, vector<256x128xf32> -> vector<256x128xf32>
    %iota3A = tpu.iota {dimensions = array<i32: 1>} : vector<256x128xi32>
    %lt3A = arith.constant 8 : i32
    %lt3A_18 = vector.broadcast %lt3A : i32 to vector<256x128xi32>
    %lt3A_19 = arith.cmpi slt, %iota3A, %lt3A_18 : vector<256x128xi32>
    %jit3A = arith.constant -1.000000e+30 : f32
    %broadcast_in_dim3A_20 = vector.broadcast %jit3A : f32 to vector<256x128xf32>
    %select_n3A = arith.select %lt3A_19, %dot_general3A_17, %broadcast_in_dim3A_20 : vector<256x128xi1>, vector<256x128xf32>
    %reduce_max3A = arith.constant dense<0xFF800000> : vector<256xf32>
    %reduce_max3A_21 = vector.multi_reduction <maximumf>, %select_n3A, %reduce_max3A [1] : vector<256x128xf32> to vector<256xf32>
    %broadcast_in_dim3A_22 = vector.shape_cast %reduce_max3A_21 : vector<256xf32> to vector<256x1xf32>
    %eq3A = vector.broadcast %broadcast_in_dim3A_22 : vector<256x1xf32> to vector<256x128xf32>
    %eq3A_23 = arith.cmpf oeq, %select_n3A, %eq3A : vector<256x128xf32>
    %jit3A_24 = arith.constant 128 : i32
    %broadcast_in_dim3A_25 = vector.broadcast %jit3A_24 : i32 to vector<256x128xi32>
    %select_n3A_26 = arith.select %eq3A_23, %iota3A, %broadcast_in_dim3A_25 : vector<256x128xi1>, vector<256x128xi32>
    %reduce_min3A = arith.constant dense<2147483647> : vector<256xi32>
    %reduce_min3A_27 = vector.multi_reduction <minsi>, %select_n3A_26, %reduce_min3A [1] : vector<256x128xi32> to vector<256xi32>
    %broadcast_in_dim3A_28 = vector.shape_cast %reduce_min3A_27 : vector<256xi32> to vector<256x1xi32>
    %eq3A_29 = vector.broadcast %broadcast_in_dim3A_28 : vector<256x1xi32> to vector<256x128xi32>
    %eq3A_30 = arith.cmpi eq, %iota3A, %eq3A_29 : vector<256x128xi32>
    %jit3A_31 = arith.constant -1.000000e+30 : f32
    %broadcast_in_dim3A_32 = vector.broadcast %jit3A_31 : f32 to vector<256x128xf32>
    %select_n3A_33 = arith.select %eq3A_30, %broadcast_in_dim3A_32, %select_n3A : vector<256x128xi1>, vector<256x128xf32>
    %reduce_max3A_34 = arith.constant dense<0xFF800000> : vector<256xf32>
    %reduce_max3A_35 = vector.multi_reduction <maximumf>, %select_n3A_33, %reduce_max3A_34 [1] : vector<256x128xf32> to vector<256xf32>
    %broadcast_in_dim3A_36 = vector.shape_cast %reduce_max3A_35 : vector<256xf32> to vector<256x1xf32>
    %eq3A_37 = vector.broadcast %broadcast_in_dim3A_36 : vector<256x1xf32> to vector<256x128xf32>
    %eq3A_38 = arith.cmpf oeq, %select_n3A_33, %eq3A_37 : vector<256x128xf32>
    %jit3A_39 = arith.constant 128 : i32
    %broadcast_in_dim3A_40 = vector.broadcast %jit3A_39 : i32 to vector<256x128xi32>
    %select_n3A_41 = arith.select %eq3A_38, %iota3A, %broadcast_in_dim3A_40 : vector<256x128xi1>, vector<256x128xi32>
    %reduce_min3A_42 = arith.constant dense<2147483647> : vector<256xi32>
    %reduce_min3A_43 = vector.multi_reduction <minsi>, %select_n3A_41, %reduce_min3A_42 [1] : vector<256x128xi32> to vector<256xi32>
    %broadcast_in_dim3A_44 = vector.shape_cast %reduce_min3A_43 : vector<256xi32> to vector<256x1xi32>
    %sub3A = arith.subf %broadcast_in_dim3A_22, %broadcast_in_dim3A_36 : vector<256x1xf32>
    %logistic3A = arith.negf %sub3A : vector<256x1xf32>
    %logistic3A_45 = math.exp %logistic3A : vector<256x1xf32>
    %logistic3A_46 = arith.constant 1.000000e+00 : f32
    %logistic3A_47 = vector.broadcast %logistic3A_46 : f32 to vector<256x1xf32>
    %logistic3A_48 = arith.addf %logistic3A_47, %logistic3A_45 : vector<256x1xf32>
    %logistic3A_49 = arith.divf %logistic3A_47, %logistic3A_48 : vector<256x1xf32>
    %concatenate3A = tpu.concatenate %broadcast_in_dim3A_28, %broadcast_in_dim3A_44 in 1 : vector<256x1xi32>, vector<256x1xi32> -> vector<256x2xi32>
    %swap3A = arith.constant 0 : index
    %swap3A_50 = arith.constant 0 : index
    %swap3A_51 = vector.load %arg4[%swap3A, %swap3A_50] : memref<256x2xi32, #tpu.memory_space<vmem>>, vector<256x2xi32>
    tpu.vector_store %arg4[%swap3A, %swap3A_50], %concatenate3A {strides = array<i32>} : memref<256x2xi32, #tpu.memory_space<vmem>>, vector<256x2xi32>,
    %sub3A_52 = arith.constant 1.000000e+00 : f32
    %sub3A_53 = vector.broadcast %sub3A_52 : f32 to vector<256x1xf32>
    %sub3A_54 = arith.subf %sub3A_53, %logistic3A_49 : vector<256x1xf32>
    %concatenate3A_55 = tpu.concatenate %logistic3A_49, %sub3A_54 in 1 : vector<256x1xf32>, vector<256x1xf32> -> vector<256x2xf32>
    %swap3A_56 = arith.constant 0 : index
    %swap3A_57 = arith.constant 0 : index
    %swap3A_58 = vector.load %arg5[%swap3A_56, %swap3A_57] : memref<256x2xf32, #tpu.memory_space<vmem>>, vector<256x2xf32>
    tpu.vector_store %arg5[%swap3A_56, %swap3A_57], %concatenate3A_55 {strides = array<i32>} : memref<256x2xf32, #tpu.memory_space<vmem>>, vector<256x2xf32>,
    return
  }
  func.func @transform_0(%arg0: i32) -> (i32, i32) {
    %c0_i32 = arith.constant 0 : i32
    %c0_i32_0 = arith.constant 0 : i32
    return %arg0, %c0_i32 : i32, i32
  }
  func.func @transform_1(%arg0: i32) -> (i32, i32) {
    %c0_i32 = arith.constant 0 : i32
    %c0_i32_0 = arith.constant 0 : i32
    %c0_i32_1 = arith.constant 0 : i32
    return %c0_i32, %c0_i32_0 : i32, i32
  }
  func.func @transform_2(%arg0: i32) -> (i32, i32) {
    %c0_i32 = arith.constant 0 : i32
    %c0_i32_0 = arith.constant 0 : i32
    %c0_i32_1 = arith.constant 0 : i32
    return %c0_i32, %c0_i32_0 : i32, i32
  }
  func.func @transform_3(%arg0: i32) -> (i32, i32) {
    %c0_i32 = arith.constant 0 : i32
    %c0_i32_0 = arith.constant 0 : i32
    return %arg0, %c0_i32 : i32, i32
  }
  func.func @transform_4(%arg0: i32) -> (i32, i32) {
    %c0_i32 = arith.constant 0 : i32
    %c0_i32_0 = arith.constant 0 : i32
    return %arg0, %c0_i32 : i32, i32
  }
}

module attributes {stable_mosaic.version = 14 : i64} {
  func.func @body(%arg0: i32, %arg1: memref<40xi32, #tpu.memory_space<smem>>, %arg2: memref<5120xi32, #tpu.memory_space<smem>>, %arg3: memref<2048x768xf32, #tpu.memory_space<vmem>>, %arg4: memref<1x3072x768xf32, #tpu.memory_space<vmem>>, %arg5: memref<1x1x3072xf32, #tpu.memory_space<vmem>>, %arg6: memref<1x768xf32, #tpu.memory_space<vmem>>, %arg7: memref<128x3072xbf16, #tpu.memory_space<vmem>>, %arg8: memref<128x768xf32, #tpu.memory_space<vmem>>) attributes {dimension_semantics = [#tpu.dimension_semantics<arbitrary>], iteration_bounds = array<i64: 40>, scalar_prefetch = 2 : i64, scratch_operands = 1 : i64, tpu.core_type = #tpu.core_type<tc>, window_params = [{pipeline_mode = #tpu.pipeline_mode<synchronous>, transform_indices = @transform_0, window_bounds = array<i64: 2048, 768>}, {transform_indices = @transform_1, window_bounds = array<i64: 1, 3072, 768>}, {transform_indices = @transform_2, window_bounds = array<i64: 1, 1, 3072>}, {pipeline_mode = #tpu.pipeline_mode<synchronous>, transform_indices = @transform_3, window_bounds = array<i64: 1, 768>}, {transform_indices = @transform_4, window_bounds = array<i64: 128, 3072>}]} {
    %scan3A = arith.constant 0 : i32
    %scan3A_0 = arith.constant 128 : i32
    %scan3A_1 = arith.addi %scan3A, %scan3A_0 : i32
    %scan3A_2 = arith.constant 8 : i32
    scf.for %scan3A_45 = %scan3A to %scan3A_1 step %scan3A_2  : i32 {
      %mul3A_46 = arith.constant 128 : i32
      %mul3A_47 = arith.muli %arg0, %mul3A_46 : i32
      %add3A_48 = arith.addi %mul3A_47, %scan3A_45 : i32
      %get3A_49 = arith.index_cast %add3A_48 : i32 to index
      %get3A_50 = memref.load %arg2[%get3A_49] : memref<5120xi32, #tpu.memory_space<smem>>
      %get3A_51 = arith.index_cast %get3A_50 : i32 to index
      %get3A_52 = arith.constant 0 : index
      %get3A_53 = vector.load %arg3[%get3A_51, %get3A_52] : memref<2048x768xf32, #tpu.memory_space<vmem>>, vector<1x768xf32>
      %swap3A_54 = arith.index_cast %scan3A_45 : i32 to index
      %swap3A_55 = arith.constant 0 : index
      %swap3A_56 = vector.load %arg8[%swap3A_54, %swap3A_55] : memref<128x768xf32, #tpu.memory_space<vmem>>, vector<1x768xf32>
      tpu.vector_store %arg8[%swap3A_54, %swap3A_55], %get3A_53 {strides = array<i32>} : memref<128x768xf32, #tpu.memory_space<vmem>>, vector<1x768xf32>,
      %scan3A_57 = arith.constant 1 : i32
      %scan3A_58 = arith.addi %scan3A_45, %scan3A_57 : i32
      %mul3A_59 = arith.constant 128 : i32
      %mul3A_60 = arith.muli %arg0, %mul3A_59 : i32
      %add3A_61 = arith.addi %mul3A_60, %scan3A_58 : i32
      %get3A_62 = arith.index_cast %add3A_61 : i32 to index
      %get3A_63 = memref.load %arg2[%get3A_62] : memref<5120xi32, #tpu.memory_space<smem>>
      %get3A_64 = arith.index_cast %get3A_63 : i32 to index
      %get3A_65 = arith.constant 0 : index
      %get3A_66 = vector.load %arg3[%get3A_64, %get3A_65] : memref<2048x768xf32, #tpu.memory_space<vmem>>, vector<1x768xf32>
      %swap3A_67 = arith.index_cast %scan3A_58 : i32 to index
      %swap3A_68 = arith.constant 0 : index
      %swap3A_69 = vector.load %arg8[%swap3A_67, %swap3A_68] : memref<128x768xf32, #tpu.memory_space<vmem>>, vector<1x768xf32>
      tpu.vector_store %arg8[%swap3A_67, %swap3A_68], %get3A_66 {strides = array<i32>} : memref<128x768xf32, #tpu.memory_space<vmem>>, vector<1x768xf32>,
      %scan3A_70 = arith.constant 2 : i32
      %scan3A_71 = arith.addi %scan3A_45, %scan3A_70 : i32
      %mul3A_72 = arith.constant 128 : i32
      %mul3A_73 = arith.muli %arg0, %mul3A_72 : i32
      %add3A_74 = arith.addi %mul3A_73, %scan3A_71 : i32
      %get3A_75 = arith.index_cast %add3A_74 : i32 to index
      %get3A_76 = memref.load %arg2[%get3A_75] : memref<5120xi32, #tpu.memory_space<smem>>
      %get3A_77 = arith.index_cast %get3A_76 : i32 to index
      %get3A_78 = arith.constant 0 : index
      %get3A_79 = vector.load %arg3[%get3A_77, %get3A_78] : memref<2048x768xf32, #tpu.memory_space<vmem>>, vector<1x768xf32>
      %swap3A_80 = arith.index_cast %scan3A_71 : i32 to index
      %swap3A_81 = arith.constant 0 : index
      %swap3A_82 = vector.load %arg8[%swap3A_80, %swap3A_81] : memref<128x768xf32, #tpu.memory_space<vmem>>, vector<1x768xf32>
      tpu.vector_store %arg8[%swap3A_80, %swap3A_81], %get3A_79 {strides = array<i32>} : memref<128x768xf32, #tpu.memory_space<vmem>>, vector<1x768xf32>,
      %scan3A_83 = arith.constant 3 : i32
      %scan3A_84 = arith.addi %scan3A_45, %scan3A_83 : i32
      %mul3A_85 = arith.constant 128 : i32
      %mul3A_86 = arith.muli %arg0, %mul3A_85 : i32
      %add3A_87 = arith.addi %mul3A_86, %scan3A_84 : i32
      %get3A_88 = arith.index_cast %add3A_87 : i32 to index
      %get3A_89 = memref.load %arg2[%get3A_88] : memref<5120xi32, #tpu.memory_space<smem>>
      %get3A_90 = arith.index_cast %get3A_89 : i32 to index
      %get3A_91 = arith.constant 0 : index
      %get3A_92 = vector.load %arg3[%get3A_90, %get3A_91] : memref<2048x768xf32, #tpu.memory_space<vmem>>, vector<1x768xf32>
      %swap3A_93 = arith.index_cast %scan3A_84 : i32 to index
      %swap3A_94 = arith.constant 0 : index
      %swap3A_95 = vector.load %arg8[%swap3A_93, %swap3A_94] : memref<128x768xf32, #tpu.memory_space<vmem>>, vector<1x768xf32>
      tpu.vector_store %arg8[%swap3A_93, %swap3A_94], %get3A_92 {strides = array<i32>} : memref<128x768xf32, #tpu.memory_space<vmem>>, vector<1x768xf32>,
      %scan3A_96 = arith.constant 4 : i32
      %scan3A_97 = arith.addi %scan3A_45, %scan3A_96 : i32
      %mul3A_98 = arith.constant 128 : i32
      %mul3A_99 = arith.muli %arg0, %mul3A_98 : i32
      %add3A_100 = arith.addi %mul3A_99, %scan3A_97 : i32
      %get3A_101 = arith.index_cast %add3A_100 : i32 to index
      %get3A_102 = memref.load %arg2[%get3A_101] : memref<5120xi32, #tpu.memory_space<smem>>
      %get3A_103 = arith.index_cast %get3A_102 : i32 to index
      %get3A_104 = arith.constant 0 : index
      %get3A_105 = vector.load %arg3[%get3A_103, %get3A_104] : memref<2048x768xf32, #tpu.memory_space<vmem>>, vector<1x768xf32>
      %swap3A_106 = arith.index_cast %scan3A_97 : i32 to index
      %swap3A_107 = arith.constant 0 : index
      %swap3A_108 = vector.load %arg8[%swap3A_106, %swap3A_107] : memref<128x768xf32, #tpu.memory_space<vmem>>, vector<1x768xf32>
      tpu.vector_store %arg8[%swap3A_106, %swap3A_107], %get3A_105 {strides = array<i32>} : memref<128x768xf32, #tpu.memory_space<vmem>>, vector<1x768xf32>,
      %scan3A_109 = arith.constant 5 : i32
      %scan3A_110 = arith.addi %scan3A_45, %scan3A_109 : i32
      %mul3A_111 = arith.constant 128 : i32
      %mul3A_112 = arith.muli %arg0, %mul3A_111 : i32
      %add3A_113 = arith.addi %mul3A_112, %scan3A_110 : i32
      %get3A_114 = arith.index_cast %add3A_113 : i32 to index
      %get3A_115 = memref.load %arg2[%get3A_114] : memref<5120xi32, #tpu.memory_space<smem>>
      %get3A_116 = arith.index_cast %get3A_115 : i32 to index
      %get3A_117 = arith.constant 0 : index
      %get3A_118 = vector.load %arg3[%get3A_116, %get3A_117] : memref<2048x768xf32, #tpu.memory_space<vmem>>, vector<1x768xf32>
      %swap3A_119 = arith.index_cast %scan3A_110 : i32 to index
      %swap3A_120 = arith.constant 0 : index
      %swap3A_121 = vector.load %arg8[%swap3A_119, %swap3A_120] : memref<128x768xf32, #tpu.memory_space<vmem>>, vector<1x768xf32>
      tpu.vector_store %arg8[%swap3A_119, %swap3A_120], %get3A_118 {strides = array<i32>} : memref<128x768xf32, #tpu.memory_space<vmem>>, vector<1x768xf32>,
      %scan3A_122 = arith.constant 6 : i32
      %scan3A_123 = arith.addi %scan3A_45, %scan3A_122 : i32
      %mul3A_124 = arith.constant 128 : i32
      %mul3A_125 = arith.muli %arg0, %mul3A_124 : i32
      %add3A_126 = arith.addi %mul3A_125, %scan3A_123 : i32
      %get3A_127 = arith.index_cast %add3A_126 : i32 to index
      %get3A_128 = memref.load %arg2[%get3A_127] : memref<5120xi32, #tpu.memory_space<smem>>
      %get3A_129 = arith.index_cast %get3A_128 : i32 to index
      %get3A_130 = arith.constant 0 : index
      %get3A_131 = vector.load %arg3[%get3A_129, %get3A_130] : memref<2048x768xf32, #tpu.memory_space<vmem>>, vector<1x768xf32>
      %swap3A_132 = arith.index_cast %scan3A_123 : i32 to index
      %swap3A_133 = arith.constant 0 : index
      %swap3A_134 = vector.load %arg8[%swap3A_132, %swap3A_133] : memref<128x768xf32, #tpu.memory_space<vmem>>, vector<1x768xf32>
      tpu.vector_store %arg8[%swap3A_132, %swap3A_133], %get3A_131 {strides = array<i32>} : memref<128x768xf32, #tpu.memory_space<vmem>>, vector<1x768xf32>,
      %scan3A_135 = arith.constant 7 : i32
      %scan3A_136 = arith.addi %scan3A_45, %scan3A_135 : i32
      %mul3A_137 = arith.constant 128 : i32
      %mul3A_138 = arith.muli %arg0, %mul3A_137 : i32
      %add3A_139 = arith.addi %mul3A_138, %scan3A_136 : i32
      %get3A_140 = arith.index_cast %add3A_139 : i32 to index
      %get3A_141 = memref.load %arg2[%get3A_140] : memref<5120xi32, #tpu.memory_space<smem>>
      %get3A_142 = arith.index_cast %get3A_141 : i32 to index
      %get3A_143 = arith.constant 0 : index
      %get3A_144 = vector.load %arg3[%get3A_142, %get3A_143] : memref<2048x768xf32, #tpu.memory_space<vmem>>, vector<1x768xf32>
      %swap3A_145 = arith.index_cast %scan3A_136 : i32 to index
      %swap3A_146 = arith.constant 0 : index
      %swap3A_147 = vector.load %arg8[%swap3A_145, %swap3A_146] : memref<128x768xf32, #tpu.memory_space<vmem>>, vector<1x768xf32>
      tpu.vector_store %arg8[%swap3A_145, %swap3A_146], %get3A_144 {strides = array<i32>} : memref<128x768xf32, #tpu.memory_space<vmem>>, vector<1x768xf32>,
    }
    %scan3A_3 = arith.constant 128 : i32
    %get3A = arith.constant 0 : index
    %get3A_4 = arith.constant 0 : index
    %get3A_5 = vector.load %arg8[%get3A, %get3A_4] : memref<128x768xf32, #tpu.memory_space<vmem>>, vector<128x768xf32>
    %mul3A = arith.mulf %get3A_5, %get3A_5 : vector<128x768xf32>
    %reduce_sum3A = arith.constant dense<0.000000e+00> : vector<128xf32>
    %reduce_sum3A_6 = vector.multi_reduction <add>, %mul3A, %reduce_sum3A [1] : vector<128x768xf32> to vector<128xf32>
    %broadcast_in_dim3A = vector.shape_cast %reduce_sum3A_6 : vector<128xf32> to vector<128x1xf32>
    %div3A = arith.constant 7.680000e+02 : f32
    %div3A_7 = vector.broadcast %div3A : f32 to vector<128x1xf32>
    %div3A_8 = arith.divf %broadcast_in_dim3A, %div3A_7 : vector<128x1xf32>
    %add3A = arith.constant 1.1920929E-7 : f32
    %add3A_9 = vector.broadcast %add3A : f32 to vector<128x1xf32>
    %add3A_10 = arith.addf %div3A_8, %add3A_9 : vector<128x1xf32>
    %rsqrt3A = math.rsqrt %add3A_10 : vector<128x1xf32>
    %mul3A_11 = vector.broadcast %rsqrt3A : vector<128x1xf32> to vector<128x768xf32>
    %mul3A_12 = arith.mulf %get3A_5, %mul3A_11 : vector<128x768xf32>
    %get3A_13 = arith.constant 0 : index
    %get3A_14 = arith.constant 0 : index
    %get3A_15 = vector.load %arg6[%get3A_13, %get3A_14] : memref<1x768xf32, #tpu.memory_space<vmem>>, vector<1x768xf32>
    %mul3A_16 = vector.broadcast %get3A_15 : vector<1x768xf32> to vector<128x768xf32>
    %mul3A_17 = arith.mulf %mul3A_12, %mul3A_16 : vector<128x768xf32>
    %convert_element_type3A = arith.truncf %mul3A_17 : vector<128x768xf32> to vector<128x768xbf16>
    %get3A_18 = arith.constant 0 : index
    %get3A_19 = arith.constant 0 : index
    %get3A_20 = arith.constant 0 : index
    %get3A_21 = vector.load %arg4[%get3A_18, %get3A_19, %get3A_20] : memref<1x3072x768xf32, #tpu.memory_space<vmem>>, vector<1x3072x768xf32>
    %get3A_22 = vector.shape_cast %get3A_21 : vector<1x3072x768xf32> to vector<3072x768xf32>
    %convert_element_type3A_23 = arith.truncf %get3A_22 : vector<3072x768xf32> to vector<3072x768xbf16>
    %dot_general3A = arith.constant dense<0.000000e+00> : vector<128x3072xf32>
    %dot_general3A_24 = tpu.matmul %convert_element_type3A, %convert_element_type3A_23, %dot_general3A {dimension_numbers = #tpu.dot_dimension_numbers<[1], [1], [0], [0], [0, 0, 1, 0], [], []>, transpose_lhs_hint = false} : vector<128x768xbf16>, vector<3072x768xbf16>, vector<128x3072xf32> -> vector<128x3072xf32>
    %get3A_25 = arith.constant 0 : index
    %get3A_26 = arith.constant 0 : index
    %get3A_27 = arith.constant 0 : index
    %get3A_28 = vector.load %arg5[%get3A_25, %get3A_26, %get3A_27] : memref<1x1x3072xf32, #tpu.memory_space<vmem>>, vector<1x1x3072xf32>
    %get3A_29 = vector.shape_cast %get3A_28 : vector<1x1x3072xf32> to vector<1x3072xf32>
    %add3A_30 = vector.broadcast %get3A_29 : vector<1x3072xf32> to vector<128x3072xf32>
    %add3A_31 = arith.addf %dot_general3A_24, %add3A_30 : vector<128x3072xf32>
    %mul3A_32 = arith.constant 5.000000e-01 : f32
    %mul3A_33 = vector.broadcast %mul3A_32 : f32 to vector<128x3072xf32>
    %mul3A_34 = arith.mulf %mul3A_33, %add3A_31 : vector<128x3072xf32>
    %mul3A_35 = arith.constant 0.707106769 : f32
    %mul3A_36 = vector.broadcast %mul3A_35 : f32 to vector<128x3072xf32>
    %mul3A_37 = arith.mulf %add3A_31, %mul3A_36 : vector<128x3072xf32>
    %erf3A = math.erf %mul3A_37 : vector<128x3072xf32>
    %add3A_38 = arith.constant 1.000000e+00 : f32
    %add3A_39 = vector.broadcast %add3A_38 : f32 to vector<128x3072xf32>
    %add3A_40 = arith.addf %add3A_39, %erf3A : vector<128x3072xf32>
    %mul3A_41 = arith.mulf %mul3A_34, %add3A_40 : vector<128x3072xf32>
    %convert_element_type3A_42 = arith.truncf %mul3A_41 : vector<128x3072xf32> to vector<128x3072xbf16>
    %swap3A = arith.constant 0 : index
    %swap3A_43 = arith.constant 0 : index
    %swap3A_44 = vector.load %arg7[%swap3A, %swap3A_43] : memref<128x3072xbf16, #tpu.memory_space<vmem>>, vector<128x3072xbf16>
    tpu.vector_store %arg7[%swap3A, %swap3A_43], %convert_element_type3A_42 {strides = array<i32>} : memref<128x3072xbf16, #tpu.memory_space<vmem>>, vector<128x3072xbf16>,
    return
  }
  func.func @transform_0(%arg0: i32, %arg1: memref<40xi32, #tpu.memory_space<smem>>, %arg2: memref<5120xi32, #tpu.memory_space<smem>>) -> (i32, i32) {
    %c0_i32 = arith.constant 0 : i32
    %c0_i32_0 = arith.constant 0 : i32
    %c0_i32_1 = arith.constant 0 : i32
    return %c0_i32, %c0_i32_0 : i32, i32
  }
  func.func @transform_1(%arg0: i32, %arg1: memref<40xi32, #tpu.memory_space<smem>>, %arg2: memref<5120xi32, #tpu.memory_space<smem>>) -> (i32, i32, i32) {
    %get3A = arith.index_cast %arg0 : i32 to index
    %get3A_0 = memref.load %arg1[%get3A] : memref<40xi32, #tpu.memory_space<smem>>
    %c0_i32 = arith.constant 0 : i32
    %c0_i32_1 = arith.constant 0 : i32
    %c0_i32_2 = arith.constant 0 : i32
    return %get3A_0, %c0_i32, %c0_i32_1 : i32, i32, i32
  }
  func.func @transform_2(%arg0: i32, %arg1: memref<40xi32, #tpu.memory_space<smem>>, %arg2: memref<5120xi32, #tpu.memory_space<smem>>) -> (i32, i32, i32) {
    %get3A = arith.index_cast %arg0 : i32 to index
    %get3A_0 = memref.load %arg1[%get3A] : memref<40xi32, #tpu.memory_space<smem>>
    %c0_i32 = arith.constant 0 : i32
    %c0_i32_1 = arith.constant 0 : i32
    %c0_i32_2 = arith.constant 0 : i32
    return %get3A_0, %c0_i32, %c0_i32_1 : i32, i32, i32
  }
  func.func @transform_3(%arg0: i32, %arg1: memref<40xi32, #tpu.memory_space<smem>>, %arg2: memref<5120xi32, #tpu.memory_space<smem>>) -> (i32, i32) {
    %c0_i32 = arith.constant 0 : i32
    %c0_i32_0 = arith.constant 0 : i32
    %c0_i32_1 = arith.constant 0 : i32
    return %c0_i32, %c0_i32_0 : i32, i32
  }
  func.func @transform_4(%arg0: i32, %arg1: memref<40xi32, #tpu.memory_space<smem>>, %arg2: memref<5120xi32, #tpu.memory_space<smem>>) -> (i32, i32) {
    %c0_i32 = arith.constant 0 : i32
    %c0_i32_0 = arith.constant 0 : i32
    return %arg0, %c0_i32 : i32, i32
  }
}

module attributes {stable_mosaic.version = 14 : i64} {
  func.func @body(%arg0: i32, %arg1: memref<40xi32, #tpu.memory_space<smem>>, %arg2: memref<5120xi32, #tpu.memory_space<smem>>, %arg3: memref<128x3072xbf16, #tpu.memory_space<vmem>>, %arg4: memref<1x768x3072xf32, #tpu.memory_space<vmem>>, %arg5: memref<1x1x768xf32, #tpu.memory_space<vmem>>, %arg6: memref<128x1xf32, #tpu.memory_space<vmem>>, %arg7: memref<2048x768xf32, #tpu.memory_space<vmem>>, %arg8: memref<2048x768xf32, #tpu.memory_space<vmem>>, %arg9: memref<128x768xf32, #tpu.memory_space<vmem>>) attributes {dimension_semantics = [#tpu.dimension_semantics<arbitrary>], iteration_bounds = array<i64: 40>, scalar_prefetch = 2 : i64, scratch_operands = 1 : i64, tpu.core_type = #tpu.core_type<tc>, window_params = [{transform_indices = @transform_0, window_bounds = array<i64: 128, 3072>}, {transform_indices = @transform_1, window_bounds = array<i64: 1, 768, 3072>}, {transform_indices = @transform_2, window_bounds = array<i64: 1, 1, 768>}, {transform_indices = @transform_3, window_bounds = array<i64: 128, 1>}, {pipeline_mode = #tpu.pipeline_mode<synchronous>, transform_indices = @transform_4, window_bounds = array<i64: 2048, 768>}, {pipeline_mode = #tpu.pipeline_mode<synchronous>, transform_indices = @transform_5, window_bounds = array<i64: 2048, 768>}]} {
    %eq3A = arith.constant 0 : i32
    %eq3A_0 = arith.cmpi eq, %arg0, %eq3A : i32
    %convert_element_type3A = arith.extui %eq3A_0 : i1 to i32
    %cond3A = arith.constant 0 : i32
    %cond3A_1 = arith.cmpi ne, %convert_element_type3A, %cond3A : i32
    scf.if %cond3A_1 {
      %get3A_27 = arith.constant 0 : index
      %get3A_28 = arith.constant 0 : index
      %get3A_29 = vector.load %arg7[%get3A_27, %get3A_28] : memref<2048x768xf32, #tpu.memory_space<vmem>>, vector<2048x768xf32>
      %swap3A_30 = arith.constant 0 : index
      %swap3A_31 = arith.constant 0 : index
      %swap3A_32 = vector.load %arg8[%swap3A_30, %swap3A_31] : memref<2048x768xf32, #tpu.memory_space<vmem>>, vector<2048x768xf32>
      tpu.vector_store %arg8[%swap3A_30, %swap3A_31], %get3A_29 {strides = array<i32>} : memref<2048x768xf32, #tpu.memory_space<vmem>>, vector<2048x768xf32>,
    } else {
    }
    %get3A = arith.constant 0 : index
    %get3A_2 = arith.constant 0 : index
    %get3A_3 = vector.load %arg3[%get3A, %get3A_2] : memref<128x3072xbf16, #tpu.memory_space<vmem>>, vector<128x3072xbf16>
    %get3A_4 = arith.constant 0 : index
    %get3A_5 = arith.constant 0 : index
    %get3A_6 = arith.constant 0 : index
    %get3A_7 = vector.load %arg4[%get3A_4, %get3A_5, %get3A_6] : memref<1x768x3072xf32, #tpu.memory_space<vmem>>, vector<1x768x3072xf32>
    %get3A_8 = vector.shape_cast %get3A_7 : vector<1x768x3072xf32> to vector<768x3072xf32>
    %convert_element_type3A_9 = arith.truncf %get3A_8 : vector<768x3072xf32> to vector<768x3072xbf16>
    %dot_general3A = arith.constant dense<0.000000e+00> : vector<128x768xf32>
    %dot_general3A_10 = tpu.matmul %get3A_3, %convert_element_type3A_9, %dot_general3A {dimension_numbers = #tpu.dot_dimension_numbers<[1], [1], [0], [0], [0, 0, 1, 0], [], []>, transpose_lhs_hint = false} : vector<128x3072xbf16>, vector<768x3072xbf16>, vector<128x768xf32> -> vector<128x768xf32>
    %get3A_11 = arith.constant 0 : index
    %get3A_12 = arith.constant 0 : index
    %get3A_13 = arith.constant 0 : index
    %get3A_14 = vector.load %arg5[%get3A_11, %get3A_12, %get3A_13] : memref<1x1x768xf32, #tpu.memory_space<vmem>>, vector<1x1x768xf32>
    %get3A_15 = vector.shape_cast %get3A_14 : vector<1x1x768xf32> to vector<1x768xf32>
    %add3A = vector.broadcast %get3A_15 : vector<1x768xf32> to vector<128x768xf32>
    %add3A_16 = arith.addf %dot_general3A_10, %add3A : vector<128x768xf32>
    %get3A_17 = arith.constant 0 : index
    %get3A_18 = arith.constant 0 : index
    %get3A_19 = vector.load %arg6[%get3A_17, %get3A_18] : memref<128x1xf32, #tpu.memory_space<vmem>>, vector<128x1xf32>
    %mul3A = vector.broadcast %get3A_19 : vector<128x1xf32> to vector<128x768xf32>
    %mul3A_20 = arith.mulf %add3A_16, %mul3A : vector<128x768xf32>
    %swap3A = arith.constant 0 : index
    %swap3A_21 = arith.constant 0 : index
    %swap3A_22 = vector.load %arg9[%swap3A, %swap3A_21] : memref<128x768xf32, #tpu.memory_space<vmem>>, vector<128x768xf32>
    tpu.vector_store %arg9[%swap3A, %swap3A_21], %mul3A_20 {strides = array<i32>} : memref<128x768xf32, #tpu.memory_space<vmem>>, vector<128x768xf32>,
    %scan3A = arith.constant 0 : i32
    %scan3A_23 = arith.constant 128 : i32
    %scan3A_24 = arith.addi %scan3A, %scan3A_23 : i32
    %scan3A_25 = arith.constant 1 : i32
    scf.for %scan3A_27 = %scan3A to %scan3A_24 step %scan3A_25  : i32 {
      %mul3A_28 = arith.constant 128 : i32
      %mul3A_29 = arith.muli %arg0, %mul3A_28 : i32
      %add3A_30 = arith.addi %mul3A_29, %scan3A_27 : i32
      %get3A_31 = arith.index_cast %add3A_30 : i32 to index
      %get3A_32 = memref.load %arg2[%get3A_31] : memref<5120xi32, #tpu.memory_space<smem>>
      %get3A_33 = arith.index_cast %get3A_32 : i32 to index
      %get3A_34 = arith.constant 0 : index
      %get3A_35 = vector.load %arg8[%get3A_33, %get3A_34] : memref<2048x768xf32, #tpu.memory_space<vmem>>, vector<1x768xf32>
      %get3A_36 = arith.index_cast %scan3A_27 : i32 to index
      %get3A_37 = arith.constant 0 : index
      %get3A_38 = vector.load %arg9[%get3A_36, %get3A_37] : memref<128x768xf32, #tpu.memory_space<vmem>>, vector<1x768xf32>
      %add3A_39 = arith.addf %get3A_35, %get3A_38 : vector<1x768xf32>
      %swap3A_40 = arith.index_cast %get3A_32 : i32 to index
      %swap3A_41 = arith.constant 0 : index
      %swap3A_42 = vector.load %arg8[%swap3A_40, %swap3A_41] : memref<2048x768xf32, #tpu.memory_space<vmem>>, vector<1x768xf32>
      tpu.vector_store %arg8[%swap3A_40, %swap3A_41], %add3A_39 {strides = array<i32>} : memref<2048x768xf32, #tpu.memory_space<vmem>>, vector<1x768xf32>,
    }
    %scan3A_26 = arith.constant 128 : i32
    return
  }
  func.func @transform_0(%arg0: i32, %arg1: memref<40xi32, #tpu.memory_space<smem>>, %arg2: memref<5120xi32, #tpu.memory_space<smem>>) -> (i32, i32) {
    %c0_i32 = arith.constant 0 : i32
    %c0_i32_0 = arith.constant 0 : i32
    return %arg0, %c0_i32 : i32, i32
  }
  func.func @transform_1(%arg0: i32, %arg1: memref<40xi32, #tpu.memory_space<smem>>, %arg2: memref<5120xi32, #tpu.memory_space<smem>>) -> (i32, i32, i32) {
    %get3A = arith.index_cast %arg0 : i32 to index
    %get3A_0 = memref.load %arg1[%get3A] : memref<40xi32, #tpu.memory_space<smem>>
    %c0_i32 = arith.constant 0 : i32
    %c0_i32_1 = arith.constant 0 : i32
    %c0_i32_2 = arith.constant 0 : i32
    return %get3A_0, %c0_i32, %c0_i32_1 : i32, i32, i32
  }
  func.func @transform_2(%arg0: i32, %arg1: memref<40xi32, #tpu.memory_space<smem>>, %arg2: memref<5120xi32, #tpu.memory_space<smem>>) -> (i32, i32, i32) {
    %get3A = arith.index_cast %arg0 : i32 to index
    %get3A_0 = memref.load %arg1[%get3A] : memref<40xi32, #tpu.memory_space<smem>>
    %c0_i32 = arith.constant 0 : i32
    %c0_i32_1 = arith.constant 0 : i32
    %c0_i32_2 = arith.constant 0 : i32
    return %get3A_0, %c0_i32, %c0_i32_1 : i32, i32, i32
  }
  func.func @transform_3(%arg0: i32, %arg1: memref<40xi32, #tpu.memory_space<smem>>, %arg2: memref<5120xi32, #tpu.memory_space<smem>>) -> (i32, i32) {
    %c0_i32 = arith.constant 0 : i32
    %c0_i32_0 = arith.constant 0 : i32
    return %arg0, %c0_i32 : i32, i32
  }
  func.func @transform_4(%arg0: i32, %arg1: memref<40xi32, #tpu.memory_space<smem>>, %arg2: memref<5120xi32, #tpu.memory_space<smem>>) -> (i32, i32) {
    %c0_i32 = arith.constant 0 : i32
    %c0_i32_0 = arith.constant 0 : i32
    %c0_i32_1 = arith.constant 0 : i32
    return %c0_i32, %c0_i32_0 : i32, i32
  }
  func.func @transform_5(%arg0: i32, %arg1: memref<40xi32, #tpu.memory_space<smem>>, %arg2: memref<5120xi32, #tpu.memory_space<smem>>) -> (i32, i32) {
    %c0_i32 = arith.constant 0 : i32
    %c0_i32_0 = arith.constant 0 : i32
    %c0_i32_1 = arith.constant 0 : i32
    return %c0_i32, %c0_i32_0 : i32, i32
  }
}

module attributes {stable_mosaic.version = 14 : i64} {
  func.func @body(%arg0: i32, %arg1: i32, %arg2: memref<256x768xf32, #tpu.memory_space<vmem>>, %arg3: memref<256x768xf32, #tpu.memory_space<vmem>>, %arg4: memref<1x256xf32, #tpu.memory_space<vmem>>, %arg5: memref<1x768xf32, #tpu.memory_space<vmem>>, %arg6: memref<256x256xf32, #tpu.memory_space<vmem>>) attributes {dimension_semantics = [#tpu.dimension_semantics<arbitrary>, #tpu.dimension_semantics<arbitrary>], iteration_bounds = array<i64: 8, 9>, scalar_prefetch = 0 : i64, scratch_operands = 0 : i64, tpu.core_type = #tpu.core_type<tc>, window_params = [{transform_indices = @transform_0, window_bounds = array<i64: 256, 768>}, {transform_indices = @transform_1, window_bounds = array<i64: 256, 768>}, {transform_indices = @transform_2, window_bounds = array<i64: 1, 256>}, {pipeline_mode = #tpu.pipeline_mode<synchronous>, transform_indices = @transform_3, window_bounds = array<i64: 1, 768>}, {transform_indices = @transform_4, window_bounds = array<i64: 256, 256>}]} {
    %get3A = arith.constant 0 : index
    %get3A_0 = arith.constant 0 : index
    %get3A_1 = vector.load %arg2[%get3A, %get3A_0] : memref<256x768xf32, #tpu.memory_space<vmem>>, vector<256x768xf32>
    %mul3A = arith.mulf %get3A_1, %get3A_1 : vector<256x768xf32>
    %reduce_sum3A = arith.constant dense<0.000000e+00> : vector<256xf32>
    %reduce_sum3A_2 = vector.multi_reduction <add>, %mul3A, %reduce_sum3A [1] : vector<256x768xf32> to vector<256xf32>
    %broadcast_in_dim3A = vector.shape_cast %reduce_sum3A_2 : vector<256xf32> to vector<256x1xf32>
    %div3A = arith.constant 7.680000e+02 : f32
    %div3A_3 = vector.broadcast %div3A : f32 to vector<256x1xf32>
    %div3A_4 = arith.divf %broadcast_in_dim3A, %div3A_3 : vector<256x1xf32>
    %add3A = arith.constant 1.1920929E-7 : f32
    %add3A_5 = vector.broadcast %add3A : f32 to vector<256x1xf32>
    %add3A_6 = arith.addf %div3A_4, %add3A_5 : vector<256x1xf32>
    %rsqrt3A = math.rsqrt %add3A_6 : vector<256x1xf32>
    %mul3A_7 = vector.broadcast %rsqrt3A : vector<256x1xf32> to vector<256x768xf32>
    %mul3A_8 = arith.mulf %get3A_1, %mul3A_7 : vector<256x768xf32>
    %get3A_9 = arith.constant 0 : index
    %get3A_10 = arith.constant 0 : index
    %get3A_11 = vector.load %arg5[%get3A_9, %get3A_10] : memref<1x768xf32, #tpu.memory_space<vmem>>, vector<1x768xf32>
    %mul3A_12 = vector.broadcast %get3A_11 : vector<1x768xf32> to vector<256x768xf32>
    %mul3A_13 = arith.mulf %mul3A_8, %mul3A_12 : vector<256x768xf32>
    %get3A_14 = arith.constant 0 : index
    %get3A_15 = arith.constant 0 : index
    %get3A_16 = vector.load %arg3[%get3A_14, %get3A_15] : memref<256x768xf32, #tpu.memory_space<vmem>>, vector<256x768xf32>
    %dot_general3A = arith.constant dense<0.000000e+00> : vector<256x256xf32>
    %dot_general3A_17 = tpu.matmul %mul3A_13, %get3A_16, %dot_general3A {dimension_numbers = #tpu.dot_dimension_numbers<[1], [1], [0], [0], [0, 0, 1, 0], [], []>, transpose_lhs_hint = false} : vector<256x768xf32>, vector<256x768xf32>, vector<256x256xf32> -> vector<256x256xf32>
    %get3A_18 = arith.constant 0 : index
    %get3A_19 = arith.constant 0 : index
    %get3A_20 = vector.load %arg4[%get3A_18, %get3A_19] : memref<1x256xf32, #tpu.memory_space<vmem>>, vector<1x256xf32>
    %add3A_21 = vector.broadcast %get3A_20 : vector<1x256xf32> to vector<256x256xf32>
    %add3A_22 = arith.addf %dot_general3A_17, %add3A_21 : vector<256x256xf32>
    %swap3A = arith.constant 0 : index
    %swap3A_23 = arith.constant 0 : index
    %swap3A_24 = vector.load %arg6[%swap3A, %swap3A_23] : memref<256x256xf32, #tpu.memory_space<vmem>>, vector<256x256xf32>
    tpu.vector_store %arg6[%swap3A, %swap3A_23], %add3A_22 {strides = array<i32>} : memref<256x256xf32, #tpu.memory_space<vmem>>, vector<256x256xf32>,
    return
  }
  func.func @transform_0(%arg0: i32, %arg1: i32) -> (i32, i32) {
    %c0_i32 = arith.constant 0 : i32
    %c0_i32_0 = arith.constant 0 : i32
    return %arg0, %c0_i32 : i32, i32
  }
  func.func @transform_1(%arg0: i32, %arg1: i32) -> (i32, i32) {
    %c0_i32 = arith.constant 0 : i32
    %c0_i32_0 = arith.constant 0 : i32
    return %arg1, %c0_i32 : i32, i32
  }
  func.func @transform_2(%arg0: i32, %arg1: i32) -> (i32, i32) {
    %c0_i32 = arith.constant 0 : i32
    %c0_i32_0 = arith.constant 0 : i32
    return %c0_i32, %arg1 : i32, i32
  }
  func.func @transform_3(%arg0: i32, %arg1: i32) -> (i32, i32) {
    %c0_i32 = arith.constant 0 : i32
    %c0_i32_0 = arith.constant 0 : i32
    %c0_i32_1 = arith.constant 0 : i32
    return %c0_i32, %c0_i32_0 : i32, i32
  }
  func.func @transform_4(%arg0: i32, %arg1: i32) -> (i32, i32) {
    %c0_i32 = arith.constant 0 : i32
    return %arg0, %arg1 : i32, i32
  }
}

module attributes {stable_mosaic.version = 14 : i64} {
  func.func @body(%arg0: i32, %arg1: i32, %arg2: memref<1x256x64xf32, #tpu.memory_space<vmem>>, %arg3: memref<1x2048x64xf32, #tpu.memory_space<vmem>>, %arg4: memref<1x2048x64xf32, #tpu.memory_space<vmem>>, %arg5: memref<1x256x64xf32, #tpu.memory_space<vmem>>) attributes {dimension_semantics = [#tpu.dimension_semantics<arbitrary>, #tpu.dimension_semantics<arbitrary>], iteration_bounds = array<i64: 12, 8>, scalar_prefetch = 0 : i64, scratch_operands = 0 : i64, tpu.core_type = #tpu.core_type<tc>, window_params = [{transform_indices = @transform_0, window_bounds = array<i64: 1, 256, 64>}, {transform_indices = @transform_1, window_bounds = array<i64: 1, 2048, 64>}, {transform_indices = @transform_2, window_bounds = array<i64: 1, 2048, 64>}, {transform_indices = @transform_3, window_bounds = array<i64: 1, 256, 64>}]} {
    %get3A = arith.constant 0 : index
    %get3A_0 = arith.constant 0 : index
    %get3A_1 = arith.constant 0 : index
    %get3A_2 = vector.load %arg2[%get3A, %get3A_0, %get3A_1] : memref<1x256x64xf32, #tpu.memory_space<vmem>>, vector<1x256x64xf32>
    %get3A_3 = vector.shape_cast %get3A_2 : vector<1x256x64xf32> to vector<256x64xf32>
    %get3A_4 = arith.constant 0 : index
    %get3A_5 = arith.constant 0 : index
    %get3A_6 = arith.constant 0 : index
    %get3A_7 = vector.load %arg3[%get3A_4, %get3A_5, %get3A_6] : memref<1x2048x64xf32, #tpu.memory_space<vmem>>, vector<1x2048x64xf32>
    %get3A_8 = vector.shape_cast %get3A_7 : vector<1x2048x64xf32> to vector<2048x64xf32>
    %dot_general3A = arith.constant dense<0.000000e+00> : vector<256x2048xf32>
    %dot_general3A_9 = tpu.matmul %get3A_3, %get3A_8, %dot_general3A {dimension_numbers = #tpu.dot_dimension_numbers<[1], [1], [0], [0], [0, 0, 1, 0], [], []>, transpose_lhs_hint = false} : vector<256x64xf32>, vector<2048x64xf32>, vector<256x2048xf32> -> vector<256x2048xf32>
    %mul3A = arith.constant 1.250000e-01 : f32
    %mul3A_10 = vector.broadcast %mul3A : f32 to vector<256x2048xf32>
    %mul3A_11 = arith.mulf %dot_general3A_9, %mul3A_10 : vector<256x2048xf32>
    %reduce_max3A = arith.constant dense<0xFF800000> : vector<256xf32>
    %reduce_max3A_12 = vector.multi_reduction <maximumf>, %mul3A_11, %reduce_max3A [1] : vector<256x2048xf32> to vector<256xf32>
    %broadcast_in_dim3A = vector.shape_cast %reduce_max3A_12 : vector<256xf32> to vector<256x1xf32>
    %sub3A = vector.broadcast %broadcast_in_dim3A : vector<256x1xf32> to vector<256x2048xf32>
    %sub3A_13 = arith.subf %mul3A_11, %sub3A : vector<256x2048xf32>
    %exp3A = math.exp %sub3A_13 : vector<256x2048xf32>
    %reduce_sum3A = arith.constant dense<0.000000e+00> : vector<256xf32>
    %reduce_sum3A_14 = vector.multi_reduction <add>, %exp3A, %reduce_sum3A [1] : vector<256x2048xf32> to vector<256xf32>
    %broadcast_in_dim3A_15 = vector.shape_cast %reduce_sum3A_14 : vector<256xf32> to vector<256x1xf32>
    %div3A = vector.broadcast %broadcast_in_dim3A_15 : vector<256x1xf32> to vector<256x2048xf32>
    %div3A_16 = arith.divf %exp3A, %div3A : vector<256x2048xf32>
    %get3A_17 = arith.constant 0 : index
    %get3A_18 = arith.constant 0 : index
    %get3A_19 = arith.constant 0 : index
    %get3A_20 = vector.load %arg4[%get3A_17, %get3A_18, %get3A_19] : memref<1x2048x64xf32, #tpu.memory_space<vmem>>, vector<1x2048x64xf32>
    %get3A_21 = vector.shape_cast %get3A_20 : vector<1x2048x64xf32> to vector<2048x64xf32>
    %dot_general3A_22 = arith.constant dense<0.000000e+00> : vector<256x64xf32>
    %dot_general3A_23 = tpu.matmul %div3A_16, %get3A_21, %dot_general3A_22 {dimension_numbers = #tpu.dot_dimension_numbers<[1], [0], [0], [1], [0, 0, 1, 1], [], []>, transpose_lhs_hint = false} : vector<256x2048xf32>, vector<2048x64xf32>, vector<256x64xf32> -> vector<256x64xf32>
    %swap3A = arith.constant 0 : index
    %swap3A_24 = arith.constant 0 : index
    %swap3A_25 = arith.constant 0 : index
    %swap3A_26 = vector.load %arg5[%swap3A, %swap3A_24, %swap3A_25] : memref<1x256x64xf32, #tpu.memory_space<vmem>>, vector<1x256x64xf32>
    %swap3A_27 = vector.shape_cast %swap3A_26 : vector<1x256x64xf32> to vector<256x64xf32>
    %swap3A_28 = vector.shape_cast %dot_general3A_23 : vector<256x64xf32> to vector<1x256x64xf32>
    tpu.vector_store %arg5[%swap3A, %swap3A_24, %swap3A_25], %swap3A_28 {strides = array<i32>} : memref<1x256x64xf32, #tpu.memory_space<vmem>>, vector<1x256x64xf32>,
    return
  }
  func.func @transform_0(%arg0: i32, %arg1: i32) -> (i32, i32, i32) {
    %c0_i32 = arith.constant 0 : i32
    %c0_i32_0 = arith.constant 0 : i32
    return %arg0, %arg1, %c0_i32 : i32, i32, i32
  }
  func.func @transform_1(%arg0: i32, %arg1: i32) -> (i32, i32, i32) {
    %c0_i32 = arith.constant 0 : i32
    %c0_i32_0 = arith.constant 0 : i32
    %c0_i32_1 = arith.constant 0 : i32
    return %arg0, %c0_i32, %c0_i32_0 : i32, i32, i32
  }
  func.func @transform_2(%arg0: i32, %arg1: i32) -> (i32, i32, i32) {
    %c0_i32 = arith.constant 0 : i32
    %c0_i32_0 = arith.constant 0 : i32
    %c0_i32_1 = arith.constant 0 : i32
    return %arg0, %c0_i32, %c0_i32_0 : i32, i32, i32
  }
  func.func @transform_3(%arg0: i32, %arg1: i32) -> (i32, i32, i32) {
    %c0_i32 = arith.constant 0 : i32
    %c0_i32_0 = arith.constant 0 : i32
    return %arg0, %arg1, %c0_i32 : i32, i32, i32
  }
}

module attributes {stable_mosaic.version = 14 : i64} {
  func.func @body(%arg0: i32, %arg1: i32, %arg2: memref<256x768xf32, #tpu.memory_space<vmem>>, %arg3: memref<256x768xf32, #tpu.memory_space<vmem>>, %arg4: memref<1x256xf32, #tpu.memory_space<vmem>>, %arg5: memref<256x256xf32, #tpu.memory_space<vmem>>, %arg6: memref<256x256xf32, #tpu.memory_space<vmem>>) attributes {dimension_semantics = [#tpu.dimension_semantics<arbitrary>, #tpu.dimension_semantics<arbitrary>], iteration_bounds = array<i64: 8, 3>, scalar_prefetch = 0 : i64, scratch_operands = 0 : i64, tpu.core_type = #tpu.core_type<tc>, window_params = [{transform_indices = @transform_0, window_bounds = array<i64: 256, 768>}, {transform_indices = @transform_1, window_bounds = array<i64: 256, 768>}, {transform_indices = @transform_2, window_bounds = array<i64: 1, 256>}, {transform_indices = @transform_3, window_bounds = array<i64: 256, 256>}, {transform_indices = @transform_4, window_bounds = array<i64: 256, 256>}]} {
    %get3A = arith.constant 0 : index
    %get3A_0 = arith.constant 0 : index
    %get3A_1 = vector.load %arg2[%get3A, %get3A_0] : memref<256x768xf32, #tpu.memory_space<vmem>>, vector<256x768xf32>
    %get3A_2 = arith.constant 0 : index
    %get3A_3 = arith.constant 0 : index
    %get3A_4 = vector.load %arg3[%get3A_2, %get3A_3] : memref<256x768xf32, #tpu.memory_space<vmem>>, vector<256x768xf32>
    %dot_general3A = arith.constant dense<0.000000e+00> : vector<256x256xf32>
    %dot_general3A_5 = tpu.matmul %get3A_1, %get3A_4, %dot_general3A {dimension_numbers = #tpu.dot_dimension_numbers<[1], [1], [0], [0], [0, 0, 1, 0], [], []>, transpose_lhs_hint = false} : vector<256x768xf32>, vector<256x768xf32>, vector<256x256xf32> -> vector<256x256xf32>
    %get3A_6 = arith.constant 0 : index
    %get3A_7 = arith.constant 0 : index
    %get3A_8 = vector.load %arg4[%get3A_6, %get3A_7] : memref<1x256xf32, #tpu.memory_space<vmem>>, vector<1x256xf32>
    %add3A = vector.broadcast %get3A_8 : vector<1x256xf32> to vector<256x256xf32>
    %add3A_9 = arith.addf %dot_general3A_5, %add3A : vector<256x256xf32>
    %get3A_10 = arith.constant 0 : index
    %get3A_11 = arith.constant 0 : index
    %get3A_12 = vector.load %arg5[%get3A_10, %get3A_11] : memref<256x256xf32, #tpu.memory_space<vmem>>, vector<256x256xf32>
    %add3A_13 = arith.addf %add3A_9, %get3A_12 : vector<256x256xf32>
    %swap3A = arith.constant 0 : index
    %swap3A_14 = arith.constant 0 : index
    %swap3A_15 = vector.load %arg6[%swap3A, %swap3A_14] : memref<256x256xf32, #tpu.memory_space<vmem>>, vector<256x256xf32>
    tpu.vector_store %arg6[%swap3A, %swap3A_14], %add3A_13 {strides = array<i32>} : memref<256x256xf32, #tpu.memory_space<vmem>>, vector<256x256xf32>,
    return
  }
  func.func @transform_0(%arg0: i32, %arg1: i32) -> (i32, i32) {
    %c0_i32 = arith.constant 0 : i32
    %c0_i32_0 = arith.constant 0 : i32
    return %arg0, %c0_i32 : i32, i32
  }
  func.func @transform_1(%arg0: i32, %arg1: i32) -> (i32, i32) {
    %c0_i32 = arith.constant 0 : i32
    %c0_i32_0 = arith.constant 0 : i32
    return %arg1, %c0_i32 : i32, i32
  }
  func.func @transform_2(%arg0: i32, %arg1: i32) -> (i32, i32) {
    %c0_i32 = arith.constant 0 : i32
    %c0_i32_0 = arith.constant 0 : i32
    return %c0_i32, %arg1 : i32, i32
  }
  func.func @transform_3(%arg0: i32, %arg1: i32) -> (i32, i32) {
    %c0_i32 = arith.constant 0 : i32
    return %arg0, %arg1 : i32, i32
  }
  func.func @transform_4(%arg0: i32, %arg1: i32) -> (i32, i32) {
    %c0_i32 = arith.constant 0 : i32
    return %arg0, %arg1 : i32, i32
  }
}

module attributes {stable_mosaic.version = 14 : i64} {
  func.func @body(%arg0: i32, %arg1: i32, %arg2: memref<256x768xf32, #tpu.memory_space<vmem>>, %arg3: memref<256x768xf32, #tpu.memory_space<vmem>>, %arg4: memref<1x256xf32, #tpu.memory_space<vmem>>, %arg5: memref<1x768xf32, #tpu.memory_space<vmem>>, %arg6: memref<1x768xf32, #tpu.memory_space<vmem>>, %arg7: memref<256x1xf32, #tpu.memory_space<vmem>>, %arg8: memref<256x256xf32, #tpu.memory_space<vmem>>) attributes {dimension_semantics = [#tpu.dimension_semantics<arbitrary>, #tpu.dimension_semantics<arbitrary>], iteration_bounds = array<i64: 8, 3>, scalar_prefetch = 0 : i64, scratch_operands = 0 : i64, tpu.core_type = #tpu.core_type<tc>, window_params = [{transform_indices = @transform_0, window_bounds = array<i64: 256, 768>}, {transform_indices = @transform_1, window_bounds = array<i64: 256, 768>}, {transform_indices = @transform_2, window_bounds = array<i64: 1, 256>}, {pipeline_mode = #tpu.pipeline_mode<synchronous>, transform_indices = @transform_3, window_bounds = array<i64: 1, 768>}, {pipeline_mode = #tpu.pipeline_mode<synchronous>, transform_indices = @transform_4, window_bounds = array<i64: 1, 768>}, {transform_indices = @transform_5, window_bounds = array<i64: 256, 1>}, {transform_indices = @transform_6, window_bounds = array<i64: 256, 256>}]} {
    %get3A = arith.constant 0 : index
    %get3A_0 = arith.constant 0 : index
    %get3A_1 = vector.load %arg2[%get3A, %get3A_0] : memref<256x768xf32, #tpu.memory_space<vmem>>, vector<256x768xf32>
    %reduce_sum3A = arith.constant dense<0.000000e+00> : vector<256xf32>
    %reduce_sum3A_2 = vector.multi_reduction <add>, %get3A_1, %reduce_sum3A [1] : vector<256x768xf32> to vector<256xf32>
    %broadcast_in_dim3A = vector.shape_cast %reduce_sum3A_2 : vector<256xf32> to vector<256x1xf32>
    %div3A = arith.constant 7.680000e+02 : f32
    %div3A_3 = vector.broadcast %div3A : f32 to vector<256x1xf32>
    %div3A_4 = arith.divf %broadcast_in_dim3A, %div3A_3 : vector<256x1xf32>
    %sub3A = vector.broadcast %div3A_4 : vector<256x1xf32> to vector<256x768xf32>
    %sub3A_5 = arith.subf %get3A_1, %sub3A : vector<256x768xf32>
    %integer_pow3A = arith.mulf %sub3A_5, %sub3A_5 : vector<256x768xf32>
    %reduce_sum3A_6 = arith.constant dense<0.000000e+00> : vector<256xf32>
    %reduce_sum3A_7 = vector.multi_reduction <add>, %integer_pow3A, %reduce_sum3A_6 [1] : vector<256x768xf32> to vector<256xf32>
    %broadcast_in_dim3A_8 = vector.shape_cast %reduce_sum3A_7 : vector<256xf32> to vector<256x1xf32>
    %div3A_9 = arith.constant 7.680000e+02 : f32
    %div3A_10 = vector.broadcast %div3A_9 : f32 to vector<256x1xf32>
    %div3A_11 = arith.divf %broadcast_in_dim3A_8, %div3A_10 : vector<256x1xf32>
    %sub3A_12 = vector.broadcast %div3A_4 : vector<256x1xf32> to vector<256x768xf32>
    %sub3A_13 = arith.subf %get3A_1, %sub3A_12 : vector<256x768xf32>
    %add3A = arith.constant 9.99999974E-6 : f32
    %add3A_14 = vector.broadcast %add3A : f32 to vector<256x1xf32>
    %add3A_15 = arith.addf %div3A_11, %add3A_14 : vector<256x1xf32>
    %rsqrt3A = math.rsqrt %add3A_15 : vector<256x1xf32>
    %mul3A = vector.broadcast %rsqrt3A : vector<256x1xf32> to vector<256x768xf32>
    %mul3A_16 = arith.mulf %sub3A_13, %mul3A : vector<256x768xf32>
    %get3A_17 = arith.constant 0 : index
    %get3A_18 = arith.constant 0 : index
    %get3A_19 = vector.load %arg5[%get3A_17, %get3A_18] : memref<1x768xf32, #tpu.memory_space<vmem>>, vector<1x768xf32>
    %mul3A_20 = vector.broadcast %get3A_19 : vector<1x768xf32> to vector<256x768xf32>
    %mul3A_21 = arith.mulf %mul3A_16, %mul3A_20 : vector<256x768xf32>
    %get3A_22 = arith.constant 0 : index
    %get3A_23 = arith.constant 0 : index
    %get3A_24 = vector.load %arg6[%get3A_22, %get3A_23] : memref<1x768xf32, #tpu.memory_space<vmem>>, vector<1x768xf32>
    %add3A_25 = vector.broadcast %get3A_24 : vector<1x768xf32> to vector<256x768xf32>
    %add3A_26 = arith.addf %mul3A_21, %add3A_25 : vector<256x768xf32>
    %get3A_27 = arith.constant 0 : index
    %get3A_28 = arith.constant 0 : index
    %get3A_29 = vector.load %arg3[%get3A_27, %get3A_28] : memref<256x768xf32, #tpu.memory_space<vmem>>, vector<256x768xf32>
    %dot_general3A = arith.constant dense<0.000000e+00> : vector<256x256xf32>
    %dot_general3A_30 = tpu.matmul %add3A_26, %get3A_29, %dot_general3A {dimension_numbers = #tpu.dot_dimension_numbers<[1], [1], [0], [0], [0, 0, 1, 0], [], []>, transpose_lhs_hint = false} : vector<256x768xf32>, vector<256x768xf32>, vector<256x256xf32> -> vector<256x256xf32>
    %get3A_31 = arith.constant 0 : index
    %get3A_32 = arith.constant 0 : index
    %get3A_33 = vector.load %arg4[%get3A_31, %get3A_32] : memref<1x256xf32, #tpu.memory_space<vmem>>, vector<1x256xf32>
    %add3A_34 = vector.broadcast %get3A_33 : vector<1x256xf32> to vector<256x256xf32>
    %add3A_35 = arith.addf %dot_general3A_30, %add3A_34 : vector<256x256xf32>
    %logistic3A = arith.negf %add3A_35 : vector<256x256xf32>
    %logistic3A_36 = math.exp %logistic3A : vector<256x256xf32>
    %logistic3A_37 = arith.constant 1.000000e+00 : f32
    %logistic3A_38 = vector.broadcast %logistic3A_37 : f32 to vector<256x256xf32>
    %logistic3A_39 = arith.addf %logistic3A_38, %logistic3A_36 : vector<256x256xf32>
    %logistic3A_40 = arith.divf %logistic3A_38, %logistic3A_39 : vector<256x256xf32>
    %get3A_41 = arith.constant 0 : index
    %get3A_42 = arith.constant 0 : index
    %get3A_43 = vector.load %arg7[%get3A_41, %get3A_42] : memref<256x1xf32, #tpu.memory_space<vmem>>, vector<256x1xf32>
    %mul3A_44 = vector.broadcast %get3A_43 : vector<256x1xf32> to vector<256x256xf32>
    %mul3A_45 = arith.mulf %logistic3A_40, %mul3A_44 : vector<256x256xf32>
    %swap3A = arith.constant 0 : index
    %swap3A_46 = arith.constant 0 : index
    %swap3A_47 = vector.load %arg8[%swap3A, %swap3A_46] : memref<256x256xf32, #tpu.memory_space<vmem>>, vector<256x256xf32>
    tpu.vector_store %arg8[%swap3A, %swap3A_46], %mul3A_45 {strides = array<i32>} : memref<256x256xf32, #tpu.memory_space<vmem>>, vector<256x256xf32>,
    return
  }
  func.func @transform_0(%arg0: i32, %arg1: i32) -> (i32, i32) {
    %c0_i32 = arith.constant 0 : i32
    %c0_i32_0 = arith.constant 0 : i32
    return %arg0, %c0_i32 : i32, i32
  }
  func.func @transform_1(%arg0: i32, %arg1: i32) -> (i32, i32) {
    %c0_i32 = arith.constant 0 : i32
    %c0_i32_0 = arith.constant 0 : i32
    return %arg1, %c0_i32 : i32, i32
  }
  func.func @transform_2(%arg0: i32, %arg1: i32) -> (i32, i32) {
    %c0_i32 = arith.constant 0 : i32
    %c0_i32_0 = arith.constant 0 : i32
    return %c0_i32, %arg1 : i32, i32
  }
  func.func @transform_3(%arg0: i32, %arg1: i32) -> (i32, i32) {
    %c0_i32 = arith.constant 0 : i32
    %c0_i32_0 = arith.constant 0 : i32
    %c0_i32_1 = arith.constant 0 : i32
    return %c0_i32, %c0_i32_0 : i32, i32
  }
  func.func @transform_4(%arg0: i32, %arg1: i32) -> (i32, i32) {
    %c0_i32 = arith.constant 0 : i32
    %c0_i32_0 = arith.constant 0 : i32
    %c0_i32_1 = arith.constant 0 : i32
    return %c0_i32, %c0_i32_0 : i32, i32
  }
  func.func @transform_5(%arg0: i32, %arg1: i32) -> (i32, i32) {
    %c0_i32 = arith.constant 0 : i32
    %c0_i32_0 = arith.constant 0 : i32
    return %arg0, %c0_i32 : i32, i32
  }
  func.func @transform_6(%arg0: i32, %arg1: i32) -> (i32, i32) {
    %c0_i32 = arith.constant 0 : i32
    return %arg0, %arg1 : i32, i32
  }
}

</mosaic_0001>

<sc_bundles>
// kernel: gather_offload_async_start.1
scs
__scs_entry_jumppad:
0x0: {  	(pc) =	sbr.rel $0x88, $3  }
0x1: {  	(tag) =	ssettag $0x0;
	lr =	simm.s32 $0x1  }
0x2: {  	[smem:$0x3E5C] =	sst lr;
	_ =	strace $0xD0000000  }
0x3: {  	_ = 	snop  }
0x4: {  	_ = 	snop  }
0x5: {  	_ = 	snop  }
0x6: {  	_ = 	snop  }
0x7: {  	_ = 	snop  }
__scs_overlays_trampoline_lowered:
0x8: {  	[smem:$0x3E6B] =	sst s0  }
0x9: {  	[smem:$0x3E6C] =	sst s1  }
0xa: {  	[smem:$0x3E6D] =	sst s2  }
0xb: {  	[smem:$0x3E6E] =	sst s3  }
0xc: {  	[smem:$0x3E6F] =	sst s4  }
0xd: {  	[smem:$0x3E70] =	sst s5  }
0xe: {  	[smem:$0x3E71] =	sst s6  }
0xf: {  	[smem:$0x3E72] =	sst s7  }
0x10: {  	[smem:$0x3E73] =	sst s8  }
0x11: {  	[smem:$0x3E74] =	sst s9;
	s0 =	simm.s32 @!p0 $0x0  }
0x12: {  	s1 =	sld [smem:$0x3E5A];
	s0 =	simm.s32 @p0 $0x1  }
0x13: {  	[smem:$0x3E75] =	sst s0;
	s0 =	simm.s32 @!p1 $0x0  }
0x14: {  	s2 =	sld [smem:$0x3E59];
	s0 =	simm.s32 @p1 $0x1  }
0x15: {  	[smem:$0x3E76] =	sst s0;
	s0 =	simm.s32 @!p2 $0x0  }
0x16: {  	s3 =	sld [smem:$0x3FDB];
	s0 =	simm.s32 @p2 $0x1  }
0x17: {  	s4 =	simm.s32 $0x1BF5;
	[smem:$0x3E78] =	sst s0  }
0x18: {  	s0 =	sld [smem:$0x3E5B];
	_ =	swait.ge [sflag:s4], $0x0  }
0x19: {  	s7 =	sld [smem:$0x3E5C]  }
0x1a: {  	s8 =	sadd.s32 $0xFFFFE003, lr  }
0x1b: {  	s9 =	sadd.s32 $0xFFFFFEF7, lr;
	s5 =	simm.s32 $0xFFFFFFFF;
	p2 =	slt.u32 s8, $0xFFFFF086  }
0x1c: {  	p1 =	slt.u32 s9, $0xF7A;
	s5 =	simm.s32 @!p2 $0x0  }
0x1d: {  	s5 =	simm.s32 @p1 $0x1;
	p0 =	seq.s32 s7, s2  }
0x1e: {  	s7 =	smul.u32 @!p0 $0xF7A, s2;
	p2 =	seq.s32 @!p0 s5, $0x0  }
0x1f: {  	s9 =	smul.u32 $0xF7A, s1;
	s8 =	simm.s32 @!p0 $0x1BF5;
	p2 =	por !p2, p0  }
0x20: {  	[sflag:s8] =	ssyncset.s32 @!p0 $0xFFFFF086;
	s6 =	sadd.s32 @!p0 s3, s7;
	s7 =	simm.s32 @!p0 $0x108  }
0x21: {  	s3 =	sadd.s32 s3, s9;
	s6 =	sadd.s32 @!p0 $0x88, s6;
	s7 =	simm.s32 @p2 $0x1082  }
0x22: {  	[simem:s7], [sflag:s8] =	dma.local @!p0 [hbm:s6], $0xF7A  }
0x23: {  	s9 =	sor.u32 $0xD0000000, s2;
	s6 =	simm.s32 $0x108;
	_ =	swait.ge @!p0 [sflag:s8], $0x0  }
0x24: {  	s3 =	sadd.s32 $0x88, s3;
	s6 =	simm.s32 @!p1 $0x1082;
	[sflag:s4] =	ssyncset.s32 $0xFFFFF086  }
0x25: {  	[simem:s6], [sflag:s4] =	dma.local [hbm:s3], $0xF7A  }
0x26: {  	[smem:$0x3E5C] =	sst s1;
	(tag) =	ssettag s2;
	_ =	strace s9  }
0x27: {  	s1 =	sld [smem:$0x3E6C]  }
0x28: {  	s2 =	sld [smem:$0x3E6D]  }
0x29: {  	s4 =	sld [smem:$0x3E6F]  }
0x2a: {  	p0 =	seq.s32 s5, $0x0;
	s5 =	sld [smem:$0x3E70]  }
0x2b: {  	s6 =	sld [smem:$0x3E71]  }
0x2c: {  	s7 =	sld [smem:$0x3E72]  }
0x2d: {  	s3 =	simm.s32 $0x108;
	s8 =	sld [smem:$0x3E73]  }
0x2e: {  	s3 =	simm.s32 @!p0 $0x1082;
	s9 =	sld [smem:$0x3E74]  }
0x2f: {  	lr =	sadd.s32 s0, s3;
	s0 =	sld [smem:$0x3E6B]  }
0x30: {  	s3 =	sld [smem:$0x3E6E]  }
0x31: {  	[smem:$0x3E77] =	sst s10  }
0x32: {  	s10 =	sld [smem:$0x3E75];
	_ =	sdelay $0x3  }
0x33: {  	p0 =	seq.s32 s10, $0x1;
	s10 =	sld [smem:$0x3E77];
	_ =	sdelay $0x3  }
0x34: {  	[smem:$0x3E77] =	sst s10  }
0x35: {  	s10 =	sld [smem:$0x3E76];
	_ =	sdelay $0x3  }
0x36: {  	p1 =	seq.s32 s10, $0x1;
	s10 =	sld [smem:$0x3E77];
	_ =	sdelay $0x3  }
0x37: {  	[smem:$0x3E77] =	sst s10  }
0x38: {  	s10 =	sld [smem:$0x3E78]  }
0x39: {  	_ = 	snop;
	(pc) =	sbr.ind lr, $3  }
0x3a: {  	_ = 	snop  }
0x3b: {  	_ = 	snop  }
0x3c: {  	p2 =	seq.s32 s10, $0x1;
	s10 =	sld [smem:$0x3E77]  }
0x3d: {  	_ =	shalt  }
0x3e: {  	_ =	shalt  }
0x3f: {  	_ =	shalt  }
0x40: {  	_ =	shalt  }
0x41: {  	_ =	shalt  }
0x42: {  	_ =	shalt  }
0x43: {  	_ =	shalt  }
0x44: {  	_ =	shalt  }
0x45: {  	_ =	shalt  }
0x46: {  	_ =	shalt  }
0x47: {  	_ =	shalt  }
0x48: {  	_ =	shalt  }
0x49: {  	_ =	shalt  }
0x4a: {  	_ =	shalt  }
0x4b: {  	_ =	shalt  }
0x4c: {  	_ =	shalt  }
0x4d: {  	_ =	shalt  }
0x4e: {  	_ =	shalt  }
0x4f: {  	_ =	shalt  }
0x50: {  	_ =	shalt  }
0x51: {  	_ =	shalt  }
0x52: {  	_ =	shalt  }
0x53: {  	_ =	shalt  }
0x54: {  	_ =	shalt  }
0x55: {  	_ =	shalt  }
0x56: {  	_ =	shalt  }
0x57: {  	_ =	shalt  }
0x58: {  	_ =	shalt  }
0x59: {  	_ =	shalt  }
0x5a: {  	_ =	shalt  }
0x5b: {  	_ =	shalt  }
0x5c: {  	_ =	shalt  }
0x5d: {  	_ =	shalt  }
0x5e: {  	_ =	shalt  }
0x5f: {  	_ =	shalt  }
0x60: {  	_ =	shalt  }
0x61: {  	_ =	shalt  }
0x62: {  	_ =	shalt  }
0x63: {  	_ =	shalt  }
0x64: {  	_ =	shalt  }
0x65: {  	_ =	shalt  }
0x66: {  	_ =	shalt  }
0x67: {  	_ =	shalt  }
0x68: {  	_ =	shalt  }
0x69: {  	_ =	shalt  }
0x6a: {  	_ =	shalt  }
0x6b: {  	_ =	shalt  }
0x6c: {  	_ =	shalt  }
0x6d: {  	_ =	shalt  }
0x6e: {  	_ =	shalt  }
0x6f: {  	_ =	shalt  }
0x70: {  	_ =	shalt  }
0x71: {  	_ =	shalt  }
0x72: {  	_ =	shalt  }
0x73: {  	_ =	shalt  }
0x74: {  	_ =	shalt  }
0x75: {  	_ =	shalt  }
0x76: {  	_ =	shalt  }
0x77: {  	_ =	shalt  }
0x78: {  	_ =	shalt  }
0x79: {  	_ =	shalt  }
0x7a: {  	_ =	shalt  }
0x7b: {  	_ =	shalt  }
0x7c: {  	_ =	shalt  }
0x7d: {  	_ =	shalt  }
0x7e: {  	_ =	shalt  }
0x7f: {  	_ =	shalt  }
0x80: {  	_ =	shalt  }
0x81: {  	_ =	shalt  }
0x82: {  	_ =	shalt  }
0x83: {  	_ =	shalt  }
0x84: {  	_ =	shalt  }
0x85: {  	_ =	shalt  }
0x86: {  	_ =	shalt  }
0x87: {  	_ =	shalt  }
.Lfunc_end0:
.L_simem_size_0:
called_computation.1_lowered:
.L_overlay_start_0:
0x88: {  	s2 =	sld [smem:$0x3FD9]  }
0x89: {  	s3 =	sld [smem:$0x3FFE];
	_ =	sdelay $0x1  }
0x8a: {  	s1 =	srdreg.scid  }
0x8b: {  	s0 =	sand.u32 $0x1, s1  }
0x8c: {  	s14 =	sshll.u32 s0, $0xA;
	s2 =	sadd.s32 s3, s2  }
0x8d: {  	s2 =	sadd.s32 s2, s14  }
0x8e: {  	[smem:$0x3E83] =	sst s2  }
0x8f: {  	_ = 	snop  }
0x90: {  	s2 =	sld [smem:$0x3FD0];
	_ =	sdelay $0x2  }
0x91: {  	s15 =	simm.s32 $0xA;
	s4 =	simm.s32 $0x10  }
0x92: {  	[smem:s4], [sflag:s15] =	dma.local [hbm:s2], $0x1  }
0x93: {  	_ =	swait.eq [sflag:s15], $0x1  }
0x94: {  	[sflag:s15] =	ssyncset.done $0x0  }
0x95: {  	[sflag:s15] =	ssyncadd.s32 $0xFFFFFFFF  }
0x96: {  	s16 =	sld [smem:$0x11];
	(tm) =	ssettm $0x1  }
0x97: {  	s17 =	sld [smem:$0x3FFB];
	_ =	sdelay $0x3  }
0x98: {  	_ =	strace s17  }
0x99: {  	s3 =	sld [smem:$0x3FFC];
	_ =	sdelay $0x3  }
0x9a: {  	_ =	strace s3  }
0x9b: {  	s3 =	sld [smem:$0x3FFD];
	_ =	sdelay $0x3  }
0x9c: {  	_ =	strace s3  }
0x9d: {  	_ =	strace $0x8FFFFFFF  }
0x9e: {  	s18 =	sld [smem:$0x3FDB];
	_ =	sdelay $0x1  }
0x9f: {  	s19 =	simm.s32 $_scs_section_size  }
0xa0: {  	s5 =	simm.s32 $_size__tile_overlayer_lowered;
	s6 =	simm.s32 $_tile_overlayer_lowered  }
0xa1: {  	s22 =	simm.s32 $0x1BFF;
	s21 =	sshll.u32 s6, $0x1;
	s3 =	sadd.s32 s19, s18  }
0xa2: {  	s7 =	simm.s32 $0x0;
	s20 =	sshll.u32 s5, $0x1;
	s5 =	sadd.s32 s21, s3  }
0xa3: {  	[timem:s7], [sflag:s22] =	dma.local [hbm:s5], s20  }
0xa4: {  	_ =	swait.ge [sflag:s22], s20  }
0xa5: {  	s4 =	ssub.s32 $0x0, s20;
	[sflag:s22] =	ssyncset.done $0x0  }
0xa6: {  	[sflag:s22] =	ssyncadd.s32 s4;
	_ =	sdelay $0x1  }
0xa7: {  	s23 =	simm.s32 $0x1B8B  }
0xa8: {  	_ =	swait.ge [sflag:s23], $0x1  }
0xa9: {  	[sflag:s23] =	ssyncset.done $0x0  }
0xaa: {  	s25 =	simm.s32 $0x1B8E;
	s24 =	sld [smem:$0x3FFE];
	[sflag:s23] =	ssyncadd.s32 $0xFFFFFFFF  }
0xab: {  	s26 =	simm.s32 $execute0_lowered;
	[smem:$0x3FD2] =	sst s25  }
0xac: {  	s5 =	sshll.u32 s26, $0x1;
	_ =	strace $0x80000049;
	[dreg:$0x1] =	wrdreg $0xFFFFFFFF  }
0xad: {  	s28 =	simm.s32 $_size_execute0_lowered;
	s3 =	sadd.s32 s3, s5;
	[dreg:$0x0] =	wrdreg $0x0  }
0xae: {  	s5 =	sshll.u32 s28, $0x1;
	[dreg:$0x2] =	wrdreg s3  }
0xaf: {  	[dreg:$0x3] =	wrdreg s5  }
0xb0: {  	[dreg:$0x4] =	wrdreg $0xC0  }
0xb1: {  	_ =	task [dreg:s7], $0x5FFFF  }
0xb2: {  	[dreg:$0x1] =	wrdreg $0xFFFFFFFF  }
0xb3: {  	[dreg:$0x0] =	wrdreg $0x60  }
0xb4: {  	[dreg:$0x2] =	wrdreg s24  }
0xb5: {  	[dreg:$0x3] =	wrdreg s16  }
0xb6: {  	[dreg:$0x4] =	wrdreg $0x9  }
0xb7: {  	_ =	task.clear_ibuf [dreg:s7], $0x5FFFF;
	_ =	strace $0x90000049  }
0xb8: {  	s29 =	simm.s32 $0x9;
	_ =	strace $0x8000004B  }
0xb9: {  	_ =	swait.ge [sflag:s29], $0x1  }
0xba: {  	[sflag:s29] =	ssyncadd.s32 $0xFFFFFFFF  }
0xbb: {  	_ =	strace $0x9000004B  }
0xbc: {  	_ =	sfence  }
0xbd: {  	s30 =	sld [smem:$0x0];
	_ =	sdelay $0x2  }
0xbe: {  	s31 =	sshll.u32 s1, $0xD;
	s1 =	sshrl.u32 s1, $0x2  }
0xbf: {  	s3 =	sand.u32 $0x4000, s31;
	s1 =	sadd.s32 s1, s30  }
0xc0: {  	s0 =	sor.u32 s3, s0;
	s1 =	sshll.u32 s1, $0x11  }
0xc1: {  	s0 =	sor.u32 s1, s0  }
0xc2: {  	s0 =	sadd.s32 $0x8F2B, s0  }
0xc3: {  	[sflag:s0] =	ssyncadd.remote.s32 $0x1  }
0xc4: {  	_ =	sfence.sel $0xFFFF  }
0xc5: {  	[dreg:$0x0] =	wrdreg $0xFFFFFFFF;
	(pc) =	sbr.abs _section_cstart, $3  }
0xc6: {  	[dreg:$0x1] =	wrdreg $0xFFFFFFFF  }
0xc7: {  	_ =	task.clear_ibuf [dreg:s7], $0x2FFFF;
	_ =	strace $0x9FFFFFFF  }
0xc8: {  	(tm) =	ssettm $0x7FFFFFFF  }
0xc9: {  	_ =	shalt  }
tec
execute0_lowered:
.L_overlay_start_1:
0x0: {  	(tag) =	ssettag $0x1  }
0x1: {  	s1 =	srdreg.scid;
	s5 =	rddreg [dreg:$0x0]  }
0x2: {  	s0 =	stileid.u32;
	s2 =	rddreg [dreg:$0x1];
	s6 =	simm.s32 $0x1  }
0x3: {  	s9 =	simm.s32 $0x1;
	s10 =	simm.s32 $0x3;
	s1 =	sshll.u32 s1, $0x6  }
0x4: {  	s13 =	simm.s32 $0x0;
	s3 =	sshll.u32 s0, $0x7;
	s4 =	sand.u32 $0x40, s1  }
0x5: {  	s12 =	simm.s32 $0x0;
	s1 =	rddreg [dreg:$0x2];
	s3 =	sor.u32 s3, s4  }
0x6: {  	_ =	strace $0x8000004A;
	s4 =	sadd.s32 $0x9FE00, s5;
	s8 =	ssub.s32 $0x1000, s3  }
.Ltmp0:
0x7: {  	s5 =	sadd.s32 $0xAFE00, s5;
	s7 =	sand.u32 $0x7C0, s8;
	(pc) =	sbr.rel .LBB2_1-.Ltmp0, $4  }
0x8: {  	[sflag:s6] =	ssyncpa.u1 $0x0;
	s11 =	smov.u32 s3;
	p0 =	sne.s32 s7, $0x0  }
0x9: {  	s8 =	sshrl.u32 s8, $0xB;
	s7 =	simm.s32 $0x2;
	s9 =	simm.s32 @!p0 $0x0  }
0xa: {  	[sflag:s7] =	ssyncpa.u1 $0x0;
	p0 =	por $0x0, $0x0;
	s8 =	sadd.s32 s9, s8  }
0xb: {  	vm0 =	vmmov $0xffff;
	[sflag:s10] =	ssyncpa.u1 $0x0;
	s10 =	simm.s32 $0x0;
	s9 =	sadd.s32 $0x1, s8  }
.LBB2_4:
0xc: {  	v5 =	vshrl.u32 v1, $0xC;
	v6 =	vshll.u32 v1, $0x7  }
0xd: {  	vm1 =	veq.s32 v1, $0x80000000;
	v58 =	vand.u32 $0x7, v5;
	v59 =	vand.u32 $0x7FF80, v6  }
0xe: {  	v1 =	vsel vm1, $0xFFFFFFFF, v58;
	v5 =	vsel vm1, $0xFFFFFF80, v59  }
0xf: {  	v3 =	vor.u32 v4, v3;
	v60 =	vand.u32 $0xFFFFFC00, v5;
	v61 =	vand.u32 $0xFFFFFC00, v1  }
0x10: {  	v2 =	vor.u32 v2, v3;
	v63 =	vand.u32 $0x380, v5;
	v62 =	vadd.s32 v61, v60  }
0x11: {  	v1 =	vand.u32 $0x7F, v1;
	v3 =	vor.u32 v63, v62  }
0x12: {  	v1 =	vor.u32 v1, v3  }
0x13: {  	[tilespmem:s15], [sflag:$0x1] =	stream.indirect_vreg.gather [hbm4b:s4+s10], $0x1, v0, vm0, $0x4038;
	[tilespmem:$0x100] =	vst v63  }
0x14: {  	(ifvalue) =	ssetifvalue $0x7FFFFFFF  }
0x15: {  	[tilespmem:s16], [sflag:$0x1] =	stream.indirect_vreg.gather [hbm4b:s4+s10], $0x1, v2, vm0, $0x4038;
	[tilespmem:$0x100] =	vst v63  }
0x16: {  	s29 =	sadd.s32 $0x10, s16;
	(ifvalue) =	ssetifvalue $0x7FFFFFFF  }
0x17: {  	[tilespmem:s29], [sflag:$0x1] =	stream.indirect_vreg.gather [hbm4b:s4+s10], $0x1, v1, vm0, $0x4038;
	[tilespmem:$0x100] =	vst v63  }
0x18: {  	_ =	swait.ge [sflag:s6], $0x40  }
0x19: {  	s30 =	sshrl.u32 s13, $0x3;
	[sflag:s6] =	ssyncset.done $0x0  }
0x1a: {  	s31 =	sand.u32 $0x7, s13;
	s15 =	sadd.s32 s5, s30;
	[sflag:s6] =	ssyncadd.s32 $0xFFFFFFC0  }
0x1b: {  	[hbm4b:s15+s31] =	stream.linear.scatter [tilespmem:s14], [sflag:$0x3], $0x40, $0x38;
	[tilespmem:$0x100] =	vst v63  }
.LBB2_5:
0x1c: {  	s15 =	sadd.s32 $0x800, s11  }
0x1d: {  	p2 =	sgt.s32 s15, $0xFFF  }
0x1e: {  	s15 =	smov.u32 @p2 s3;
	p2 =	sne.s32 s12, s9  }
.Ltmp1:
0x1f: {  	p1 =	slt.u32 s12, $0x2;
	(pc) =	sbr.rel @!p2 .LBB2_6-.Ltmp1, $4  }
0x20: {  	s14 =	simm.s32 @!p1 $0x3  }
0x21: {  	s16 =	sadd.s32 $0x1, s12;
	_ =	swait.ge @!p1 [sflag:s14], $0x40  }
0x22: {  	s13 =	smov.u32 s11;
	p0 =	por !p0, !p0;
	[sflag:s14] =	ssyncset.done @!p1 $0x0  }
0x23: {  	s12 =	smov.u32 s16;
	s11 =	smov.u32 s15;
	[sflag:s14] =	ssyncadd.s32 @!p1 $0xFFFFFFC0  }
.LBB2_1:
0x24: {  	p1 =	sge.u32 s12, s8  }
0x25: {  	s14 =	sxor.u32 @!p1 $0xFFFFFFFF, s12  }
0x26: {  	s31 =	sadd.s32 $0xFFFFFFFF, s12;
	s15 =	sshrl.u32 @!p1 s11, $0x3;
	s14 =	sshll.u32 @!p1 s14, $0x6  }
0x27: {  	s16 =	sand.u32 @!p1 $0x7, s11;
	s15 =	sadd.s32 @!p1 s2, s15;
	s14 =	sand.u32 @!p1 $0x40, s14  }
0x28: {  	[tilespmem:s14], [sflag:$0x2] =	stream.linear.gather @!p1 [hbm4b:s15+s16], $0x40, $0x38;
	[tilespmem:$0x100] =	vst v63  }
0x29: {  	p1 =	sge.u32 s31, s8  }
.Ltmp2:
0x2a: {  	_ = 	snop;
	(pc) =	sbr.rel @p1 .LBB2_5-.Ltmp2, $1  }
0x2b: {  	_ =	sdelay $0x3  }
0x2c: {  	s14 =	simm.s32 $0x1  }
0x2d: {  	_ =	swait.ge [sflag:s7], $0x40;
	s14 =	simm.s32 @!p0 $0x0  }
0x2e: {  	[sflag:s7] =	ssyncset.done $0x0;
	s14 =	sshll.u32 s14, $0x6  }
0x2f: {  	[sflag:s7] =	ssyncadd.s32 $0xFFFFFFC0;
	(ifvalue) =	ssetifvalue $0x7FFFFFFF;
	v0 =	vld.msk [tilespmem:s14+$0x0 ss:$0x1], $0xffff;
	_ =	sdelay $0x4  }
0x30: {  	s15 =	sadd.s32 $0x10, s14;
	v2 =	vshrl.u32 v0, $0xC;
	v3 =	vshll.u32 v0, $0x7  }
0x31: {  	v1 =	vld.msk [tilespmem:s15+$0x0 ss:$0x1], $0xffff;
	vm1 =	veq.s32 v0, $0x80000000;
	v0 =	vand.u32 $0x7, v2;
	v2 =	vand.u32 $0x7FF80, v3  }
0x32: {  	v0 =	vsel vm1, $0xFFFFFFFF, v0;
	v2 =	vsel vm1, $0xFFFFFF80, v2  }
0x33: {  	v3 =	vand.u32 $0xFFFFFC00, v2;
	v4 =	vand.u32 $0xFFFFFC00, v0  }
0x34: {  	v2 =	vand.u32 $0x380, v2;
	v3 =	vadd.s32 v4, v3  }
0x35: {  	v0 =	vand.u32 $0x7F, v0;
	v2 =	vor.u32 v2, v3  }
0x36: {  	v5 =	vshll.u32 v1, $0x7;
	v4 =	vshrl.u32 v1, $0xC;
	v0 =	vor.u32 v0, v2  }
0x37: {  	s16 =	sshll.u32 s12, $0x6;
	vm1 =	veq.s32 v1, $0x80000000;
	v1 =	vand.u32 $0x7, v4;
	v4 =	vand.u32 $0x7FF80, v5  }
0x38: {  	s16 =	sand.u32 $0x40, s16;
	s18 =	sadd.s32 $0x10, s15;
	v3 =	vsel vm1, $0xFFFFFFFF, v1;
	v4 =	vsel vm1, $0xFFFFFF80, v4  }
0x39: {  	s17 =	simm.s32 $0x20;
	s15 =	sor.u32 $0x80, s14;
	s14 =	sor.u32 $0x80, s16;
	v1 =	vld.msk [tilespmem:s18+$0x0 ss:$0x1], $0xffff;
	v5 =	vand.u32 $0xFFFFFC00, v4;
	v6 =	vand.u32 $0xFFFFFC00, v3  }
0x3a: {  	s16 =	sadd.s32 $0x10, s15;
	s18 =	sadd.s32 $0x10, s18;
	(ifvalue) =	ssetifvalue $0x7FFFFFFF;
	v2 =	vand.u32 $0x7F, v3;
	v4 =	vand.u32 $0x380, v4;
	v3 =	vadd.s32 v6, v5  }
.LBB2_3:
0x3b: {  	[tilespmem:s15], [sflag:$0x1] =	stream.indirect_vreg.gather [hbm4b:s4+s10], $0x1, v0, vm0, $0x4038;
	[tilespmem:$0x100] =	vst v63  }
0x3c: {  	s17 =	sadd.s32 $0x10, s17  }
0x3d: {  	v3 =	vor.u32 v4, v3;
	p1 =	slt.u32 s17, $0x30  }
.Ltmp3:
0x3e: {  	v4 =	vshrl.u32 v1, $0xC;
	v5 =	vshll.u32 v1, $0x7;
	s15 =	smov.u32 s16;
	v0 =	vor.u32 v2, v3;
	v2 =	vmovc v1;
	v1 =	vld.msk [tilespmem:s18+$0x0 ss:$0x1], $0xffff;
	(pc) =	sbr.rel @p1 .LBB2_3-.Ltmp3, $4  }
0x3f: {  	v3 =	vand.u32 $0x7FF80, v5;
	vm1 =	veq.s32 v2, $0x80000000;
	v2 =	vand.u32 $0x7, v4  }
0x40: {  	v4 =	vsel vm1, $0xFFFFFFFF, v2;
	v5 =	vsel vm1, $0xFFFFFF80, v3  }
0x41: {  	v2 =	vand.u32 $0x7F, v4;
	v3 =	vand.u32 $0xFFFFFC00, v5;
	v4 =	vand.u32 $0xFFFFFC00, v4  }
0x42: {  	s16 =	sadd.s32 $0x10, s16;
	s18 =	sadd.s32 $0x10, s18;
	v3 =	vadd.s32 v4, v3;
	v4 =	vand.u32 $0x380, v5;
	(ifvalue) =	ssetifvalue $0x7FFFFFFF  }
.Ltmp4:
0x43: {  	_ = 	snop;
	(pc) =	sbr.rel .LBB2_4-.Ltmp4, $1  }
0x44: {  	_ =	sdelay $0x3  }
.LBB2_6:
0x45: {  	_ =	sfence.sel $0x180000  }
0x46: {  	s2 =	simm.s32 $0x2;
	[bflag:$0x0] =	sbarrier.arrive $0xFFFF  }
0x47: {  	s30 =	simm.s32 $0x3;
	[sflag:s2] =	ssyncpa.u1 $0x1  }
0x48: {  	s31 =	simm.s32 $0x1;
	[sflag:s30] =	ssyncpa.u1 $0x1  }
0x49: {  	[sflag:s31] =	ssyncpa.u1 $0x1  }
0x4a: {  	p0 =	sne.s32 s0, $0x0;
	_ =	strace $0x9000004A  }
0x4b: {  	s0 =	sadd.s32 @!p0 $0x100000, s1;
	[bflag:$0x2] =	sbarrier.arrive $0xFFFF  }
0x4c: {  	[sflag:s0] =	ssyncadd.tile.s32 @!p0 $0x1;
	_ =	shalt  }
.Lfunc_end2:
_tile_overlayer_lowered:
.L_overlay_start_2:
0x4d: {  	(tag) =	ssettag $0x2  }
0x4e: {  	s0 =	rddreg [dreg:$0x0];
	s2 =	stileid.u32  }
0x4f: {  	s1 =	rddreg [dreg:$0x1];
	p0 =	sne.s32 s2, $0x0  }
0x50: {  	s3 =	rddreg [dreg:$0x2];
	[bflag:$0x3] =	sbarrier.arrive $0xFFFF;
	s2 =	simm.s32 @!p0 $0x1C01  }
0x51: {  	[timem:s3], [sflag:s2] =	dma.local @!p0 [hbm:s0], s1  }
0x52: {  	s0 =	simm.s32 @!p0 $0x1  }
0x53: {  	_ =	swait.ge @!p0 [sflag:s0], s1  }
0x54: {  	s1 =	ssub.s32 @!p0 $0x0, s1;
	[sflag:s0] =	ssyncset.done @!p0 $0x0  }
0x55: {  	[sflag:s0] =	ssyncadd.s32 @!p0 s1  }
0x56: {  	[bflag:$0x3] =	sbarrier.arrive $0xFFFF  }
0x57: {  	_ =	shalt  }

// kernel: gather_offload_async_start.2
scs
__scs_entry_jumppad:
0x0: {  	(pc) =	sbr.rel $0x88, $3  }
0x1: {  	(tag) =	ssettag $0x0;
	lr =	simm.s32 $0x1  }
0x2: {  	[smem:$0x3E5C] =	sst lr;
	_ =	strace $0xD0000000  }
0x3: {  	_ = 	snop  }
0x4: {  	_ = 	snop  }
0x5: {  	_ = 	snop  }
0x6: {  	_ = 	snop  }
0x7: {  	_ = 	snop  }
__scs_overlays_trampoline_lowered:
0x8: {  	[smem:$0x3E6B] =	sst s0  }
0x9: {  	[smem:$0x3E6C] =	sst s1  }
0xa: {  	[smem:$0x3E6D] =	sst s2  }
0xb: {  	[smem:$0x3E6E] =	sst s3  }
0xc: {  	[smem:$0x3E6F] =	sst s4  }
0xd: {  	[smem:$0x3E70] =	sst s5  }
0xe: {  	[smem:$0x3E71] =	sst s6  }
0xf: {  	[smem:$0x3E72] =	sst s7  }
0x10: {  	[smem:$0x3E73] =	sst s8  }
0x11: {  	[smem:$0x3E74] =	sst s9;
	s0 =	simm.s32 @!p0 $0x0  }
0x12: {  	s1 =	sld [smem:$0x3E5A];
	s0 =	simm.s32 @p0 $0x1  }
0x13: {  	[smem:$0x3E75] =	sst s0;
	s0 =	simm.s32 @!p1 $0x0  }
0x14: {  	s2 =	sld [smem:$0x3E59];
	s0 =	simm.s32 @p1 $0x1  }
0x15: {  	[smem:$0x3E76] =	sst s0;
	s0 =	simm.s32 @!p2 $0x0  }
0x16: {  	s3 =	sld [smem:$0x3FDB];
	s0 =	simm.s32 @p2 $0x1  }
0x17: {  	s4 =	simm.s32 $0x1BF5;
	[smem:$0x3E78] =	sst s0  }
0x18: {  	s0 =	sld [smem:$0x3E5B];
	_ =	swait.ge [sflag:s4], $0x0  }
0x19: {  	s7 =	sld [smem:$0x3E5C]  }
0x1a: {  	s8 =	sadd.s32 $0xFFFFE003, lr  }
0x1b: {  	s9 =	sadd.s32 $0xFFFFFEF7, lr;
	s5 =	simm.s32 $0xFFFFFFFF;
	p2 =	slt.u32 s8, $0xFFFFF086  }
0x1c: {  	p1 =	slt.u32 s9, $0xF7A;
	s5 =	simm.s32 @!p2 $0x0  }
0x1d: {  	s5 =	simm.s32 @p1 $0x1;
	p0 =	seq.s32 s7, s2  }
0x1e: {  	s7 =	smul.u32 @!p0 $0xF7A, s2;
	p2 =	seq.s32 @!p0 s5, $0x0  }
0x1f: {  	s9 =	smul.u32 $0xF7A, s1;
	s8 =	simm.s32 @!p0 $0x1BF5;
	p2 =	por !p2, p0  }
0x20: {  	[sflag:s8] =	ssyncset.s32 @!p0 $0xFFFFF086;
	s6 =	sadd.s32 @!p0 s3, s7;
	s7 =	simm.s32 @!p0 $0x108  }
0x21: {  	s3 =	sadd.s32 s3, s9;
	s6 =	sadd.s32 @!p0 $0x88, s6;
	s7 =	simm.s32 @p2 $0x1082  }
0x22: {  	[simem:s7], [sflag:s8] =	dma.local @!p0 [hbm:s6], $0xF7A  }
0x23: {  	s9 =	sor.u32 $0xD0000000, s2;
	s6 =	simm.s32 $0x108;
	_ =	swait.ge @!p0 [sflag:s8], $0x0  }
0x24: {  	s3 =	sadd.s32 $0x88, s3;
	s6 =	simm.s32 @!p1 $0x1082;
	[sflag:s4] =	ssyncset.s32 $0xFFFFF086  }
0x25: {  	[simem:s6], [sflag:s4] =	dma.local [hbm:s3], $0xF7A  }
0x26: {  	[smem:$0x3E5C] =	sst s1;
	(tag) =	ssettag s2;
	_ =	strace s9  }
0x27: {  	s1 =	sld [smem:$0x3E6C]  }
0x28: {  	s2 =	sld [smem:$0x3E6D]  }
0x29: {  	s4 =	sld [smem:$0x3E6F]  }
0x2a: {  	p0 =	seq.s32 s5, $0x0;
	s5 =	sld [smem:$0x3E70]  }
0x2b: {  	s6 =	sld [smem:$0x3E71]  }
0x2c: {  	s7 =	sld [smem:$0x3E72]  }
0x2d: {  	s3 =	simm.s32 $0x108;
	s8 =	sld [smem:$0x3E73]  }
0x2e: {  	s3 =	simm.s32 @!p0 $0x1082;
	s9 =	sld [smem:$0x3E74]  }
0x2f: {  	lr =	sadd.s32 s0, s3;
	s0 =	sld [smem:$0x3E6B]  }
0x30: {  	s3 =	sld [smem:$0x3E6E]  }
0x31: {  	[smem:$0x3E77] =	sst s10  }
0x32: {  	s10 =	sld [smem:$0x3E75];
	_ =	sdelay $0x3  }
0x33: {  	p0 =	seq.s32 s10, $0x1;
	s10 =	sld [smem:$0x3E77];
	_ =	sdelay $0x3  }
0x34: {  	[smem:$0x3E77] =	sst s10  }
0x35: {  	s10 =	sld [smem:$0x3E76];
	_ =	sdelay $0x3  }
0x36: {  	p1 =	seq.s32 s10, $0x1;
	s10 =	sld [smem:$0x3E77];
	_ =	sdelay $0x3  }
0x37: {  	[smem:$0x3E77] =	sst s10  }
0x38: {  	s10 =	sld [smem:$0x3E78]  }
0x39: {  	_ = 	snop;
	(pc) =	sbr.ind lr, $3  }
0x3a: {  	_ = 	snop  }
0x3b: {  	_ = 	snop  }
0x3c: {  	p2 =	seq.s32 s10, $0x1;
	s10 =	sld [smem:$0x3E77]  }
0x3d: {  	_ =	shalt  }
0x3e: {  	_ =	shalt  }
0x3f: {  	_ =	shalt  }
0x40: {  	_ =	shalt  }
0x41: {  	_ =	shalt  }
0x42: {  	_ =	shalt  }
0x43: {  	_ =	shalt  }
0x44: {  	_ =	shalt  }
0x45: {  	_ =	shalt  }
0x46: {  	_ =	shalt  }
0x47: {  	_ =	shalt  }
0x48: {  	_ =	shalt  }
0x49: {  	_ =	shalt  }
0x4a: {  	_ =	shalt  }
0x4b: {  	_ =	shalt  }
0x4c: {  	_ =	shalt  }
0x4d: {  	_ =	shalt  }
0x4e: {  	_ =	shalt  }
0x4f: {  	_ =	shalt  }
0x50: {  	_ =	shalt  }
0x51: {  	_ =	shalt  }
0x52: {  	_ =	shalt  }
0x53: {  	_ =	shalt  }
0x54: {  	_ =	shalt  }
0x55: {  	_ =	shalt  }
0x56: {  	_ =	shalt  }
0x57: {  	_ =	shalt  }
0x58: {  	_ =	shalt  }
0x59: {  	_ =	shalt  }
0x5a: {  	_ =	shalt  }
0x5b: {  	_ =	shalt  }
0x5c: {  	_ =	shalt  }
0x5d: {  	_ =	shalt  }
0x5e: {  	_ =	shalt  }
0x5f: {  	_ =	shalt  }
0x60: {  	_ =	shalt  }
0x61: {  	_ =	shalt  }
0x62: {  	_ =	shalt  }
0x63: {  	_ =	shalt  }
0x64: {  	_ =	shalt  }
0x65: {  	_ =	shalt  }
0x66: {  	_ =	shalt  }
0x67: {  	_ =	shalt  }
0x68: {  	_ =	shalt  }
0x69: {  	_ =	shalt  }
0x6a: {  	_ =	shalt  }
0x6b: {  	_ =	shalt  }
0x6c: {  	_ =	shalt  }
0x6d: {  	_ =	shalt  }
0x6e: {  	_ =	shalt  }
0x6f: {  	_ =	shalt  }
0x70: {  	_ =	shalt  }
0x71: {  	_ =	shalt  }
0x72: {  	_ =	shalt  }
0x73: {  	_ =	shalt  }
0x74: {  	_ =	shalt  }
0x75: {  	_ =	shalt  }
0x76: {  	_ =	shalt  }
0x77: {  	_ =	shalt  }
0x78: {  	_ =	shalt  }
0x79: {  	_ =	shalt  }
0x7a: {  	_ =	shalt  }
0x7b: {  	_ =	shalt  }
0x7c: {  	_ =	shalt  }
0x7d: {  	_ =	shalt  }
0x7e: {  	_ =	shalt  }
0x7f: {  	_ =	shalt  }
0x80: {  	_ =	shalt  }
0x81: {  	_ =	shalt  }
0x82: {  	_ =	shalt  }
0x83: {  	_ =	shalt  }
0x84: {  	_ =	shalt  }
0x85: {  	_ =	shalt  }
0x86: {  	_ =	shalt  }
0x87: {  	_ =	shalt  }
.Lfunc_end0:
.L_simem_size_0:
called_computation.2_lowered:
.L_overlay_start_0:
0x88: {  	s2 =	sld [smem:$0x3FD9]  }
0x89: {  	s3 =	sld [smem:$0x3FFE];
	_ =	sdelay $0x1  }
0x8a: {  	s1 =	srdreg.scid  }
0x8b: {  	s0 =	sand.u32 $0x1, s1  }
0x8c: {  	s14 =	sshll.u32 s0, $0xA;
	s2 =	sadd.s32 s3, s2  }
0x8d: {  	s2 =	sadd.s32 s2, s14  }
0x8e: {  	[smem:$0x3E83] =	sst s2  }
0x8f: {  	_ = 	snop  }
0x90: {  	s2 =	sld [smem:$0x3FD0];
	_ =	sdelay $0x2  }
0x91: {  	s15 =	simm.s32 $0xA;
	s4 =	simm.s32 $0x10  }
0x92: {  	[smem:s4], [sflag:s15] =	dma.local [hbm:s2], $0x1  }
0x93: {  	_ =	swait.eq [sflag:s15], $0x1  }
0x94: {  	[sflag:s15] =	ssyncset.done $0x0  }
0x95: {  	s16 =	sld [smem:$0x11];
	[sflag:s15] =	ssyncadd.s32 $0xFFFFFFFF  }
0x96: {  	s17 =	sld [smem:$0x12];
	(tm) =	ssettm $0x1  }
0x97: {  	s18 =	sld [smem:$0x3FFB];
	_ =	sdelay $0x3  }
0x98: {  	_ =	strace s18  }
0x99: {  	s4 =	sld [smem:$0x3FFC];
	_ =	sdelay $0x3  }
0x9a: {  	_ =	strace s4  }
0x9b: {  	s4 =	sld [smem:$0x3FFD];
	_ =	sdelay $0x3  }
0x9c: {  	_ =	strace s4  }
0x9d: {  	_ =	strace $0x8FFFFFFF  }
0x9e: {  	s19 =	sld [smem:$0x3FDB];
	_ =	sdelay $0x1  }
0x9f: {  	s5 =	simm.s32 $_scs_section_size  }
0xa0: {  	s6 =	simm.s32 $_size__tile_overlayer_lowered;
	s7 =	simm.s32 $_tile_overlayer_lowered  }
0xa1: {  	s22 =	simm.s32 $0x1BFF;
	s21 =	sshll.u32 s7, $0x1;
	s4 =	sadd.s32 s5, s19  }
0xa2: {  	s8 =	simm.s32 $0x0;
	s20 =	sshll.u32 s6, $0x1;
	s6 =	sadd.s32 s21, s4  }
0xa3: {  	[timem:s8], [sflag:s22] =	dma.local [hbm:s6], s20  }
0xa4: {  	_ =	swait.ge [sflag:s22], s20  }
0xa5: {  	s5 =	ssub.s32 $0x0, s20;
	[sflag:s22] =	ssyncset.done $0x0  }
0xa6: {  	[sflag:s22] =	ssyncadd.s32 s5;
	_ =	sdelay $0x1  }
0xa7: {  	s23 =	simm.s32 $0x1B8B  }
0xa8: {  	_ =	swait.ge [sflag:s23], $0x1  }
0xa9: {  	[sflag:s23] =	ssyncset.done $0x0  }
0xaa: {  	s25 =	simm.s32 $0x1B8E;
	s24 =	sld [smem:$0x3FFE];
	[sflag:s23] =	ssyncadd.s32 $0xFFFFFFFF  }
0xab: {  	s26 =	simm.s32 $execute0_lowered;
	[smem:$0x3FD2] =	sst s25  }
0xac: {  	s6 =	sshll.u32 s26, $0x1;
	_ =	strace $0x8000004C;
	[dreg:$0x1] =	wrdreg $0xFFFFFFFF  }
0xad: {  	s28 =	simm.s32 $_size_execute0_lowered;
	s4 =	sadd.s32 s4, s6;
	[dreg:$0x0] =	wrdreg $0x0  }
0xae: {  	s6 =	sshll.u32 s28, $0x1;
	[dreg:$0x2] =	wrdreg s4  }
0xaf: {  	[dreg:$0x3] =	wrdreg s6  }
0xb0: {  	[dreg:$0x4] =	wrdreg $0xC0  }
0xb1: {  	_ =	task [dreg:s8], $0x5FFFF  }
0xb2: {  	[dreg:$0x1] =	wrdreg $0xFFFFFFFF  }
0xb3: {  	[dreg:$0x0] =	wrdreg $0x60  }
0xb4: {  	[dreg:$0x2] =	wrdreg s24  }
0xb5: {  	[dreg:$0x3] =	wrdreg s16  }
0xb6: {  	[dreg:$0x4] =	wrdreg s17  }
0xb7: {  	[dreg:$0x5] =	wrdreg $0x9  }
0xb8: {  	_ =	task.clear_ibuf [dreg:s8], $0x6FFFF;
	_ =	strace $0x9000004C  }
0xb9: {  	s29 =	simm.s32 $0x9;
	_ =	strace $0x8000004E  }
0xba: {  	_ =	swait.ge [sflag:s29], $0x1  }
0xbb: {  	[sflag:s29] =	ssyncadd.s32 $0xFFFFFFFF  }
0xbc: {  	_ =	strace $0x9000004E  }
0xbd: {  	_ =	sfence  }
0xbe: {  	s30 =	sld [smem:$0x0];
	_ =	sdelay $0x2  }
0xbf: {  	s31 =	sshll.u32 s1, $0xD;
	s1 =	sshrl.u32 s1, $0x2  }
0xc0: {  	s3 =	sand.u32 $0x4000, s31;
	s1 =	sadd.s32 s1, s30  }
0xc1: {  	s0 =	sor.u32 s3, s0;
	s1 =	sshll.u32 s1, $0x11  }
0xc2: {  	s0 =	sor.u32 s1, s0  }
0xc3: {  	s0 =	sadd.s32 $0x8F2B, s0  }
0xc4: {  	[sflag:s0] =	ssyncadd.remote.s32 $0x1  }
0xc5: {  	_ =	sfence.sel $0xFFFF  }
0xc6: {  	[dreg:$0x0] =	wrdreg $0xFFFFFFFF;
	(pc) =	sbr.abs _section_cstart, $3  }
0xc7: {  	[dreg:$0x1] =	wrdreg $0xFFFFFFFF  }
0xc8: {  	_ =	task.clear_ibuf [dreg:s8], $0x2FFFF;
	_ =	strace $0x9FFFFFFF  }
0xc9: {  	(tm) =	ssettm $0x7FFFFFFF  }
tec
execute0_lowered:
.L_overlay_start_1:
0x0: {  	(tag) =	ssettag $0x1  }
0x1: {  	s5 =	rddreg [dreg:$0x0]  }
0x2: {  	s1 =	srdreg.scid;
	s2 =	rddreg [dreg:$0x1]  }
0x3: {  	s0 =	stileid.u32;
	s3 =	rddreg [dreg:$0x2]  }
0x4: {  	s9 =	simm.s32 $0x1;
	s10 =	simm.s32 $0x3;
	s1 =	sshll.u32 s1, $0x6  }
0x5: {  	s13 =	simm.s32 $0x0;
	s4 =	sshll.u32 s0, $0x7;
	s6 =	sand.u32 $0x40, s1  }
0x6: {  	s12 =	simm.s32 $0x0;
	s5 =	sadd.s32 $0x9FE00, s5;
	s4 =	sor.u32 s4, s6  }
0x7: {  	s1 =	rddreg [dreg:$0x3];
	_ =	strace $0x8000004D;
	s8 =	ssub.s32 $0x1000, s4  }
.Ltmp0:
0x8: {  	s6 =	simm.s32 $0x1;
	s7 =	sand.u32 $0x7C0, s8;
	(pc) =	sbr.rel .LBB2_1-.Ltmp0, $4  }
0x9: {  	[sflag:s6] =	ssyncpa.u1 $0x0;
	s11 =	smov.u32 s4;
	p0 =	sne.s32 s7, $0x0  }
0xa: {  	s8 =	sshrl.u32 s8, $0xB;
	s7 =	simm.s32 $0x2;
	s9 =	simm.s32 @!p0 $0x0  }
0xb: {  	[sflag:s7] =	ssyncpa.u1 $0x0;
	p0 =	por $0x0, $0x0;
	s8 =	sadd.s32 s9, s8  }
0xc: {  	vm0 =	vmmov $0xffff;
	[sflag:s10] =	ssyncpa.u1 $0x0;
	s10 =	simm.s32 $0x0;
	s9 =	sadd.s32 $0x1, s8  }
.LBB2_4:
0xd: {  	v5 =	vshrl.u32 v1, $0xC;
	v6 =	vshll.u32 v1, $0x7  }
0xe: {  	vm1 =	veq.s32 v1, $0x80000000;
	v58 =	vand.u32 $0x7, v5;
	v59 =	vand.u32 $0x7FF80, v6  }
0xf: {  	v1 =	vsel vm1, $0xFFFFFFFF, v58;
	v5 =	vsel vm1, $0xFFFFFF80, v59  }
0x10: {  	v3 =	vor.u32 v4, v3;
	v60 =	vand.u32 $0xFFFFFC00, v5;
	v61 =	vand.u32 $0xFFFFFC00, v1  }
0x11: {  	v2 =	vor.u32 v2, v3;
	v63 =	vand.u32 $0x380, v5;
	v62 =	vadd.s32 v61, v60  }
0x12: {  	v1 =	vand.u32 $0x7F, v1;
	v3 =	vor.u32 v63, v62  }
0x13: {  	v1 =	vor.u32 v1, v3  }
0x14: {  	[tilespmem:s15], [sflag:$0x1] =	stream.indirect_vreg.gather [hbm4b:s5+s10], $0x1, v0, vm0, $0x4038;
	[tilespmem:$0x100] =	vst v63  }
0x15: {  	(ifvalue) =	ssetifvalue $0x7FFFFFFF  }
0x16: {  	[tilespmem:s16], [sflag:$0x1] =	stream.indirect_vreg.gather [hbm4b:s5+s10], $0x1, v2, vm0, $0x4038;
	[tilespmem:$0x100] =	vst v63  }
0x17: {  	s29 =	sadd.s32 $0x10, s16;
	(ifvalue) =	ssetifvalue $0x7FFFFFFF  }
0x18: {  	[tilespmem:s29], [sflag:$0x1] =	stream.indirect_vreg.gather [hbm4b:s5+s10], $0x1, v1, vm0, $0x4038;
	[tilespmem:$0x100] =	vst v63  }
0x19: {  	_ =	swait.ge [sflag:s6], $0x40  }
0x1a: {  	s30 =	sshrl.u32 s13, $0x3;
	[sflag:s6] =	ssyncset.done $0x0  }
0x1b: {  	s31 =	sand.u32 $0x7, s13;
	s15 =	sadd.s32 s3, s30;
	[sflag:s6] =	ssyncadd.s32 $0xFFFFFFC0  }
0x1c: {  	[hbm4b:s15+s31] =	stream.linear.scatter [tilespmem:s14], [sflag:$0x3], $0x40, $0x38;
	[tilespmem:$0x100] =	vst v63  }
.LBB2_5:
0x1d: {  	s15 =	sadd.s32 $0x800, s11  }
0x1e: {  	p2 =	sgt.s32 s15, $0xFFF  }
0x1f: {  	s15 =	smov.u32 @p2 s4;
	p2 =	sne.s32 s12, s9  }
.Ltmp1:
0x20: {  	p1 =	slt.u32 s12, $0x2;
	(pc) =	sbr.rel @!p2 .LBB2_6-.Ltmp1, $4  }
0x21: {  	s14 =	simm.s32 @!p1 $0x3  }
0x22: {  	s16 =	sadd.s32 $0x1, s12;
	_ =	swait.ge @!p1 [sflag:s14], $0x40  }
0x23: {  	s13 =	smov.u32 s11;
	p0 =	por !p0, !p0;
	[sflag:s14] =	ssyncset.done @!p1 $0x0  }
0x24: {  	s12 =	smov.u32 s16;
	s11 =	smov.u32 s15;
	[sflag:s14] =	ssyncadd.s32 @!p1 $0xFFFFFFC0  }
.LBB2_1:
0x25: {  	p1 =	sge.u32 s12, s8  }
0x26: {  	s14 =	sxor.u32 @!p1 $0xFFFFFFFF, s12  }
0x27: {  	s31 =	sadd.s32 $0xFFFFFFFF, s12;
	s15 =	sshrl.u32 @!p1 s11, $0x3;
	s14 =	sshll.u32 @!p1 s14, $0x6  }
0x28: {  	s16 =	sand.u32 @!p1 $0x7, s11;
	s15 =	sadd.s32 @!p1 s2, s15;
	s14 =	sand.u32 @!p1 $0x40, s14  }
0x29: {  	[tilespmem:s14], [sflag:$0x2] =	stream.linear.gather @!p1 [hbm4b:s15+s16], $0x40, $0x38;
	[tilespmem:$0x100] =	vst v63  }
0x2a: {  	p1 =	sge.u32 s31, s8  }
.Ltmp2:
0x2b: {  	_ = 	snop;
	(pc) =	sbr.rel @p1 .LBB2_5-.Ltmp2, $1  }
0x2c: {  	_ =	sdelay $0x3  }
0x2d: {  	s14 =	simm.s32 $0x1  }
0x2e: {  	_ =	swait.ge [sflag:s7], $0x40;
	s14 =	simm.s32 @!p0 $0x0  }
0x2f: {  	[sflag:s7] =	ssyncset.done $0x0;
	s14 =	sshll.u32 s14, $0x6  }
0x30: {  	[sflag:s7] =	ssyncadd.s32 $0xFFFFFFC0;
	(ifvalue) =	ssetifvalue $0x7FFFFFFF;
	v0 =	vld.msk [tilespmem:s14+$0x0 ss:$0x1], $0xffff;
	_ =	sdelay $0x4  }
0x31: {  	s15 =	sadd.s32 $0x10, s14;
	v2 =	vshrl.u32 v0, $0xC;
	v3 =	vshll.u32 v0, $0x7  }
0x32: {  	v1 =	vld.msk [tilespmem:s15+$0x0 ss:$0x1], $0xffff;
	vm1 =	veq.s32 v0, $0x80000000;
	v0 =	vand.u32 $0x7, v2;
	v2 =	vand.u32 $0x7FF80, v3  }
0x33: {  	v0 =	vsel vm1, $0xFFFFFFFF, v0;
	v2 =	vsel vm1, $0xFFFFFF80, v2  }
0x34: {  	v3 =	vand.u32 $0xFFFFFC00, v2;
	v4 =	vand.u32 $0xFFFFFC00, v0  }
0x35: {  	v2 =	vand.u32 $0x380, v2;
	v3 =	vadd.s32 v4, v3  }
0x36: {  	v0 =	vand.u32 $0x7F, v0;
	v2 =	vor.u32 v2, v3  }
0x37: {  	v5 =	vshll.u32 v1, $0x7;
	v4 =	vshrl.u32 v1, $0xC;
	v0 =	vor.u32 v0, v2  }
0x38: {  	s16 =	sshll.u32 s12, $0x6;
	vm1 =	veq.s32 v1, $0x80000000;
	v1 =	vand.u32 $0x7, v4;
	v4 =	vand.u32 $0x7FF80, v5  }
0x39: {  	s16 =	sand.u32 $0x40, s16;
	s18 =	sadd.s32 $0x10, s15;
	v3 =	vsel vm1, $0xFFFFFFFF, v1;
	v4 =	vsel vm1, $0xFFFFFF80, v4  }
0x3a: {  	s17 =	simm.s32 $0x20;
	s15 =	sor.u32 $0x80, s14;
	s14 =	sor.u32 $0x80, s16;
	v1 =	vld.msk [tilespmem:s18+$0x0 ss:$0x1], $0xffff;
	v5 =	vand.u32 $0xFFFFFC00, v4;
	v6 =	vand.u32 $0xFFFFFC00, v3  }
0x3b: {  	s16 =	sadd.s32 $0x10, s15;
	s18 =	sadd.s32 $0x10, s18;
	(ifvalue) =	ssetifvalue $0x7FFFFFFF;
	v2 =	vand.u32 $0x7F, v3;
	v4 =	vand.u32 $0x380, v4;
	v3 =	vadd.s32 v6, v5  }
.LBB2_3:
0x3c: {  	[tilespmem:s15], [sflag:$0x1] =	stream.indirect_vreg.gather [hbm4b:s5+s10], $0x1, v0, vm0, $0x4038;
	[tilespmem:$0x100] =	vst v63  }
0x3d: {  	s17 =	sadd.s32 $0x10, s17  }
0x3e: {  	v3 =	vor.u32 v4, v3;
	p1 =	slt.u32 s17, $0x30  }
.Ltmp3:
0x3f: {  	v4 =	vshrl.u32 v1, $0xC;
	v5 =	vshll.u32 v1, $0x7;
	s15 =	smov.u32 s16;
	v0 =	vor.u32 v2, v3;
	v2 =	vmovc v1;
	v1 =	vld.msk [tilespmem:s18+$0x0 ss:$0x1], $0xffff;
	(pc) =	sbr.rel @p1 .LBB2_3-.Ltmp3, $4  }
0x40: {  	v3 =	vand.u32 $0x7FF80, v5;
	vm1 =	veq.s32 v2, $0x80000000;
	v2 =	vand.u32 $0x7, v4  }
0x41: {  	v4 =	vsel vm1, $0xFFFFFFFF, v2;
	v5 =	vsel vm1, $0xFFFFFF80, v3  }
0x42: {  	v2 =	vand.u32 $0x7F, v4;
	v3 =	vand.u32 $0xFFFFFC00, v5;
	v4 =	vand.u32 $0xFFFFFC00, v4  }
0x43: {  	s16 =	sadd.s32 $0x10, s16;
	s18 =	sadd.s32 $0x10, s18;
	v3 =	vadd.s32 v4, v3;
	v4 =	vand.u32 $0x380, v5;
	(ifvalue) =	ssetifvalue $0x7FFFFFFF  }
.Ltmp4:
0x44: {  	_ = 	snop;
	(pc) =	sbr.rel .LBB2_4-.Ltmp4, $1  }
0x45: {  	_ =	sdelay $0x3  }
.LBB2_6:
0x46: {  	_ =	sfence.sel $0x180000  }
0x47: {  	s2 =	simm.s32 $0x2;
	[bflag:$0x0] =	sbarrier.arrive $0xFFFF  }
0x48: {  	s30 =	simm.s32 $0x3;
	[sflag:s2] =	ssyncpa.u1 $0x1  }
0x49: {  	s31 =	simm.s32 $0x1;
	[sflag:s30] =	ssyncpa.u1 $0x1  }
0x4a: {  	[sflag:s31] =	ssyncpa.u1 $0x1  }
0x4b: {  	p0 =	sne.s32 s0, $0x0;
	_ =	strace $0x9000004D  }
0x4c: {  	s0 =	sadd.s32 @!p0 $0x100000, s1;
	[bflag:$0x2] =	sbarrier.arrive $0xFFFF  }
0x4d: {  	[sflag:s0] =	ssyncadd.tile.s32 @!p0 $0x1;
	_ =	shalt  }
.Lfunc_end2:
_tile_overlayer_lowered:
.L_overlay_start_2:
0x4e: {  	(tag) =	ssettag $0x2  }
0x4f: {  	s0 =	rddreg [dreg:$0x0];
	s2 =	stileid.u32  }
0x50: {  	s1 =	rddreg [dreg:$0x1];
	p0 =	sne.s32 s2, $0x0  }
0x51: {  	s3 =	rddreg [dreg:$0x2];
	[bflag:$0x3] =	sbarrier.arrive $0xFFFF;
	s2 =	simm.s32 @!p0 $0x1C01  }
0x52: {  	[timem:s3], [sflag:s2] =	dma.local @!p0 [hbm:s0], s1  }
0x53: {  	s0 =	simm.s32 @!p0 $0x1  }
0x54: {  	_ =	swait.ge @!p0 [sflag:s0], s1  }
0x55: {  	s1 =	ssub.s32 @!p0 $0x0, s1;
	[sflag:s0] =	ssyncset.done @!p0 $0x0  }
0x56: {  	[sflag:s0] =	ssyncadd.s32 @!p0 s1  }
0x57: {  	[bflag:$0x3] =	sbarrier.arrive $0xFFFF  }
0x58: {  	_ =	shalt  }

// kernel: gather_offload_async_start.3
scs
__scs_entry_jumppad:
0x0: {  	(pc) =	sbr.rel $0x88, $3  }
0x1: {  	(tag) =	ssettag $0x0;
	lr =	simm.s32 $0x1  }
0x2: {  	[smem:$0x3E5C] =	sst lr;
	_ =	strace $0xD0000000  }
0x3: {  	_ = 	snop  }
0x4: {  	_ = 	snop  }
0x5: {  	_ = 	snop  }
0x6: {  	_ = 	snop  }
0x7: {  	_ = 	snop  }
__scs_overlays_trampoline_lowered:
0x8: {  	[smem:$0x3E6B] =	sst s0  }
0x9: {  	[smem:$0x3E6C] =	sst s1  }
0xa: {  	[smem:$0x3E6D] =	sst s2  }
0xb: {  	[smem:$0x3E6E] =	sst s3  }
0xc: {  	[smem:$0x3E6F] =	sst s4  }
0xd: {  	[smem:$0x3E70] =	sst s5  }
0xe: {  	[smem:$0x3E71] =	sst s6  }
0xf: {  	[smem:$0x3E72] =	sst s7  }
0x10: {  	[smem:$0x3E73] =	sst s8  }
0x11: {  	[smem:$0x3E74] =	sst s9;
	s0 =	simm.s32 @!p0 $0x0  }
0x12: {  	s1 =	sld [smem:$0x3E5A];
	s0 =	simm.s32 @p0 $0x1  }
0x13: {  	[smem:$0x3E75] =	sst s0;
	s0 =	simm.s32 @!p1 $0x0  }
0x14: {  	s2 =	sld [smem:$0x3E59];
	s0 =	simm.s32 @p1 $0x1  }
0x15: {  	[smem:$0x3E76] =	sst s0;
	s0 =	simm.s32 @!p2 $0x0  }
0x16: {  	s3 =	sld [smem:$0x3FDB];
	s0 =	simm.s32 @p2 $0x1  }
0x17: {  	s4 =	simm.s32 $0x1BF5;
	[smem:$0x3E78] =	sst s0  }
0x18: {  	s0 =	sld [smem:$0x3E5B];
	_ =	swait.ge [sflag:s4], $0x0  }
0x19: {  	s7 =	sld [smem:$0x3E5C]  }
0x1a: {  	s8 =	sadd.s32 $0xFFFFE003, lr  }
0x1b: {  	s9 =	sadd.s32 $0xFFFFFEF7, lr;
	s5 =	simm.s32 $0xFFFFFFFF;
	p2 =	slt.u32 s8, $0xFFFFF086  }
0x1c: {  	p1 =	slt.u32 s9, $0xF7A;
	s5 =	simm.s32 @!p2 $0x0  }
0x1d: {  	s5 =	simm.s32 @p1 $0x1;
	p0 =	seq.s32 s7, s2  }
0x1e: {  	s7 =	smul.u32 @!p0 $0xF7A, s2;
	p2 =	seq.s32 @!p0 s5, $0x0  }
0x1f: {  	s9 =	smul.u32 $0xF7A, s1;
	s8 =	simm.s32 @!p0 $0x1BF5;
	p2 =	por !p2, p0  }
0x20: {  	[sflag:s8] =	ssyncset.s32 @!p0 $0xFFFFF086;
	s6 =	sadd.s32 @!p0 s3, s7;
	s7 =	simm.s32 @!p0 $0x108  }
0x21: {  	s3 =	sadd.s32 s3, s9;
	s6 =	sadd.s32 @!p0 $0x88, s6;
	s7 =	simm.s32 @p2 $0x1082  }
0x22: {  	[simem:s7], [sflag:s8] =	dma.local @!p0 [hbm:s6], $0xF7A  }
0x23: {  	s9 =	sor.u32 $0xD0000000, s2;
	s6 =	simm.s32 $0x108;
	_ =	swait.ge @!p0 [sflag:s8], $0x0  }
0x24: {  	s3 =	sadd.s32 $0x88, s3;
	s6 =	simm.s32 @!p1 $0x1082;
	[sflag:s4] =	ssyncset.s32 $0xFFFFF086  }
0x25: {  	[simem:s6], [sflag:s4] =	dma.local [hbm:s3], $0xF7A  }
0x26: {  	[smem:$0x3E5C] =	sst s1;
	(tag) =	ssettag s2;
	_ =	strace s9  }
0x27: {  	s1 =	sld [smem:$0x3E6C]  }
0x28: {  	s2 =	sld [smem:$0x3E6D]  }
0x29: {  	s4 =	sld [smem:$0x3E6F]  }
0x2a: {  	p0 =	seq.s32 s5, $0x0;
	s5 =	sld [smem:$0x3E70]  }
0x2b: {  	s6 =	sld [smem:$0x3E71]  }
0x2c: {  	s7 =	sld [smem:$0x3E72]  }
0x2d: {  	s3 =	simm.s32 $0x108;
	s8 =	sld [smem:$0x3E73]  }
0x2e: {  	s3 =	simm.s32 @!p0 $0x1082;
	s9 =	sld [smem:$0x3E74]  }
0x2f: {  	lr =	sadd.s32 s0, s3;
	s0 =	sld [smem:$0x3E6B]  }
0x30: {  	s3 =	sld [smem:$0x3E6E]  }
0x31: {  	[smem:$0x3E77] =	sst s10  }
0x32: {  	s10 =	sld [smem:$0x3E75];
	_ =	sdelay $0x3  }
0x33: {  	p0 =	seq.s32 s10, $0x1;
	s10 =	sld [smem:$0x3E77];
	_ =	sdelay $0x3  }
0x34: {  	[smem:$0x3E77] =	sst s10  }
0x35: {  	s10 =	sld [smem:$0x3E76];
	_ =	sdelay $0x3  }
0x36: {  	p1 =	seq.s32 s10, $0x1;
	s10 =	sld [smem:$0x3E77];
	_ =	sdelay $0x3  }
0x37: {  	[smem:$0x3E77] =	sst s10  }
0x38: {  	s10 =	sld [smem:$0x3E78]  }
0x39: {  	_ = 	snop;
	(pc) =	sbr.ind lr, $3  }
0x3a: {  	_ = 	snop  }
0x3b: {  	_ = 	snop  }
0x3c: {  	p2 =	seq.s32 s10, $0x1;
	s10 =	sld [smem:$0x3E77]  }
0x3d: {  	_ =	shalt  }
0x3e: {  	_ =	shalt  }
0x3f: {  	_ =	shalt  }
0x40: {  	_ =	shalt  }
0x41: {  	_ =	shalt  }
0x42: {  	_ =	shalt  }
0x43: {  	_ =	shalt  }
0x44: {  	_ =	shalt  }
0x45: {  	_ =	shalt  }
0x46: {  	_ =	shalt  }
0x47: {  	_ =	shalt  }
0x48: {  	_ =	shalt  }
0x49: {  	_ =	shalt  }
0x4a: {  	_ =	shalt  }
0x4b: {  	_ =	shalt  }
0x4c: {  	_ =	shalt  }
0x4d: {  	_ =	shalt  }
0x4e: {  	_ =	shalt  }
0x4f: {  	_ =	shalt  }
0x50: {  	_ =	shalt  }
0x51: {  	_ =	shalt  }
0x52: {  	_ =	shalt  }
0x53: {  	_ =	shalt  }
0x54: {  	_ =	shalt  }
0x55: {  	_ =	shalt  }
0x56: {  	_ =	shalt  }
0x57: {  	_ =	shalt  }
0x58: {  	_ =	shalt  }
0x59: {  	_ =	shalt  }
0x5a: {  	_ =	shalt  }
0x5b: {  	_ =	shalt  }
0x5c: {  	_ =	shalt  }
0x5d: {  	_ =	shalt  }
0x5e: {  	_ =	shalt  }
0x5f: {  	_ =	shalt  }
0x60: {  	_ =	shalt  }
0x61: {  	_ =	shalt  }
0x62: {  	_ =	shalt  }
0x63: {  	_ =	shalt  }
0x64: {  	_ =	shalt  }
0x65: {  	_ =	shalt  }
0x66: {  	_ =	shalt  }
0x67: {  	_ =	shalt  }
0x68: {  	_ =	shalt  }
0x69: {  	_ =	shalt  }
0x6a: {  	_ =	shalt  }
0x6b: {  	_ =	shalt  }
0x6c: {  	_ =	shalt  }
0x6d: {  	_ =	shalt  }
0x6e: {  	_ =	shalt  }
0x6f: {  	_ =	shalt  }
0x70: {  	_ =	shalt  }
0x71: {  	_ =	shalt  }
0x72: {  	_ =	shalt  }
0x73: {  	_ =	shalt  }
0x74: {  	_ =	shalt  }
0x75: {  	_ =	shalt  }
0x76: {  	_ =	shalt  }
0x77: {  	_ =	shalt  }
0x78: {  	_ =	shalt  }
0x79: {  	_ =	shalt  }
0x7a: {  	_ =	shalt  }
0x7b: {  	_ =	shalt  }
0x7c: {  	_ =	shalt  }
0x7d: {  	_ =	shalt  }
0x7e: {  	_ =	shalt  }
0x7f: {  	_ =	shalt  }
0x80: {  	_ =	shalt  }
0x81: {  	_ =	shalt  }
0x82: {  	_ =	shalt  }
0x83: {  	_ =	shalt  }
0x84: {  	_ =	shalt  }
0x85: {  	_ =	shalt  }
0x86: {  	_ =	shalt  }
0x87: {  	_ =	shalt  }
.Lfunc_end0:
.L_simem_size_0:
called_computation.3_lowered:
.L_overlay_start_0:
0x88: {  	s2 =	sld [smem:$0x3FD9]  }
0x89: {  	s3 =	sld [smem:$0x3FFE];
	_ =	sdelay $0x1  }
0x8a: {  	s1 =	srdreg.scid  }
0x8b: {  	s0 =	sand.u32 $0x1, s1  }
0x8c: {  	s14 =	sshll.u32 s0, $0xA;
	s2 =	sadd.s32 s3, s2  }
0x8d: {  	s2 =	sadd.s32 s2, s14  }
0x8e: {  	[smem:$0x3E83] =	sst s2  }
0x8f: {  	_ = 	snop  }
0x90: {  	s2 =	sld [smem:$0x3FD0];
	_ =	sdelay $0x2  }
0x91: {  	s15 =	simm.s32 $0xA;
	s4 =	simm.s32 $0x10  }
0x92: {  	[smem:s4], [sflag:s15] =	dma.local [hbm:s2], $0x1  }
0x93: {  	_ =	swait.eq [sflag:s15], $0x1  }
0x94: {  	[sflag:s15] =	ssyncset.done $0x0  }
0x95: {  	s16 =	sld [smem:$0x11];
	[sflag:s15] =	ssyncadd.s32 $0xFFFFFFFF  }
0x96: {  	s17 =	sld [smem:$0x12];
	(tm) =	ssettm $0x1  }
0x97: {  	s18 =	sld [smem:$0x3FFB];
	_ =	sdelay $0x3  }
0x98: {  	_ =	strace s18  }
0x99: {  	s4 =	sld [smem:$0x3FFC];
	_ =	sdelay $0x3  }
0x9a: {  	_ =	strace s4  }
0x9b: {  	s4 =	sld [smem:$0x3FFD];
	_ =	sdelay $0x3  }
0x9c: {  	_ =	strace s4  }
0x9d: {  	_ =	strace $0x8FFFFFFF  }
0x9e: {  	s19 =	sld [smem:$0x3FDB];
	_ =	sdelay $0x1  }
0x9f: {  	s5 =	simm.s32 $_scs_section_size  }
0xa0: {  	s6 =	simm.s32 $_size__tile_overlayer_lowered;
	s7 =	simm.s32 $_tile_overlayer_lowered  }
0xa1: {  	s22 =	simm.s32 $0x1BFF;
	s21 =	sshll.u32 s7, $0x1;
	s4 =	sadd.s32 s5, s19  }
0xa2: {  	s8 =	simm.s32 $0x0;
	s20 =	sshll.u32 s6, $0x1;
	s6 =	sadd.s32 s21, s4  }
0xa3: {  	[timem:s8], [sflag:s22] =	dma.local [hbm:s6], s20  }
0xa4: {  	_ =	swait.ge [sflag:s22], s20  }
0xa5: {  	s5 =	ssub.s32 $0x0, s20;
	[sflag:s22] =	ssyncset.done $0x0  }
0xa6: {  	[sflag:s22] =	ssyncadd.s32 s5;
	_ =	sdelay $0x1  }
0xa7: {  	s23 =	simm.s32 $0x1B8B  }
0xa8: {  	_ =	swait.ge [sflag:s23], $0x1  }
0xa9: {  	[sflag:s23] =	ssyncset.done $0x0  }
0xaa: {  	s25 =	simm.s32 $0x1B8E;
	s24 =	sld [smem:$0x3FFE];
	[sflag:s23] =	ssyncadd.s32 $0xFFFFFFFF  }
0xab: {  	s26 =	simm.s32 $execute0_lowered;
	[smem:$0x3FD2] =	sst s25  }
0xac: {  	s6 =	sshll.u32 s26, $0x1;
	_ =	strace $0x8000004F;
	[dreg:$0x1] =	wrdreg $0xFFFFFFFF  }
0xad: {  	s28 =	simm.s32 $_size_execute0_lowered;
	s4 =	sadd.s32 s4, s6;
	[dreg:$0x0] =	wrdreg $0x0  }
0xae: {  	s6 =	sshll.u32 s28, $0x1;
	[dreg:$0x2] =	wrdreg s4  }
0xaf: {  	[dreg:$0x3] =	wrdreg s6  }
0xb0: {  	[dreg:$0x4] =	wrdreg $0xC0  }
0xb1: {  	_ =	task [dreg:s8], $0x5FFFF  }
0xb2: {  	[dreg:$0x1] =	wrdreg $0xFFFFFFFF  }
0xb3: {  	[dreg:$0x0] =	wrdreg $0x60  }
0xb4: {  	[dreg:$0x2] =	wrdreg s24  }
0xb5: {  	[dreg:$0x3] =	wrdreg s16  }
0xb6: {  	[dreg:$0x4] =	wrdreg s17  }
0xb7: {  	[dreg:$0x5] =	wrdreg $0x9  }
0xb8: {  	_ =	task.clear_ibuf [dreg:s8], $0x6FFFF;
	_ =	strace $0x9000004F  }
0xb9: {  	s29 =	simm.s32 $0x9;
	_ =	strace $0x80000051  }
0xba: {  	_ =	swait.ge [sflag:s29], $0x1  }
0xbb: {  	[sflag:s29] =	ssyncadd.s32 $0xFFFFFFFF  }
0xbc: {  	_ =	strace $0x90000051  }
0xbd: {  	_ =	sfence  }
0xbe: {  	s30 =	sld [smem:$0x0];
	_ =	sdelay $0x2  }
0xbf: {  	s31 =	sshll.u32 s1, $0xD;
	s1 =	sshrl.u32 s1, $0x2  }
0xc0: {  	s3 =	sand.u32 $0x4000, s31;
	s1 =	sadd.s32 s1, s30  }
0xc1: {  	s0 =	sor.u32 s3, s0;
	s1 =	sshll.u32 s1, $0x11  }
0xc2: {  	s0 =	sor.u32 s1, s0  }
0xc3: {  	s0 =	sadd.s32 $0x8F2B, s0  }
0xc4: {  	[sflag:s0] =	ssyncadd.remote.s32 $0x1  }
0xc5: {  	_ =	sfence.sel $0xFFFF  }
0xc6: {  	[dreg:$0x0] =	wrdreg $0xFFFFFFFF;
	(pc) =	sbr.abs _section_cstart, $3  }
0xc7: {  	[dreg:$0x1] =	wrdreg $0xFFFFFFFF  }
0xc8: {  	_ =	task.clear_ibuf [dreg:s8], $0x2FFFF;
	_ =	strace $0x9FFFFFFF  }
0xc9: {  	(tm) =	ssettm $0x7FFFFFFF  }
tec
execute0_lowered:
.L_overlay_start_1:
0x0: {  	(tag) =	ssettag $0x1  }
0x1: {  	s5 =	rddreg [dreg:$0x0]  }
0x2: {  	s1 =	srdreg.scid;
	s2 =	rddreg [dreg:$0x1]  }
0x3: {  	s0 =	stileid.u32;
	s3 =	rddreg [dreg:$0x2]  }
0x4: {  	s9 =	simm.s32 $0x1;
	s10 =	simm.s32 $0x3;
	s1 =	sshll.u32 s1, $0x6  }
0x5: {  	s13 =	simm.s32 $0x0;
	s4 =	sshll.u32 s0, $0x7;
	s6 =	sand.u32 $0x40, s1  }
0x6: {  	s12 =	simm.s32 $0x0;
	s5 =	sadd.s32 $0x9FE00, s5;
	s4 =	sor.u32 s4, s6  }
0x7: {  	s1 =	rddreg [dreg:$0x3];
	_ =	strace $0x80000050;
	s8 =	ssub.s32 $0x1000, s4  }
.Ltmp0:
0x8: {  	s6 =	simm.s32 $0x1;
	s7 =	sand.u32 $0x7C0, s8;
	(pc) =	sbr.rel .LBB2_1-.Ltmp0, $4  }
0x9: {  	[sflag:s6] =	ssyncpa.u1 $0x0;
	s11 =	smov.u32 s4;
	p0 =	sne.s32 s7, $0x0  }
0xa: {  	s8 =	sshrl.u32 s8, $0xB;
	s7 =	simm.s32 $0x2;
	s9 =	simm.s32 @!p0 $0x0  }
0xb: {  	[sflag:s7] =	ssyncpa.u1 $0x0;
	p0 =	por $0x0, $0x0;
	s8 =	sadd.s32 s9, s8  }
0xc: {  	vm0 =	vmmov $0xffff;
	[sflag:s10] =	ssyncpa.u1 $0x0;
	s10 =	simm.s32 $0x0;
	s9 =	sadd.s32 $0x1, s8  }
.LBB2_4:
0xd: {  	v5 =	vshrl.u32 v1, $0xC;
	v6 =	vshll.u32 v1, $0x7  }
0xe: {  	vm1 =	veq.s32 v1, $0x80000000;
	v58 =	vand.u32 $0x7, v5;
	v59 =	vand.u32 $0x7FF80, v6  }
0xf: {  	v1 =	vsel vm1, $0xFFFFFFFF, v58;
	v5 =	vsel vm1, $0xFFFFFF80, v59  }
0x10: {  	v3 =	vor.u32 v4, v3;
	v60 =	vand.u32 $0xFFFFFC00, v5;
	v61 =	vand.u32 $0xFFFFFC00, v1  }
0x11: {  	v2 =	vor.u32 v2, v3;
	v63 =	vand.u32 $0x380, v5;
	v62 =	vadd.s32 v61, v60  }
0x12: {  	v1 =	vand.u32 $0x7F, v1;
	v3 =	vor.u32 v63, v62  }
0x13: {  	v1 =	vor.u32 v1, v3  }
0x14: {  	[tilespmem:s15], [sflag:$0x1] =	stream.indirect_vreg.gather [hbm4b:s5+s10], $0x1, v0, vm0, $0x4038;
	[tilespmem:$0x100] =	vst v63  }
0x15: {  	(ifvalue) =	ssetifvalue $0x7FFFFFFF  }
0x16: {  	[tilespmem:s16], [sflag:$0x1] =	stream.indirect_vreg.gather [hbm4b:s5+s10], $0x1, v2, vm0, $0x4038;
	[tilespmem:$0x100] =	vst v63  }
0x17: {  	s29 =	sadd.s32 $0x10, s16;
	(ifvalue) =	ssetifvalue $0x7FFFFFFF  }
0x18: {  	[tilespmem:s29], [sflag:$0x1] =	stream.indirect_vreg.gather [hbm4b:s5+s10], $0x1, v1, vm0, $0x4038;
	[tilespmem:$0x100] =	vst v63  }
0x19: {  	_ =	swait.ge [sflag:s6], $0x40  }
0x1a: {  	s30 =	sshrl.u32 s13, $0x3;
	[sflag:s6] =	ssyncset.done $0x0  }
0x1b: {  	s31 =	sand.u32 $0x7, s13;
	s15 =	sadd.s32 s3, s30;
	[sflag:s6] =	ssyncadd.s32 $0xFFFFFFC0  }
0x1c: {  	[hbm4b:s15+s31] =	stream.linear.scatter [tilespmem:s14], [sflag:$0x3], $0x40, $0x38;
	[tilespmem:$0x100] =	vst v63  }
.LBB2_5:
0x1d: {  	s15 =	sadd.s32 $0x800, s11  }
0x1e: {  	p2 =	sgt.s32 s15, $0xFFF  }
0x1f: {  	s15 =	smov.u32 @p2 s4;
	p2 =	sne.s32 s12, s9  }
.Ltmp1:
0x20: {  	p1 =	slt.u32 s12, $0x2;
	(pc) =	sbr.rel @!p2 .LBB2_6-.Ltmp1, $4  }
0x21: {  	s14 =	simm.s32 @!p1 $0x3  }
0x22: {  	s16 =	sadd.s32 $0x1, s12;
	_ =	swait.ge @!p1 [sflag:s14], $0x40  }
0x23: {  	s13 =	smov.u32 s11;
	p0 =	por !p0, !p0;
	[sflag:s14] =	ssyncset.done @!p1 $0x0  }
0x24: {  	s12 =	smov.u32 s16;
	s11 =	smov.u32 s15;
	[sflag:s14] =	ssyncadd.s32 @!p1 $0xFFFFFFC0  }
.LBB2_1:
0x25: {  	p1 =	sge.u32 s12, s8  }
0x26: {  	s14 =	sxor.u32 @!p1 $0xFFFFFFFF, s12  }
0x27: {  	s31 =	sadd.s32 $0xFFFFFFFF, s12;
	s15 =	sshrl.u32 @!p1 s11, $0x3;
	s14 =	sshll.u32 @!p1 s14, $0x6  }
0x28: {  	s16 =	sand.u32 @!p1 $0x7, s11;
	s15 =	sadd.s32 @!p1 s2, s15;
	s14 =	sand.u32 @!p1 $0x40, s14  }
0x29: {  	[tilespmem:s14], [sflag:$0x2] =	stream.linear.gather @!p1 [hbm4b:s15+s16], $0x40, $0x38;
	[tilespmem:$0x100] =	vst v63  }
0x2a: {  	p1 =	sge.u32 s31, s8  }
.Ltmp2:
0x2b: {  	_ = 	snop;
	(pc) =	sbr.rel @p1 .LBB2_5-.Ltmp2, $1  }
0x2c: {  	_ =	sdelay $0x3  }
0x2d: {  	s14 =	simm.s32 $0x1  }
0x2e: {  	_ =	swait.ge [sflag:s7], $0x40;
	s14 =	simm.s32 @!p0 $0x0  }
0x2f: {  	[sflag:s7] =	ssyncset.done $0x0;
	s14 =	sshll.u32 s14, $0x6  }
0x30: {  	[sflag:s7] =	ssyncadd.s32 $0xFFFFFFC0;
	(ifvalue) =	ssetifvalue $0x7FFFFFFF;
	v0 =	vld.msk [tilespmem:s14+$0x0 ss:$0x1], $0xffff;
	_ =	sdelay $0x4  }
0x31: {  	s15 =	sadd.s32 $0x10, s14;
	v2 =	vshrl.u32 v0, $0xC;
	v3 =	vshll.u32 v0, $0x7  }
0x32: {  	v1 =	vld.msk [tilespmem:s15+$0x0 ss:$0x1], $0xffff;
	vm1 =	veq.s32 v0, $0x80000000;
	v0 =	vand.u32 $0x7, v2;
	v2 =	vand.u32 $0x7FF80, v3  }
0x33: {  	v0 =	vsel vm1, $0xFFFFFFFF, v0;
	v2 =	vsel vm1, $0xFFFFFF80, v2  }
0x34: {  	v3 =	vand.u32 $0xFFFFFC00, v2;
	v4 =	vand.u32 $0xFFFFFC00, v0  }
0x35: {  	v2 =	vand.u32 $0x380, v2;
	v3 =	vadd.s32 v4, v3  }
0x36: {  	v0 =	vand.u32 $0x7F, v0;
	v2 =	vor.u32 v2, v3  }
0x37: {  	v5 =	vshll.u32 v1, $0x7;
	v4 =	vshrl.u32 v1, $0xC;
	v0 =	vor.u32 v0, v2  }
0x38: {  	s16 =	sshll.u32 s12, $0x6;
	vm1 =	veq.s32 v1, $0x80000000;
	v1 =	vand.u32 $0x7, v4;
	v4 =	vand.u32 $0x7FF80, v5  }
0x39: {  	s16 =	sand.u32 $0x40, s16;
	s18 =	sadd.s32 $0x10, s15;
	v3 =	vsel vm1, $0xFFFFFFFF, v1;
	v4 =	vsel vm1, $0xFFFFFF80, v4  }
0x3a: {  	s17 =	simm.s32 $0x20;
	s15 =	sor.u32 $0x80, s14;
	s14 =	sor.u32 $0x80, s16;
	v1 =	vld.msk [tilespmem:s18+$0x0 ss:$0x1], $0xffff;
	v5 =	vand.u32 $0xFFFFFC00, v4;
	v6 =	vand.u32 $0xFFFFFC00, v3  }
0x3b: {  	s16 =	sadd.s32 $0x10, s15;
	s18 =	sadd.s32 $0x10, s18;
	(ifvalue) =	ssetifvalue $0x7FFFFFFF;
	v2 =	vand.u32 $0x7F, v3;
	v4 =	vand.u32 $0x380, v4;
	v3 =	vadd.s32 v6, v5  }
.LBB2_3:
0x3c: {  	[tilespmem:s15], [sflag:$0x1] =	stream.indirect_vreg.gather [hbm4b:s5+s10], $0x1, v0, vm0, $0x4038;
	[tilespmem:$0x100] =	vst v63  }
0x3d: {  	s17 =	sadd.s32 $0x10, s17  }
0x3e: {  	v3 =	vor.u32 v4, v3;
	p1 =	slt.u32 s17, $0x30  }
.Ltmp3:
0x3f: {  	v4 =	vshrl.u32 v1, $0xC;
	v5 =	vshll.u32 v1, $0x7;
	s15 =	smov.u32 s16;
	v0 =	vor.u32 v2, v3;
	v2 =	vmovc v1;
	v1 =	vld.msk [tilespmem:s18+$0x0 ss:$0x1], $0xffff;
	(pc) =	sbr.rel @p1 .LBB2_3-.Ltmp3, $4  }
0x40: {  	v3 =	vand.u32 $0x7FF80, v5;
	vm1 =	veq.s32 v2, $0x80000000;
	v2 =	vand.u32 $0x7, v4  }
0x41: {  	v4 =	vsel vm1, $0xFFFFFFFF, v2;
	v5 =	vsel vm1, $0xFFFFFF80, v3  }
0x42: {  	v2 =	vand.u32 $0x7F, v4;
	v3 =	vand.u32 $0xFFFFFC00, v5;
	v4 =	vand.u32 $0xFFFFFC00, v4  }
0x43: {  	s16 =	sadd.s32 $0x10, s16;
	s18 =	sadd.s32 $0x10, s18;
	v3 =	vadd.s32 v4, v3;
	v4 =	vand.u32 $0x380, v5;
	(ifvalue) =	ssetifvalue $0x7FFFFFFF  }
.Ltmp4:
0x44: {  	_ = 	snop;
	(pc) =	sbr.rel .LBB2_4-.Ltmp4, $1  }
0x45: {  	_ =	sdelay $0x3  }
.LBB2_6:
0x46: {  	_ =	sfence.sel $0x180000  }
0x47: {  	s2 =	simm.s32 $0x2;
	[bflag:$0x0] =	sbarrier.arrive $0xFFFF  }
0x48: {  	s30 =	simm.s32 $0x3;
	[sflag:s2] =	ssyncpa.u1 $0x1  }
0x49: {  	s31 =	simm.s32 $0x1;
	[sflag:s30] =	ssyncpa.u1 $0x1  }
0x4a: {  	[sflag:s31] =	ssyncpa.u1 $0x1  }
0x4b: {  	p0 =	sne.s32 s0, $0x0;
	_ =	strace $0x90000050  }
0x4c: {  	s0 =	sadd.s32 @!p0 $0x100000, s1;
	[bflag:$0x2] =	sbarrier.arrive $0xFFFF  }
0x4d: {  	[sflag:s0] =	ssyncadd.tile.s32 @!p0 $0x1;
	_ =	shalt  }
.Lfunc_end2:
_tile_overlayer_lowered:
.L_overlay_start_2:
0x4e: {  	(tag) =	ssettag $0x2  }
0x4f: {  	s0 =	rddreg [dreg:$0x0];
	s2 =	stileid.u32  }
0x50: {  	s1 =	rddreg [dreg:$0x1];
	p0 =	sne.s32 s2, $0x0  }
0x51: {  	s3 =	rddreg [dreg:$0x2];
	[bflag:$0x3] =	sbarrier.arrive $0xFFFF;
	s2 =	simm.s32 @!p0 $0x1C01  }
0x52: {  	[timem:s3], [sflag:s2] =	dma.local @!p0 [hbm:s0], s1  }
0x53: {  	s0 =	simm.s32 @!p0 $0x1  }
0x54: {  	_ =	swait.ge @!p0 [sflag:s0], s1  }
0x55: {  	s1 =	ssub.s32 @!p0 $0x0, s1;
	[sflag:s0] =	ssyncset.done @!p0 $0x0  }
0x56: {  	[sflag:s0] =	ssyncadd.s32 @!p0 s1  }
0x57: {  	[bflag:$0x3] =	sbarrier.arrive $0xFFFF  }
0x58: {  	_ =	shalt  }

// kernel: gather_offload_async_start.4
scs
__scs_entry_jumppad:
0x0: {  	(pc) =	sbr.rel $0x88, $3  }
0x1: {  	(tag) =	ssettag $0x0;
	lr =	simm.s32 $0x1  }
0x2: {  	[smem:$0x3E5C] =	sst lr;
	_ =	strace $0xD0000000  }
0x3: {  	_ = 	snop  }
0x4: {  	_ = 	snop  }
0x5: {  	_ = 	snop  }
0x6: {  	_ = 	snop  }
0x7: {  	_ = 	snop  }
__scs_overlays_trampoline_lowered:
0x8: {  	[smem:$0x3E6B] =	sst s0  }
0x9: {  	[smem:$0x3E6C] =	sst s1  }
0xa: {  	[smem:$0x3E6D] =	sst s2  }
0xb: {  	[smem:$0x3E6E] =	sst s3  }
0xc: {  	[smem:$0x3E6F] =	sst s4  }
0xd: {  	[smem:$0x3E70] =	sst s5  }
0xe: {  	[smem:$0x3E71] =	sst s6  }
0xf: {  	[smem:$0x3E72] =	sst s7  }
0x10: {  	[smem:$0x3E73] =	sst s8  }
0x11: {  	[smem:$0x3E74] =	sst s9;
	s0 =	simm.s32 @!p0 $0x0  }
0x12: {  	s1 =	sld [smem:$0x3E5A];
	s0 =	simm.s32 @p0 $0x1  }
0x13: {  	[smem:$0x3E75] =	sst s0;
	s0 =	simm.s32 @!p1 $0x0  }
0x14: {  	s2 =	sld [smem:$0x3E59];
	s0 =	simm.s32 @p1 $0x1  }
0x15: {  	[smem:$0x3E76] =	sst s0;
	s0 =	simm.s32 @!p2 $0x0  }
0x16: {  	s3 =	sld [smem:$0x3FDB];
	s0 =	simm.s32 @p2 $0x1  }
0x17: {  	s4 =	simm.s32 $0x1BF5;
	[smem:$0x3E78] =	sst s0  }
0x18: {  	s0 =	sld [smem:$0x3E5B];
	_ =	swait.ge [sflag:s4], $0x0  }
0x19: {  	s7 =	sld [smem:$0x3E5C]  }
0x1a: {  	s8 =	sadd.s32 $0xFFFFE003, lr  }
0x1b: {  	s9 =	sadd.s32 $0xFFFFFEF7, lr;
	s5 =	simm.s32 $0xFFFFFFFF;
	p2 =	slt.u32 s8, $0xFFFFF086  }
0x1c: {  	p1 =	slt.u32 s9, $0xF7A;
	s5 =	simm.s32 @!p2 $0x0  }
0x1d: {  	s5 =	simm.s32 @p1 $0x1;
	p0 =	seq.s32 s7, s2  }
0x1e: {  	s7 =	smul.u32 @!p0 $0xF7A, s2;
	p2 =	seq.s32 @!p0 s5, $0x0  }
0x1f: {  	s9 =	smul.u32 $0xF7A, s1;
	s8 =	simm.s32 @!p0 $0x1BF5;
	p2 =	por !p2, p0  }
0x20: {  	[sflag:s8] =	ssyncset.s32 @!p0 $0xFFFFF086;
	s6 =	sadd.s32 @!p0 s3, s7;
	s7 =	simm.s32 @!p0 $0x108  }
0x21: {  	s3 =	sadd.s32 s3, s9;
	s6 =	sadd.s32 @!p0 $0x88, s6;
	s7 =	simm.s32 @p2 $0x1082  }
0x22: {  	[simem:s7], [sflag:s8] =	dma.local @!p0 [hbm:s6], $0xF7A  }
0x23: {  	s9 =	sor.u32 $0xD0000000, s2;
	s6 =	simm.s32 $0x108;
	_ =	swait.ge @!p0 [sflag:s8], $0x0  }
0x24: {  	s3 =	sadd.s32 $0x88, s3;
	s6 =	simm.s32 @!p1 $0x1082;
	[sflag:s4] =	ssyncset.s32 $0xFFFFF086  }
0x25: {  	[simem:s6], [sflag:s4] =	dma.local [hbm:s3], $0xF7A  }
0x26: {  	[smem:$0x3E5C] =	sst s1;
	(tag) =	ssettag s2;
	_ =	strace s9  }
0x27: {  	s1 =	sld [smem:$0x3E6C]  }
0x28: {  	s2 =	sld [smem:$0x3E6D]  }
0x29: {  	s4 =	sld [smem:$0x3E6F]  }
0x2a: {  	p0 =	seq.s32 s5, $0x0;
	s5 =	sld [smem:$0x3E70]  }
0x2b: {  	s6 =	sld [smem:$0x3E71]  }
0x2c: {  	s7 =	sld [smem:$0x3E72]  }
0x2d: {  	s3 =	simm.s32 $0x108;
	s8 =	sld [smem:$0x3E73]  }
0x2e: {  	s3 =	simm.s32 @!p0 $0x1082;
	s9 =	sld [smem:$0x3E74]  }
0x2f: {  	lr =	sadd.s32 s0, s3;
	s0 =	sld [smem:$0x3E6B]  }
0x30: {  	s3 =	sld [smem:$0x3E6E]  }
0x31: {  	[smem:$0x3E77] =	sst s10  }
0x32: {  	s10 =	sld [smem:$0x3E75];
	_ =	sdelay $0x3  }
0x33: {  	p0 =	seq.s32 s10, $0x1;
	s10 =	sld [smem:$0x3E77];
	_ =	sdelay $0x3  }
0x34: {  	[smem:$0x3E77] =	sst s10  }
0x35: {  	s10 =	sld [smem:$0x3E76];
	_ =	sdelay $0x3  }
0x36: {  	p1 =	seq.s32 s10, $0x1;
	s10 =	sld [smem:$0x3E77];
	_ =	sdelay $0x3  }
0x37: {  	[smem:$0x3E77] =	sst s10  }
0x38: {  	s10 =	sld [smem:$0x3E78]  }
0x39: {  	_ = 	snop;
	(pc) =	sbr.ind lr, $3  }
0x3a: {  	_ = 	snop  }
0x3b: {  	_ = 	snop  }
0x3c: {  	p2 =	seq.s32 s10, $0x1;
	s10 =	sld [smem:$0x3E77]  }
0x3d: {  	_ =	shalt  }
0x3e: {  	_ =	shalt  }
0x3f: {  	_ =	shalt  }
0x40: {  	_ =	shalt  }
0x41: {  	_ =	shalt  }
0x42: {  	_ =	shalt  }
0x43: {  	_ =	shalt  }
0x44: {  	_ =	shalt  }
0x45: {  	_ =	shalt  }
0x46: {  	_ =	shalt  }
0x47: {  	_ =	shalt  }
0x48: {  	_ =	shalt  }
0x49: {  	_ =	shalt  }
0x4a: {  	_ =	shalt  }
0x4b: {  	_ =	shalt  }
0x4c: {  	_ =	shalt  }
0x4d: {  	_ =	shalt  }
0x4e: {  	_ =	shalt  }
0x4f: {  	_ =	shalt  }
0x50: {  	_ =	shalt  }
0x51: {  	_ =	shalt  }
0x52: {  	_ =	shalt  }
0x53: {  	_ =	shalt  }
0x54: {  	_ =	shalt  }
0x55: {  	_ =	shalt  }
0x56: {  	_ =	shalt  }
0x57: {  	_ =	shalt  }
0x58: {  	_ =	shalt  }
0x59: {  	_ =	shalt  }
0x5a: {  	_ =	shalt  }
0x5b: {  	_ =	shalt  }
0x5c: {  	_ =	shalt  }
0x5d: {  	_ =	shalt  }
0x5e: {  	_ =	shalt  }
0x5f: {  	_ =	shalt  }
0x60: {  	_ =	shalt  }
0x61: {  	_ =	shalt  }
0x62: {  	_ =	shalt  }
0x63: {  	_ =	shalt  }
0x64: {  	_ =	shalt  }
0x65: {  	_ =	shalt  }
0x66: {  	_ =	shalt  }
0x67: {  	_ =	shalt  }
0x68: {  	_ =	shalt  }
0x69: {  	_ =	shalt  }
0x6a: {  	_ =	shalt  }
0x6b: {  	_ =	shalt  }
0x6c: {  	_ =	shalt  }
0x6d: {  	_ =	shalt  }
0x6e: {  	_ =	shalt  }
0x6f: {  	_ =	shalt  }
0x70: {  	_ =	shalt  }
0x71: {  	_ =	shalt  }
0x72: {  	_ =	shalt  }
0x73: {  	_ =	shalt  }
0x74: {  	_ =	shalt  }
0x75: {  	_ =	shalt  }
0x76: {  	_ =	shalt  }
0x77: {  	_ =	shalt  }
0x78: {  	_ =	shalt  }
0x79: {  	_ =	shalt  }
0x7a: {  	_ =	shalt  }
0x7b: {  	_ =	shalt  }
0x7c: {  	_ =	shalt  }
0x7d: {  	_ =	shalt  }
0x7e: {  	_ =	shalt  }
0x7f: {  	_ =	shalt  }
0x80: {  	_ =	shalt  }
0x81: {  	_ =	shalt  }
0x82: {  	_ =	shalt  }
0x83: {  	_ =	shalt  }
0x84: {  	_ =	shalt  }
0x85: {  	_ =	shalt  }
0x86: {  	_ =	shalt  }
0x87: {  	_ =	shalt  }
.Lfunc_end0:
.L_simem_size_0:
called_computation.4_lowered:
.L_overlay_start_0:
0x88: {  	s2 =	sld [smem:$0x3FD9]  }
0x89: {  	s3 =	sld [smem:$0x3FFE];
	_ =	sdelay $0x1  }
0x8a: {  	s1 =	srdreg.scid  }
0x8b: {  	s0 =	sand.u32 $0x1, s1  }
0x8c: {  	s14 =	sshll.u32 s0, $0xA;
	s2 =	sadd.s32 s3, s2  }
0x8d: {  	s2 =	sadd.s32 s2, s14  }
0x8e: {  	[smem:$0x3E83] =	sst s2  }
0x8f: {  	_ = 	snop  }
0x90: {  	s2 =	sld [smem:$0x3FD0];
	_ =	sdelay $0x2  }
0x91: {  	s15 =	simm.s32 $0xA;
	s4 =	simm.s32 $0x10  }
0x92: {  	[smem:s4], [sflag:s15] =	dma.local [hbm:s2], $0x1  }
0x93: {  	_ =	swait.eq [sflag:s15], $0x1  }
0x94: {  	[sflag:s15] =	ssyncset.done $0x0  }
0x95: {  	s16 =	sld [smem:$0x11];
	[sflag:s15] =	ssyncadd.s32 $0xFFFFFFFF  }
0x96: {  	s17 =	sld [smem:$0x12];
	(tm) =	ssettm $0x1  }
0x97: {  	s18 =	sld [smem:$0x3FFB];
	_ =	sdelay $0x3  }
0x98: {  	_ =	strace s18  }
0x99: {  	s4 =	sld [smem:$0x3FFC];
	_ =	sdelay $0x3  }
0x9a: {  	_ =	strace s4  }
0x9b: {  	s4 =	sld [smem:$0x3FFD];
	_ =	sdelay $0x3  }
0x9c: {  	_ =	strace s4  }
0x9d: {  	_ =	strace $0x8FFFFFFF  }
0x9e: {  	s19 =	sld [smem:$0x3FDB];
	_ =	sdelay $0x1  }
0x9f: {  	s5 =	simm.s32 $_scs_section_size  }
0xa0: {  	s6 =	simm.s32 $_size__tile_overlayer_lowered;
	s7 =	simm.s32 $_tile_overlayer_lowered  }
0xa1: {  	s22 =	simm.s32 $0x1BFF;
	s21 =	sshll.u32 s7, $0x1;
	s4 =	sadd.s32 s5, s19  }
0xa2: {  	s8 =	simm.s32 $0x0;
	s20 =	sshll.u32 s6, $0x1;
	s6 =	sadd.s32 s21, s4  }
0xa3: {  	[timem:s8], [sflag:s22] =	dma.local [hbm:s6], s20  }
0xa4: {  	_ =	swait.ge [sflag:s22], s20  }
0xa5: {  	s5 =	ssub.s32 $0x0, s20;
	[sflag:s22] =	ssyncset.done $0x0  }
0xa6: {  	[sflag:s22] =	ssyncadd.s32 s5;
	_ =	sdelay $0x1  }
0xa7: {  	s23 =	simm.s32 $0x1B8B  }
0xa8: {  	_ =	swait.ge [sflag:s23], $0x1  }
0xa9: {  	[sflag:s23] =	ssyncset.done $0x0  }
0xaa: {  	s25 =	simm.s32 $0x1B8E;
	s24 =	sld [smem:$0x3FFE];
	[sflag:s23] =	ssyncadd.s32 $0xFFFFFFFF  }
0xab: {  	s26 =	simm.s32 $execute0_lowered;
	[smem:$0x3FD2] =	sst s25  }
0xac: {  	s6 =	sshll.u32 s26, $0x1;
	_ =	strace $0x80000052;
	[dreg:$0x1] =	wrdreg $0xFFFFFFFF  }
0xad: {  	s28 =	simm.s32 $_size_execute0_lowered;
	s4 =	sadd.s32 s4, s6;
	[dreg:$0x0] =	wrdreg $0x0  }
0xae: {  	s6 =	sshll.u32 s28, $0x1;
	[dreg:$0x2] =	wrdreg s4  }
0xaf: {  	[dreg:$0x3] =	wrdreg s6  }
0xb0: {  	[dreg:$0x4] =	wrdreg $0xC0  }
0xb1: {  	_ =	task [dreg:s8], $0x5FFFF  }
0xb2: {  	[dreg:$0x1] =	wrdreg $0xFFFFFFFF  }
0xb3: {  	[dreg:$0x0] =	wrdreg $0x60  }
0xb4: {  	[dreg:$0x2] =	wrdreg s24  }
0xb5: {  	[dreg:$0x3] =	wrdreg s16  }
0xb6: {  	[dreg:$0x4] =	wrdreg s17  }
0xb7: {  	[dreg:$0x5] =	wrdreg $0x9  }
0xb8: {  	_ =	task.clear_ibuf [dreg:s8], $0x6FFFF;
	_ =	strace $0x90000052  }
0xb9: {  	s29 =	simm.s32 $0x9;
	_ =	strace $0x80000054  }
0xba: {  	_ =	swait.ge [sflag:s29], $0x1  }
0xbb: {  	[sflag:s29] =	ssyncadd.s32 $0xFFFFFFFF  }
0xbc: {  	_ =	strace $0x90000054  }
0xbd: {  	_ =	sfence  }
0xbe: {  	s30 =	sld [smem:$0x0];
	_ =	sdelay $0x2  }
0xbf: {  	s31 =	sshll.u32 s1, $0xD;
	s1 =	sshrl.u32 s1, $0x2  }
0xc0: {  	s3 =	sand.u32 $0x4000, s31;
	s1 =	sadd.s32 s1, s30  }
0xc1: {  	s0 =	sor.u32 s3, s0;
	s1 =	sshll.u32 s1, $0x11  }
0xc2: {  	s0 =	sor.u32 s1, s0  }
0xc3: {  	s0 =	sadd.s32 $0x8F2B, s0  }
0xc4: {  	[sflag:s0] =	ssyncadd.remote.s32 $0x1  }
0xc5: {  	_ =	sfence.sel $0xFFFF  }
0xc6: {  	[dreg:$0x0] =	wrdreg $0xFFFFFFFF;
	(pc) =	sbr.abs _section_cstart, $3  }
0xc7: {  	[dreg:$0x1] =	wrdreg $0xFFFFFFFF  }
0xc8: {  	_ =	task.clear_ibuf [dreg:s8], $0x2FFFF;
	_ =	strace $0x9FFFFFFF  }
0xc9: {  	(tm) =	ssettm $0x7FFFFFFF  }
tec
execute0_lowered:
.L_overlay_start_1:
0x0: {  	(tag) =	ssettag $0x1  }
0x1: {  	s5 =	rddreg [dreg:$0x0]  }
0x2: {  	s1 =	srdreg.scid;
	s2 =	rddreg [dreg:$0x1]  }
0x3: {  	s0 =	stileid.u32;
	s3 =	rddreg [dreg:$0x2]  }
0x4: {  	s9 =	simm.s32 $0x1;
	s10 =	simm.s32 $0x3;
	s1 =	sshll.u32 s1, $0x6  }
0x5: {  	s13 =	simm.s32 $0x0;
	s4 =	sshll.u32 s0, $0x7;
	s6 =	sand.u32 $0x40, s1  }
0x6: {  	s12 =	simm.s32 $0x0;
	s5 =	sadd.s32 $0x6FA00, s5;
	s4 =	sor.u32 s4, s6  }
0x7: {  	s1 =	rddreg [dreg:$0x3];
	_ =	strace $0x80000053;
	s8 =	ssub.s32 $0x1000, s4  }
.Ltmp0:
0x8: {  	s6 =	simm.s32 $0x1;
	s7 =	sand.u32 $0x7C0, s8;
	(pc) =	sbr.rel .LBB2_1-.Ltmp0, $4  }
0x9: {  	[sflag:s6] =	ssyncpa.u1 $0x0;
	s11 =	smov.u32 s4;
	p0 =	sne.s32 s7, $0x0  }
0xa: {  	s8 =	sshrl.u32 s8, $0xB;
	s7 =	simm.s32 $0x2;
	s9 =	simm.s32 @!p0 $0x0  }
0xb: {  	[sflag:s7] =	ssyncpa.u1 $0x0;
	p0 =	por $0x0, $0x0;
	s8 =	sadd.s32 s9, s8  }
0xc: {  	vm0 =	vmmov $0xffff;
	[sflag:s10] =	ssyncpa.u1 $0x0;
	s10 =	simm.s32 $0x0;
	s9 =	sadd.s32 $0x1, s8  }
.LBB2_4:
0xd: {  	v5 =	vshrl.u32 v1, $0xC;
	v6 =	vshll.u32 v1, $0x7  }
0xe: {  	vm1 =	veq.s32 v1, $0x80000000;
	v58 =	vand.u32 $0x7, v5;
	v59 =	vand.u32 $0x7FF80, v6  }
0xf: {  	v1 =	vsel vm1, $0xFFFFFFFF, v58;
	v5 =	vsel vm1, $0xFFFFFF80, v59  }
0x10: {  	v3 =	vor.u32 v4, v3;
	v60 =	vand.u32 $0xFFFFFC00, v5;
	v61 =	vand.u32 $0xFFFFFC00, v1  }
0x11: {  	v2 =	vor.u32 v2, v3;
	v63 =	vand.u32 $0x380, v5;
	v62 =	vadd.s32 v61, v60  }
0x12: {  	v1 =	vand.u32 $0x7F, v1;
	v3 =	vor.u32 v63, v62  }
0x13: {  	v1 =	vor.u32 v1, v3  }
0x14: {  	[tilespmem:s15], [sflag:$0x1] =	stream.indirect_vreg.gather [hbm4b:s5+s10], $0x1, v0, vm0, $0x4038;
	[tilespmem:$0x100] =	vst v63  }
0x15: {  	(ifvalue) =	ssetifvalue $0x7FFFFFFF  }
0x16: {  	[tilespmem:s16], [sflag:$0x1] =	stream.indirect_vreg.gather [hbm4b:s5+s10], $0x1, v2, vm0, $0x4038;
	[tilespmem:$0x100] =	vst v63  }
0x17: {  	s29 =	sadd.s32 $0x10, s16;
	(ifvalue) =	ssetifvalue $0x7FFFFFFF  }
0x18: {  	[tilespmem:s29], [sflag:$0x1] =	stream.indirect_vreg.gather [hbm4b:s5+s10], $0x1, v1, vm0, $0x4038;
	[tilespmem:$0x100] =	vst v63  }
0x19: {  	_ =	swait.ge [sflag:s6], $0x40  }
0x1a: {  	s30 =	sshrl.u32 s13, $0x3;
	[sflag:s6] =	ssyncset.done $0x0  }
0x1b: {  	s31 =	sand.u32 $0x7, s13;
	s15 =	sadd.s32 s3, s30;
	[sflag:s6] =	ssyncadd.s32 $0xFFFFFFC0  }
0x1c: {  	[hbm4b:s15+s31] =	stream.linear.scatter [tilespmem:s14], [sflag:$0x3], $0x40, $0x38;
	[tilespmem:$0x100] =	vst v63  }
.LBB2_5:
0x1d: {  	s15 =	sadd.s32 $0x800, s11  }
0x1e: {  	p2 =	sgt.s32 s15, $0xFFF  }
0x1f: {  	s15 =	smov.u32 @p2 s4;
	p2 =	sne.s32 s12, s9  }
.Ltmp1:
0x20: {  	p1 =	slt.u32 s12, $0x2;
	(pc) =	sbr.rel @!p2 .LBB2_6-.Ltmp1, $4  }
0x21: {  	s14 =	simm.s32 @!p1 $0x3  }
0x22: {  	s16 =	sadd.s32 $0x1, s12;
	_ =	swait.ge @!p1 [sflag:s14], $0x40  }
0x23: {  	s13 =	smov.u32 s11;
	p0 =	por !p0, !p0;
	[sflag:s14] =	ssyncset.done @!p1 $0x0  }
0x24: {  	s12 =	smov.u32 s16;
	s11 =	smov.u32 s15;
	[sflag:s14] =	ssyncadd.s32 @!p1 $0xFFFFFFC0  }
.LBB2_1:
0x25: {  	p1 =	sge.u32 s12, s8  }
0x26: {  	s14 =	sxor.u32 @!p1 $0xFFFFFFFF, s12  }
0x27: {  	s31 =	sadd.s32 $0xFFFFFFFF, s12;
	s15 =	sshrl.u32 @!p1 s11, $0x3;
	s14 =	sshll.u32 @!p1 s14, $0x6  }
0x28: {  	s16 =	sand.u32 @!p1 $0x7, s11;
	s15 =	sadd.s32 @!p1 s2, s15;
	s14 =	sand.u32 @!p1 $0x40, s14  }
0x29: {  	[tilespmem:s14], [sflag:$0x2] =	stream.linear.gather @!p1 [hbm4b:s15+s16], $0x40, $0x38;
	[tilespmem:$0x100] =	vst v63  }
0x2a: {  	p1 =	sge.u32 s31, s8  }
.Ltmp2:
0x2b: {  	_ = 	snop;
	(pc) =	sbr.rel @p1 .LBB2_5-.Ltmp2, $1  }
0x2c: {  	_ =	sdelay $0x3  }
0x2d: {  	s14 =	simm.s32 $0x1  }
0x2e: {  	_ =	swait.ge [sflag:s7], $0x40;
	s14 =	simm.s32 @!p0 $0x0  }
0x2f: {  	[sflag:s7] =	ssyncset.done $0x0;
	s14 =	sshll.u32 s14, $0x6  }
0x30: {  	[sflag:s7] =	ssyncadd.s32 $0xFFFFFFC0;
	(ifvalue) =	ssetifvalue $0x7FFFFFFF;
	v0 =	vld.msk [tilespmem:s14+$0x0 ss:$0x1], $0xffff;
	_ =	sdelay $0x4  }
0x31: {  	s15 =	sadd.s32 $0x10, s14;
	v2 =	vshrl.u32 v0, $0xC;
	v3 =	vshll.u32 v0, $0x7  }
0x32: {  	v1 =	vld.msk [tilespmem:s15+$0x0 ss:$0x1], $0xffff;
	vm1 =	veq.s32 v0, $0x80000000;
	v0 =	vand.u32 $0x7, v2;
	v2 =	vand.u32 $0x7FF80, v3  }
0x33: {  	v0 =	vsel vm1, $0xFFFFFFFF, v0;
	v2 =	vsel vm1, $0xFFFFFF80, v2  }
0x34: {  	v3 =	vand.u32 $0xFFFFFC00, v2;
	v4 =	vand.u32 $0xFFFFFC00, v0  }
0x35: {  	v2 =	vand.u32 $0x380, v2;
	v3 =	vadd.s32 v4, v3  }
0x36: {  	v0 =	vand.u32 $0x7F, v0;
	v2 =	vor.u32 v2, v3  }
0x37: {  	v5 =	vshll.u32 v1, $0x7;
	v4 =	vshrl.u32 v1, $0xC;
	v0 =	vor.u32 v0, v2  }
0x38: {  	s16 =	sshll.u32 s12, $0x6;
	vm1 =	veq.s32 v1, $0x80000000;
	v1 =	vand.u32 $0x7, v4;
	v4 =	vand.u32 $0x7FF80, v5  }
0x39: {  	s16 =	sand.u32 $0x40, s16;
	s18 =	sadd.s32 $0x10, s15;
	v3 =	vsel vm1, $0xFFFFFFFF, v1;
	v4 =	vsel vm1, $0xFFFFFF80, v4  }
0x3a: {  	s17 =	simm.s32 $0x20;
	s15 =	sor.u32 $0x80, s14;
	s14 =	sor.u32 $0x80, s16;
	v1 =	vld.msk [tilespmem:s18+$0x0 ss:$0x1], $0xffff;
	v5 =	vand.u32 $0xFFFFFC00, v4;
	v6 =	vand.u32 $0xFFFFFC00, v3  }
0x3b: {  	s16 =	sadd.s32 $0x10, s15;
	s18 =	sadd.s32 $0x10, s18;
	(ifvalue) =	ssetifvalue $0x7FFFFFFF;
	v2 =	vand.u32 $0x7F, v3;
	v4 =	vand.u32 $0x380, v4;
	v3 =	vadd.s32 v6, v5  }
.LBB2_3:
0x3c: {  	[tilespmem:s15], [sflag:$0x1] =	stream.indirect_vreg.gather [hbm4b:s5+s10], $0x1, v0, vm0, $0x4038;
	[tilespmem:$0x100] =	vst v63  }
0x3d: {  	s17 =	sadd.s32 $0x10, s17  }
0x3e: {  	v3 =	vor.u32 v4, v3;
	p1 =	slt.u32 s17, $0x30  }
.Ltmp3:
0x3f: {  	v4 =	vshrl.u32 v1, $0xC;
	v5 =	vshll.u32 v1, $0x7;
	s15 =	smov.u32 s16;
	v0 =	vor.u32 v2, v3;
	v2 =	vmovc v1;
	v1 =	vld.msk [tilespmem:s18+$0x0 ss:$0x1], $0xffff;
	(pc) =	sbr.rel @p1 .LBB2_3-.Ltmp3, $4  }
0x40: {  	v3 =	vand.u32 $0x7FF80, v5;
	vm1 =	veq.s32 v2, $0x80000000;
	v2 =	vand.u32 $0x7, v4  }
0x41: {  	v4 =	vsel vm1, $0xFFFFFFFF, v2;
	v5 =	vsel vm1, $0xFFFFFF80, v3  }
0x42: {  	v2 =	vand.u32 $0x7F, v4;
	v3 =	vand.u32 $0xFFFFFC00, v5;
	v4 =	vand.u32 $0xFFFFFC00, v4  }
0x43: {  	s16 =	sadd.s32 $0x10, s16;
	s18 =	sadd.s32 $0x10, s18;
	v3 =	vadd.s32 v4, v3;
	v4 =	vand.u32 $0x380, v5;
	(ifvalue) =	ssetifvalue $0x7FFFFFFF  }
.Ltmp4:
0x44: {  	_ = 	snop;
	(pc) =	sbr.rel .LBB2_4-.Ltmp4, $1  }
0x45: {  	_ =	sdelay $0x3  }
.LBB2_6:
0x46: {  	_ =	sfence.sel $0x180000  }
0x47: {  	s2 =	simm.s32 $0x2;
	[bflag:$0x0] =	sbarrier.arrive $0xFFFF  }
0x48: {  	s30 =	simm.s32 $0x3;
	[sflag:s2] =	ssyncpa.u1 $0x1  }
0x49: {  	s31 =	simm.s32 $0x1;
	[sflag:s30] =	ssyncpa.u1 $0x1  }
0x4a: {  	[sflag:s31] =	ssyncpa.u1 $0x1  }
0x4b: {  	p0 =	sne.s32 s0, $0x0;
	_ =	strace $0x90000053  }
0x4c: {  	s0 =	sadd.s32 @!p0 $0x100000, s1;
	[bflag:$0x2] =	sbarrier.arrive $0xFFFF  }
0x4d: {  	[sflag:s0] =	ssyncadd.tile.s32 @!p0 $0x1;
	_ =	shalt  }
.Lfunc_end2:
_tile_overlayer_lowered:
.L_overlay_start_2:
0x4e: {  	(tag) =	ssettag $0x2  }
0x4f: {  	s0 =	rddreg [dreg:$0x0];
	s2 =	stileid.u32  }
0x50: {  	s1 =	rddreg [dreg:$0x1];
	p0 =	sne.s32 s2, $0x0  }
0x51: {  	s3 =	rddreg [dreg:$0x2];
	[bflag:$0x3] =	sbarrier.arrive $0xFFFF;
	s2 =	simm.s32 @!p0 $0x1C01  }
0x52: {  	[timem:s3], [sflag:s2] =	dma.local @!p0 [hbm:s0], s1  }
0x53: {  	s0 =	simm.s32 @!p0 $0x1  }
0x54: {  	_ =	swait.ge @!p0 [sflag:s0], s1  }
0x55: {  	s1 =	ssub.s32 @!p0 $0x0, s1;
	[sflag:s0] =	ssyncset.done @!p0 $0x0  }
0x56: {  	[sflag:s0] =	ssyncadd.s32 @!p0 s1  }
0x57: {  	[bflag:$0x3] =	sbarrier.arrive $0xFFFF  }
0x58: {  	_ =	shalt  }

// kernel: gather_offload_async_start.5
scs
__scs_entry_jumppad:
0x0: {  	(pc) =	sbr.rel $0x88, $3  }
0x1: {  	(tag) =	ssettag $0x0;
	lr =	simm.s32 $0x1  }
0x2: {  	[smem:$0x3E5C] =	sst lr;
	_ =	strace $0xD0000000  }
0x3: {  	_ = 	snop  }
0x4: {  	_ = 	snop  }
0x5: {  	_ = 	snop  }
0x6: {  	_ = 	snop  }
0x7: {  	_ = 	snop  }
__scs_overlays_trampoline_lowered:
0x8: {  	[smem:$0x3E6B] =	sst s0  }
0x9: {  	[smem:$0x3E6C] =	sst s1  }
0xa: {  	[smem:$0x3E6D] =	sst s2  }
0xb: {  	[smem:$0x3E6E] =	sst s3  }
0xc: {  	[smem:$0x3E6F] =	sst s4  }
0xd: {  	[smem:$0x3E70] =	sst s5  }
0xe: {  	[smem:$0x3E71] =	sst s6  }
0xf: {  	[smem:$0x3E72] =	sst s7  }
0x10: {  	[smem:$0x3E73] =	sst s8  }
0x11: {  	[smem:$0x3E74] =	sst s9;
	s0 =	simm.s32 @!p0 $0x0  }
0x12: {  	s1 =	sld [smem:$0x3E5A];
	s0 =	simm.s32 @p0 $0x1  }
0x13: {  	[smem:$0x3E75] =	sst s0;
	s0 =	simm.s32 @!p1 $0x0  }
0x14: {  	s2 =	sld [smem:$0x3E59];
	s0 =	simm.s32 @p1 $0x1  }
0x15: {  	[smem:$0x3E76] =	sst s0;
	s0 =	simm.s32 @!p2 $0x0  }
0x16: {  	s3 =	sld [smem:$0x3FDB];
	s0 =	simm.s32 @p2 $0x1  }
0x17: {  	s4 =	simm.s32 $0x1BF5;
	[smem:$0x3E78] =	sst s0  }
0x18: {  	s0 =	sld [smem:$0x3E5B];
	_ =	swait.ge [sflag:s4], $0x0  }
0x19: {  	s7 =	sld [smem:$0x3E5C]  }
0x1a: {  	s8 =	sadd.s32 $0xFFFFE003, lr  }
0x1b: {  	s9 =	sadd.s32 $0xFFFFFEF7, lr;
	s5 =	simm.s32 $0xFFFFFFFF;
	p2 =	slt.u32 s8, $0xFFFFF086  }
0x1c: {  	p1 =	slt.u32 s9, $0xF7A;
	s5 =	simm.s32 @!p2 $0x0  }
0x1d: {  	s5 =	simm.s32 @p1 $0x1;
	p0 =	seq.s32 s7, s2  }
0x1e: {  	s7 =	smul.u32 @!p0 $0xF7A, s2;
	p2 =	seq.s32 @!p0 s5, $0x0  }
0x1f: {  	s9 =	smul.u32 $0xF7A, s1;
	s8 =	simm.s32 @!p0 $0x1BF5;
	p2 =	por !p2, p0  }
0x20: {  	[sflag:s8] =	ssyncset.s32 @!p0 $0xFFFFF086;
	s6 =	sadd.s32 @!p0 s3, s7;
	s7 =	simm.s32 @!p0 $0x108  }
0x21: {  	s3 =	sadd.s32 s3, s9;
	s6 =	sadd.s32 @!p0 $0x88, s6;
	s7 =	simm.s32 @p2 $0x1082  }
0x22: {  	[simem:s7], [sflag:s8] =	dma.local @!p0 [hbm:s6], $0xF7A  }
0x23: {  	s9 =	sor.u32 $0xD0000000, s2;
	s6 =	simm.s32 $0x108;
	_ =	swait.ge @!p0 [sflag:s8], $0x0  }
0x24: {  	s3 =	sadd.s32 $0x88, s3;
	s6 =	simm.s32 @!p1 $0x1082;
	[sflag:s4] =	ssyncset.s32 $0xFFFFF086  }
0x25: {  	[simem:s6], [sflag:s4] =	dma.local [hbm:s3], $0xF7A  }
0x26: {  	[smem:$0x3E5C] =	sst s1;
	(tag) =	ssettag s2;
	_ =	strace s9  }
0x27: {  	s1 =	sld [smem:$0x3E6C]  }
0x28: {  	s2 =	sld [smem:$0x3E6D]  }
0x29: {  	s4 =	sld [smem:$0x3E6F]  }
0x2a: {  	p0 =	seq.s32 s5, $0x0;
	s5 =	sld [smem:$0x3E70]  }
0x2b: {  	s6 =	sld [smem:$0x3E71]  }
0x2c: {  	s7 =	sld [smem:$0x3E72]  }
0x2d: {  	s3 =	simm.s32 $0x108;
	s8 =	sld [smem:$0x3E73]  }
0x2e: {  	s3 =	simm.s32 @!p0 $0x1082;
	s9 =	sld [smem:$0x3E74]  }
0x2f: {  	lr =	sadd.s32 s0, s3;
	s0 =	sld [smem:$0x3E6B]  }
0x30: {  	s3 =	sld [smem:$0x3E6E]  }
0x31: {  	[smem:$0x3E77] =	sst s10  }
0x32: {  	s10 =	sld [smem:$0x3E75];
	_ =	sdelay $0x3  }
0x33: {  	p0 =	seq.s32 s10, $0x1;
	s10 =	sld [smem:$0x3E77];
	_ =	sdelay $0x3  }
0x34: {  	[smem:$0x3E77] =	sst s10  }
0x35: {  	s10 =	sld [smem:$0x3E76];
	_ =	sdelay $0x3  }
0x36: {  	p1 =	seq.s32 s10, $0x1;
	s10 =	sld [smem:$0x3E77];
	_ =	sdelay $0x3  }
0x37: {  	[smem:$0x3E77] =	sst s10  }
0x38: {  	s10 =	sld [smem:$0x3E78]  }
0x39: {  	_ = 	snop;
	(pc) =	sbr.ind lr, $3  }
0x3a: {  	_ = 	snop  }
0x3b: {  	_ = 	snop  }
0x3c: {  	p2 =	seq.s32 s10, $0x1;
	s10 =	sld [smem:$0x3E77]  }
0x3d: {  	_ =	shalt  }
0x3e: {  	_ =	shalt  }
0x3f: {  	_ =	shalt  }
0x40: {  	_ =	shalt  }
0x41: {  	_ =	shalt  }
0x42: {  	_ =	shalt  }
0x43: {  	_ =	shalt  }
0x44: {  	_ =	shalt  }
0x45: {  	_ =	shalt  }
0x46: {  	_ =	shalt  }
0x47: {  	_ =	shalt  }
0x48: {  	_ =	shalt  }
0x49: {  	_ =	shalt  }
0x4a: {  	_ =	shalt  }
0x4b: {  	_ =	shalt  }
0x4c: {  	_ =	shalt  }
0x4d: {  	_ =	shalt  }
0x4e: {  	_ =	shalt  }
0x4f: {  	_ =	shalt  }
0x50: {  	_ =	shalt  }
0x51: {  	_ =	shalt  }
0x52: {  	_ =	shalt  }
0x53: {  	_ =	shalt  }
0x54: {  	_ =	shalt  }
0x55: {  	_ =	shalt  }
0x56: {  	_ =	shalt  }
0x57: {  	_ =	shalt  }
0x58: {  	_ =	shalt  }
0x59: {  	_ =	shalt  }
0x5a: {  	_ =	shalt  }
0x5b: {  	_ =	shalt  }
0x5c: {  	_ =	shalt  }
0x5d: {  	_ =	shalt  }
0x5e: {  	_ =	shalt  }
0x5f: {  	_ =	shalt  }
0x60: {  	_ =	shalt  }
0x61: {  	_ =	shalt  }
0x62: {  	_ =	shalt  }
0x63: {  	_ =	shalt  }
0x64: {  	_ =	shalt  }
0x65: {  	_ =	shalt  }
0x66: {  	_ =	shalt  }
0x67: {  	_ =	shalt  }
0x68: {  	_ =	shalt  }
0x69: {  	_ =	shalt  }
0x6a: {  	_ =	shalt  }
0x6b: {  	_ =	shalt  }
0x6c: {  	_ =	shalt  }
0x6d: {  	_ =	shalt  }
0x6e: {  	_ =	shalt  }
0x6f: {  	_ =	shalt  }
0x70: {  	_ =	shalt  }
0x71: {  	_ =	shalt  }
0x72: {  	_ =	shalt  }
0x73: {  	_ =	shalt  }
0x74: {  	_ =	shalt  }
0x75: {  	_ =	shalt  }
0x76: {  	_ =	shalt  }
0x77: {  	_ =	shalt  }
0x78: {  	_ =	shalt  }
0x79: {  	_ =	shalt  }
0x7a: {  	_ =	shalt  }
0x7b: {  	_ =	shalt  }
0x7c: {  	_ =	shalt  }
0x7d: {  	_ =	shalt  }
0x7e: {  	_ =	shalt  }
0x7f: {  	_ =	shalt  }
0x80: {  	_ =	shalt  }
0x81: {  	_ =	shalt  }
0x82: {  	_ =	shalt  }
0x83: {  	_ =	shalt  }
0x84: {  	_ =	shalt  }
0x85: {  	_ =	shalt  }
0x86: {  	_ =	shalt  }
0x87: {  	_ =	shalt  }
.Lfunc_end0:
.L_simem_size_0:
called_computation.5_lowered:
.L_overlay_start_0:
0x88: {  	s2 =	sld [smem:$0x3FD9]  }
0x89: {  	s3 =	sld [smem:$0x3FFE];
	_ =	sdelay $0x1  }
0x8a: {  	s1 =	srdreg.scid  }
0x8b: {  	s0 =	sand.u32 $0x1, s1  }
0x8c: {  	s14 =	sshll.u32 s0, $0xA;
	s2 =	sadd.s32 s3, s2  }
0x8d: {  	s2 =	sadd.s32 s2, s14  }
0x8e: {  	[smem:$0x3E83] =	sst s2  }
0x8f: {  	_ = 	snop  }
0x90: {  	s2 =	sld [smem:$0x3FD0];
	_ =	sdelay $0x2  }
0x91: {  	s15 =	simm.s32 $0xA;
	s4 =	simm.s32 $0x10  }
0x92: {  	[smem:s4], [sflag:s15] =	dma.local [hbm:s2], $0x1  }
0x93: {  	_ =	swait.eq [sflag:s15], $0x1  }
0x94: {  	[sflag:s15] =	ssyncset.done $0x0  }
0x95: {  	s16 =	sld [smem:$0x11];
	[sflag:s15] =	ssyncadd.s32 $0xFFFFFFFF  }
0x96: {  	s17 =	sld [smem:$0x12];
	(tm) =	ssettm $0x1  }
0x97: {  	s18 =	sld [smem:$0x3FFB];
	_ =	sdelay $0x3  }
0x98: {  	_ =	strace s18  }
0x99: {  	s4 =	sld [smem:$0x3FFC];
	_ =	sdelay $0x3  }
0x9a: {  	_ =	strace s4  }
0x9b: {  	s4 =	sld [smem:$0x3FFD];
	_ =	sdelay $0x3  }
0x9c: {  	_ =	strace s4  }
0x9d: {  	_ =	strace $0x8FFFFFFF  }
0x9e: {  	s19 =	sld [smem:$0x3FDB];
	_ =	sdelay $0x1  }
0x9f: {  	s5 =	simm.s32 $_scs_section_size  }
0xa0: {  	s6 =	simm.s32 $_size__tile_overlayer_lowered;
	s7 =	simm.s32 $_tile_overlayer_lowered  }
0xa1: {  	s22 =	simm.s32 $0x1BFF;
	s21 =	sshll.u32 s7, $0x1;
	s4 =	sadd.s32 s5, s19  }
0xa2: {  	s8 =	simm.s32 $0x0;
	s20 =	sshll.u32 s6, $0x1;
	s6 =	sadd.s32 s21, s4  }
0xa3: {  	[timem:s8], [sflag:s22] =	dma.local [hbm:s6], s20  }
0xa4: {  	_ =	swait.ge [sflag:s22], s20  }
0xa5: {  	s5 =	ssub.s32 $0x0, s20;
	[sflag:s22] =	ssyncset.done $0x0  }
0xa6: {  	[sflag:s22] =	ssyncadd.s32 s5;
	_ =	sdelay $0x1  }
0xa7: {  	s23 =	simm.s32 $0x1B8B  }
0xa8: {  	_ =	swait.ge [sflag:s23], $0x1  }
0xa9: {  	[sflag:s23] =	ssyncset.done $0x0  }
0xaa: {  	s25 =	simm.s32 $0x1B8E;
	s24 =	sld [smem:$0x3FFE];
	[sflag:s23] =	ssyncadd.s32 $0xFFFFFFFF  }
0xab: {  	s26 =	simm.s32 $execute0_lowered;
	[smem:$0x3FD2] =	sst s25  }
0xac: {  	s6 =	sshll.u32 s26, $0x1;
	_ =	strace $0x80000055;
	[dreg:$0x1] =	wrdreg $0xFFFFFFFF  }
0xad: {  	s28 =	simm.s32 $_size_execute0_lowered;
	s4 =	sadd.s32 s4, s6;
	[dreg:$0x0] =	wrdreg $0x0  }
0xae: {  	s6 =	sshll.u32 s28, $0x1;
	[dreg:$0x2] =	wrdreg s4  }
0xaf: {  	[dreg:$0x3] =	wrdreg s6  }
0xb0: {  	[dreg:$0x4] =	wrdreg $0xC0  }
0xb1: {  	_ =	task [dreg:s8], $0x5FFFF  }
0xb2: {  	[dreg:$0x1] =	wrdreg $0xFFFFFFFF  }
0xb3: {  	[dreg:$0x0] =	wrdreg $0x60  }
0xb4: {  	[dreg:$0x2] =	wrdreg s24  }
0xb5: {  	[dreg:$0x3] =	wrdreg s16  }
0xb6: {  	[dreg:$0x4] =	wrdreg s17  }
0xb7: {  	[dreg:$0x5] =	wrdreg $0x9  }
0xb8: {  	_ =	task.clear_ibuf [dreg:s8], $0x6FFFF;
	_ =	strace $0x90000055  }
0xb9: {  	s29 =	simm.s32 $0x9;
	_ =	strace $0x80000057  }
0xba: {  	_ =	swait.ge [sflag:s29], $0x1  }
0xbb: {  	[sflag:s29] =	ssyncadd.s32 $0xFFFFFFFF  }
0xbc: {  	_ =	strace $0x90000057  }
0xbd: {  	_ =	sfence  }
0xbe: {  	s30 =	sld [smem:$0x0];
	_ =	sdelay $0x2  }
0xbf: {  	s31 =	sshll.u32 s1, $0xD;
	s1 =	sshrl.u32 s1, $0x2  }
0xc0: {  	s3 =	sand.u32 $0x4000, s31;
	s1 =	sadd.s32 s1, s30  }
0xc1: {  	s0 =	sor.u32 s3, s0;
	s1 =	sshll.u32 s1, $0x11  }
0xc2: {  	s0 =	sor.u32 s1, s0  }
0xc3: {  	s0 =	sadd.s32 $0x8F2B, s0  }
0xc4: {  	[sflag:s0] =	ssyncadd.remote.s32 $0x1  }
0xc5: {  	_ =	sfence.sel $0xFFFF  }
0xc6: {  	[dreg:$0x0] =	wrdreg $0xFFFFFFFF;
	(pc) =	sbr.abs _section_cstart, $3  }
0xc7: {  	[dreg:$0x1] =	wrdreg $0xFFFFFFFF  }
0xc8: {  	_ =	task.clear_ibuf [dreg:s8], $0x2FFFF;
	_ =	strace $0x9FFFFFFF  }
0xc9: {  	(tm) =	ssettm $0x7FFFFFFF  }
tec
execute0_lowered:
.L_overlay_start_1:
0x0: {  	(tag) =	ssettag $0x1  }
0x1: {  	s5 =	rddreg [dreg:$0x0]  }
0x2: {  	s1 =	srdreg.scid;
	s2 =	rddreg [dreg:$0x1]  }
0x3: {  	s0 =	stileid.u32;
	s3 =	rddreg [dreg:$0x2]  }
0x4: {  	s9 =	simm.s32 $0x1;
	s10 =	simm.s32 $0x3;
	s1 =	sshll.u32 s1, $0x6  }
0x5: {  	s13 =	simm.s32 $0x0;
	s4 =	sshll.u32 s0, $0x7;
	s6 =	sand.u32 $0x40, s1  }
0x6: {  	s12 =	simm.s32 $0x0;
	s5 =	sadd.s32 $0x6FA00, s5;
	s4 =	sor.u32 s4, s6  }
0x7: {  	s1 =	rddreg [dreg:$0x3];
	_ =	strace $0x80000056;
	s8 =	ssub.s32 $0x1000, s4  }
.Ltmp0:
0x8: {  	s6 =	simm.s32 $0x1;
	s7 =	sand.u32 $0x7C0, s8;
	(pc) =	sbr.rel .LBB2_1-.Ltmp0, $4  }
0x9: {  	[sflag:s6] =	ssyncpa.u1 $0x0;
	s11 =	smov.u32 s4;
	p0 =	sne.s32 s7, $0x0  }
0xa: {  	s8 =	sshrl.u32 s8, $0xB;
	s7 =	simm.s32 $0x2;
	s9 =	simm.s32 @!p0 $0x0  }
0xb: {  	[sflag:s7] =	ssyncpa.u1 $0x0;
	p0 =	por $0x0, $0x0;
	s8 =	sadd.s32 s9, s8  }
0xc: {  	vm0 =	vmmov $0xffff;
	[sflag:s10] =	ssyncpa.u1 $0x0;
	s10 =	simm.s32 $0x0;
	s9 =	sadd.s32 $0x1, s8  }
.LBB2_4:
0xd: {  	v5 =	vshrl.u32 v1, $0xC;
	v6 =	vshll.u32 v1, $0x7  }
0xe: {  	vm1 =	veq.s32 v1, $0x80000000;
	v58 =	vand.u32 $0x7, v5;
	v59 =	vand.u32 $0x7FF80, v6  }
0xf: {  	v1 =	vsel vm1, $0xFFFFFFFF, v58;
	v5 =	vsel vm1, $0xFFFFFF80, v59  }
0x10: {  	v3 =	vor.u32 v4, v3;
	v60 =	vand.u32 $0xFFFFFC00, v5;
	v61 =	vand.u32 $0xFFFFFC00, v1  }
0x11: {  	v2 =	vor.u32 v2, v3;
	v63 =	vand.u32 $0x380, v5;
	v62 =	vadd.s32 v61, v60  }
0x12: {  	v1 =	vand.u32 $0x7F, v1;
	v3 =	vor.u32 v63, v62  }
0x13: {  	v1 =	vor.u32 v1, v3  }
0x14: {  	[tilespmem:s15], [sflag:$0x1] =	stream.indirect_vreg.gather [hbm4b:s5+s10], $0x1, v0, vm0, $0x4038;
	[tilespmem:$0x100] =	vst v63  }
0x15: {  	(ifvalue) =	ssetifvalue $0x7FFFFFFF  }
0x16: {  	[tilespmem:s16], [sflag:$0x1] =	stream.indirect_vreg.gather [hbm4b:s5+s10], $0x1, v2, vm0, $0x4038;
	[tilespmem:$0x100] =	vst v63  }
0x17: {  	s29 =	sadd.s32 $0x10, s16;
	(ifvalue) =	ssetifvalue $0x7FFFFFFF  }
0x18: {  	[tilespmem:s29], [sflag:$0x1] =	stream.indirect_vreg.gather [hbm4b:s5+s10], $0x1, v1, vm0, $0x4038;
	[tilespmem:$0x100] =	vst v63  }
0x19: {  	_ =	swait.ge [sflag:s6], $0x40  }
0x1a: {  	s30 =	sshrl.u32 s13, $0x3;
	[sflag:s6] =	ssyncset.done $0x0  }
0x1b: {  	s31 =	sand.u32 $0x7, s13;
	s15 =	sadd.s32 s3, s30;
	[sflag:s6] =	ssyncadd.s32 $0xFFFFFFC0  }
0x1c: {  	[hbm4b:s15+s31] =	stream.linear.scatter [tilespmem:s14], [sflag:$0x3], $0x40, $0x38;
	[tilespmem:$0x100] =	vst v63  }
.LBB2_5:
0x1d: {  	s15 =	sadd.s32 $0x800, s11  }
0x1e: {  	p2 =	sgt.s32 s15, $0xFFF  }
0x1f: {  	s15 =	smov.u32 @p2 s4;
	p2 =	sne.s32 s12, s9  }
.Ltmp1:
0x20: {  	p1 =	slt.u32 s12, $0x2;
	(pc) =	sbr.rel @!p2 .LBB2_6-.Ltmp1, $4  }
0x21: {  	s14 =	simm.s32 @!p1 $0x3  }
0x22: {  	s16 =	sadd.s32 $0x1, s12;
	_ =	swait.ge @!p1 [sflag:s14], $0x40  }
0x23: {  	s13 =	smov.u32 s11;
	p0 =	por !p0, !p0;
	[sflag:s14] =	ssyncset.done @!p1 $0x0  }
0x24: {  	s12 =	smov.u32 s16;
	s11 =	smov.u32 s15;
	[sflag:s14] =	ssyncadd.s32 @!p1 $0xFFFFFFC0  }
.LBB2_1:
0x25: {  	p1 =	sge.u32 s12, s8  }
0x26: {  	s14 =	sxor.u32 @!p1 $0xFFFFFFFF, s12  }
0x27: {  	s31 =	sadd.s32 $0xFFFFFFFF, s12;
	s15 =	sshrl.u32 @!p1 s11, $0x3;
	s14 =	sshll.u32 @!p1 s14, $0x6  }
0x28: {  	s16 =	sand.u32 @!p1 $0x7, s11;
	s15 =	sadd.s32 @!p1 s2, s15;
	s14 =	sand.u32 @!p1 $0x40, s14  }
0x29: {  	[tilespmem:s14], [sflag:$0x2] =	stream.linear.gather @!p1 [hbm4b:s15+s16], $0x40, $0x38;
	[tilespmem:$0x100] =	vst v63  }
0x2a: {  	p1 =	sge.u32 s31, s8  }
.Ltmp2:
0x2b: {  	_ = 	snop;
	(pc) =	sbr.rel @p1 .LBB2_5-.Ltmp2, $1  }
0x2c: {  	_ =	sdelay $0x3  }
0x2d: {  	s14 =	simm.s32 $0x1  }
0x2e: {  	_ =	swait.ge [sflag:s7], $0x40;
	s14 =	simm.s32 @!p0 $0x0  }
0x2f: {  	[sflag:s7] =	ssyncset.done $0x0;
	s14 =	sshll.u32 s14, $0x6  }
0x30: {  	[sflag:s7] =	ssyncadd.s32 $0xFFFFFFC0;
	(ifvalue) =	ssetifvalue $0x7FFFFFFF;
	v0 =	vld.msk [tilespmem:s14+$0x0 ss:$0x1], $0xffff;
	_ =	sdelay $0x4  }
0x31: {  	s15 =	sadd.s32 $0x10, s14;
	v2 =	vshrl.u32 v0, $0xC;
	v3 =	vshll.u32 v0, $0x7  }
0x32: {  	v1 =	vld.msk [tilespmem:s15+$0x0 ss:$0x1], $0xffff;
	vm1 =	veq.s32 v0, $0x80000000;
	v0 =	vand.u32 $0x7, v2;
	v2 =	vand.u32 $0x7FF80, v3  }
0x33: {  	v0 =	vsel vm1, $0xFFFFFFFF, v0;
	v2 =	vsel vm1, $0xFFFFFF80, v2  }
0x34: {  	v3 =	vand.u32 $0xFFFFFC00, v2;
	v4 =	vand.u32 $0xFFFFFC00, v0  }
0x35: {  	v2 =	vand.u32 $0x380, v2;
	v3 =	vadd.s32 v4, v3  }
0x36: {  	v0 =	vand.u32 $0x7F, v0;
	v2 =	vor.u32 v2, v3  }
0x37: {  	v5 =	vshll.u32 v1, $0x7;
	v4 =	vshrl.u32 v1, $0xC;
	v0 =	vor.u32 v0, v2  }
0x38: {  	s16 =	sshll.u32 s12, $0x6;
	vm1 =	veq.s32 v1, $0x80000000;
	v1 =	vand.u32 $0x7, v4;
	v4 =	vand.u32 $0x7FF80, v5  }
0x39: {  	s16 =	sand.u32 $0x40, s16;
	s18 =	sadd.s32 $0x10, s15;
	v3 =	vsel vm1, $0xFFFFFFFF, v1;
	v4 =	vsel vm1, $0xFFFFFF80, v4  }
0x3a: {  	s17 =	simm.s32 $0x20;
	s15 =	sor.u32 $0x80, s14;
	s14 =	sor.u32 $0x80, s16;
	v1 =	vld.msk [tilespmem:s18+$0x0 ss:$0x1], $0xffff;
	v5 =	vand.u32 $0xFFFFFC00, v4;
	v6 =	vand.u32 $0xFFFFFC00, v3  }
0x3b: {  	s16 =	sadd.s32 $0x10, s15;
	s18 =	sadd.s32 $0x10, s18;
	(ifvalue) =	ssetifvalue $0x7FFFFFFF;
	v2 =	vand.u32 $0x7F, v3;
	v4 =	vand.u32 $0x380, v4;
	v3 =	vadd.s32 v6, v5  }
.LBB2_3:
0x3c: {  	[tilespmem:s15], [sflag:$0x1] =	stream.indirect_vreg.gather [hbm4b:s5+s10], $0x1, v0, vm0, $0x4038;
	[tilespmem:$0x100] =	vst v63  }
0x3d: {  	s17 =	sadd.s32 $0x10, s17  }
0x3e: {  	v3 =	vor.u32 v4, v3;
	p1 =	slt.u32 s17, $0x30  }
.Ltmp3:
0x3f: {  	v4 =	vshrl.u32 v1, $0xC;
	v5 =	vshll.u32 v1, $0x7;
	s15 =	smov.u32 s16;
	v0 =	vor.u32 v2, v3;
	v2 =	vmovc v1;
	v1 =	vld.msk [tilespmem:s18+$0x0 ss:$0x1], $0xffff;
	(pc) =	sbr.rel @p1 .LBB2_3-.Ltmp3, $4  }
0x40: {  	v3 =	vand.u32 $0x7FF80, v5;
	vm1 =	veq.s32 v2, $0x80000000;
	v2 =	vand.u32 $0x7, v4  }
0x41: {  	v4 =	vsel vm1, $0xFFFFFFFF, v2;
	v5 =	vsel vm1, $0xFFFFFF80, v3  }
0x42: {  	v2 =	vand.u32 $0x7F, v4;
	v3 =	vand.u32 $0xFFFFFC00, v5;
	v4 =	vand.u32 $0xFFFFFC00, v4  }
0x43: {  	s16 =	sadd.s32 $0x10, s16;
	s18 =	sadd.s32 $0x10, s18;
	v3 =	vadd.s32 v4, v3;
	v4 =	vand.u32 $0x380, v5;
	(ifvalue) =	ssetifvalue $0x7FFFFFFF  }
.Ltmp4:
0x44: {  	_ = 	snop;
	(pc) =	sbr.rel .LBB2_4-.Ltmp4, $1  }
0x45: {  	_ =	sdelay $0x3  }
.LBB2_6:
0x46: {  	_ =	sfence.sel $0x180000  }
0x47: {  	s2 =	simm.s32 $0x2;
	[bflag:$0x0] =	sbarrier.arrive $0xFFFF  }
0x48: {  	s30 =	simm.s32 $0x3;
	[sflag:s2] =	ssyncpa.u1 $0x1  }
0x49: {  	s31 =	simm.s32 $0x1;
	[sflag:s30] =	ssyncpa.u1 $0x1  }
0x4a: {  	[sflag:s31] =	ssyncpa.u1 $0x1  }
0x4b: {  	p0 =	sne.s32 s0, $0x0;
	_ =	strace $0x90000056  }
0x4c: {  	s0 =	sadd.s32 @!p0 $0x100000, s1;
	[bflag:$0x2] =	sbarrier.arrive $0xFFFF  }
0x4d: {  	[sflag:s0] =	ssyncadd.tile.s32 @!p0 $0x1;
	_ =	shalt  }
.Lfunc_end2:
_tile_overlayer_lowered:
.L_overlay_start_2:
0x4e: {  	(tag) =	ssettag $0x2  }
0x4f: {  	s0 =	rddreg [dreg:$0x0];
	s2 =	stileid.u32  }
0x50: {  	s1 =	rddreg [dreg:$0x1];
	p0 =	sne.s32 s2, $0x0  }
0x51: {  	s3 =	rddreg [dreg:$0x2];
	[bflag:$0x3] =	sbarrier.arrive $0xFFFF;
	s2 =	simm.s32 @!p0 $0x1C01  }
0x52: {  	[timem:s3], [sflag:s2] =	dma.local @!p0 [hbm:s0], s1  }
0x53: {  	s0 =	simm.s32 @!p0 $0x1  }
0x54: {  	_ =	swait.ge @!p0 [sflag:s0], s1  }
0x55: {  	s1 =	ssub.s32 @!p0 $0x0, s1;
	[sflag:s0] =	ssyncset.done @!p0 $0x0  }
0x56: {  	[sflag:s0] =	ssyncadd.s32 @!p0 s1  }
0x57: {  	[bflag:$0x3] =	sbarrier.arrive $0xFFFF  }
0x58: {  	_ =	shalt  }

// kernel: gather_offload_async_start.6
scs
__scs_entry_jumppad:
0x0: {  	(pc) =	sbr.rel $0x88, $3  }
0x1: {  	(tag) =	ssettag $0x0;
	lr =	simm.s32 $0x1  }
0x2: {  	[smem:$0x3E5C] =	sst lr;
	_ =	strace $0xD0000000  }
0x3: {  	_ = 	snop  }
0x4: {  	_ = 	snop  }
0x5: {  	_ = 	snop  }
0x6: {  	_ = 	snop  }
0x7: {  	_ = 	snop  }
__scs_overlays_trampoline_lowered:
0x8: {  	[smem:$0x3E6B] =	sst s0  }
0x9: {  	[smem:$0x3E6C] =	sst s1  }
0xa: {  	[smem:$0x3E6D] =	sst s2  }
0xb: {  	[smem:$0x3E6E] =	sst s3  }
0xc: {  	[smem:$0x3E6F] =	sst s4  }
0xd: {  	[smem:$0x3E70] =	sst s5  }
0xe: {  	[smem:$0x3E71] =	sst s6  }
0xf: {  	[smem:$0x3E72] =	sst s7  }
0x10: {  	[smem:$0x3E73] =	sst s8  }
0x11: {  	[smem:$0x3E74] =	sst s9;
	s0 =	simm.s32 @!p0 $0x0  }
0x12: {  	s1 =	sld [smem:$0x3E5A];
	s0 =	simm.s32 @p0 $0x1  }
0x13: {  	[smem:$0x3E75] =	sst s0;
	s0 =	simm.s32 @!p1 $0x0  }
0x14: {  	s2 =	sld [smem:$0x3E59];
	s0 =	simm.s32 @p1 $0x1  }
0x15: {  	[smem:$0x3E76] =	sst s0;
	s0 =	simm.s32 @!p2 $0x0  }
0x16: {  	s3 =	sld [smem:$0x3FDB];
	s0 =	simm.s32 @p2 $0x1  }
0x17: {  	s4 =	simm.s32 $0x1BF5;
	[smem:$0x3E78] =	sst s0  }
0x18: {  	s0 =	sld [smem:$0x3E5B];
	_ =	swait.ge [sflag:s4], $0x0  }
0x19: {  	s7 =	sld [smem:$0x3E5C]  }
0x1a: {  	s8 =	sadd.s32 $0xFFFFE003, lr  }
0x1b: {  	s9 =	sadd.s32 $0xFFFFFEF7, lr;
	s5 =	simm.s32 $0xFFFFFFFF;
	p2 =	slt.u32 s8, $0xFFFFF086  }
0x1c: {  	p1 =	slt.u32 s9, $0xF7A;
	s5 =	simm.s32 @!p2 $0x0  }
0x1d: {  	s5 =	simm.s32 @p1 $0x1;
	p0 =	seq.s32 s7, s2  }
0x1e: {  	s7 =	smul.u32 @!p0 $0xF7A, s2;
	p2 =	seq.s32 @!p0 s5, $0x0  }
0x1f: {  	s9 =	smul.u32 $0xF7A, s1;
	s8 =	simm.s32 @!p0 $0x1BF5;
	p2 =	por !p2, p0  }
0x20: {  	[sflag:s8] =	ssyncset.s32 @!p0 $0xFFFFF086;
	s6 =	sadd.s32 @!p0 s3, s7;
	s7 =	simm.s32 @!p0 $0x108  }
0x21: {  	s3 =	sadd.s32 s3, s9;
	s6 =	sadd.s32 @!p0 $0x88, s6;
	s7 =	simm.s32 @p2 $0x1082  }
0x22: {  	[simem:s7], [sflag:s8] =	dma.local @!p0 [hbm:s6], $0xF7A  }
0x23: {  	s9 =	sor.u32 $0xD0000000, s2;
	s6 =	simm.s32 $0x108;
	_ =	swait.ge @!p0 [sflag:s8], $0x0  }
0x24: {  	s3 =	sadd.s32 $0x88, s3;
	s6 =	simm.s32 @!p1 $0x1082;
	[sflag:s4] =	ssyncset.s32 $0xFFFFF086  }
0x25: {  	[simem:s6], [sflag:s4] =	dma.local [hbm:s3], $0xF7A  }
0x26: {  	[smem:$0x3E5C] =	sst s1;
	(tag) =	ssettag s2;
	_ =	strace s9  }
0x27: {  	s1 =	sld [smem:$0x3E6C]  }
0x28: {  	s2 =	sld [smem:$0x3E6D]  }
0x29: {  	s4 =	sld [smem:$0x3E6F]  }
0x2a: {  	p0 =	seq.s32 s5, $0x0;
	s5 =	sld [smem:$0x3E70]  }
0x2b: {  	s6 =	sld [smem:$0x3E71]  }
0x2c: {  	s7 =	sld [smem:$0x3E72]  }
0x2d: {  	s3 =	simm.s32 $0x108;
	s8 =	sld [smem:$0x3E73]  }
0x2e: {  	s3 =	simm.s32 @!p0 $0x1082;
	s9 =	sld [smem:$0x3E74]  }
0x2f: {  	lr =	sadd.s32 s0, s3;
	s0 =	sld [smem:$0x3E6B]  }
0x30: {  	s3 =	sld [smem:$0x3E6E]  }
0x31: {  	[smem:$0x3E77] =	sst s10  }
0x32: {  	s10 =	sld [smem:$0x3E75];
	_ =	sdelay $0x3  }
0x33: {  	p0 =	seq.s32 s10, $0x1;
	s10 =	sld [smem:$0x3E77];
	_ =	sdelay $0x3  }
0x34: {  	[smem:$0x3E77] =	sst s10  }
0x35: {  	s10 =	sld [smem:$0x3E76];
	_ =	sdelay $0x3  }
0x36: {  	p1 =	seq.s32 s10, $0x1;
	s10 =	sld [smem:$0x3E77];
	_ =	sdelay $0x3  }
0x37: {  	[smem:$0x3E77] =	sst s10  }
0x38: {  	s10 =	sld [smem:$0x3E78]  }
0x39: {  	_ = 	snop;
	(pc) =	sbr.ind lr, $3  }
0x3a: {  	_ = 	snop  }
0x3b: {  	_ = 	snop  }
0x3c: {  	p2 =	seq.s32 s10, $0x1;
	s10 =	sld [smem:$0x3E77]  }
0x3d: {  	_ =	shalt  }
0x3e: {  	_ =	shalt  }
0x3f: {  	_ =	shalt  }
0x40: {  	_ =	shalt  }
0x41: {  	_ =	shalt  }
0x42: {  	_ =	shalt  }
0x43: {  	_ =	shalt  }
0x44: {  	_ =	shalt  }
0x45: {  	_ =	shalt  }
0x46: {  	_ =	shalt  }
0x47: {  	_ =	shalt  }
0x48: {  	_ =	shalt  }
0x49: {  	_ =	shalt  }
0x4a: {  	_ =	shalt  }
0x4b: {  	_ =	shalt  }
0x4c: {  	_ =	shalt  }
0x4d: {  	_ =	shalt  }
0x4e: {  	_ =	shalt  }
0x4f: {  	_ =	shalt  }
0x50: {  	_ =	shalt  }
0x51: {  	_ =	shalt  }
0x52: {  	_ =	shalt  }
0x53: {  	_ =	shalt  }
0x54: {  	_ =	shalt  }
0x55: {  	_ =	shalt  }
0x56: {  	_ =	shalt  }
0x57: {  	_ =	shalt  }
0x58: {  	_ =	shalt  }
0x59: {  	_ =	shalt  }
0x5a: {  	_ =	shalt  }
0x5b: {  	_ =	shalt  }
0x5c: {  	_ =	shalt  }
0x5d: {  	_ =	shalt  }
0x5e: {  	_ =	shalt  }
0x5f: {  	_ =	shalt  }
0x60: {  	_ =	shalt  }
0x61: {  	_ =	shalt  }
0x62: {  	_ =	shalt  }
0x63: {  	_ =	shalt  }
0x64: {  	_ =	shalt  }
0x65: {  	_ =	shalt  }
0x66: {  	_ =	shalt  }
0x67: {  	_ =	shalt  }
0x68: {  	_ =	shalt  }
0x69: {  	_ =	shalt  }
0x6a: {  	_ =	shalt  }
0x6b: {  	_ =	shalt  }
0x6c: {  	_ =	shalt  }
0x6d: {  	_ =	shalt  }
0x6e: {  	_ =	shalt  }
0x6f: {  	_ =	shalt  }
0x70: {  	_ =	shalt  }
0x71: {  	_ =	shalt  }
0x72: {  	_ =	shalt  }
0x73: {  	_ =	shalt  }
0x74: {  	_ =	shalt  }
0x75: {  	_ =	shalt  }
0x76: {  	_ =	shalt  }
0x77: {  	_ =	shalt  }
0x78: {  	_ =	shalt  }
0x79: {  	_ =	shalt  }
0x7a: {  	_ =	shalt  }
0x7b: {  	_ =	shalt  }
0x7c: {  	_ =	shalt  }
0x7d: {  	_ =	shalt  }
0x7e: {  	_ =	shalt  }
0x7f: {  	_ =	shalt  }
0x80: {  	_ =	shalt  }
0x81: {  	_ =	shalt  }
0x82: {  	_ =	shalt  }
0x83: {  	_ =	shalt  }
0x84: {  	_ =	shalt  }
0x85: {  	_ =	shalt  }
0x86: {  	_ =	shalt  }
0x87: {  	_ =	shalt  }
.Lfunc_end0:
.L_simem_size_0:
called_computation.6_lowered:
.L_overlay_start_0:
0x88: {  	s2 =	sld [smem:$0x3FD9]  }
0x89: {  	s3 =	sld [smem:$0x3FFE];
	_ =	sdelay $0x1  }
0x8a: {  	s1 =	srdreg.scid  }
0x8b: {  	s0 =	sand.u32 $0x1, s1  }
0x8c: {  	s14 =	sshll.u32 s0, $0xA;
	s2 =	sadd.s32 s3, s2  }
0x8d: {  	s2 =	sadd.s32 s2, s14  }
0x8e: {  	[smem:$0x3E83] =	sst s2  }
0x8f: {  	_ = 	snop  }
0x90: {  	s2 =	sld [smem:$0x3FD0];
	_ =	sdelay $0x2  }
0x91: {  	s15 =	simm.s32 $0xA;
	s4 =	simm.s32 $0x10  }
0x92: {  	[smem:s4], [sflag:s15] =	dma.local [hbm:s2], $0x1  }
0x93: {  	_ =	swait.eq [sflag:s15], $0x1  }
0x94: {  	[sflag:s15] =	ssyncset.done $0x0  }
0x95: {  	s16 =	sld [smem:$0x11];
	[sflag:s15] =	ssyncadd.s32 $0xFFFFFFFF  }
0x96: {  	s17 =	sld [smem:$0x12];
	(tm) =	ssettm $0x1  }
0x97: {  	s18 =	sld [smem:$0x3FFB];
	_ =	sdelay $0x3  }
0x98: {  	_ =	strace s18  }
0x99: {  	s4 =	sld [smem:$0x3FFC];
	_ =	sdelay $0x3  }
0x9a: {  	_ =	strace s4  }
0x9b: {  	s4 =	sld [smem:$0x3FFD];
	_ =	sdelay $0x3  }
0x9c: {  	_ =	strace s4  }
0x9d: {  	_ =	strace $0x8FFFFFFF  }
0x9e: {  	s19 =	sld [smem:$0x3FDB];
	_ =	sdelay $0x1  }
0x9f: {  	s5 =	simm.s32 $_scs_section_size  }
0xa0: {  	s6 =	simm.s32 $_size__tile_overlayer_lowered;
	s7 =	simm.s32 $_tile_overlayer_lowered  }
0xa1: {  	s22 =	simm.s32 $0x1BFF;
	s21 =	sshll.u32 s7, $0x1;
	s4 =	sadd.s32 s5, s19  }
0xa2: {  	s8 =	simm.s32 $0x0;
	s20 =	sshll.u32 s6, $0x1;
	s6 =	sadd.s32 s21, s4  }
0xa3: {  	[timem:s8], [sflag:s22] =	dma.local [hbm:s6], s20  }
0xa4: {  	_ =	swait.ge [sflag:s22], s20  }
0xa5: {  	s5 =	ssub.s32 $0x0, s20;
	[sflag:s22] =	ssyncset.done $0x0  }
0xa6: {  	[sflag:s22] =	ssyncadd.s32 s5;
	_ =	sdelay $0x1  }
0xa7: {  	s23 =	simm.s32 $0x1B8B  }
0xa8: {  	_ =	swait.ge [sflag:s23], $0x1  }
0xa9: {  	[sflag:s23] =	ssyncset.done $0x0  }
0xaa: {  	s25 =	simm.s32 $0x1B8E;
	s24 =	sld [smem:$0x3FFE];
	[sflag:s23] =	ssyncadd.s32 $0xFFFFFFFF  }
0xab: {  	s26 =	simm.s32 $execute0_lowered;
	[smem:$0x3FD2] =	sst s25  }
0xac: {  	s6 =	sshll.u32 s26, $0x1;
	_ =	strace $0x80000058;
	[dreg:$0x1] =	wrdreg $0xFFFFFFFF  }
0xad: {  	s28 =	simm.s32 $_size_execute0_lowered;
	s4 =	sadd.s32 s4, s6;
	[dreg:$0x0] =	wrdreg $0x0  }
0xae: {  	s6 =	sshll.u32 s28, $0x1;
	[dreg:$0x2] =	wrdreg s4  }
0xaf: {  	[dreg:$0x3] =	wrdreg s6  }
0xb0: {  	[dreg:$0x4] =	wrdreg $0xC0  }
0xb1: {  	_ =	task [dreg:s8], $0x5FFFF  }
0xb2: {  	[dreg:$0x1] =	wrdreg $0xFFFFFFFF  }
0xb3: {  	[dreg:$0x0] =	wrdreg $0x60  }
0xb4: {  	[dreg:$0x2] =	wrdreg s24  }
0xb5: {  	[dreg:$0x3] =	wrdreg s16  }
0xb6: {  	[dreg:$0x4] =	wrdreg s17  }
0xb7: {  	[dreg:$0x5] =	wrdreg $0x9  }
0xb8: {  	_ =	task.clear_ibuf [dreg:s8], $0x6FFFF;
	_ =	strace $0x90000058  }
0xb9: {  	s29 =	simm.s32 $0x9;
	_ =	strace $0x8000005A  }
0xba: {  	_ =	swait.ge [sflag:s29], $0x1  }
0xbb: {  	[sflag:s29] =	ssyncadd.s32 $0xFFFFFFFF  }
0xbc: {  	_ =	strace $0x9000005A  }
0xbd: {  	_ =	sfence  }
0xbe: {  	s30 =	sld [smem:$0x0];
	_ =	sdelay $0x2  }
0xbf: {  	s31 =	sshll.u32 s1, $0xD;
	s1 =	sshrl.u32 s1, $0x2  }
0xc0: {  	s3 =	sand.u32 $0x4000, s31;
	s1 =	sadd.s32 s1, s30  }
0xc1: {  	s0 =	sor.u32 s3, s0;
	s1 =	sshll.u32 s1, $0x11  }
0xc2: {  	s0 =	sor.u32 s1, s0  }
0xc3: {  	s0 =	sadd.s32 $0x8F2B, s0  }
0xc4: {  	[sflag:s0] =	ssyncadd.remote.s32 $0x1  }
0xc5: {  	_ =	sfence.sel $0xFFFF  }
0xc6: {  	[dreg:$0x0] =	wrdreg $0xFFFFFFFF;
	(pc) =	sbr.abs _section_cstart, $3  }
0xc7: {  	[dreg:$0x1] =	wrdreg $0xFFFFFFFF  }
0xc8: {  	_ =	task.clear_ibuf [dreg:s8], $0x2FFFF;
	_ =	strace $0x9FFFFFFF  }
0xc9: {  	(tm) =	ssettm $0x7FFFFFFF  }
tec
execute0_lowered:
.L_overlay_start_1:
0x0: {  	(tag) =	ssettag $0x1  }
0x1: {  	s5 =	rddreg [dreg:$0x0]  }
0x2: {  	s1 =	srdreg.scid;
	s2 =	rddreg [dreg:$0x1]  }
0x3: {  	s0 =	stileid.u32;
	s3 =	rddreg [dreg:$0x2]  }
0x4: {  	s9 =	simm.s32 $0x1;
	s10 =	simm.s32 $0x3;
	s1 =	sshll.u32 s1, $0x6  }
0x5: {  	s13 =	simm.s32 $0x0;
	s4 =	sshll.u32 s0, $0x7;
	s6 =	sand.u32 $0x40, s1  }
0x6: {  	s12 =	simm.s32 $0x0;
	s5 =	sadd.s32 $0x6FA00, s5;
	s4 =	sor.u32 s4, s6  }
0x7: {  	s1 =	rddreg [dreg:$0x3];
	_ =	strace $0x80000059;
	s8 =	ssub.s32 $0x1000, s4  }
.Ltmp0:
0x8: {  	s6 =	simm.s32 $0x1;
	s7 =	sand.u32 $0x7C0, s8;
	(pc) =	sbr.rel .LBB2_1-.Ltmp0, $4  }
0x9: {  	[sflag:s6] =	ssyncpa.u1 $0x0;
	s11 =	smov.u32 s4;
	p0 =	sne.s32 s7, $0x0  }
0xa: {  	s8 =	sshrl.u32 s8, $0xB;
	s7 =	simm.s32 $0x2;
	s9 =	simm.s32 @!p0 $0x0  }
0xb: {  	[sflag:s7] =	ssyncpa.u1 $0x0;
	p0 =	por $0x0, $0x0;
	s8 =	sadd.s32 s9, s8  }
0xc: {  	vm0 =	vmmov $0xffff;
	[sflag:s10] =	ssyncpa.u1 $0x0;
	s10 =	simm.s32 $0x0;
	s9 =	sadd.s32 $0x1, s8  }
.LBB2_4:
0xd: {  	v5 =	vshrl.u32 v1, $0xC;
	v6 =	vshll.u32 v1, $0x7  }
0xe: {  	vm1 =	veq.s32 v1, $0x80000000;
	v58 =	vand.u32 $0x7, v5;
	v59 =	vand.u32 $0x7FF80, v6  }
0xf: {  	v1 =	vsel vm1, $0xFFFFFFFF, v58;
	v5 =	vsel vm1, $0xFFFFFF80, v59  }
0x10: {  	v3 =	vor.u32 v4, v3;
	v60 =	vand.u32 $0xFFFFFC00, v5;
	v61 =	vand.u32 $0xFFFFFC00, v1  }
0x11: {  	v2 =	vor.u32 v2, v3;
	v63 =	vand.u32 $0x380, v5;
	v62 =	vadd.s32 v61, v60  }
0x12: {  	v1 =	vand.u32 $0x7F, v1;
	v3 =	vor.u32 v63, v62  }
0x13: {  	v1 =	vor.u32 v1, v3  }
0x14: {  	[tilespmem:s15], [sflag:$0x1] =	stream.indirect_vreg.gather [hbm4b:s5+s10], $0x1, v0, vm0, $0x4038;
	[tilespmem:$0x100] =	vst v63  }
0x15: {  	(ifvalue) =	ssetifvalue $0x7FFFFFFF  }
0x16: {  	[tilespmem:s16], [sflag:$0x1] =	stream.indirect_vreg.gather [hbm4b:s5+s10], $0x1, v2, vm0, $0x4038;
	[tilespmem:$0x100] =	vst v63  }
0x17: {  	s29 =	sadd.s32 $0x10, s16;
	(ifvalue) =	ssetifvalue $0x7FFFFFFF  }
0x18: {  	[tilespmem:s29], [sflag:$0x1] =	stream.indirect_vreg.gather [hbm4b:s5+s10], $0x1, v1, vm0, $0x4038;
	[tilespmem:$0x100] =	vst v63  }
0x19: {  	_ =	swait.ge [sflag:s6], $0x40  }
0x1a: {  	s30 =	sshrl.u32 s13, $0x3;
	[sflag:s6] =	ssyncset.done $0x0  }
0x1b: {  	s31 =	sand.u32 $0x7, s13;
	s15 =	sadd.s32 s3, s30;
	[sflag:s6] =	ssyncadd.s32 $0xFFFFFFC0  }
0x1c: {  	[hbm4b:s15+s31] =	stream.linear.scatter [tilespmem:s14], [sflag:$0x3], $0x40, $0x38;
	[tilespmem:$0x100] =	vst v63  }
.LBB2_5:
0x1d: {  	s15 =	sadd.s32 $0x800, s11  }
0x1e: {  	p2 =	sgt.s32 s15, $0xFFF  }
0x1f: {  	s15 =	smov.u32 @p2 s4;
	p2 =	sne.s32 s12, s9  }
.Ltmp1:
0x20: {  	p1 =	slt.u32 s12, $0x2;
	(pc) =	sbr.rel @!p2 .LBB2_6-.Ltmp1, $4  }
0x21: {  	s14 =	simm.s32 @!p1 $0x3  }
0x22: {  	s16 =	sadd.s32 $0x1, s12;
	_ =	swait.ge @!p1 [sflag:s14], $0x40  }
0x23: {  	s13 =	smov.u32 s11;
	p0 =	por !p0, !p0;
	[sflag:s14] =	ssyncset.done @!p1 $0x0  }
0x24: {  	s12 =	smov.u32 s16;
	s11 =	smov.u32 s15;
	[sflag:s14] =	ssyncadd.s32 @!p1 $0xFFFFFFC0  }
.LBB2_1:
0x25: {  	p1 =	sge.u32 s12, s8  }
0x26: {  	s14 =	sxor.u32 @!p1 $0xFFFFFFFF, s12  }
0x27: {  	s31 =	sadd.s32 $0xFFFFFFFF, s12;
	s15 =	sshrl.u32 @!p1 s11, $0x3;
	s14 =	sshll.u32 @!p1 s14, $0x6  }
0x28: {  	s16 =	sand.u32 @!p1 $0x7, s11;
	s15 =	sadd.s32 @!p1 s2, s15;
	s14 =	sand.u32 @!p1 $0x40, s14  }
0x29: {  	[tilespmem:s14], [sflag:$0x2] =	stream.linear.gather @!p1 [hbm4b:s15+s16], $0x40, $0x38;
	[tilespmem:$0x100] =	vst v63  }
0x2a: {  	p1 =	sge.u32 s31, s8  }
.Ltmp2:
0x2b: {  	_ = 	snop;
	(pc) =	sbr.rel @p1 .LBB2_5-.Ltmp2, $1  }
0x2c: {  	_ =	sdelay $0x3  }
0x2d: {  	s14 =	simm.s32 $0x1  }
0x2e: {  	_ =	swait.ge [sflag:s7], $0x40;
	s14 =	simm.s32 @!p0 $0x0  }
0x2f: {  	[sflag:s7] =	ssyncset.done $0x0;
	s14 =	sshll.u32 s14, $0x6  }
0x30: {  	[sflag:s7] =	ssyncadd.s32 $0xFFFFFFC0;
	(ifvalue) =	ssetifvalue $0x7FFFFFFF;
	v0 =	vld.msk [tilespmem:s14+$0x0 ss:$0x1], $0xffff;
	_ =	sdelay $0x4  }
0x31: {  	s15 =	sadd.s32 $0x10, s14;
	v2 =	vshrl.u32 v0, $0xC;
	v3 =	vshll.u32 v0, $0x7  }
0x32: {  	v1 =	vld.msk [tilespmem:s15+$0x0 ss:$0x1], $0xffff;
	vm1 =	veq.s32 v0, $0x80000000;
	v0 =	vand.u32 $0x7, v2;
	v2 =	vand.u32 $0x7FF80, v3  }
0x33: {  	v0 =	vsel vm1, $0xFFFFFFFF, v0;
	v2 =	vsel vm1, $0xFFFFFF80, v2  }
0x34: {  	v3 =	vand.u32 $0xFFFFFC00, v2;
	v4 =	vand.u32 $0xFFFFFC00, v0  }
0x35: {  	v2 =	vand.u32 $0x380, v2;
	v3 =	vadd.s32 v4, v3  }
0x36: {  	v0 =	vand.u32 $0x7F, v0;
	v2 =	vor.u32 v2, v3  }
0x37: {  	v5 =	vshll.u32 v1, $0x7;
	v4 =	vshrl.u32 v1, $0xC;
	v0 =	vor.u32 v0, v2  }
0x38: {  	s16 =	sshll.u32 s12, $0x6;
	vm1 =	veq.s32 v1, $0x80000000;
	v1 =	vand.u32 $0x7, v4;
	v4 =	vand.u32 $0x7FF80, v5  }
0x39: {  	s16 =	sand.u32 $0x40, s16;
	s18 =	sadd.s32 $0x10, s15;
	v3 =	vsel vm1, $0xFFFFFFFF, v1;
	v4 =	vsel vm1, $0xFFFFFF80, v4  }
0x3a: {  	s17 =	simm.s32 $0x20;
	s15 =	sor.u32 $0x80, s14;
	s14 =	sor.u32 $0x80, s16;
	v1 =	vld.msk [tilespmem:s18+$0x0 ss:$0x1], $0xffff;
	v5 =	vand.u32 $0xFFFFFC00, v4;
	v6 =	vand.u32 $0xFFFFFC00, v3  }
0x3b: {  	s16 =	sadd.s32 $0x10, s15;
	s18 =	sadd.s32 $0x10, s18;
	(ifvalue) =	ssetifvalue $0x7FFFFFFF;
	v2 =	vand.u32 $0x7F, v3;
	v4 =	vand.u32 $0x380, v4;
	v3 =	vadd.s32 v6, v5  }
.LBB2_3:
0x3c: {  	[tilespmem:s15], [sflag:$0x1] =	stream.indirect_vreg.gather [hbm4b:s5+s10], $0x1, v0, vm0, $0x4038;
	[tilespmem:$0x100] =	vst v63  }
0x3d: {  	s17 =	sadd.s32 $0x10, s17  }
0x3e: {  	v3 =	vor.u32 v4, v3;
	p1 =	slt.u32 s17, $0x30  }
.Ltmp3:
0x3f: {  	v4 =	vshrl.u32 v1, $0xC;
	v5 =	vshll.u32 v1, $0x7;
	s15 =	smov.u32 s16;
	v0 =	vor.u32 v2, v3;
	v2 =	vmovc v1;
	v1 =	vld.msk [tilespmem:s18+$0x0 ss:$0x1], $0xffff;
	(pc) =	sbr.rel @p1 .LBB2_3-.Ltmp3, $4  }
0x40: {  	v3 =	vand.u32 $0x7FF80, v5;
	vm1 =	veq.s32 v2, $0x80000000;
	v2 =	vand.u32 $0x7, v4  }
0x41: {  	v4 =	vsel vm1, $0xFFFFFFFF, v2;
	v5 =	vsel vm1, $0xFFFFFF80, v3  }
0x42: {  	v2 =	vand.u32 $0x7F, v4;
	v3 =	vand.u32 $0xFFFFFC00, v5;
	v4 =	vand.u32 $0xFFFFFC00, v4  }
0x43: {  	s16 =	sadd.s32 $0x10, s16;
	s18 =	sadd.s32 $0x10, s18;
	v3 =	vadd.s32 v4, v3;
	v4 =	vand.u32 $0x380, v5;
	(ifvalue) =	ssetifvalue $0x7FFFFFFF  }
.Ltmp4:
0x44: {  	_ = 	snop;
	(pc) =	sbr.rel .LBB2_4-.Ltmp4, $1  }
0x45: {  	_ =	sdelay $0x3  }
.LBB2_6:
0x46: {  	_ =	sfence.sel $0x180000  }
0x47: {  	s2 =	simm.s32 $0x2;
	[bflag:$0x0] =	sbarrier.arrive $0xFFFF  }
0x48: {  	s30 =	simm.s32 $0x3;
	[sflag:s2] =	ssyncpa.u1 $0x1  }
0x49: {  	s31 =	simm.s32 $0x1;
	[sflag:s30] =	ssyncpa.u1 $0x1  }
0x4a: {  	[sflag:s31] =	ssyncpa.u1 $0x1  }
0x4b: {  	p0 =	sne.s32 s0, $0x0;
	_ =	strace $0x90000059  }
0x4c: {  	s0 =	sadd.s32 @!p0 $0x100000, s1;
	[bflag:$0x2] =	sbarrier.arrive $0xFFFF  }
0x4d: {  	[sflag:s0] =	ssyncadd.tile.s32 @!p0 $0x1;
	_ =	shalt  }
.Lfunc_end2:
_tile_overlayer_lowered:
.L_overlay_start_2:
0x4e: {  	(tag) =	ssettag $0x2  }
0x4f: {  	s0 =	rddreg [dreg:$0x0];
	s2 =	stileid.u32  }
0x50: {  	s1 =	rddreg [dreg:$0x1];
	p0 =	sne.s32 s2, $0x0  }
0x51: {  	s3 =	rddreg [dreg:$0x2];
	[bflag:$0x3] =	sbarrier.arrive $0xFFFF;
	s2 =	simm.s32 @!p0 $0x1C01  }
0x52: {  	[timem:s3], [sflag:s2] =	dma.local @!p0 [hbm:s0], s1  }
0x53: {  	s0 =	simm.s32 @!p0 $0x1  }
0x54: {  	_ =	swait.ge @!p0 [sflag:s0], s1  }
0x55: {  	s1 =	ssub.s32 @!p0 $0x0, s1;
	[sflag:s0] =	ssyncset.done @!p0 $0x0  }
0x56: {  	[sflag:s0] =	ssyncadd.s32 @!p0 s1  }
0x57: {  	[bflag:$0x3] =	sbarrier.arrive $0xFFFF  }
0x58: {  	_ =	shalt  }

// kernel: gather_offload_async_start
scs
__scs_entry_jumppad:
0x0: {  	(pc) =	sbr.rel $0x88, $3  }
0x1: {  	(tag) =	ssettag $0x0;
	lr =	simm.s32 $0x1  }
0x2: {  	[smem:$0x3E5C] =	sst lr;
	_ =	strace $0xD0000000  }
0x3: {  	_ = 	snop  }
0x4: {  	_ = 	snop  }
0x5: {  	_ = 	snop  }
0x6: {  	_ = 	snop  }
0x7: {  	_ = 	snop  }
__scs_overlays_trampoline_lowered:
0x8: {  	[smem:$0x3E6B] =	sst s0  }
0x9: {  	[smem:$0x3E6C] =	sst s1  }
0xa: {  	[smem:$0x3E6D] =	sst s2  }
0xb: {  	[smem:$0x3E6E] =	sst s3  }
0xc: {  	[smem:$0x3E6F] =	sst s4  }
0xd: {  	[smem:$0x3E70] =	sst s5  }
0xe: {  	[smem:$0x3E71] =	sst s6  }
0xf: {  	[smem:$0x3E72] =	sst s7  }
0x10: {  	[smem:$0x3E73] =	sst s8  }
0x11: {  	[smem:$0x3E74] =	sst s9;
	s0 =	simm.s32 @!p0 $0x0  }
0x12: {  	s1 =	sld [smem:$0x3E5A];
	s0 =	simm.s32 @p0 $0x1  }
0x13: {  	[smem:$0x3E75] =	sst s0;
	s0 =	simm.s32 @!p1 $0x0  }
0x14: {  	s2 =	sld [smem:$0x3E59];
	s0 =	simm.s32 @p1 $0x1  }
0x15: {  	[smem:$0x3E76] =	sst s0;
	s0 =	simm.s32 @!p2 $0x0  }
0x16: {  	s3 =	sld [smem:$0x3FDB];
	s0 =	simm.s32 @p2 $0x1  }
0x17: {  	s4 =	simm.s32 $0x1BF5;
	[smem:$0x3E78] =	sst s0  }
0x18: {  	s0 =	sld [smem:$0x3E5B];
	_ =	swait.ge [sflag:s4], $0x0  }
0x19: {  	s7 =	sld [smem:$0x3E5C]  }
0x1a: {  	s8 =	sadd.s32 $0xFFFFE003, lr  }
0x1b: {  	s9 =	sadd.s32 $0xFFFFFEF7, lr;
	s5 =	simm.s32 $0xFFFFFFFF;
	p2 =	slt.u32 s8, $0xFFFFF086  }
0x1c: {  	p1 =	slt.u32 s9, $0xF7A;
	s5 =	simm.s32 @!p2 $0x0  }
0x1d: {  	s5 =	simm.s32 @p1 $0x1;
	p0 =	seq.s32 s7, s2  }
0x1e: {  	s7 =	smul.u32 @!p0 $0xF7A, s2;
	p2 =	seq.s32 @!p0 s5, $0x0  }
0x1f: {  	s9 =	smul.u32 $0xF7A, s1;
	s8 =	simm.s32 @!p0 $0x1BF5;
	p2 =	por !p2, p0  }
0x20: {  	[sflag:s8] =	ssyncset.s32 @!p0 $0xFFFFF086;
	s6 =	sadd.s32 @!p0 s3, s7;
	s7 =	simm.s32 @!p0 $0x108  }
0x21: {  	s3 =	sadd.s32 s3, s9;
	s6 =	sadd.s32 @!p0 $0x88, s6;
	s7 =	simm.s32 @p2 $0x1082  }
0x22: {  	[simem:s7], [sflag:s8] =	dma.local @!p0 [hbm:s6], $0xF7A  }
0x23: {  	s9 =	sor.u32 $0xD0000000, s2;
	s6 =	simm.s32 $0x108;
	_ =	swait.ge @!p0 [sflag:s8], $0x0  }
0x24: {  	s3 =	sadd.s32 $0x88, s3;
	s6 =	simm.s32 @!p1 $0x1082;
	[sflag:s4] =	ssyncset.s32 $0xFFFFF086  }
0x25: {  	[simem:s6], [sflag:s4] =	dma.local [hbm:s3], $0xF7A  }
0x26: {  	[smem:$0x3E5C] =	sst s1;
	(tag) =	ssettag s2;
	_ =	strace s9  }
0x27: {  	s1 =	sld [smem:$0x3E6C]  }
0x28: {  	s2 =	sld [smem:$0x3E6D]  }
0x29: {  	s4 =	sld [smem:$0x3E6F]  }
0x2a: {  	p0 =	seq.s32 s5, $0x0;
	s5 =	sld [smem:$0x3E70]  }
0x2b: {  	s6 =	sld [smem:$0x3E71]  }
0x2c: {  	s7 =	sld [smem:$0x3E72]  }
0x2d: {  	s3 =	simm.s32 $0x108;
	s8 =	sld [smem:$0x3E73]  }
0x2e: {  	s3 =	simm.s32 @!p0 $0x1082;
	s9 =	sld [smem:$0x3E74]  }
0x2f: {  	lr =	sadd.s32 s0, s3;
	s0 =	sld [smem:$0x3E6B]  }
0x30: {  	s3 =	sld [smem:$0x3E6E]  }
0x31: {  	[smem:$0x3E77] =	sst s10  }
0x32: {  	s10 =	sld [smem:$0x3E75];
	_ =	sdelay $0x3  }
0x33: {  	p0 =	seq.s32 s10, $0x1;
	s10 =	sld [smem:$0x3E77];
	_ =	sdelay $0x3  }
0x34: {  	[smem:$0x3E77] =	sst s10  }
0x35: {  	s10 =	sld [smem:$0x3E76];
	_ =	sdelay $0x3  }
0x36: {  	p1 =	seq.s32 s10, $0x1;
	s10 =	sld [smem:$0x3E77];
	_ =	sdelay $0x3  }
0x37: {  	[smem:$0x3E77] =	sst s10  }
0x38: {  	s10 =	sld [smem:$0x3E78]  }
0x39: {  	_ = 	snop;
	(pc) =	sbr.ind lr, $3  }
0x3a: {  	_ = 	snop  }
0x3b: {  	_ = 	snop  }
0x3c: {  	p2 =	seq.s32 s10, $0x1;
	s10 =	sld [smem:$0x3E77]  }
0x3d: {  	_ =	shalt  }
0x3e: {  	_ =	shalt  }
0x3f: {  	_ =	shalt  }
0x40: {  	_ =	shalt  }
0x41: {  	_ =	shalt  }
0x42: {  	_ =	shalt  }
0x43: {  	_ =	shalt  }
0x44: {  	_ =	shalt  }
0x45: {  	_ =	shalt  }
0x46: {  	_ =	shalt  }
0x47: {  	_ =	shalt  }
0x48: {  	_ =	shalt  }
0x49: {  	_ =	shalt  }
0x4a: {  	_ =	shalt  }
0x4b: {  	_ =	shalt  }
0x4c: {  	_ =	shalt  }
0x4d: {  	_ =	shalt  }
0x4e: {  	_ =	shalt  }
0x4f: {  	_ =	shalt  }
0x50: {  	_ =	shalt  }
0x51: {  	_ =	shalt  }
0x52: {  	_ =	shalt  }
0x53: {  	_ =	shalt  }
0x54: {  	_ =	shalt  }
0x55: {  	_ =	shalt  }
0x56: {  	_ =	shalt  }
0x57: {  	_ =	shalt  }
0x58: {  	_ =	shalt  }
0x59: {  	_ =	shalt  }
0x5a: {  	_ =	shalt  }
0x5b: {  	_ =	shalt  }
0x5c: {  	_ =	shalt  }
0x5d: {  	_ =	shalt  }
0x5e: {  	_ =	shalt  }
0x5f: {  	_ =	shalt  }
0x60: {  	_ =	shalt  }
0x61: {  	_ =	shalt  }
0x62: {  	_ =	shalt  }
0x63: {  	_ =	shalt  }
0x64: {  	_ =	shalt  }
0x65: {  	_ =	shalt  }
0x66: {  	_ =	shalt  }
0x67: {  	_ =	shalt  }
0x68: {  	_ =	shalt  }
0x69: {  	_ =	shalt  }
0x6a: {  	_ =	shalt  }
0x6b: {  	_ =	shalt  }
0x6c: {  	_ =	shalt  }
0x6d: {  	_ =	shalt  }
0x6e: {  	_ =	shalt  }
0x6f: {  	_ =	shalt  }
0x70: {  	_ =	shalt  }
0x71: {  	_ =	shalt  }
0x72: {  	_ =	shalt  }
0x73: {  	_ =	shalt  }
0x74: {  	_ =	shalt  }
0x75: {  	_ =	shalt  }
0x76: {  	_ =	shalt  }
0x77: {  	_ =	shalt  }
0x78: {  	_ =	shalt  }
0x79: {  	_ =	shalt  }
0x7a: {  	_ =	shalt  }
0x7b: {  	_ =	shalt  }
0x7c: {  	_ =	shalt  }
0x7d: {  	_ =	shalt  }
0x7e: {  	_ =	shalt  }
0x7f: {  	_ =	shalt  }
0x80: {  	_ =	shalt  }
0x81: {  	_ =	shalt  }
0x82: {  	_ =	shalt  }
0x83: {  	_ =	shalt  }
0x84: {  	_ =	shalt  }
0x85: {  	_ =	shalt  }
0x86: {  	_ =	shalt  }
0x87: {  	_ =	shalt  }
.Lfunc_end0:
.L_simem_size_0:
called_computation_lowered:
.L_overlay_start_0:
0x88: {  	s2 =	sld [smem:$0x3FD9]  }
0x89: {  	s3 =	sld [smem:$0x3FFE];
	_ =	sdelay $0x1  }
0x8a: {  	s1 =	srdreg.scid  }
0x8b: {  	s0 =	sand.u32 $0x1, s1  }
0x8c: {  	s16 =	sshll.u32 s0, $0xA;
	s2 =	sadd.s32 s3, s2  }
0x8d: {  	s2 =	sadd.s32 s2, s16  }
0x8e: {  	[smem:$0x3E83] =	sst s2  }
0x8f: {  	_ = 	snop  }
0x90: {  	(tm) =	ssettm $0x1  }
0x91: {  	s17 =	sld [smem:$0x3FFB];
	_ =	sdelay $0x3  }
0x92: {  	_ =	strace s17  }
0x93: {  	s2 =	sld [smem:$0x3FFC];
	_ =	sdelay $0x3  }
0x94: {  	_ =	strace s2  }
0x95: {  	s2 =	sld [smem:$0x3FFD];
	_ =	sdelay $0x3  }
0x96: {  	_ =	strace s2  }
0x97: {  	_ =	strace $0x8FFFFFFF  }
0x98: {  	s18 =	sld [smem:$0x3FDB];
	_ =	sdelay $0x1  }
0x99: {  	s19 =	simm.s32 $_scs_section_size  }
0x9a: {  	s4 =	simm.s32 $_size__tile_overlayer_lowered;
	s5 =	simm.s32 $_tile_overlayer_lowered  }
0x9b: {  	s22 =	simm.s32 $0x1BFF;
	s21 =	sshll.u32 s5, $0x1;
	s2 =	sadd.s32 s19, s18  }
0x9c: {  	s6 =	simm.s32 $0x0;
	s20 =	sshll.u32 s4, $0x1;
	s4 =	sadd.s32 s21, s2  }
0x9d: {  	[timem:s6], [sflag:s22] =	dma.local [hbm:s4], s20  }
0x9e: {  	_ =	swait.ge [sflag:s22], s20  }
0x9f: {  	s3 =	ssub.s32 $0x0, s20;
	[sflag:s22] =	ssyncset.done $0x0  }
0xa0: {  	[sflag:s22] =	ssyncadd.s32 s3;
	_ =	sdelay $0x1  }
0xa1: {  	s23 =	simm.s32 $0x1B8B  }
0xa2: {  	_ =	swait.ge [sflag:s23], $0x1  }
0xa3: {  	[sflag:s23] =	ssyncset.done $0x0  }
0xa4: {  	s25 =	simm.s32 $0x1B8E;
	s24 =	sld [smem:$0x3FFE];
	[sflag:s23] =	ssyncadd.s32 $0xFFFFFFFF  }
0xa5: {  	s26 =	simm.s32 $execute0_lowered;
	[smem:$0x3FD2] =	sst s25  }
0xa6: {  	s4 =	sshll.u32 s26, $0x1;
	_ =	strace $0x80000046;
	[dreg:$0x1] =	wrdreg $0xFFFFFFFF  }
0xa7: {  	s28 =	simm.s32 $_size_execute0_lowered;
	s2 =	sadd.s32 s2, s4;
	[dreg:$0x0] =	wrdreg $0x0  }
0xa8: {  	s4 =	sshll.u32 s28, $0x1;
	[dreg:$0x2] =	wrdreg s2  }
0xa9: {  	[dreg:$0x3] =	wrdreg s4  }
0xaa: {  	[dreg:$0x4] =	wrdreg $0xC0  }
0xab: {  	_ =	task [dreg:s6], $0x5FFFF  }
0xac: {  	[dreg:$0x1] =	wrdreg $0xFFFFFFFF  }
0xad: {  	[dreg:$0x0] =	wrdreg $0x60  }
0xae: {  	[dreg:$0x2] =	wrdreg s24  }
0xaf: {  	[dreg:$0x3] =	wrdreg $0x9  }
0xb0: {  	_ =	task.clear_ibuf [dreg:s6], $0x4FFFF;
	_ =	strace $0x90000046  }
0xb1: {  	s29 =	simm.s32 $0x9;
	_ =	strace $0x80000048  }
0xb2: {  	_ =	swait.ge [sflag:s29], $0x1  }
0xb3: {  	[sflag:s29] =	ssyncadd.s32 $0xFFFFFFFF  }
0xb4: {  	_ =	strace $0x90000048  }
0xb5: {  	_ =	sfence  }
0xb6: {  	s30 =	sld [smem:$0x0];
	_ =	sdelay $0x2  }
0xb7: {  	s31 =	sshll.u32 s1, $0xD;
	s1 =	sshrl.u32 s1, $0x2  }
0xb8: {  	s3 =	sand.u32 $0x4000, s31;
	s1 =	sadd.s32 s1, s30  }
0xb9: {  	s0 =	sor.u32 s3, s0;
	s1 =	sshll.u32 s1, $0x11  }
0xba: {  	s0 =	sor.u32 s1, s0  }
0xbb: {  	s0 =	sadd.s32 $0x8F2B, s0  }
0xbc: {  	[sflag:s0] =	ssyncadd.remote.s32 $0x1  }
0xbd: {  	_ =	sfence.sel $0xFFFF  }
0xbe: {  	[dreg:$0x0] =	wrdreg $0xFFFFFFFF;
	(pc) =	sbr.abs _section_cstart, $3  }
0xbf: {  	[dreg:$0x1] =	wrdreg $0xFFFFFFFF  }
0xc0: {  	_ =	task.clear_ibuf [dreg:s6], $0x2FFFF;
	_ =	strace $0x9FFFFFFF  }
0xc1: {  	(tm) =	ssettm $0x7FFFFFFF  }
tec
execute0_lowered:
.L_overlay_start_1:
0x0: {  	(tag) =	ssettag $0x1  }
0x1: {  	s0 =	srdreg.scid;
	s5 =	rddreg [dreg:$0x0]  }
0x2: {  	s1 =	stileid.u32;
	s6 =	simm.s32 $0x1;
	s9 =	simm.s32 $0x1  }
0x3: {  	s10 =	simm.s32 $0x3;
	s13 =	simm.s32 $0x0;
	s2 =	sshll.u32 s0, $0x6  }
0x4: {  	s12 =	simm.s32 $0x0;
	s3 =	sshll.u32 s1, $0x7;
	s2 =	sand.u32 $0x40, s2  }
0x5: {  	s0 =	rddreg [dreg:$0x1];
	_ =	strace $0x80000047;
	s2 =	sor.u32 s3, s2  }
0x6: {  	s4 =	sadd.s32 $0xB0A00, s5;
	[sflag:s6] =	ssyncpa.u1 $0x0;
	s8 =	ssub.s32 $0x1000, s2  }
.Ltmp0:
0x7: {  	s3 =	sadd.s32 $0x9FE00, s5;
	s7 =	sand.u32 $0x7C0, s8;
	(pc) =	sbr.rel .LBB2_1-.Ltmp0, $4  }
0x8: {  	s5 =	sadd.s32 $0x21D6E00, s5;
	s11 =	smov.u32 s2;
	p0 =	sne.s32 s7, $0x0  }
0x9: {  	s8 =	sshrl.u32 s8, $0xB;
	s7 =	simm.s32 $0x2;
	s9 =	simm.s32 @!p0 $0x0  }
0xa: {  	[sflag:s7] =	ssyncpa.u1 $0x0;
	p0 =	por $0x0, $0x0;
	s8 =	sadd.s32 s9, s8  }
0xb: {  	vm0 =	vmmov $0xffff;
	[sflag:s10] =	ssyncpa.u1 $0x0;
	s10 =	simm.s32 $0x0;
	s9 =	sadd.s32 $0x1, s8  }
.LBB2_4:
0xc: {  	v5 =	vshrl.u32 v1, $0xC;
	v6 =	vshll.u32 v1, $0x7  }
0xd: {  	vm1 =	veq.s32 v1, $0x80000000;
	v58 =	vand.u32 $0x7, v5;
	v59 =	vand.u32 $0x7FF80, v6  }
0xe: {  	v1 =	vsel vm1, $0xFFFFFFFF, v58;
	v5 =	vsel vm1, $0xFFFFFF80, v59  }
0xf: {  	v3 =	vor.u32 v4, v3;
	v60 =	vand.u32 $0xFFFFFC00, v5;
	v61 =	vand.u32 $0xFFFFFC00, v1  }
0x10: {  	v2 =	vor.u32 v2, v3;
	v63 =	vand.u32 $0x380, v5;
	v62 =	vadd.s32 v61, v60  }
0x11: {  	v1 =	vand.u32 $0x7F, v1;
	v3 =	vor.u32 v63, v62  }
0x12: {  	v1 =	vor.u32 v1, v3  }
0x13: {  	[tilespmem:s15], [sflag:$0x1] =	stream.indirect_vreg.gather [hbm4b:s3+s10], $0x1, v0, vm0, $0x4038;
	[tilespmem:$0x100] =	vst v63  }
0x14: {  	(ifvalue) =	ssetifvalue $0x7FFFFFFF  }
0x15: {  	[tilespmem:s16], [sflag:$0x1] =	stream.indirect_vreg.gather [hbm4b:s3+s10], $0x1, v2, vm0, $0x4038;
	[tilespmem:$0x100] =	vst v63  }
0x16: {  	s29 =	sadd.s32 $0x10, s16;
	(ifvalue) =	ssetifvalue $0x7FFFFFFF  }
0x17: {  	[tilespmem:s29], [sflag:$0x1] =	stream.indirect_vreg.gather [hbm4b:s3+s10], $0x1, v1, vm0, $0x4038;
	[tilespmem:$0x100] =	vst v63  }
0x18: {  	_ =	swait.ge [sflag:s6], $0x40  }
0x19: {  	s30 =	sshrl.u32 s13, $0x3;
	[sflag:s6] =	ssyncset.done $0x0  }
0x1a: {  	s31 =	sand.u32 $0x7, s13;
	s15 =	sadd.s32 s5, s30;
	[sflag:s6] =	ssyncadd.s32 $0xFFFFFFC0  }
0x1b: {  	[hbm4b:s15+s31] =	stream.linear.scatter [tilespmem:s14], [sflag:$0x3], $0x40, $0x38;
	[tilespmem:$0x100] =	vst v63  }
.LBB2_5:
0x1c: {  	s15 =	sadd.s32 $0x800, s11  }
0x1d: {  	p2 =	sgt.s32 s15, $0xFFF  }
0x1e: {  	s15 =	smov.u32 @p2 s2;
	p2 =	sne.s32 s12, s9  }
.Ltmp1:
0x1f: {  	p1 =	slt.u32 s12, $0x2;
	(pc) =	sbr.rel @!p2 .LBB2_6-.Ltmp1, $4  }
0x20: {  	s14 =	simm.s32 @!p1 $0x3  }
0x21: {  	s16 =	sadd.s32 $0x1, s12;
	_ =	swait.ge @!p1 [sflag:s14], $0x40  }
0x22: {  	s13 =	smov.u32 s11;
	p0 =	por !p0, !p0;
	[sflag:s14] =	ssyncset.done @!p1 $0x0  }
0x23: {  	s12 =	smov.u32 s16;
	s11 =	smov.u32 s15;
	[sflag:s14] =	ssyncadd.s32 @!p1 $0xFFFFFFC0  }
.LBB2_1:
0x24: {  	p1 =	sge.u32 s12, s8  }
0x25: {  	s14 =	sxor.u32 @!p1 $0xFFFFFFFF, s12  }
0x26: {  	s31 =	sadd.s32 $0xFFFFFFFF, s12;
	s15 =	sshrl.u32 @!p1 s11, $0x3;
	s14 =	sshll.u32 @!p1 s14, $0x6  }
0x27: {  	s16 =	sand.u32 @!p1 $0x7, s11;
	s15 =	sadd.s32 @!p1 s4, s15;
	s14 =	sand.u32 @!p1 $0x40, s14  }
0x28: {  	[tilespmem:s14], [sflag:$0x2] =	stream.linear.gather @!p1 [hbm4b:s15+s16], $0x40, $0x38;
	[tilespmem:$0x100] =	vst v63  }
0x29: {  	p1 =	sge.u32 s31, s8  }
.Ltmp2:
0x2a: {  	_ = 	snop;
	(pc) =	sbr.rel @p1 .LBB2_5-.Ltmp2, $1  }
0x2b: {  	_ =	sdelay $0x3  }
0x2c: {  	s14 =	simm.s32 $0x1  }
0x2d: {  	_ =	swait.ge [sflag:s7], $0x40;
	s14 =	simm.s32 @!p0 $0x0  }
0x2e: {  	[sflag:s7] =	ssyncset.done $0x0;
	s14 =	sshll.u32 s14, $0x6  }
0x2f: {  	[sflag:s7] =	ssyncadd.s32 $0xFFFFFFC0;
	(ifvalue) =	ssetifvalue $0x7FFFFFFF;
	v0 =	vld.msk [tilespmem:s14+$0x0 ss:$0x1], $0xffff;
	_ =	sdelay $0x4  }
0x30: {  	s15 =	sadd.s32 $0x10, s14;
	v2 =	vshrl.u32 v0, $0xC;
	v3 =	vshll.u32 v0, $0x7  }
0x31: {  	v1 =	vld.msk [tilespmem:s15+$0x0 ss:$0x1], $0xffff;
	vm1 =	veq.s32 v0, $0x80000000;
	v0 =	vand.u32 $0x7, v2;
	v2 =	vand.u32 $0x7FF80, v3  }
0x32: {  	v0 =	vsel vm1, $0xFFFFFFFF, v0;
	v2 =	vsel vm1, $0xFFFFFF80, v2  }
0x33: {  	v3 =	vand.u32 $0xFFFFFC00, v2;
	v4 =	vand.u32 $0xFFFFFC00, v0  }
0x34: {  	v2 =	vand.u32 $0x380, v2;
	v3 =	vadd.s32 v4, v3  }
0x35: {  	v0 =	vand.u32 $0x7F, v0;
	v2 =	vor.u32 v2, v3  }
0x36: {  	v5 =	vshll.u32 v1, $0x7;
	v4 =	vshrl.u32 v1, $0xC;
	v0 =	vor.u32 v0, v2  }
0x37: {  	s16 =	sshll.u32 s12, $0x6;
	vm1 =	veq.s32 v1, $0x80000000;
	v1 =	vand.u32 $0x7, v4;
	v4 =	vand.u32 $0x7FF80, v5  }
0x38: {  	s16 =	sand.u32 $0x40, s16;
	s18 =	sadd.s32 $0x10, s15;
	v3 =	vsel vm1, $0xFFFFFFFF, v1;
	v4 =	vsel vm1, $0xFFFFFF80, v4  }
0x39: {  	s17 =	simm.s32 $0x20;
	s15 =	sor.u32 $0x80, s14;
	s14 =	sor.u32 $0x80, s16;
	v1 =	vld.msk [tilespmem:s18+$0x0 ss:$0x1], $0xffff;
	v5 =	vand.u32 $0xFFFFFC00, v4;
	v6 =	vand.u32 $0xFFFFFC00, v3  }
0x3a: {  	s16 =	sadd.s32 $0x10, s15;
	s18 =	sadd.s32 $0x10, s18;
	(ifvalue) =	ssetifvalue $0x7FFFFFFF;
	v2 =	vand.u32 $0x7F, v3;
	v4 =	vand.u32 $0x380, v4;
	v3 =	vadd.s32 v6, v5  }
.LBB2_3:
0x3b: {  	[tilespmem:s15], [sflag:$0x1] =	stream.indirect_vreg.gather [hbm4b:s3+s10], $0x1, v0, vm0, $0x4038;
	[tilespmem:$0x100] =	vst v63  }
0x3c: {  	s17 =	sadd.s32 $0x10, s17  }
0x3d: {  	v3 =	vor.u32 v4, v3;
	p1 =	slt.u32 s17, $0x30  }
.Ltmp3:
0x3e: {  	v4 =	vshrl.u32 v1, $0xC;
	v5 =	vshll.u32 v1, $0x7;
	s15 =	smov.u32 s16;
	v0 =	vor.u32 v2, v3;
	v2 =	vmovc v1;
	v1 =	vld.msk [tilespmem:s18+$0x0 ss:$0x1], $0xffff;
	(pc) =	sbr.rel @p1 .LBB2_3-.Ltmp3, $4  }
0x3f: {  	v3 =	vand.u32 $0x7FF80, v5;
	vm1 =	veq.s32 v2, $0x80000000;
	v2 =	vand.u32 $0x7, v4  }
0x40: {  	v4 =	vsel vm1, $0xFFFFFFFF, v2;
	v5 =	vsel vm1, $0xFFFFFF80, v3  }
0x41: {  	v2 =	vand.u32 $0x7F, v4;
	v3 =	vand.u32 $0xFFFFFC00, v5;
	v4 =	vand.u32 $0xFFFFFC00, v4  }
0x42: {  	s16 =	sadd.s32 $0x10, s16;
	s18 =	sadd.s32 $0x10, s18;
	v3 =	vadd.s32 v4, v3;
	v4 =	vand.u32 $0x380, v5;
	(ifvalue) =	ssetifvalue $0x7FFFFFFF  }
.Ltmp4:
0x43: {  	_ = 	snop;
	(pc) =	sbr.rel .LBB2_4-.Ltmp4, $1  }
0x44: {  	_ =	sdelay $0x3  }
.LBB2_6:
0x45: {  	_ =	sfence.sel $0x180000  }
0x46: {  	s2 =	simm.s32 $0x2;
	[bflag:$0x0] =	sbarrier.arrive $0xFFFF  }
0x47: {  	s30 =	simm.s32 $0x3;
	[sflag:s2] =	ssyncpa.u1 $0x1  }
0x48: {  	s31 =	simm.s32 $0x1;
	[sflag:s30] =	ssyncpa.u1 $0x1  }
0x49: {  	[sflag:s31] =	ssyncpa.u1 $0x1  }
0x4a: {  	p0 =	sne.s32 s1, $0x0;
	_ =	strace $0x90000047  }
0x4b: {  	s0 =	sadd.s32 @!p0 $0x100000, s0;
	[bflag:$0x2] =	sbarrier.arrive $0xFFFF  }
0x4c: {  	[sflag:s0] =	ssyncadd.tile.s32 @!p0 $0x1;
	_ =	shalt  }
.Lfunc_end2:
_tile_overlayer_lowered:
.L_overlay_start_2:
0x4d: {  	(tag) =	ssettag $0x2  }
0x4e: {  	s0 =	rddreg [dreg:$0x0];
	s2 =	stileid.u32  }
0x4f: {  	s1 =	rddreg [dreg:$0x1];
	p0 =	sne.s32 s2, $0x0  }
0x50: {  	s3 =	rddreg [dreg:$0x2];
	[bflag:$0x3] =	sbarrier.arrive $0xFFFF;
	s2 =	simm.s32 @!p0 $0x1C01  }
0x51: {  	[timem:s3], [sflag:s2] =	dma.local @!p0 [hbm:s0], s1  }
0x52: {  	s0 =	simm.s32 @!p0 $0x1  }
0x53: {  	_ =	swait.ge @!p0 [sflag:s0], s1  }
0x54: {  	s1 =	ssub.s32 @!p0 $0x0, s1;
	[sflag:s0] =	ssyncset.done @!p0 $0x0  }
0x55: {  	[sflag:s0] =	ssyncadd.s32 @!p0 s1  }
0x56: {  	[bflag:$0x3] =	sbarrier.arrive $0xFFFF  }
0x57: {  	_ =	shalt  }

</sc_bundles>
